<compile_context>
chip_gen: v7x
topology: tpu7x:2x2x1
jax: 0.10.2.dev20260603
libtpu: 0.0.44.dev20260713+nightly
codegen_flags: <defaults>
</compile_context>

<pallas_src>
import jax
import jax.numpy as jnp
import numpy as np
from jax import lax
from jax.experimental import pallas as pl
from jax.experimental.pallas import tpu as pltpu
from jax.experimental.pallas import tpu_sc as plsc

N = 10000
D = 128
OUT = 8
E = 23000

NTILE = 16
NPAD = 10240
ROWS_T = NPAD // NTILE
EPAD = 24576
EBLK = 128
NBLK = EPAD // (NTILE * EBLK)
TRASH = N

RW = 128
RWR = 32

_RELS = [
    ("ind_txn", 0, 16), ("org_txn", 1, 16), ("ext_txn", 2, 16),
    ("ind_role", 0, 1), ("ind_rev", 0, 16), ("org_rev", 1, 16),
    ("ext_rev", 2, 16),
]
_DE16 = [0, 1, 2, 4, 5, 6]
_ZSLOT = {r: i for i, r in enumerate(_DE16)}

_MB = 400
_GRID = N // _MB


def _interleave_perm(width):
  perm = np.zeros((width,), np.int64)
  for g in range(width // 32):
    for i in range(16):
      perm[32 * g + 2 * i] = 32 * g + i
      perm[32 * g + 2 * i + 1] = 32 * g + 16 + i
  return perm


def _tc_stage1(xi_ref, xo_ref, xe_ref,
               w0, w1, w2, w3, w4, w5, w6, wroot_ref, b_ref,
               zt_ref, zr_ref, rin_ref):
  xs = (xi_ref[...], xo_ref[...], xe_ref[...])
  ws = (w0, w1, w2, w3, w4, w5, w6)
  for r, (_, src, de) in enumerate(_RELS):
    z = jnp.dot(xs[src], ws[r][...], preferred_element_type=jnp.float32)
    if de == 16:
      zt_ref[_ZSLOT[r]] = z.astype(jnp.bfloat16)
    else:
      zr_ref[...] = z.astype(jnp.bfloat16)
  root = jnp.dot(xs[1], wroot_ref[...], preferred_element_type=jnp.float32)
  rin_ref[...] = root + b_ref[...][0:1, :]


def _vtake(v, idx):
  dnums = lax.GatherDimensionNumbers(
      offset_dims=(), collapsed_slice_dims=(0,), start_index_map=(0,))
  return lax.gather(v, idx[:, None], dnums, (1,),
                    mode=lax.GatherScatterMode.PROMISE_IN_BOUNDS)


def _sc_stage2(zt_hbm, zr_hbm, src_hbm, dst_hbm, ea_hbm, ear_hbm, rin_hbm,
               out_hbm,
               srcb, dstb, dstsb, eab, rowsb, rowrb, msgb,
               ztab_s, zrole_s, acc, gsem, ssem):
  cid = lax.axis_index("c")
  sid = lax.axis_index("s")

  lanes = lax.iota(jnp.int32, 16)
  mask_lo = lanes < 8
  rot8 = (lanes + 8) & 15
  zeros16i = jnp.full((16,), 0, jnp.int32)
  ones16f = jnp.full((16,), 1.0, jnp.float32)
  zeros16f = jnp.full((16,), 0.0, jnp.float32)
  myrows = pl.ds(pl.multiple_of(sid * ROWS_T, ROWS_T), ROWS_T)

  def prefetch16(r, t, par):
    off = sid * (NBLK * EBLK) + t * EBLK
    e0 = pl.multiple_of(r * EPAD + off, EBLK)
    pltpu.sync_copy(src_hbm.at[pl.ds(e0, EBLK)], srcb[par])
    pltpu.sync_copy(dst_hbm.at[pl.ds(e0, EBLK)], dstb[par])
    zi = jnp.where(r >= 4, r - 1, r)
    ea0 = pl.multiple_of((zi * EPAD + off) // 8, EBLK // 8)
    pltpu.sync_copy(ea_hbm.at[pl.ds(ea0, EBLK // 8)], eab[par])
    pltpu.async_copy(ztab_s.at[srcb[par]], rowsb[par], gsem[par])

  def block16(r, t, par):
    @pl.when(t + 1 < NBLK)
    def _():
      prefetch16(r, t + 1, 1 - par)
    pltpu.make_async_copy(ztab_s.at[srcb[par]], rowsb[par], gsem[par]).wait()

    @pl.when(t >= 1)
    def _():
      pltpu.make_async_copy(msgb[1 - par], acc.at[dstsb[1 - par]],
                            ssem[1 - par]).wait()

    @plsc.parallel_loop(0, EBLK, 1, unroll=4)
    def _(e):
      ea_vec = eab[par][e >> 3, pl.ds((e & 7) * 16, 16)]
      acc_v = zeros16f
      for g in range(4):
        v32 = rowsb[par][e, pl.ds(g * 32, 32)]
        av, bv = plsc.unpack(v32, format=plsc.PackFormat.INTERLEAVED)
        ca = _vtake(ea_vec, jnp.where(mask_lo, 4 * g, 4 * g + 1))
        cb = _vtake(ea_vec, jnp.where(mask_lo, 4 * g + 2, 4 * g + 3))
        acc_v = acc_v + ca * av + cb * bv
      s = acc_v + _vtake(acc_v, rot8)
      msgb[par][e, :] = s

    for i in range(EBLK // 16):
      sl = pl.ds(i * 16, 16)
      dstsb[par][sl] = dstb[par][sl]
    pltpu.async_copy(msgb[par], acc.at[dstsb[par]], ssem[par], add=True)

  def prefetch_role(t, par):
    off = sid * (NBLK * EBLK) + t * EBLK
    e0 = pl.multiple_of(3 * EPAD + off, EBLK)
    pltpu.sync_copy(src_hbm.at[pl.ds(e0, EBLK)], srcb[par])
    pltpu.sync_copy(dst_hbm.at[pl.ds(e0, EBLK)], dstb[par])
    pltpu.sync_copy(
        ear_hbm.at[pl.ds(pl.multiple_of(off // 8, EBLK // 8), EBLK // 8)],
        eab[par])
    pltpu.async_copy(zrole_s.at[srcb[par]], rowrb[par], gsem[par])

  def block_role(t, par):
    @pl.when(t + 1 < NBLK)
    def _():
      prefetch_role(t + 1, 1 - par)
    pltpu.make_async_copy(zrole_s.at[srcb[par]], rowrb[par], gsem[par]).wait()

    @pl.when(t >= 1)
    def _():
      pltpu.make_async_copy(msgb[1 - par], acc.at[dstsb[1 - par]],
                            ssem[1 - par]).wait()

    @plsc.parallel_loop(0, EBLK, 1, unroll=4)
    def _(e):
      ea_vec = eab[par][e >> 3, pl.ds((e & 7) * 16, 16)]
      v32 = rowrb[par][e, :]
      av, _ = plsc.unpack(v32, format=plsc.PackFormat.INTERLEAVED)
      c = jnp.where(mask_lo, _vtake(ea_vec, zeros16i), ones16f)
      acc_v = c * av
      s = acc_v + _vtake(acc_v, rot8)
      msgb[par][e, :] = s

    for i in range(EBLK // 16):
      sl = pl.ds(i * 16, 16)
      dstsb[par][sl] = dstb[par][sl]
    pltpu.async_copy(msgb[par], acc.at[dstsb[par]], ssem[par], add=True)

  def drain_scatters():
    pltpu.make_async_copy(msgb[1], acc.at[dstsb[1]], ssem[1]).wait()

  def run_phase(r, prefetch, block):
    pltpu.sync_copy(
        rin_hbm.at[pl.ds(pl.multiple_of(sid * ROWS_T, ROWS_T), ROWS_T),
                   pl.ds(pl.multiple_of(r * OUT, OUT), OUT)],
        acc.at[myrows, pl.ds(0, OUT)])
    plsc.subcore_barrier()
    prefetch(0, 0)

    def pair(p, carry):
      block(2 * p, 0)
      block(2 * p + 1, 1)
      return carry

    lax.fori_loop(0, NBLK // 2, pair, 0)
    drain_scatters()
    plsc.subcore_barrier()
    pltpu.sync_copy(
        acc.at[myrows, pl.ds(0, OUT)],
        out_hbm.at[pl.ds(pl.multiple_of(sid * ROWS_T, ROWS_T), ROWS_T),
                   pl.ds(pl.multiple_of(r * OUT, OUT), OUT)])

  for q in range(3):
    zi = cid * 3 + q
    r = jnp.where(zi >= 3, zi + 1, zi)
    pltpu.sync_copy(zt_hbm.at[pl.ds(zi * NPAD + sid * ROWS_T, ROWS_T)],
                    ztab_s.at[myrows])
    run_phase(r, lambda t, par: prefetch16(r, t, par),
              lambda t, par: block16(r, t, par))

  @pl.when(cid == 0)
  def _():
    pltpu.sync_copy(zr_hbm.at[pl.ds(sid * ROWS_T, ROWS_T)], zrole_s.at[myrows])
    run_phase(3, prefetch_role, block_role)


@jax.jit
def kernel(x_ind, x_org, x_ext, ei_ind_txn, ea_ind_txn, Wnn_ind_txn, bnn_ind_txn, Wroot_ind_txn, b_ind_txn, ei_org_txn, ea_org_txn, Wnn_org_txn, bnn_org_txn, Wroot_org_txn, b_org_txn, ei_ext_txn, ea_ext_txn, Wnn_ext_txn, bnn_ext_txn, Wroot_ext_txn, b_ext_txn, ei_ind_role, ea_ind_role, Wnn_ind_role, bnn_ind_role, Wroot_ind_role, b_ind_role, ei_ind_rev, ea_ind_rev, Wnn_ind_rev, bnn_ind_rev, Wroot_ind_rev, b_ind_rev, ei_org_rev, ea_org_rev, Wnn_org_rev, bnn_org_rev, Wroot_org_rev, b_org_rev, ei_ext_rev, ea_ext_rev, Wnn_ext_rev, bnn_ext_rev, Wroot_ext_rev, b_ext_rev):
  kw = dict(locals())
  xs = (x_ind, x_org, x_ext)

  wz = []
  for name, src, de in _RELS:
    wnn = kw["Wnn_" + name].reshape(de, D, OUT).transpose(1, 0, 2)
    wnn = wnn.reshape(D, de * OUT)
    if de == 16:
      w = wnn
      width = RW
    else:
      bm = kw["bnn_" + name].reshape(D, OUT)
      w = jnp.concatenate([wnn, bm], axis=1)
      width = RWR
      w = jnp.pad(w, ((0, 0), (0, width - w.shape[1])))
    wz.append(w[:, _interleave_perm(width)])
  wroot = jnp.concatenate([kw["Wroot_" + n] for n, _, _ in _RELS], axis=1)
  ball = jnp.concatenate([kw["b_" + n] for n, _, _ in _RELS])
  b2 = jnp.tile(ball[None, :], (8, 1))

  srcs, dsts = [], []
  for name, _, de in _RELS:
    ei = kw["ei_" + name]
    srcs.append(jnp.pad(ei[0], (0, EPAD - E)))
    dsts.append(jnp.pad(ei[1], (0, EPAD - E), constant_values=TRASH))
  src_all = jnp.concatenate(srcs)
  dst_all = jnp.concatenate(dsts)
  ea16 = jnp.concatenate(
      [jnp.pad(kw["ea_" + _RELS[r][0]], ((0, EPAD - E), (0, 0)))
       for r in _DE16]).reshape(6 * EPAD // 8, 128)
  ear = jnp.pad(ea_ind_role,
                ((0, EPAD - E), (0, 15))).reshape(EPAD // 8, 128)

  zt, zr, rin = pl.pallas_call(
      _tc_stage1,
      grid=(_GRID,),
      in_specs=[
          pl.BlockSpec((_MB, D), lambda i: (i, 0)),
          pl.BlockSpec((_MB, D), lambda i: (i, 0)),
          pl.BlockSpec((_MB, D), lambda i: (i, 0)),
          *[pl.BlockSpec((D, RW if _RELS[r][2] == 16 else RWR),
                         lambda i: (0, 0)) for r in range(7)],
          pl.BlockSpec((D, 7 * OUT), lambda i: (0, 0)),
          pl.BlockSpec((8, 7 * OUT), lambda i: (0, 0)),
      ],
      out_specs=[
          pl.BlockSpec((6, _MB, RW), lambda i: (0, i, 0)),
          pl.BlockSpec((_MB, RWR), lambda i: (i, 0)),
          pl.BlockSpec((_MB, 7 * OUT), lambda i: (i, 0)),
      ],
      out_shape=[
          jax.ShapeDtypeStruct((6, NPAD, RW), jnp.bfloat16),
          jax.ShapeDtypeStruct((NPAD, RWR), jnp.bfloat16),
          jax.ShapeDtypeStruct((NPAD, 7 * OUT), jnp.float32),
      ],
  )(xs[0], xs[1], xs[2], *wz, wroot, b2)

  mesh = plsc.VectorSubcoreMesh(core_axis_name="c", subcore_axis_name="s",
                                num_cores=2, num_subcores=16)
  out7 = pl.kernel(
      _sc_stage2,
      out_type=jax.ShapeDtypeStruct((NPAD, 7 * OUT), jnp.float32),
      mesh=mesh,
      compiler_params=pltpu.CompilerParams(use_tc_tiling_on_sc=False,
                                           needs_layout_passes=False),
      scratch_types=[
          [pltpu.VMEM((EBLK,), jnp.int32)] * 2,
          [pltpu.VMEM((EBLK,), jnp.int32)] * 2,
          [pltpu.VMEM((EBLK,), jnp.int32)] * 2,
          [pltpu.VMEM((EBLK // 8, 128), jnp.float32)] * 2,
          [pltpu.VMEM((EBLK, RW), jnp.bfloat16)] * 2,
          [pltpu.VMEM((EBLK, RWR), jnp.bfloat16)] * 2,
          [pltpu.VMEM((EBLK, 16), jnp.float32)] * 2,
          pltpu.VMEM_SHARED((NPAD, RW), jnp.bfloat16),
          pltpu.VMEM_SHARED((NPAD, RWR), jnp.bfloat16),
          pltpu.VMEM_SHARED((NPAD, 16), jnp.float32),
          [pltpu.SemaphoreType.DMA] * 2,
          [pltpu.SemaphoreType.DMA] * 2,
      ],
  )(zt.reshape(6 * NPAD, RW), zr, src_all, dst_all, ea16, ear, rin)

  return out7[:N]

# --- scband reference (transcript-rebuilt; emitter-appended) ---
"""Pipeline reference for scband-org-receiver-61632780698135 (READ-ONLY COPY).

The authoritative reference and input builder live on the scoring server;
editing this copy changes nothing except your own understanding.
"""

import jax, jax.numpy as jnp
import numpy as np

N = 10000
E = 23000
D = 128
OUT = 8
RELS = [("ind_txn","x_ind",16),("org_txn","x_org",16),("ext_txn","x_ext",16),("ind_role","x_ind",1),("ind_rev","x_ind",16),("org_rev","x_org",16),("ext_rev","x_ext",16)]

def setup_inputs(seed: int = 0):
    key = jax.random.key(seed)
    ks = iter(jax.random.split(key, 64))
    inp = {}
    for nm in ["x_ind", "x_org", "x_ext"]:
        inp[nm] = jax.random.normal(next(ks), (N, D), dtype=jnp.float32)
    for rel, src, de in RELS:
        inp["ei_" + rel] = jax.random.randint(next(ks), (2, E), 0, N, dtype=jnp.int32)
        inp["ea_" + rel] = jax.random.normal(next(ks), (E, de), dtype=jnp.float32) * 0.1
        inp["Wnn_" + rel] = jax.random.normal(next(ks), (de, D * OUT), dtype=jnp.float32) * (0.05 / np.sqrt(de))
        inp["bnn_" + rel] = jnp.zeros((D * OUT,), dtype=jnp.float32)
        inp["Wroot_" + rel] = jax.random.normal(next(ks), (D, OUT), dtype=jnp.float32) * 0.05
        inp["b_" + rel] = jnp.zeros((OUT,), dtype=jnp.float32)
    return inp

def _nnconv(x_src, x_dst, ei, ea, Wnn, bnn, Wroot, b):
    # NNConv: per-edge weight matrix from edge MLP, message = x_j @ W_e, aggr='add', plus root lin + bias
    w = (ea @ Wnn + bnn).reshape(ea.shape[0], x_src.shape[1], OUT)
    xj = jnp.take(x_src, ei[0], axis=0)
    msg = jnp.einsum('ei,eio->eo', xj, w)
    agg = jax.ops.segment_sum(msg, ei[1], num_segments=x_dst.shape[0])
    return agg + x_dst @ Wroot + b

def reference(x_ind, x_org, x_ext,
              ei_ind_txn, ea_ind_txn, Wnn_ind_txn, bnn_ind_txn, Wroot_ind_txn, b_ind_txn,
              ei_org_txn, ea_org_txn, Wnn_org_txn, bnn_org_txn, Wroot_org_txn, b_org_txn,
              ei_ext_txn, ea_ext_txn, Wnn_ext_txn, bnn_ext_txn, Wroot_ext_txn, b_ext_txn,
              ei_ind_role, ea_ind_role, Wnn_ind_role, bnn_ind_role, Wroot_ind_role, b_ind_role,
              ei_ind_rev, ea_ind_rev, Wnn_ind_rev, bnn_ind_rev, Wroot_ind_rev, b_ind_rev,
              ei_org_rev, ea_org_rev, Wnn_org_rev, bnn_org_rev, Wroot_org_rev, b_org_rev,
              ei_ext_rev, ea_ext_rev, Wnn_ext_rev, bnn_ext_rev, Wroot_ext_rev, b_ext_rev):
    kw = dict(locals())
    outs = []
    for rel, src, de in RELS:
        outs.append(_nnconv(kw[src], kw["x_org"], kw["ei_" + rel], kw["ea_" + rel], kw["Wnn_" + rel], kw["bnn_" + rel], kw["Wroot_" + rel], kw["b_" + rel]))
    return jnp.concatenate(outs, axis=1)

if __name__ == "__main__":
    import jax
    _d = setup_inputs()
    print(jax.jit(kernel)(*tuple(_d.values())))

</pallas_src>

<mosaic_0001>
#map = affine_map<(d0, d1) -> (0, 0)>
#map1 = affine_map<(d0, d1) -> (0)>
module attributes {stable_mosaic.version = 14 : i64} {
  func.func @_sc_stage2(%arg0: i32, %arg1: i32, %arg2: memref<61440x128xbf16, #tpu.memory_space<hbm>>, %arg3: memref<10240x32xbf16, #tpu.memory_space<hbm>>, %arg4: memref<172032xi32, #tpu.memory_space<hbm>>, %arg5: memref<172032xi32, #tpu.memory_space<hbm>>, %arg6: memref<18432x128xf32, #tpu.memory_space<hbm>>, %arg7: memref<3072x128xf32, #tpu.memory_space<hbm>>, %arg8: memref<10240x56xf32, #tpu.memory_space<hbm>>, %arg9: memref<10240x56xf32, #tpu.memory_space<hbm>>, %arg10: memref<128xi32, #tpu.memory_space<vmem>>, %arg11: memref<128xi32, #tpu.memory_space<vmem>>, %arg12: memref<128xi32, #tpu.memory_space<vmem>>, %arg13: memref<128xi32, #tpu.memory_space<vmem>>, %arg14: memref<128xi32, #tpu.memory_space<vmem>>, %arg15: memref<128xi32, #tpu.memory_space<vmem>>, %arg16: memref<16x128xf32, #tpu.memory_space<vmem>>, %arg17: memref<16x128xf32, #tpu.memory_space<vmem>>, %arg18: memref<128x128xbf16, #tpu.memory_space<vmem>>, %arg19: memref<128x128xbf16, #tpu.memory_space<vmem>>, %arg20: memref<128x32xbf16, #tpu.memory_space<vmem>>, %arg21: memref<128x32xbf16, #tpu.memory_space<vmem>>, %arg22: memref<128x16xf32, #tpu.memory_space<vmem>>, %arg23: memref<128x16xf32, #tpu.memory_space<vmem>>, %arg24: memref<10240x128xbf16, #tpu.memory_space<vmem_shared>>, %arg25: memref<10240x32xbf16, #tpu.memory_space<vmem_shared>>, %arg26: memref<10240x16xf32, #tpu.memory_space<vmem_shared>>, %arg27: memref<!tpu.dma_semaphore, #tpu.memory_space<semaphore_mem>>, %arg28: memref<!tpu.dma_semaphore, #tpu.memory_space<semaphore_mem>>, %arg29: memref<!tpu.dma_semaphore, #tpu.memory_space<semaphore_mem>>, %arg30: memref<!tpu.dma_semaphore, #tpu.memory_space<semaphore_mem>>) attributes {dimension_semantics = [#tpu.dimension_semantics<core_parallel>, #tpu.dimension_semantics<subcore_parallel>], iteration_bounds = array<i64: 2, 16>, scalar_prefetch = 0 : i64, scratch_operands = 21 : i64, tpu.core_type = #tpu.core_type<sc_vector_subcore>, window_params = [{transform_indices = #map}, {transform_indices = #map}, {transform_indices = #map1}, {transform_indices = #map1}, {transform_indices = #map}, {transform_indices = #map}, {transform_indices = #map}, {transform_indices = #map}]} {
    %iota3A = tpu.iota {dimensions = array<i32: 0>} : vector<16xi32>
    %lt3A = arith.constant 8 : i32
    %lt3A_0 = vector.broadcast %lt3A : i32 to vector<16xi32>
    %lt3A_1 = arith.cmpi slt, %iota3A, %lt3A_0 : vector<16xi32>
    %add3A = arith.constant 8 : i32
    %add3A_2 = vector.broadcast %add3A : i32 to vector<16xi32>
    %add3A_3 = arith.addi %iota3A, %add3A_2 : vector<16xi32>
    %and3A = arith.constant 15 : i32
    %and3A_4 = vector.broadcast %and3A : i32 to vector<16xi32>
    %and3A_5 = arith.andi %add3A_3, %and3A_4 : vector<16xi32>
    %broadcast_in_dim3A = arith.constant 0 : i32
    %broadcast_in_dim3A_6 = vector.broadcast %broadcast_in_dim3A : i32 to vector<16xi32>
    %broadcast_in_dim3A_7 = arith.constant 1.000000e+00 : f32
    %broadcast_in_dim3A_8 = vector.broadcast %broadcast_in_dim3A_7 : f32 to vector<16xf32>
    %broadcast_in_dim3A_9 = arith.constant 0.000000e+00 : f32
    %broadcast_in_dim3A_10 = vector.broadcast %broadcast_in_dim3A_9 : f32 to vector<16xf32>
    %mul3A = arith.constant 640 : i32
    %mul3A_11 = arith.muli %arg1, %mul3A : i32
    %multiple_of3A = tpu.assume_multiple %mul3A_11, 640 : i32
    %mul3A_12 = arith.constant 3 : i32
    %mul3A_13 = arith.muli %arg0, %mul3A_12 : i32
    %add3A_14 = arith.constant 0 : i32
    %add3A_15 = arith.addi %mul3A_13, %add3A_14 : i32
    %ge3A = arith.constant 3 : i32
    %ge3A_16 = arith.cmpi sge, %add3A_15, %ge3A : i32
    %add3A_17 = arith.constant 1 : i32
    %add3A_18 = arith.addi %add3A_15, %add3A_17 : i32
    %select_n3A = arith.select %ge3A_16, %add3A_18, %add3A_15 : i32
    %mul3A_19 = arith.constant 10240 : i32
    %mul3A_20 = arith.muli %add3A_15, %mul3A_19 : i32
    %mul3A_21 = arith.constant 640 : i32
    %mul3A_22 = arith.muli %arg1, %mul3A_21 : i32
    %add3A_23 = arith.addi %mul3A_20, %mul3A_22 : i32
    "tpu.region"() ({
      %run_scoped3A = tpu.sem_alloc : memref<!tpu.dma_semaphore, #tpu.memory_space<semaphore_mem>>
      %dma_start3A_245 = arith.constant 0 : i32
      %dma_start3A_246 = tpu.memref_slice %arg24[%multiple_of3A, %dma_start3A_245] : memref<10240x128xbf16, #tpu.memory_space<vmem_shared>> -> memref<640x128xbf16, #tpu.memory_space<vmem_shared>>
      %dma_start3A_247 = arith.constant 0 : i32
      %dma_start3A_248 = tpu.memref_slice %arg2[%add3A_23, %dma_start3A_247] : memref<61440x128xbf16, #tpu.memory_space<hbm>> -> memref<640x128xbf16, #tpu.memory_space<hbm>>
      tpu.enqueue_dma source(%dma_start3A_248 : memref<640x128xbf16, #tpu.memory_space<hbm>>) target(%dma_start3A_246 : memref<640x128xbf16, #tpu.memory_space<vmem_shared>>) target_semaphore(%run_scoped3A : memref<!tpu.dma_semaphore, #tpu.memory_space<semaphore_mem>>)
      %dma_wait3A_249 = arith.constant 0 : i32
      %dma_wait3A_250 = tpu.memref_slice %arg24[%multiple_of3A, %dma_wait3A_249] : memref<10240x128xbf16, #tpu.memory_space<vmem_shared>> -> memref<640x128xbf16, #tpu.memory_space<vmem_shared>>
      %dma_wait3A_251 = arith.constant 0 : i32
      %dma_wait3A_252 = tpu.memref_slice %arg2[%add3A_23, %dma_wait3A_251] : memref<61440x128xbf16, #tpu.memory_space<hbm>> -> memref<640x128xbf16, #tpu.memory_space<hbm>>
      tpu.wait_dma2 semaphore(%run_scoped3A : memref<!tpu.dma_semaphore, #tpu.memory_space<semaphore_mem>>) src(%dma_wait3A_252 : memref<640x128xbf16, #tpu.memory_space<hbm>>) dst(%dma_wait3A_250 : memref<640x128xbf16, #tpu.memory_space<vmem_shared>>)
      tpu.yield
    }) : () -> ()
    %mul3A_24 = arith.constant 640 : i32
    %mul3A_25 = arith.muli %arg1, %mul3A_24 : i32
    %multiple_of3A_26 = tpu.assume_multiple %mul3A_25, 640 : i32
    %mul3A_27 = arith.constant 8 : i32
    %mul3A_28 = arith.muli %select_n3A, %mul3A_27 : i32
    %multiple_of3A_29 = tpu.assume_multiple %mul3A_28, 8 : i32
    "tpu.region"() ({
      %run_scoped3A = tpu.sem_alloc : memref<!tpu.dma_semaphore, #tpu.memory_space<semaphore_mem>>
      %dma_start3A_245 = arith.constant 0 : i32
      %dma_start3A_246 = tpu.memref_slice %arg26[%multiple_of3A, %dma_start3A_245] : memref<10240x16xf32, #tpu.memory_space<vmem_shared>> -> memref<640x8xf32, #tpu.memory_space<vmem_shared>>
      %dma_start3A_247 = tpu.memref_slice %arg8[%multiple_of3A_26, %multiple_of3A_29] : memref<10240x56xf32, #tpu.memory_space<hbm>> -> memref<640x8xf32, #tpu.memory_space<hbm>>
      tpu.enqueue_dma source(%dma_start3A_247 : memref<640x8xf32, #tpu.memory_space<hbm>>) target(%dma_start3A_246 : memref<640x8xf32, #tpu.memory_space<vmem_shared>>) target_semaphore(%run_scoped3A : memref<!tpu.dma_semaphore, #tpu.memory_space<semaphore_mem>>)
      %dma_wait3A_248 = arith.constant 0 : i32
      %dma_wait3A_249 = tpu.memref_slice %arg26[%multiple_of3A, %dma_wait3A_248] : memref<10240x16xf32, #tpu.memory_space<vmem_shared>> -> memref<640x8xf32, #tpu.memory_space<vmem_shared>>
      %dma_wait3A_250 = tpu.memref_slice %arg8[%multiple_of3A_26, %multiple_of3A_29] : memref<10240x56xf32, #tpu.memory_space<hbm>> -> memref<640x8xf32, #tpu.memory_space<hbm>>
      tpu.wait_dma2 semaphore(%run_scoped3A : memref<!tpu.dma_semaphore, #tpu.memory_space<semaphore_mem>>) src(%dma_wait3A_250 : memref<640x8xf32, #tpu.memory_space<hbm>>) dst(%dma_wait3A_249 : memref<640x8xf32, #tpu.memory_space<vmem_shared>>)
      tpu.yield
    }) : () -> ()
    %barrier3A = arith.constant 0 : index
    tpu.barrier barrier_id(%barrier3A)
    %mul3A_30 = arith.constant 1536 : i32
    %mul3A_31 = arith.muli %arg1, %mul3A_30 : i32
    %add3A_32 = arith.constant 0 : i32
    %add3A_33 = arith.addi %mul3A_31, %add3A_32 : i32
    %mul3A_34 = arith.constant 24576 : i32
    %mul3A_35 = arith.muli %select_n3A, %mul3A_34 : i32
    %add3A_36 = arith.addi %mul3A_35, %add3A_33 : i32
    %multiple_of3A_37 = tpu.assume_multiple %add3A_36, 128 : i32
    "tpu.region"() ({
      %run_scoped3A = tpu.sem_alloc : memref<!tpu.dma_semaphore, #tpu.memory_space<semaphore_mem>>
      %dma_start3A_245 = tpu.memref_slice %arg4[%multiple_of3A_37] : memref<172032xi32, #tpu.memory_space<hbm>> -> memref<128xi32, #tpu.memory_space<hbm>>
      %dma_start3A_246 = tpu.memref_slice %arg4[%multiple_of3A_37] : memref<172032xi32, #tpu.memory_space<hbm>> -> memref<128xi32, #tpu.memory_space<hbm>>
      tpu.enqueue_dma source(%dma_start3A_246 : memref<128xi32, #tpu.memory_space<hbm>>) target(%arg10 : memref<128xi32, #tpu.memory_space<vmem>>) target_semaphore(%run_scoped3A : memref<!tpu.dma_semaphore, #tpu.memory_space<semaphore_mem>>)
      %dma_wait3A_247 = tpu.memref_slice %arg4[%multiple_of3A_37] : memref<172032xi32, #tpu.memory_space<hbm>> -> memref<128xi32, #tpu.memory_space<hbm>>
      %dma_wait3A_248 = tpu.memref_slice %arg4[%multiple_of3A_37] : memref<172032xi32, #tpu.memory_space<hbm>> -> memref<128xi32, #tpu.memory_space<hbm>>
      tpu.wait_dma2 semaphore(%run_scoped3A : memref<!tpu.dma_semaphore, #tpu.memory_space<semaphore_mem>>) src(%dma_wait3A_248 : memref<128xi32, #tpu.memory_space<hbm>>) dst(%arg10 : memref<128xi32, #tpu.memory_space<vmem>>)
      tpu.yield
    }) : () -> ()
    "tpu.region"() ({
      %run_scoped3A = tpu.sem_alloc : memref<!tpu.dma_semaphore, #tpu.memory_space<semaphore_mem>>
      %dma_start3A_245 = tpu.memref_slice %arg5[%multiple_of3A_37] : memref<172032xi32, #tpu.memory_space<hbm>> -> memref<128xi32, #tpu.memory_space<hbm>>
      %dma_start3A_246 = tpu.memref_slice %arg5[%multiple_of3A_37] : memref<172032xi32, #tpu.memory_space<hbm>> -> memref<128xi32, #tpu.memory_space<hbm>>
      tpu.enqueue_dma source(%dma_start3A_246 : memref<128xi32, #tpu.memory_space<hbm>>) target(%arg12 : memref<128xi32, #tpu.memory_space<vmem>>) target_semaphore(%run_scoped3A : memref<!tpu.dma_semaphore, #tpu.memory_space<semaphore_mem>>)
      %dma_wait3A_247 = tpu.memref_slice %arg5[%multiple_of3A_37] : memref<172032xi32, #tpu.memory_space<hbm>> -> memref<128xi32, #tpu.memory_space<hbm>>
      %dma_wait3A_248 = tpu.memref_slice %arg5[%multiple_of3A_37] : memref<172032xi32, #tpu.memory_space<hbm>> -> memref<128xi32, #tpu.memory_space<hbm>>
      tpu.wait_dma2 semaphore(%run_scoped3A : memref<!tpu.dma_semaphore, #tpu.memory_space<semaphore_mem>>) src(%dma_wait3A_248 : memref<128xi32, #tpu.memory_space<hbm>>) dst(%arg12 : memref<128xi32, #tpu.memory_space<vmem>>)
      tpu.yield
    }) : () -> ()
    %ge3A_38 = arith.constant 4 : i32
    %ge3A_39 = arith.cmpi sge, %select_n3A, %ge3A_38 : i32
    %sub3A = arith.constant 1 : i32
    %sub3A_40 = arith.subi %select_n3A, %sub3A : i32
    %select_n3A_41 = arith.select %ge3A_39, %sub3A_40, %select_n3A : i32
    %mul3A_42 = arith.constant 24576 : i32
    %mul3A_43 = arith.muli %select_n3A_41, %mul3A_42 : i32
    %add3A_44 = arith.addi %mul3A_43, %add3A_33 : i32
    %jit3A = arith.constant 8 : i32
    %div3A = arith.divsi %add3A_44, %jit3A : i32
    %sign3A = arith.constant 0 : i32
    %sign3A_45 = arith.cmpi sgt, %add3A_44, %sign3A : i32
    %sign3A_46 = arith.extui %sign3A_45 : i1 to i32
    %sign3A_47 = arith.constant 0 : i32
    %sign3A_48 = arith.cmpi slt, %add3A_44, %sign3A_47 : i32
    %sign3A_49 = arith.extui %sign3A_48 : i1 to i32
    %sign3A_50 = arith.subi %sign3A_46, %sign3A_49 : i32
    %sign3A_51 = arith.constant 0 : i32
    %sign3A_52 = arith.cmpi sgt, %jit3A, %sign3A_51 : i32
    %sign3A_53 = arith.extui %sign3A_52 : i1 to i32
    %sign3A_54 = arith.constant 0 : i32
    %sign3A_55 = arith.cmpi slt, %jit3A, %sign3A_54 : i32
    %sign3A_56 = arith.extui %sign3A_55 : i1 to i32
    %sign3A_57 = arith.subi %sign3A_53, %sign3A_56 : i32
    %ne3A = arith.cmpi ne, %sign3A_50, %sign3A_57 : i32
    %rem3A = arith.remsi %add3A_44, %jit3A : i32
    %ne3A_58 = arith.constant 0 : i32
    %ne3A_59 = arith.cmpi ne, %rem3A, %ne3A_58 : i32
    %and3A_60 = arith.andi %ne3A, %ne3A_59 : i1
    %sub3A_61 = arith.constant 1 : i32
    %sub3A_62 = arith.subi %div3A, %sub3A_61 : i32
    %select_n3A_63 = arith.select %and3A_60, %sub3A_62, %div3A : i32
    %multiple_of3A_64 = tpu.assume_multiple %select_n3A_63, 16 : i32
    "tpu.region"() ({
      %run_scoped3A = tpu.sem_alloc : memref<!tpu.dma_semaphore, #tpu.memory_space<semaphore_mem>>
      %dma_start3A_245 = arith.constant 0 : i32
      %dma_start3A_246 = tpu.memref_slice %arg6[%multiple_of3A_64, %dma_start3A_245] : memref<18432x128xf32, #tpu.memory_space<hbm>> -> memref<16x128xf32, #tpu.memory_space<hbm>>
      %dma_start3A_247 = arith.constant 0 : i32
      %dma_start3A_248 = tpu.memref_slice %arg6[%multiple_of3A_64, %dma_start3A_247] : memref<18432x128xf32, #tpu.memory_space<hbm>> -> memref<16x128xf32, #tpu.memory_space<hbm>>
      tpu.enqueue_dma source(%dma_start3A_248 : memref<16x128xf32, #tpu.memory_space<hbm>>) target(%arg16 : memref<16x128xf32, #tpu.memory_space<vmem>>) target_semaphore(%run_scoped3A : memref<!tpu.dma_semaphore, #tpu.memory_space<semaphore_mem>>)
      %dma_wait3A_249 = arith.constant 0 : i32
      %dma_wait3A_250 = tpu.memref_slice %arg6[%multiple_of3A_64, %dma_wait3A_249] : memref<18432x128xf32, #tpu.memory_space<hbm>> -> memref<16x128xf32, #tpu.memory_space<hbm>>
      %dma_wait3A_251 = arith.constant 0 : i32
      %dma_wait3A_252 = tpu.memref_slice %arg6[%multiple_of3A_64, %dma_wait3A_251] : memref<18432x128xf32, #tpu.memory_space<hbm>> -> memref<16x128xf32, #tpu.memory_space<hbm>>
      tpu.wait_dma2 semaphore(%run_scoped3A : memref<!tpu.dma_semaphore, #tpu.memory_space<semaphore_mem>>) src(%dma_wait3A_252 : memref<16x128xf32, #tpu.memory_space<hbm>>) dst(%arg16 : memref<16x128xf32, #tpu.memory_space<vmem>>)
      tpu.yield
    }) : () -> ()
    %dma_start3A = arith.constant 0 : i32
    %dma_start3A_65 = arith.constant 0 : i32
    %dma_start3A_66 = tpu.memref_slice %arg24[%dma_start3A, %dma_start3A_65] : memref<10240x128xbf16, #tpu.memory_space<vmem_shared>> -> memref<10240x128xbf16, #tpu.memory_space<vmem_shared>>
    tpu.enqueue_indirect_dma source(%dma_start3A_66 : memref<10240x128xbf16, #tpu.memory_space<vmem_shared>>) target(%arg18 : memref<128x128xbf16, #tpu.memory_space<vmem>>) offsets(%arg10 : memref<128xi32, #tpu.memory_space<vmem>>) semaphore(%arg27 : memref<!tpu.dma_semaphore, #tpu.memory_space<semaphore_mem>>)
    %scan3A = arith.constant 0 : i32
    %scan3A_67 = arith.constant 0 : i32
    %scan3A_68 = arith.constant 6 : i32
    %scan3A_69 = arith.addi %scan3A_67, %scan3A_68 : i32
    %scan3A_70 = arith.constant 1 : i32
    scf.for %scan3A_245 = %scan3A_67 to %scan3A_69 step %scan3A_70  : i32 {
      %mul3A_246 = arith.constant 2 : i32
      %mul3A_247 = arith.muli %mul3A_246, %scan3A_245 : i32
      %add3A_248 = arith.constant 1 : i32
      %add3A_249 = arith.addi %mul3A_247, %add3A_248 : i32
      %lt3A_250 = arith.constant 12 : i32
      %lt3A_251 = arith.cmpi slt, %add3A_249, %lt3A_250 : i32
      %convert_element_type3A_252 = arith.extui %lt3A_251 : i1 to i32
      %cond3A_253 = arith.constant 0 : i32
      %cond3A_254 = arith.cmpi ne, %convert_element_type3A_252, %cond3A_253 : i32
      scf.if %cond3A_254 {
        %add3A_355 = arith.constant 1 : i32
        %add3A_356 = arith.addi %mul3A_247, %add3A_355 : i32
        %mul3A_357 = arith.constant 1536 : i32
        %mul3A_358 = arith.muli %arg1, %mul3A_357 : i32
        %mul3A_359 = arith.constant 128 : i32
        %mul3A_360 = arith.muli %add3A_356, %mul3A_359 : i32
        %add3A_361 = arith.addi %mul3A_358, %mul3A_360 : i32
        %mul3A_362 = arith.constant 24576 : i32
        %mul3A_363 = arith.muli %select_n3A, %mul3A_362 : i32
        %add3A_364 = arith.addi %mul3A_363, %add3A_361 : i32
        %multiple_of3A_365 = tpu.assume_multiple %add3A_364, 128 : i32
        "tpu.region"() ({
          %run_scoped3A = tpu.sem_alloc : memref<!tpu.dma_semaphore, #tpu.memory_space<semaphore_mem>>
          %dma_start3A_402 = tpu.memref_slice %arg4[%multiple_of3A_365] : memref<172032xi32, #tpu.memory_space<hbm>> -> memref<128xi32, #tpu.memory_space<hbm>>
          %dma_start3A_403 = tpu.memref_slice %arg4[%multiple_of3A_365] : memref<172032xi32, #tpu.memory_space<hbm>> -> memref<128xi32, #tpu.memory_space<hbm>>
          tpu.enqueue_dma source(%dma_start3A_403 : memref<128xi32, #tpu.memory_space<hbm>>) target(%arg11 : memref<128xi32, #tpu.memory_space<vmem>>) target_semaphore(%run_scoped3A : memref<!tpu.dma_semaphore, #tpu.memory_space<semaphore_mem>>)
          %dma_wait3A_404 = tpu.memref_slice %arg4[%multiple_of3A_365] : memref<172032xi32, #tpu.memory_space<hbm>> -> memref<128xi32, #tpu.memory_space<hbm>>
          %dma_wait3A_405 = tpu.memref_slice %arg4[%multiple_of3A_365] : memref<172032xi32, #tpu.memory_space<hbm>> -> memref<128xi32, #tpu.memory_space<hbm>>
          tpu.wait_dma2 semaphore(%run_scoped3A : memref<!tpu.dma_semaphore, #tpu.memory_space<semaphore_mem>>) src(%dma_wait3A_405 : memref<128xi32, #tpu.memory_space<hbm>>) dst(%arg11 : memref<128xi32, #tpu.memory_space<vmem>>)
          tpu.yield
        }) : () -> ()
        "tpu.region"() ({
          %run_scoped3A = tpu.sem_alloc : memref<!tpu.dma_semaphore, #tpu.memory_space<semaphore_mem>>
          %dma_start3A_402 = tpu.memref_slice %arg5[%multiple_of3A_365] : memref<172032xi32, #tpu.memory_space<hbm>> -> memref<128xi32, #tpu.memory_space<hbm>>
          %dma_start3A_403 = tpu.memref_slice %arg5[%multiple_of3A_365] : memref<172032xi32, #tpu.memory_space<hbm>> -> memref<128xi32, #tpu.memory_space<hbm>>
          tpu.enqueue_dma source(%dma_start3A_403 : memref<128xi32, #tpu.memory_space<hbm>>) target(%arg13 : memref<128xi32, #tpu.memory_space<vmem>>) target_semaphore(%run_scoped3A : memref<!tpu.dma_semaphore, #tpu.memory_space<semaphore_mem>>)
          %dma_wait3A_404 = tpu.memref_slice %arg5[%multiple_of3A_365] : memref<172032xi32, #tpu.memory_space<hbm>> -> memref<128xi32, #tpu.memory_space<hbm>>
          %dma_wait3A_405 = tpu.memref_slice %arg5[%multiple_of3A_365] : memref<172032xi32, #tpu.memory_space<hbm>> -> memref<128xi32, #tpu.memory_space<hbm>>
          tpu.wait_dma2 semaphore(%run_scoped3A : memref<!tpu.dma_semaphore, #tpu.memory_space<semaphore_mem>>) src(%dma_wait3A_405 : memref<128xi32, #tpu.memory_space<hbm>>) dst(%arg13 : memref<128xi32, #tpu.memory_space<vmem>>)
          tpu.yield
        }) : () -> ()
        %ge3A_366 = arith.constant 4 : i32
        %ge3A_367 = arith.cmpi sge, %select_n3A, %ge3A_366 : i32
        %sub3A_368 = arith.constant 1 : i32
        %sub3A_369 = arith.subi %select_n3A, %sub3A_368 : i32
        %select_n3A_370 = arith.select %ge3A_367, %sub3A_369, %select_n3A : i32
        %mul3A_371 = arith.constant 24576 : i32
        %mul3A_372 = arith.muli %select_n3A_370, %mul3A_371 : i32
        %add3A_373 = arith.addi %mul3A_372, %add3A_361 : i32
        %jit3A_374 = arith.constant 8 : i32
        %div3A_375 = arith.divsi %add3A_373, %jit3A_374 : i32
        %sign3A_376 = arith.constant 0 : i32
        %sign3A_377 = arith.cmpi sgt, %add3A_373, %sign3A_376 : i32
        %sign3A_378 = arith.extui %sign3A_377 : i1 to i32
        %sign3A_379 = arith.constant 0 : i32
        %sign3A_380 = arith.cmpi slt, %add3A_373, %sign3A_379 : i32
        %sign3A_381 = arith.extui %sign3A_380 : i1 to i32
        %sign3A_382 = arith.subi %sign3A_378, %sign3A_381 : i32
        %sign3A_383 = arith.constant 0 : i32
        %sign3A_384 = arith.cmpi sgt, %jit3A_374, %sign3A_383 : i32
        %sign3A_385 = arith.extui %sign3A_384 : i1 to i32
        %sign3A_386 = arith.constant 0 : i32
        %sign3A_387 = arith.cmpi slt, %jit3A_374, %sign3A_386 : i32
        %sign3A_388 = arith.extui %sign3A_387 : i1 to i32
        %sign3A_389 = arith.subi %sign3A_385, %sign3A_388 : i32
        %ne3A_390 = arith.cmpi ne, %sign3A_382, %sign3A_389 : i32
        %rem3A_391 = arith.remsi %add3A_373, %jit3A_374 : i32
        %ne3A_392 = arith.constant 0 : i32
        %ne3A_393 = arith.cmpi ne, %rem3A_391, %ne3A_392 : i32
        %and3A_394 = arith.andi %ne3A_390, %ne3A_393 : i1
        %sub3A_395 = arith.constant 1 : i32
        %sub3A_396 = arith.subi %div3A_375, %sub3A_395 : i32
        %select_n3A_397 = arith.select %and3A_394, %sub3A_396, %div3A_375 : i32
        %multiple_of3A_398 = tpu.assume_multiple %select_n3A_397, 16 : i32
        "tpu.region"() ({
          %run_scoped3A = tpu.sem_alloc : memref<!tpu.dma_semaphore, #tpu.memory_space<semaphore_mem>>
          %dma_start3A_402 = arith.constant 0 : i32
          %dma_start3A_403 = tpu.memref_slice %arg6[%multiple_of3A_398, %dma_start3A_402] : memref<18432x128xf32, #tpu.memory_space<hbm>> -> memref<16x128xf32, #tpu.memory_space<hbm>>
          %dma_start3A_404 = arith.constant 0 : i32
          %dma_start3A_405 = tpu.memref_slice %arg6[%multiple_of3A_398, %dma_start3A_404] : memref<18432x128xf32, #tpu.memory_space<hbm>> -> memref<16x128xf32, #tpu.memory_space<hbm>>
          tpu.enqueue_dma source(%dma_start3A_405 : memref<16x128xf32, #tpu.memory_space<hbm>>) target(%arg17 : memref<16x128xf32, #tpu.memory_space<vmem>>) target_semaphore(%run_scoped3A : memref<!tpu.dma_semaphore, #tpu.memory_space<semaphore_mem>>)
          %dma_wait3A_406 = arith.constant 0 : i32
          %dma_wait3A_407 = tpu.memref_slice %arg6[%multiple_of3A_398, %dma_wait3A_406] : memref<18432x128xf32, #tpu.memory_space<hbm>> -> memref<16x128xf32, #tpu.memory_space<hbm>>
          %dma_wait3A_408 = arith.constant 0 : i32
          %dma_wait3A_409 = tpu.memref_slice %arg6[%multiple_of3A_398, %dma_wait3A_408] : memref<18432x128xf32, #tpu.memory_space<hbm>> -> memref<16x128xf32, #tpu.memory_space<hbm>>
          tpu.wait_dma2 semaphore(%run_scoped3A : memref<!tpu.dma_semaphore, #tpu.memory_space<semaphore_mem>>) src(%dma_wait3A_409 : memref<16x128xf32, #tpu.memory_space<hbm>>) dst(%arg17 : memref<16x128xf32, #tpu.memory_space<vmem>>)
          tpu.yield
        }) : () -> ()
        %dma_start3A_399 = arith.constant 0 : i32
        %dma_start3A_400 = arith.constant 0 : i32
        %dma_start3A_401 = tpu.memref_slice %arg24[%dma_start3A_399, %dma_start3A_400] : memref<10240x128xbf16, #tpu.memory_space<vmem_shared>> -> memref<10240x128xbf16, #tpu.memory_space<vmem_shared>>
        tpu.enqueue_indirect_dma source(%dma_start3A_401 : memref<10240x128xbf16, #tpu.memory_space<vmem_shared>>) target(%arg19 : memref<128x128xbf16, #tpu.memory_space<vmem>>) offsets(%arg11 : memref<128xi32, #tpu.memory_space<vmem>>) semaphore(%arg28 : memref<!tpu.dma_semaphore, #tpu.memory_space<semaphore_mem>>)
      } else {
      }
      %dma_wait3A_255 = arith.constant 0 : i32
      %dma_wait3A_256 = arith.constant 0 : i32
      %dma_wait3A_257 = tpu.memref_slice %arg24[%dma_wait3A_255, %dma_wait3A_256] : memref<10240x128xbf16, #tpu.memory_space<vmem_shared>> -> memref<10240x128xbf16, #tpu.memory_space<vmem_shared>>
      tpu.wait_indirect_dma semaphore(%arg27 : memref<!tpu.dma_semaphore, #tpu.memory_space<semaphore_mem>>) src(%dma_wait3A_257 : memref<10240x128xbf16, #tpu.memory_space<vmem_shared>>) dst(%arg18 : memref<128x128xbf16, #tpu.memory_space<vmem>>)
      %ge3A_258 = arith.constant 1 : i32
      %ge3A_259 = arith.cmpi sge, %mul3A_247, %ge3A_258 : i32
      %convert_element_type3A_260 = arith.extui %ge3A_259 : i1 to i32
      %cond3A_261 = arith.constant 0 : i32
      %cond3A_262 = arith.cmpi ne, %convert_element_type3A_260, %cond3A_261 : i32
      scf.if %cond3A_262 {
        %dma_wait3A_355 = arith.constant 0 : i32
        %dma_wait3A_356 = arith.constant 0 : i32
        %dma_wait3A_357 = tpu.memref_slice %arg26[%dma_wait3A_355, %dma_wait3A_356] : memref<10240x16xf32, #tpu.memory_space<vmem_shared>> -> memref<10240x16xf32, #tpu.memory_space<vmem_shared>>
        tpu.wait_indirect_dma semaphore(%arg30 : memref<!tpu.dma_semaphore, #tpu.memory_space<semaphore_mem>>) src(%arg23 : memref<128x16xf32, #tpu.memory_space<vmem>>) dst(%dma_wait3A_357 : memref<10240x16xf32, #tpu.memory_space<vmem_shared>>)
      } else {
      }
      %parallel_loop3A = arith.constant 0 : i32
      %parallel_loop3A_263 = arith.constant 128 : i32
      %parallel_loop3A_264 = arith.constant 1 : i32
      scf.for %parallel_loop3A_355 = %parallel_loop3A to %parallel_loop3A_263 step %parallel_loop3A_264  : i32 {
        %parallel_loop3A_356 = arith.constant 3 : i32
        %parallel_loop3A_357 = arith.shrsi %parallel_loop3A_355, %parallel_loop3A_356 : i32
        %parallel_loop3A_358 = arith.constant 7 : i32
        %parallel_loop3A_359 = arith.andi %parallel_loop3A_355, %parallel_loop3A_358 : i32
        %parallel_loop3A_360 = arith.constant 16 : i32
        %parallel_loop3A_361 = arith.muli %parallel_loop3A_359, %parallel_loop3A_360 : i32
        %parallel_loop3A_362 = arith.index_cast %parallel_loop3A_357 : i32 to index
        %parallel_loop3A_363 = arith.index_cast %parallel_loop3A_361 : i32 to index
        %parallel_loop3A_364 = tpu.vector_load %arg16[%parallel_loop3A_362, %parallel_loop3A_363] {strides = array<i32>} : memref<16x128xf32, #tpu.memory_space<vmem>>, vector<16xf32>,
        %parallel_loop3A_365 = arith.index_cast %parallel_loop3A_355 : i32 to index
        %parallel_loop3A_366 = arith.constant 0 : index
        %parallel_loop3A_367 = tpu.vector_load %arg18[%parallel_loop3A_365, %parallel_loop3A_366] {strides = array<i32>} : memref<128x128xbf16, #tpu.memory_space<vmem>>, vector<32xbf16>,
        %parallel_loop3A_368 = tpu.unpack_subelements %parallel_loop3A_367, 0 {pack_format = #tpu.pack_format<interleaved>} : vector<32xbf16> -> vector<16xf32>
        %parallel_loop3A_369 = tpu.unpack_subelements %parallel_loop3A_367, 1 {pack_format = #tpu.pack_format<interleaved>} : vector<32xbf16> -> vector<16xf32>
        %parallel_loop3A_370 = arith.constant 0 : i32
        %parallel_loop3A_371 = arith.constant 1 : i32
        %parallel_loop3A_372 = vector.broadcast %parallel_loop3A_370 : i32 to vector<16xi32>
        %parallel_loop3A_373 = vector.broadcast %parallel_loop3A_371 : i32 to vector<16xi32>
        %parallel_loop3A_374 = arith.select %lt3A_1, %parallel_loop3A_372, %parallel_loop3A_373 : vector<16xi1>, vector<16xi32>
        %parallel_loop3A_375 = vector.shape_cast %parallel_loop3A_374 : vector<16xi32> to vector<16x1xi32>
        %parallel_loop3A_376 = vector.shape_cast %parallel_loop3A_375 : vector<16x1xi32> to vector<16xi32>
        %parallel_loop3A_377 = tpu.dynamic_gather %parallel_loop3A_364[%parallel_loop3A_376] in [0] : vector<16xf32>, vector<16xi32> -> vector<16xf32>
        %parallel_loop3A_378 = arith.constant 2 : i32
        %parallel_loop3A_379 = arith.constant 3 : i32
        %parallel_loop3A_380 = vector.broadcast %parallel_loop3A_378 : i32 to vector<16xi32>
        %parallel_loop3A_381 = vector.broadcast %parallel_loop3A_379 : i32 to vector<16xi32>
        %parallel_loop3A_382 = arith.select %lt3A_1, %parallel_loop3A_380, %parallel_loop3A_381 : vector<16xi1>, vector<16xi32>
        %parallel_loop3A_383 = vector.shape_cast %parallel_loop3A_382 : vector<16xi32> to vector<16x1xi32>
        %parallel_loop3A_384 = vector.shape_cast %parallel_loop3A_383 : vector<16x1xi32> to vector<16xi32>
        %parallel_loop3A_385 = tpu.dynamic_gather %parallel_loop3A_364[%parallel_loop3A_384] in [0] : vector<16xf32>, vector<16xi32> -> vector<16xf32>
        %parallel_loop3A_386 = arith.mulf %parallel_loop3A_377, %parallel_loop3A_368 : vector<16xf32>
        %parallel_loop3A_387 = arith.addf %broadcast_in_dim3A_10, %parallel_loop3A_386 : vector<16xf32>
        %parallel_loop3A_388 = arith.mulf %parallel_loop3A_385, %parallel_loop3A_369 : vector<16xf32>
        %parallel_loop3A_389 = arith.addf %parallel_loop3A_387, %parallel_loop3A_388 : vector<16xf32>
        %parallel_loop3A_390 = arith.index_cast %parallel_loop3A_355 : i32 to index
        %parallel_loop3A_391 = arith.constant 32 : index
        %parallel_loop3A_392 = tpu.vector_load %arg18[%parallel_loop3A_390, %parallel_loop3A_391] {strides = array<i32>} : memref<128x128xbf16, #tpu.memory_space<vmem>>, vector<32xbf16>,
        %parallel_loop3A_393 = tpu.unpack_subelements %parallel_loop3A_392, 0 {pack_format = #tpu.pack_format<interleaved>} : vector<32xbf16> -> vector<16xf32>
        %parallel_loop3A_394 = tpu.unpack_subelements %parallel_loop3A_392, 1 {pack_format = #tpu.pack_format<interleaved>} : vector<32xbf16> -> vector<16xf32>
        %parallel_loop3A_395 = arith.constant 4 : i32
        %parallel_loop3A_396 = arith.constant 5 : i32
        %parallel_loop3A_397 = vector.broadcast %parallel_loop3A_395 : i32 to vector<16xi32>
        %parallel_loop3A_398 = vector.broadcast %parallel_loop3A_396 : i32 to vector<16xi32>
        %parallel_loop3A_399 = arith.select %lt3A_1, %parallel_loop3A_397, %parallel_loop3A_398 : vector<16xi1>, vector<16xi32>
        %parallel_loop3A_400 = vector.shape_cast %parallel_loop3A_399 : vector<16xi32> to vector<16x1xi32>
        %parallel_loop3A_401 = vector.shape_cast %parallel_loop3A_400 : vector<16x1xi32> to vector<16xi32>
        %parallel_loop3A_402 = tpu.dynamic_gather %parallel_loop3A_364[%parallel_loop3A_401] in [0] : vector<16xf32>, vector<16xi32> -> vector<16xf32>
        %parallel_loop3A_403 = arith.constant 6 : i32
        %parallel_loop3A_404 = arith.constant 7 : i32
        %parallel_loop3A_405 = vector.broadcast %parallel_loop3A_403 : i32 to vector<16xi32>
        %parallel_loop3A_406 = vector.broadcast %parallel_loop3A_404 : i32 to vector<16xi32>
        %parallel_loop3A_407 = arith.select %lt3A_1, %parallel_loop3A_405, %parallel_loop3A_406 : vector<16xi1>, vector<16xi32>
        %parallel_loop3A_408 = vector.shape_cast %parallel_loop3A_407 : vector<16xi32> to vector<16x1xi32>
        %parallel_loop3A_409 = vector.shape_cast %parallel_loop3A_408 : vector<16x1xi32> to vector<16xi32>
        %parallel_loop3A_410 = tpu.dynamic_gather %parallel_loop3A_364[%parallel_loop3A_409] in [0] : vector<16xf32>, vector<16xi32> -> vector<16xf32>
        %parallel_loop3A_411 = arith.mulf %parallel_loop3A_402, %parallel_loop3A_393 : vector<16xf32>
        %parallel_loop3A_412 = arith.addf %parallel_loop3A_389, %parallel_loop3A_411 : vector<16xf32>
        %parallel_loop3A_413 = arith.mulf %parallel_loop3A_410, %parallel_loop3A_394 : vector<16xf32>
        %parallel_loop3A_414 = arith.addf %parallel_loop3A_412, %parallel_loop3A_413 : vector<16xf32>
        %parallel_loop3A_415 = arith.index_cast %parallel_loop3A_355 : i32 to index
        %parallel_loop3A_416 = arith.constant 64 : index
        %parallel_loop3A_417 = tpu.vector_load %arg18[%parallel_loop3A_415, %parallel_loop3A_416] {strides = array<i32>} : memref<128x128xbf16, #tpu.memory_space<vmem>>, vector<32xbf16>,
        %parallel_loop3A_418 = tpu.unpack_subelements %parallel_loop3A_417, 0 {pack_format = #tpu.pack_format<interleaved>} : vector<32xbf16> -> vector<16xf32>
        %parallel_loop3A_419 = tpu.unpack_subelements %parallel_loop3A_417, 1 {pack_format = #tpu.pack_format<interleaved>} : vector<32xbf16> -> vector<16xf32>
        %parallel_loop3A_420 = arith.constant 8 : i32
        %parallel_loop3A_421 = arith.constant 9 : i32
        %parallel_loop3A_422 = vector.broadcast %parallel_loop3A_420 : i32 to vector<16xi32>
        %parallel_loop3A_423 = vector.broadcast %parallel_loop3A_421 : i32 to vector<16xi32>
        %parallel_loop3A_424 = arith.select %lt3A_1, %parallel_loop3A_422, %parallel_loop3A_423 : vector<16xi1>, vector<16xi32>
        %parallel_loop3A_425 = vector.shape_cast %parallel_loop3A_424 : vector<16xi32> to vector<16x1xi32>
        %parallel_loop3A_426 = vector.shape_cast %parallel_loop3A_425 : vector<16x1xi32> to vector<16xi32>
        %parallel_loop3A_427 = tpu.dynamic_gather %parallel_loop3A_364[%parallel_loop3A_426] in [0] : vector<16xf32>, vector<16xi32> -> vector<16xf32>
        %parallel_loop3A_428 = arith.constant 10 : i32
        %parallel_loop3A_429 = arith.constant 11 : i32
        %parallel_loop3A_430 = vector.broadcast %parallel_loop3A_428 : i32 to vector<16xi32>
        %parallel_loop3A_431 = vector.broadcast %parallel_loop3A_429 : i32 to vector<16xi32>
        %parallel_loop3A_432 = arith.select %lt3A_1, %parallel_loop3A_430, %parallel_loop3A_431 : vector<16xi1>, vector<16xi32>
        %parallel_loop3A_433 = vector.shape_cast %parallel_loop3A_432 : vector<16xi32> to vector<16x1xi32>
        %parallel_loop3A_434 = vector.shape_cast %parallel_loop3A_433 : vector<16x1xi32> to vector<16xi32>
        %parallel_loop3A_435 = tpu.dynamic_gather %parallel_loop3A_364[%parallel_loop3A_434] in [0] : vector<16xf32>, vector<16xi32> -> vector<16xf32>
        %parallel_loop3A_436 = arith.mulf %parallel_loop3A_427, %parallel_loop3A_418 : vector<16xf32>
        %parallel_loop3A_437 = arith.addf %parallel_loop3A_414, %parallel_loop3A_436 : vector<16xf32>
        %parallel_loop3A_438 = arith.mulf %parallel_loop3A_435, %parallel_loop3A_419 : vector<16xf32>
        %parallel_loop3A_439 = arith.addf %parallel_loop3A_437, %parallel_loop3A_438 : vector<16xf32>
        %parallel_loop3A_440 = arith.index_cast %parallel_loop3A_355 : i32 to index
        %parallel_loop3A_441 = arith.constant 96 : index
        %parallel_loop3A_442 = tpu.vector_load %arg18[%parallel_loop3A_440, %parallel_loop3A_441] {strides = array<i32>} : memref<128x128xbf16, #tpu.memory_space<vmem>>, vector<32xbf16>,
        %parallel_loop3A_443 = tpu.unpack_subelements %parallel_loop3A_442, 0 {pack_format = #tpu.pack_format<interleaved>} : vector<32xbf16> -> vector<16xf32>
        %parallel_loop3A_444 = tpu.unpack_subelements %parallel_loop3A_442, 1 {pack_format = #tpu.pack_format<interleaved>} : vector<32xbf16> -> vector<16xf32>
        %parallel_loop3A_445 = arith.constant 12 : i32
        %parallel_loop3A_446 = arith.constant 13 : i32
        %parallel_loop3A_447 = vector.broadcast %parallel_loop3A_445 : i32 to vector<16xi32>
        %parallel_loop3A_448 = vector.broadcast %parallel_loop3A_446 : i32 to vector<16xi32>
        %parallel_loop3A_449 = arith.select %lt3A_1, %parallel_loop3A_447, %parallel_loop3A_448 : vector<16xi1>, vector<16xi32>
        %parallel_loop3A_450 = vector.shape_cast %parallel_loop3A_449 : vector<16xi32> to vector<16x1xi32>
        %parallel_loop3A_451 = vector.shape_cast %parallel_loop3A_450 : vector<16x1xi32> to vector<16xi32>
        %parallel_loop3A_452 = tpu.dynamic_gather %parallel_loop3A_364[%parallel_loop3A_451] in [0] : vector<16xf32>, vector<16xi32> -> vector<16xf32>
        %parallel_loop3A_453 = arith.constant 14 : i32
        %parallel_loop3A_454 = arith.constant 15 : i32
        %parallel_loop3A_455 = vector.broadcast %parallel_loop3A_453 : i32 to vector<16xi32>
        %parallel_loop3A_456 = vector.broadcast %parallel_loop3A_454 : i32 to vector<16xi32>
        %parallel_loop3A_457 = arith.select %lt3A_1, %parallel_loop3A_455, %parallel_loop3A_456 : vector<16xi1>, vector<16xi32>
        %parallel_loop3A_458 = vector.shape_cast %parallel_loop3A_457 : vector<16xi32> to vector<16x1xi32>
        %parallel_loop3A_459 = vector.shape_cast %parallel_loop3A_458 : vector<16x1xi32> to vector<16xi32>
        %parallel_loop3A_460 = tpu.dynamic_gather %parallel_loop3A_364[%parallel_loop3A_459] in [0] : vector<16xf32>, vector<16xi32> -> vector<16xf32>
        %parallel_loop3A_461 = arith.mulf %parallel_loop3A_452, %parallel_loop3A_443 : vector<16xf32>
        %parallel_loop3A_462 = arith.addf %parallel_loop3A_439, %parallel_loop3A_461 : vector<16xf32>
        %parallel_loop3A_463 = arith.mulf %parallel_loop3A_460, %parallel_loop3A_444 : vector<16xf32>
        %parallel_loop3A_464 = arith.addf %parallel_loop3A_462, %parallel_loop3A_463 : vector<16xf32>
        %parallel_loop3A_465 = vector.shape_cast %and3A_5 : vector<16xi32> to vector<16x1xi32>
        %parallel_loop3A_466 = vector.shape_cast %parallel_loop3A_465 : vector<16x1xi32> to vector<16xi32>
        %parallel_loop3A_467 = tpu.dynamic_gather %parallel_loop3A_464[%parallel_loop3A_466] in [0] : vector<16xf32>, vector<16xi32> -> vector<16xf32>
        %parallel_loop3A_468 = arith.addf %parallel_loop3A_464, %parallel_loop3A_467 : vector<16xf32>
        %parallel_loop3A_469 = arith.index_cast %parallel_loop3A_355 : i32 to index
        %parallel_loop3A_470 = arith.constant 0 : index
        %parallel_loop3A_471 = tpu.vector_load %arg22[%parallel_loop3A_469, %parallel_loop3A_470] {strides = array<i32>} : memref<128x16xf32, #tpu.memory_space<vmem>>, vector<16xf32>,
        tpu.vector_store %arg22[%parallel_loop3A_469, %parallel_loop3A_470], %parallel_loop3A_468 {strides = array<i32>} : memref<128x16xf32, #tpu.memory_space<vmem>>, vector<16xf32>,
      } {sc.loop_unroll_factor = 4 : i64, sc.parallel_access}
      %get3A = arith.constant 0 : index
      %get3A_265 = tpu.vector_load %arg12[%get3A] {strides = array<i32>} : memref<128xi32, #tpu.memory_space<vmem>>, vector<16xi32>,
      %swap3A = arith.constant 0 : index
      %swap3A_266 = tpu.vector_load %arg14[%swap3A] {strides = array<i32>} : memref<128xi32, #tpu.memory_space<vmem>>, vector<16xi32>,
      tpu.vector_store %arg14[%swap3A], %get3A_265 {strides = array<i32>} : memref<128xi32, #tpu.memory_space<vmem>>, vector<16xi32>,
      %get3A_267 = arith.constant 16 : index
      %get3A_268 = tpu.vector_load %arg12[%get3A_267] {strides = array<i32>} : memref<128xi32, #tpu.memory_space<vmem>>, vector<16xi32>,
      %swap3A_269 = arith.constant 16 : index
      %swap3A_270 = tpu.vector_load %arg14[%swap3A_269] {strides = array<i32>} : memref<128xi32, #tpu.memory_space<vmem>>, vector<16xi32>,
      tpu.vector_store %arg14[%swap3A_269], %get3A_268 {strides = array<i32>} : memref<128xi32, #tpu.memory_space<vmem>>, vector<16xi32>,
      %get3A_271 = arith.constant 32 : index
      %get3A_272 = tpu.vector_load %arg12[%get3A_271] {strides = array<i32>} : memref<128xi32, #tpu.memory_space<vmem>>, vector<16xi32>,
      %swap3A_273 = arith.constant 32 : index
      %swap3A_274 = tpu.vector_load %arg14[%swap3A_273] {strides = array<i32>} : memref<128xi32, #tpu.memory_space<vmem>>, vector<16xi32>,
      tpu.vector_store %arg14[%swap3A_273], %get3A_272 {strides = array<i32>} : memref<128xi32, #tpu.memory_space<vmem>>, vector<16xi32>,
      %get3A_275 = arith.constant 48 : index
      %get3A_276 = tpu.vector_load %arg12[%get3A_275] {strides = array<i32>} : memref<128xi32, #tpu.memory_space<vmem>>, vector<16xi32>,
      %swap3A_277 = arith.constant 48 : index
      %swap3A_278 = tpu.vector_load %arg14[%swap3A_277] {strides = array<i32>} : memref<128xi32, #tpu.memory_space<vmem>>, vector<16xi32>,
      tpu.vector_store %arg14[%swap3A_277], %get3A_276 {strides = array<i32>} : memref<128xi32, #tpu.memory_space<vmem>>, vector<16xi32>,
      %get3A_279 = arith.constant 64 : index
      %get3A_280 = tpu.vector_load %arg12[%get3A_279] {strides = array<i32>} : memref<128xi32, #tpu.memory_space<vmem>>, vector<16xi32>,
      %swap3A_281 = arith.constant 64 : index
      %swap3A_282 = tpu.vector_load %arg14[%swap3A_281] {strides = array<i32>} : memref<128xi32, #tpu.memory_space<vmem>>, vector<16xi32>,
      tpu.vector_store %arg14[%swap3A_281], %get3A_280 {strides = array<i32>} : memref<128xi32, #tpu.memory_space<vmem>>, vector<16xi32>,
      %get3A_283 = arith.constant 80 : index
      %get3A_284 = tpu.vector_load %arg12[%get3A_283] {strides = array<i32>} : memref<128xi32, #tpu.memory_space<vmem>>, vector<16xi32>,
      %swap3A_285 = arith.constant 80 : index
      %swap3A_286 = tpu.vector_load %arg14[%swap3A_285] {strides = array<i32>} : memref<128xi32, #tpu.memory_space<vmem>>, vector<16xi32>,
      tpu.vector_store %arg14[%swap3A_285], %get3A_284 {strides = array<i32>} : memref<128xi32, #tpu.memory_space<vmem>>, vector<16xi32>,
      %get3A_287 = arith.constant 96 : index
      %get3A_288 = tpu.vector_load %arg12[%get3A_287] {strides = array<i32>} : memref<128xi32, #tpu.memory_space<vmem>>, vector<16xi32>,
      %swap3A_289 = arith.constant 96 : index
      %swap3A_290 = tpu.vector_load %arg14[%swap3A_289] {strides = array<i32>} : memref<128xi32, #tpu.memory_space<vmem>>, vector<16xi32>,
      tpu.vector_store %arg14[%swap3A_289], %get3A_288 {strides = array<i32>} : memref<128xi32, #tpu.memory_space<vmem>>, vector<16xi32>,
      %get3A_291 = arith.constant 112 : index
      %get3A_292 = tpu.vector_load %arg12[%get3A_291] {strides = array<i32>} : memref<128xi32, #tpu.memory_space<vmem>>, vector<16xi32>,
      %swap3A_293 = arith.constant 112 : index
      %swap3A_294 = tpu.vector_load %arg14[%swap3A_293] {strides = array<i32>} : memref<128xi32, #tpu.memory_space<vmem>>, vector<16xi32>,
      tpu.vector_store %arg14[%swap3A_293], %get3A_292 {strides = array<i32>} : memref<128xi32, #tpu.memory_space<vmem>>, vector<16xi32>,
      %dma_start3A_295 = arith.constant 0 : i32
      %dma_start3A_296 = arith.constant 0 : i32
      %dma_start3A_297 = tpu.memref_slice %arg26[%dma_start3A_295, %dma_start3A_296] : memref<10240x16xf32, #tpu.memory_space<vmem_shared>> -> memref<10240x16xf32, #tpu.memory_space<vmem_shared>>
      tpu.enqueue_indirect_dma source(%arg22 : memref<128x16xf32, #tpu.memory_space<vmem>>) target(%dma_start3A_297 : memref<10240x16xf32, #tpu.memory_space<vmem_shared>>) offsets(%arg14 : memref<128xi32, #tpu.memory_space<vmem>>) semaphore(%arg29 : memref<!tpu.dma_semaphore, #tpu.memory_space<semaphore_mem>>) {add = true}
      %mul3A_298 = arith.constant 2 : i32
      %mul3A_299 = arith.muli %mul3A_298, %scan3A_245 : i32
      %add3A_300 = arith.constant 1 : i32
      %add3A_301 = arith.addi %mul3A_299, %add3A_300 : i32
      %add3A_302 = arith.constant 1 : i32
      %add3A_303 = arith.addi %add3A_301, %add3A_302 : i32
      %lt3A_304 = arith.constant 12 : i32
      %lt3A_305 = arith.cmpi slt, %add3A_303, %lt3A_304 : i32
      %convert_element_type3A_306 = arith.extui %lt3A_305 : i1 to i32
      %cond3A_307 = arith.constant 0 : i32
      %cond3A_308 = arith.cmpi ne, %convert_element_type3A_306, %cond3A_307 : i32
      scf.if %cond3A_308 {
        %add3A_355 = arith.constant 1 : i32
        %add3A_356 = arith.addi %add3A_301, %add3A_355 : i32
        %mul3A_357 = arith.constant 1536 : i32
        %mul3A_358 = arith.muli %arg1, %mul3A_357 : i32
        %mul3A_359 = arith.constant 128 : i32
        %mul3A_360 = arith.muli %add3A_356, %mul3A_359 : i32
        %add3A_361 = arith.addi %mul3A_358, %mul3A_360 : i32
        %mul3A_362 = arith.constant 24576 : i32
        %mul3A_363 = arith.muli %select_n3A, %mul3A_362 : i32
        %add3A_364 = arith.addi %mul3A_363, %add3A_361 : i32
        %multiple_of3A_365 = tpu.assume_multiple %add3A_364, 128 : i32
        "tpu.region"() ({
          %run_scoped3A = tpu.sem_alloc : memref<!tpu.dma_semaphore, #tpu.memory_space<semaphore_mem>>
          %dma_start3A_402 = tpu.memref_slice %arg4[%multiple_of3A_365] : memref<172032xi32, #tpu.memory_space<hbm>> -> memref<128xi32, #tpu.memory_space<hbm>>
          %dma_start3A_403 = tpu.memref_slice %arg4[%multiple_of3A_365] : memref<172032xi32, #tpu.memory_space<hbm>> -> memref<128xi32, #tpu.memory_space<hbm>>
          tpu.enqueue_dma source(%dma_start3A_403 : memref<128xi32, #tpu.memory_space<hbm>>) target(%arg10 : memref<128xi32, #tpu.memory_space<vmem>>) target_semaphore(%run_scoped3A : memref<!tpu.dma_semaphore, #tpu.memory_space<semaphore_mem>>)
          %dma_wait3A_404 = tpu.memref_slice %arg4[%multiple_of3A_365] : memref<172032xi32, #tpu.memory_space<hbm>> -> memref<128xi32, #tpu.memory_space<hbm>>
          %dma_wait3A_405 = tpu.memref_slice %arg4[%multiple_of3A_365] : memref<172032xi32, #tpu.memory_space<hbm>> -> memref<128xi32, #tpu.memory_space<hbm>>
          tpu.wait_dma2 semaphore(%run_scoped3A : memref<!tpu.dma_semaphore, #tpu.memory_space<semaphore_mem>>) src(%dma_wait3A_405 : memref<128xi32, #tpu.memory_space<hbm>>) dst(%arg10 : memref<128xi32, #tpu.memory_space<vmem>>)
          tpu.yield
        }) : () -> ()
        "tpu.region"() ({
          %run_scoped3A = tpu.sem_alloc : memref<!tpu.dma_semaphore, #tpu.memory_space<semaphore_mem>>
          %dma_start3A_402 = tpu.memref_slice %arg5[%multiple_of3A_365] : memref<172032xi32, #tpu.memory_space<hbm>> -> memref<128xi32, #tpu.memory_space<hbm>>
          %dma_start3A_403 = tpu.memref_slice %arg5[%multiple_of3A_365] : memref<172032xi32, #tpu.memory_space<hbm>> -> memref<128xi32, #tpu.memory_space<hbm>>
          tpu.enqueue_dma source(%dma_start3A_403 : memref<128xi32, #tpu.memory_space<hbm>>) target(%arg12 : memref<128xi32, #tpu.memory_space<vmem>>) target_semaphore(%run_scoped3A : memref<!tpu.dma_semaphore, #tpu.memory_space<semaphore_mem>>)
          %dma_wait3A_404 = tpu.memref_slice %arg5[%multiple_of3A_365] : memref<172032xi32, #tpu.memory_space<hbm>> -> memref<128xi32, #tpu.memory_space<hbm>>
          %dma_wait3A_405 = tpu.memref_slice %arg5[%multiple_of3A_365] : memref<172032xi32, #tpu.memory_space<hbm>> -> memref<128xi32, #tpu.memory_space<hbm>>
          tpu.wait_dma2 semaphore(%run_scoped3A : memref<!tpu.dma_semaphore, #tpu.memory_space<semaphore_mem>>) src(%dma_wait3A_405 : memref<128xi32, #tpu.memory_space<hbm>>) dst(%arg12 : memref<128xi32, #tpu.memory_space<vmem>>)
          tpu.yield
        }) : () -> ()
        %ge3A_366 = arith.constant 4 : i32
        %ge3A_367 = arith.cmpi sge, %select_n3A, %ge3A_366 : i32
        %sub3A_368 = arith.constant 1 : i32
        %sub3A_369 = arith.subi %select_n3A, %sub3A_368 : i32
        %select_n3A_370 = arith.select %ge3A_367, %sub3A_369, %select_n3A : i32
        %mul3A_371 = arith.constant 24576 : i32
        %mul3A_372 = arith.muli %select_n3A_370, %mul3A_371 : i32
        %add3A_373 = arith.addi %mul3A_372, %add3A_361 : i32
        %jit3A_374 = arith.constant 8 : i32
        %div3A_375 = arith.divsi %add3A_373, %jit3A_374 : i32
        %sign3A_376 = arith.constant 0 : i32
        %sign3A_377 = arith.cmpi sgt, %add3A_373, %sign3A_376 : i32
        %sign3A_378 = arith.extui %sign3A_377 : i1 to i32
        %sign3A_379 = arith.constant 0 : i32
        %sign3A_380 = arith.cmpi slt, %add3A_373, %sign3A_379 : i32
        %sign3A_381 = arith.extui %sign3A_380 : i1 to i32
        %sign3A_382 = arith.subi %sign3A_378, %sign3A_381 : i32
        %sign3A_383 = arith.constant 0 : i32
        %sign3A_384 = arith.cmpi sgt, %jit3A_374, %sign3A_383 : i32
        %sign3A_385 = arith.extui %sign3A_384 : i1 to i32
        %sign3A_386 = arith.constant 0 : i32
        %sign3A_387 = arith.cmpi slt, %jit3A_374, %sign3A_386 : i32
        %sign3A_388 = arith.extui %sign3A_387 : i1 to i32
        %sign3A_389 = arith.subi %sign3A_385, %sign3A_388 : i32
        %ne3A_390 = arith.cmpi ne, %sign3A_382, %sign3A_389 : i32
        %rem3A_391 = arith.remsi %add3A_373, %jit3A_374 : i32
        %ne3A_392 = arith.constant 0 : i32
        %ne3A_393 = arith.cmpi ne, %rem3A_391, %ne3A_392 : i32
        %and3A_394 = arith.andi %ne3A_390, %ne3A_393 : i1
        %sub3A_395 = arith.constant 1 : i32
        %sub3A_396 = arith.subi %div3A_375, %sub3A_395 : i32
        %select_n3A_397 = arith.select %and3A_394, %sub3A_396, %div3A_375 : i32
        %multiple_of3A_398 = tpu.assume_multiple %select_n3A_397, 16 : i32
        "tpu.region"() ({
          %run_scoped3A = tpu.sem_alloc : memref<!tpu.dma_semaphore, #tpu.memory_space<semaphore_mem>>
          %dma_start3A_402 = arith.constant 0 : i32
          %dma_start3A_403 = tpu.memref_slice %arg6[%multiple_of3A_398, %dma_start3A_402] : memref<18432x128xf32, #tpu.memory_space<hbm>> -> memref<16x128xf32, #tpu.memory_space<hbm>>
          %dma_start3A_404 = arith.constant 0 : i32
          %dma_start3A_405 = tpu.memref_slice %arg6[%multiple_of3A_398, %dma_start3A_404] : memref<18432x128xf32, #tpu.memory_space<hbm>> -> memref<16x128xf32, #tpu.memory_space<hbm>>
          tpu.enqueue_dma source(%dma_start3A_405 : memref<16x128xf32, #tpu.memory_space<hbm>>) target(%arg16 : memref<16x128xf32, #tpu.memory_space<vmem>>) target_semaphore(%run_scoped3A : memref<!tpu.dma_semaphore, #tpu.memory_space<semaphore_mem>>)
          %dma_wait3A_406 = arith.constant 0 : i32
          %dma_wait3A_407 = tpu.memref_slice %arg6[%multiple_of3A_398, %dma_wait3A_406] : memref<18432x128xf32, #tpu.memory_space<hbm>> -> memref<16x128xf32, #tpu.memory_space<hbm>>
          %dma_wait3A_408 = arith.constant 0 : i32
          %dma_wait3A_409 = tpu.memref_slice %arg6[%multiple_of3A_398, %dma_wait3A_408] : memref<18432x128xf32, #tpu.memory_space<hbm>> -> memref<16x128xf32, #tpu.memory_space<hbm>>
          tpu.wait_dma2 semaphore(%run_scoped3A : memref<!tpu.dma_semaphore, #tpu.memory_space<semaphore_mem>>) src(%dma_wait3A_409 : memref<16x128xf32, #tpu.memory_space<hbm>>) dst(%arg16 : memref<16x128xf32, #tpu.memory_space<vmem>>)
          tpu.yield
        }) : () -> ()
        %dma_start3A_399 = arith.constant 0 : i32
        %dma_start3A_400 = arith.constant 0 : i32
        %dma_start3A_401 = tpu.memref_slice %arg24[%dma_start3A_399, %dma_start3A_400] : memref<10240x128xbf16, #tpu.memory_space<vmem_shared>> -> memref<10240x128xbf16, #tpu.memory_space<vmem_shared>>
        tpu.enqueue_indirect_dma source(%dma_start3A_401 : memref<10240x128xbf16, #tpu.memory_space<vmem_shared>>) target(%arg18 : memref<128x128xbf16, #tpu.memory_space<vmem>>) offsets(%arg10 : memref<128xi32, #tpu.memory_space<vmem>>) semaphore(%arg27 : memref<!tpu.dma_semaphore, #tpu.memory_space<semaphore_mem>>)
      } else {
      }
      %dma_wait3A_309 = arith.constant 0 : i32
      %dma_wait3A_310 = arith.constant 0 : i32
      %dma_wait3A_311 = tpu.memref_slice %arg24[%dma_wait3A_309, %dma_wait3A_310] : memref<10240x128xbf16, #tpu.memory_space<vmem_shared>> -> memref<10240x128xbf16, #tpu.memory_space<vmem_shared>>
      tpu.wait_indirect_dma semaphore(%arg28 : memref<!tpu.dma_semaphore, #tpu.memory_space<semaphore_mem>>) src(%dma_wait3A_311 : memref<10240x128xbf16, #tpu.memory_space<vmem_shared>>) dst(%arg19 : memref<128x128xbf16, #tpu.memory_space<vmem>>)
      %ge3A_312 = arith.constant 1 : i32
      %ge3A_313 = arith.cmpi sge, %add3A_301, %ge3A_312 : i32
      %convert_element_type3A_314 = arith.extui %ge3A_313 : i1 to i32
      %cond3A_315 = arith.constant 0 : i32
      %cond3A_316 = arith.cmpi ne, %convert_element_type3A_314, %cond3A_315 : i32
      scf.if %cond3A_316 {
        %dma_wait3A_355 = arith.constant 0 : i32
        %dma_wait3A_356 = arith.constant 0 : i32
        %dma_wait3A_357 = tpu.memref_slice %arg26[%dma_wait3A_355, %dma_wait3A_356] : memref<10240x16xf32, #tpu.memory_space<vmem_shared>> -> memref<10240x16xf32, #tpu.memory_space<vmem_shared>>
        tpu.wait_indirect_dma semaphore(%arg29 : memref<!tpu.dma_semaphore, #tpu.memory_space<semaphore_mem>>) src(%arg22 : memref<128x16xf32, #tpu.memory_space<vmem>>) dst(%dma_wait3A_357 : memref<10240x16xf32, #tpu.memory_space<vmem_shared>>)
      } else {
      }
      %parallel_loop3A_317 = arith.constant 0 : i32
      %parallel_loop3A_318 = arith.constant 128 : i32
      %parallel_loop3A_319 = arith.constant 1 : i32
      scf.for %parallel_loop3A_355 = %parallel_loop3A_317 to %parallel_loop3A_318 step %parallel_loop3A_319  : i32 {
        %parallel_loop3A_356 = arith.constant 3 : i32
        %parallel_loop3A_357 = arith.shrsi %parallel_loop3A_355, %parallel_loop3A_356 : i32
        %parallel_loop3A_358 = arith.constant 7 : i32
        %parallel_loop3A_359 = arith.andi %parallel_loop3A_355, %parallel_loop3A_358 : i32
        %parallel_loop3A_360 = arith.constant 16 : i32
        %parallel_loop3A_361 = arith.muli %parallel_loop3A_359, %parallel_loop3A_360 : i32
        %parallel_loop3A_362 = arith.index_cast %parallel_loop3A_357 : i32 to index
        %parallel_loop3A_363 = arith.index_cast %parallel_loop3A_361 : i32 to index
        %parallel_loop3A_364 = tpu.vector_load %arg17[%parallel_loop3A_362, %parallel_loop3A_363] {strides = array<i32>} : memref<16x128xf32, #tpu.memory_space<vmem>>, vector<16xf32>,
        %parallel_loop3A_365 = arith.index_cast %parallel_loop3A_355 : i32 to index
        %parallel_loop3A_366 = arith.constant 0 : index
        %parallel_loop3A_367 = tpu.vector_load %arg19[%parallel_loop3A_365, %parallel_loop3A_366] {strides = array<i32>} : memref<128x128xbf16, #tpu.memory_space<vmem>>, vector<32xbf16>,
        %parallel_loop3A_368 = tpu.unpack_subelements %parallel_loop3A_367, 0 {pack_format = #tpu.pack_format<interleaved>} : vector<32xbf16> -> vector<16xf32>
        %parallel_loop3A_369 = tpu.unpack_subelements %parallel_loop3A_367, 1 {pack_format = #tpu.pack_format<interleaved>} : vector<32xbf16> -> vector<16xf32>
        %parallel_loop3A_370 = arith.constant 0 : i32
        %parallel_loop3A_371 = arith.constant 1 : i32
        %parallel_loop3A_372 = vector.broadcast %parallel_loop3A_370 : i32 to vector<16xi32>
        %parallel_loop3A_373 = vector.broadcast %parallel_loop3A_371 : i32 to vector<16xi32>
        %parallel_loop3A_374 = arith.select %lt3A_1, %parallel_loop3A_372, %parallel_loop3A_373 : vector<16xi1>, vector<16xi32>
        %parallel_loop3A_375 = vector.shape_cast %parallel_loop3A_374 : vector<16xi32> to vector<16x1xi32>
        %parallel_loop3A_376 = vector.shape_cast %parallel_loop3A_375 : vector<16x1xi32> to vector<16xi32>
        %parallel_loop3A_377 = tpu.dynamic_gather %parallel_loop3A_364[%parallel_loop3A_376] in [0] : vector<16xf32>, vector<16xi32> -> vector<16xf32>
        %parallel_loop3A_378 = arith.constant 2 : i32
        %parallel_loop3A_379 = arith.constant 3 : i32
        %parallel_loop3A_380 = vector.broadcast %parallel_loop3A_378 : i32 to vector<16xi32>
        %parallel_loop3A_381 = vector.broadcast %parallel_loop3A_379 : i32 to vector<16xi32>
        %parallel_loop3A_382 = arith.select %lt3A_1, %parallel_loop3A_380, %parallel_loop3A_381 : vector<16xi1>, vector<16xi32>
        %parallel_loop3A_383 = vector.shape_cast %parallel_loop3A_382 : vector<16xi32> to vector<16x1xi32>
        %parallel_loop3A_384 = vector.shape_cast %parallel_loop3A_383 : vector<16x1xi32> to vector<16xi32>
        %parallel_loop3A_385 = tpu.dynamic_gather %parallel_loop3A_364[%parallel_loop3A_384] in [0] : vector<16xf32>, vector<16xi32> -> vector<16xf32>
        %parallel_loop3A_386 = arith.mulf %parallel_loop3A_377, %parallel_loop3A_368 : vector<16xf32>
        %parallel_loop3A_387 = arith.addf %broadcast_in_dim3A_10, %parallel_loop3A_386 : vector<16xf32>
        %parallel_loop3A_388 = arith.mulf %parallel_loop3A_385, %parallel_loop3A_369 : vector<16xf32>
        %parallel_loop3A_389 = arith.addf %parallel_loop3A_387, %parallel_loop3A_388 : vector<16xf32>
        %parallel_loop3A_390 = arith.index_cast %parallel_loop3A_355 : i32 to index
        %parallel_loop3A_391 = arith.constant 32 : index
        %parallel_loop3A_392 = tpu.vector_load %arg19[%parallel_loop3A_390, %parallel_loop3A_391] {strides = array<i32>} : memref<128x128xbf16, #tpu.memory_space<vmem>>, vector<32xbf16>,
        %parallel_loop3A_393 = tpu.unpack_subelements %parallel_loop3A_392, 0 {pack_format = #tpu.pack_format<interleaved>} : vector<32xbf16> -> vector<16xf32>
        %parallel_loop3A_394 = tpu.unpack_subelements %parallel_loop3A_392, 1 {pack_format = #tpu.pack_format<interleaved>} : vector<32xbf16> -> vector<16xf32>
        %parallel_loop3A_395 = arith.constant 4 : i32
        %parallel_loop3A_396 = arith.constant 5 : i32
        %parallel_loop3A_397 = vector.broadcast %parallel_loop3A_395 : i32 to vector<16xi32>
        %parallel_loop3A_398 = vector.broadcast %parallel_loop3A_396 : i32 to vector<16xi32>
        %parallel_loop3A_399 = arith.select %lt3A_1, %parallel_loop3A_397, %parallel_loop3A_398 : vector<16xi1>, vector<16xi32>
        %parallel_loop3A_400 = vector.shape_cast %parallel_loop3A_399 : vector<16xi32> to vector<16x1xi32>
        %parallel_loop3A_401 = vector.shape_cast %parallel_loop3A_400 : vector<16x1xi32> to vector<16xi32>
        %parallel_loop3A_402 = tpu.dynamic_gather %parallel_loop3A_364[%parallel_loop3A_401] in [0] : vector<16xf32>, vector<16xi32> -> vector<16xf32>
        %parallel_loop3A_403 = arith.constant 6 : i32
        %parallel_loop3A_404 = arith.constant 7 : i32
        %parallel_loop3A_405 = vector.broadcast %parallel_loop3A_403 : i32 to vector<16xi32>
        %parallel_loop3A_406 = vector.broadcast %parallel_loop3A_404 : i32 to vector<16xi32>
        %parallel_loop3A_407 = arith.select %lt3A_1, %parallel_loop3A_405, %parallel_loop3A_406 : vector<16xi1>, vector<16xi32>
        %parallel_loop3A_408 = vector.shape_cast %parallel_loop3A_407 : vector<16xi32> to vector<16x1xi32>
        %parallel_loop3A_409 = vector.shape_cast %parallel_loop3A_408 : vector<16x1xi32> to vector<16xi32>
        %parallel_loop3A_410 = tpu.dynamic_gather %parallel_loop3A_364[%parallel_loop3A_409] in [0] : vector<16xf32>, vector<16xi32> -> vector<16xf32>
        %parallel_loop3A_411 = arith.mulf %parallel_loop3A_402, %parallel_loop3A_393 : vector<16xf32>
        %parallel_loop3A_412 = arith.addf %parallel_loop3A_389, %parallel_loop3A_411 : vector<16xf32>
        %parallel_loop3A_413 = arith.mulf %parallel_loop3A_410, %parallel_loop3A_394 : vector<16xf32>
        %parallel_loop3A_414 = arith.addf %parallel_loop3A_412, %parallel_loop3A_413 : vector<16xf32>
        %parallel_loop3A_415 = arith.index_cast %parallel_loop3A_355 : i32 to index
        %parallel_loop3A_416 = arith.constant 64 : index
        %parallel_loop3A_417 = tpu.vector_load %arg19[%parallel_loop3A_415, %parallel_loop3A_416] {strides = array<i32>} : memref<128x128xbf16, #tpu.memory_space<vmem>>, vector<32xbf16>,
        %parallel_loop3A_418 = tpu.unpack_subelements %parallel_loop3A_417, 0 {pack_format = #tpu.pack_format<interleaved>} : vector<32xbf16> -> vector<16xf32>
        %parallel_loop3A_419 = tpu.unpack_subelements %parallel_loop3A_417, 1 {pack_format = #tpu.pack_format<interleaved>} : vector<32xbf16> -> vector<16xf32>
        %parallel_loop3A_420 = arith.constant 8 : i32
        %parallel_loop3A_421 = arith.constant 9 : i32
        %parallel_loop3A_422 = vector.broadcast %parallel_loop3A_420 : i32 to vector<16xi32>
        %parallel_loop3A_423 = vector.broadcast %parallel_loop3A_421 : i32 to vector<16xi32>
        %parallel_loop3A_424 = arith.select %lt3A_1, %parallel_loop3A_422, %parallel_loop3A_423 : vector<16xi1>, vector<16xi32>
        %parallel_loop3A_425 = vector.shape_cast %parallel_loop3A_424 : vector<16xi32> to vector<16x1xi32>
        %parallel_loop3A_426 = vector.shape_cast %parallel_loop3A_425 : vector<16x1xi32> to vector<16xi32>
        %parallel_loop3A_427 = tpu.dynamic_gather %parallel_loop3A_364[%parallel_loop3A_426] in [0] : vector<16xf32>, vector<16xi32> -> vector<16xf32>
        %parallel_loop3A_428 = arith.constant 10 : i32
        %parallel_loop3A_429 = arith.constant 11 : i32
        %parallel_loop3A_430 = vector.broadcast %parallel_loop3A_428 : i32 to vector<16xi32>
        %parallel_loop3A_431 = vector.broadcast %parallel_loop3A_429 : i32 to vector<16xi32>
        %parallel_loop3A_432 = arith.select %lt3A_1, %parallel_loop3A_430, %parallel_loop3A_431 : vector<16xi1>, vector<16xi32>
        %parallel_loop3A_433 = vector.shape_cast %parallel_loop3A_432 : vector<16xi32> to vector<16x1xi32>
        %parallel_loop3A_434 = vector.shape_cast %parallel_loop3A_433 : vector<16x1xi32> to vector<16xi32>
        %parallel_loop3A_435 = tpu.dynamic_gather %parallel_loop3A_364[%parallel_loop3A_434] in [0] : vector<16xf32>, vector<16xi32> -> vector<16xf32>
        %parallel_loop3A_436 = arith.mulf %parallel_loop3A_427, %parallel_loop3A_418 : vector<16xf32>
        %parallel_loop3A_437 = arith.addf %parallel_loop3A_414, %parallel_loop3A_436 : vector<16xf32>
        %parallel_loop3A_438 = arith.mulf %parallel_loop3A_435, %parallel_loop3A_419 : vector<16xf32>
        %parallel_loop3A_439 = arith.addf %parallel_loop3A_437, %parallel_loop3A_438 : vector<16xf32>
        %parallel_loop3A_440 = arith.index_cast %parallel_loop3A_355 : i32 to index
        %parallel_loop3A_441 = arith.constant 96 : index
        %parallel_loop3A_442 = tpu.vector_load %arg19[%parallel_loop3A_440, %parallel_loop3A_441] {strides = array<i32>} : memref<128x128xbf16, #tpu.memory_space<vmem>>, vector<32xbf16>,
        %parallel_loop3A_443 = tpu.unpack_subelements %parallel_loop3A_442, 0 {pack_format = #tpu.pack_format<interleaved>} : vector<32xbf16> -> vector<16xf32>
        %parallel_loop3A_444 = tpu.unpack_subelements %parallel_loop3A_442, 1 {pack_format = #tpu.pack_format<interleaved>} : vector<32xbf16> -> vector<16xf32>
        %parallel_loop3A_445 = arith.constant 12 : i32
        %parallel_loop3A_446 = arith.constant 13 : i32
        %parallel_loop3A_447 = vector.broadcast %parallel_loop3A_445 : i32 to vector<16xi32>
        %parallel_loop3A_448 = vector.broadcast %parallel_loop3A_446 : i32 to vector<16xi32>
        %parallel_loop3A_449 = arith.select %lt3A_1, %parallel_loop3A_447, %parallel_loop3A_448 : vector<16xi1>, vector<16xi32>
        %parallel_loop3A_450 = vector.shape_cast %parallel_loop3A_449 : vector<16xi32> to vector<16x1xi32>
        %parallel_loop3A_451 = vector.shape_cast %parallel_loop3A_450 : vector<16x1xi32> to vector<16xi32>
        %parallel_loop3A_452 = tpu.dynamic_gather %parallel_loop3A_364[%parallel_loop3A_451] in [0] : vector<16xf32>, vector<16xi32> -> vector<16xf32>
        %parallel_loop3A_453 = arith.constant 14 : i32
        %parallel_loop3A_454 = arith.constant 15 : i32
        %parallel_loop3A_455 = vector.broadcast %parallel_loop3A_453 : i32 to vector<16xi32>
        %parallel_loop3A_456 = vector.broadcast %parallel_loop3A_454 : i32 to vector<16xi32>
        %parallel_loop3A_457 = arith.select %lt3A_1, %parallel_loop3A_455, %parallel_loop3A_456 : vector<16xi1>, vector<16xi32>
        %parallel_loop3A_458 = vector.shape_cast %parallel_loop3A_457 : vector<16xi32> to vector<16x1xi32>
        %parallel_loop3A_459 = vector.shape_cast %parallel_loop3A_458 : vector<16x1xi32> to vector<16xi32>
        %parallel_loop3A_460 = tpu.dynamic_gather %parallel_loop3A_364[%parallel_loop3A_459] in [0] : vector<16xf32>, vector<16xi32> -> vector<16xf32>
        %parallel_loop3A_461 = arith.mulf %parallel_loop3A_452, %parallel_loop3A_443 : vector<16xf32>
        %parallel_loop3A_462 = arith.addf %parallel_loop3A_439, %parallel_loop3A_461 : vector<16xf32>
        %parallel_loop3A_463 = arith.mulf %parallel_loop3A_460, %parallel_loop3A_444 : vector<16xf32>
        %parallel_loop3A_464 = arith.addf %parallel_loop3A_462, %parallel_loop3A_463 : vector<16xf32>
        %parallel_loop3A_465 = vector.shape_cast %and3A_5 : vector<16xi32> to vector<16x1xi32>
        %parallel_loop3A_466 = vector.shape_cast %parallel_loop3A_465 : vector<16x1xi32> to vector<16xi32>
        %parallel_loop3A_467 = tpu.dynamic_gather %parallel_loop3A_464[%parallel_loop3A_466] in [0] : vector<16xf32>, vector<16xi32> -> vector<16xf32>
        %parallel_loop3A_468 = arith.addf %parallel_loop3A_464, %parallel_loop3A_467 : vector<16xf32>
        %parallel_loop3A_469 = arith.index_cast %parallel_loop3A_355 : i32 to index
        %parallel_loop3A_470 = arith.constant 0 : index
        %parallel_loop3A_471 = tpu.vector_load %arg23[%parallel_loop3A_469, %parallel_loop3A_470] {strides = array<i32>} : memref<128x16xf32, #tpu.memory_space<vmem>>, vector<16xf32>,
        tpu.vector_store %arg23[%parallel_loop3A_469, %parallel_loop3A_470], %parallel_loop3A_468 {strides = array<i32>} : memref<128x16xf32, #tpu.memory_space<vmem>>, vector<16xf32>,
      } {sc.loop_unroll_factor = 4 : i64, sc.parallel_access}
      %get3A_320 = arith.constant 0 : index
      %get3A_321 = tpu.vector_load %arg13[%get3A_320] {strides = array<i32>} : memref<128xi32, #tpu.memory_space<vmem>>, vector<16xi32>,
      %swap3A_322 = arith.constant 0 : index
      %swap3A_323 = tpu.vector_load %arg15[%swap3A_322] {strides = array<i32>} : memref<128xi32, #tpu.memory_space<vmem>>, vector<16xi32>,
      tpu.vector_store %arg15[%swap3A_322], %get3A_321 {strides = array<i32>} : memref<128xi32, #tpu.memory_space<vmem>>, vector<16xi32>,
      %get3A_324 = arith.constant 16 : index
      %get3A_325 = tpu.vector_load %arg13[%get3A_324] {strides = array<i32>} : memref<128xi32, #tpu.memory_space<vmem>>, vector<16xi32>,
      %swap3A_326 = arith.constant 16 : index
      %swap3A_327 = tpu.vector_load %arg15[%swap3A_326] {strides = array<i32>} : memref<128xi32, #tpu.memory_space<vmem>>, vector<16xi32>,
      tpu.vector_store %arg15[%swap3A_326], %get3A_325 {strides = array<i32>} : memref<128xi32, #tpu.memory_space<vmem>>, vector<16xi32>,
      %get3A_328 = arith.constant 32 : index
      %get3A_329 = tpu.vector_load %arg13[%get3A_328] {strides = array<i32>} : memref<128xi32, #tpu.memory_space<vmem>>, vector<16xi32>,
      %swap3A_330 = arith.constant 32 : index
      %swap3A_331 = tpu.vector_load %arg15[%swap3A_330] {strides = array<i32>} : memref<128xi32, #tpu.memory_space<vmem>>, vector<16xi32>,
      tpu.vector_store %arg15[%swap3A_330], %get3A_329 {strides = array<i32>} : memref<128xi32, #tpu.memory_space<vmem>>, vector<16xi32>,
      %get3A_332 = arith.constant 48 : index
      %get3A_333 = tpu.vector_load %arg13[%get3A_332] {strides = array<i32>} : memref<128xi32, #tpu.memory_space<vmem>>, vector<16xi32>,
      %swap3A_334 = arith.constant 48 : index
      %swap3A_335 = tpu.vector_load %arg15[%swap3A_334] {strides = array<i32>} : memref<128xi32, #tpu.memory_space<vmem>>, vector<16xi32>,
      tpu.vector_store %arg15[%swap3A_334], %get3A_333 {strides = array<i32>} : memref<128xi32, #tpu.memory_space<vmem>>, vector<16xi32>,
      %get3A_336 = arith.constant 64 : index
      %get3A_337 = tpu.vector_load %arg13[%get3A_336] {strides = array<i32>} : memref<128xi32, #tpu.memory_space<vmem>>, vector<16xi32>,
      %swap3A_338 = arith.constant 64 : index
      %swap3A_339 = tpu.vector_load %arg15[%swap3A_338] {strides = array<i32>} : memref<128xi32, #tpu.memory_space<vmem>>, vector<16xi32>,
      tpu.vector_store %arg15[%swap3A_338], %get3A_337 {strides = array<i32>} : memref<128xi32, #tpu.memory_space<vmem>>, vector<16xi32>,
      %get3A_340 = arith.constant 80 : index
      %get3A_341 = tpu.vector_load %arg13[%get3A_340] {strides = array<i32>} : memref<128xi32, #tpu.memory_space<vmem>>, vector<16xi32>,
      %swap3A_342 = arith.constant 80 : index
      %swap3A_343 = tpu.vector_load %arg15[%swap3A_342] {strides = array<i32>} : memref<128xi32, #tpu.memory_space<vmem>>, vector<16xi32>,
      tpu.vector_store %arg15[%swap3A_342], %get3A_341 {strides = array<i32>} : memref<128xi32, #tpu.memory_space<vmem>>, vector<16xi32>,
      %get3A_344 = arith.constant 96 : index
      %get3A_345 = tpu.vector_load %arg13[%get3A_344] {strides = array<i32>} : memref<128xi32, #tpu.memory_space<vmem>>, vector<16xi32>,
      %swap3A_346 = arith.constant 96 : index
      %swap3A_347 = tpu.vector_load %arg15[%swap3A_346] {strides = array<i32>} : memref<128xi32, #tpu.memory_space<vmem>>, vector<16xi32>,
      tpu.vector_store %arg15[%swap3A_346], %get3A_345 {strides = array<i32>} : memref<128xi32, #tpu.memory_space<vmem>>, vector<16xi32>,
      %get3A_348 = arith.constant 112 : index
      %get3A_349 = tpu.vector_load %arg13[%get3A_348] {strides = array<i32>} : memref<128xi32, #tpu.memory_space<vmem>>, vector<16xi32>,
      %swap3A_350 = arith.constant 112 : index
      %swap3A_351 = tpu.vector_load %arg15[%swap3A_350] {strides = array<i32>} : memref<128xi32, #tpu.memory_space<vmem>>, vector<16xi32>,
      tpu.vector_store %arg15[%swap3A_350], %get3A_349 {strides = array<i32>} : memref<128xi32, #tpu.memory_space<vmem>>, vector<16xi32>,
      %dma_start3A_352 = arith.constant 0 : i32
      %dma_start3A_353 = arith.constant 0 : i32
      %dma_start3A_354 = tpu.memref_slice %arg26[%dma_start3A_352, %dma_start3A_353] : memref<10240x16xf32, #tpu.memory_space<vmem_shared>> -> memref<10240x16xf32, #tpu.memory_space<vmem_shared>>
      tpu.enqueue_indirect_dma source(%arg23 : memref<128x16xf32, #tpu.memory_space<vmem>>) target(%dma_start3A_354 : memref<10240x16xf32, #tpu.memory_space<vmem_shared>>) offsets(%arg15 : memref<128xi32, #tpu.memory_space<vmem>>) semaphore(%arg30 : memref<!tpu.dma_semaphore, #tpu.memory_space<semaphore_mem>>) {add = true}
    }
    %scan3A_71 = arith.constant 6 : i32
    %dma_wait3A = arith.constant 0 : i32
    %dma_wait3A_72 = arith.constant 0 : i32
    %dma_wait3A_73 = tpu.memref_slice %arg26[%dma_wait3A, %dma_wait3A_72] : memref<10240x16xf32, #tpu.memory_space<vmem_shared>> -> memref<10240x16xf32, #tpu.memory_space<vmem_shared>>
    tpu.wait_indirect_dma semaphore(%arg30 : memref<!tpu.dma_semaphore, #tpu.memory_space<semaphore_mem>>) src(%arg23 : memref<128x16xf32, #tpu.memory_space<vmem>>) dst(%dma_wait3A_73 : memref<10240x16xf32, #tpu.memory_space<vmem_shared>>)
    %barrier3A_74 = arith.constant 0 : index
    tpu.barrier barrier_id(%barrier3A_74)
    %mul3A_75 = arith.constant 640 : i32
    %mul3A_76 = arith.muli %arg1, %mul3A_75 : i32
    %multiple_of3A_77 = tpu.assume_multiple %mul3A_76, 640 : i32
    %mul3A_78 = arith.constant 8 : i32
    %mul3A_79 = arith.muli %select_n3A, %mul3A_78 : i32
    %multiple_of3A_80 = tpu.assume_multiple %mul3A_79, 8 : i32
    "tpu.region"() ({
      %run_scoped3A = tpu.sem_alloc : memref<!tpu.dma_semaphore, #tpu.memory_space<semaphore_mem>>
      %dma_start3A_245 = tpu.memref_slice %arg9[%multiple_of3A_77, %multiple_of3A_80] : memref<10240x56xf32, #tpu.memory_space<hbm>> -> memref<640x8xf32, #tpu.memory_space<hbm>>
      %dma_start3A_246 = arith.constant 0 : i32
      %dma_start3A_247 = tpu.memref_slice %arg26[%multiple_of3A, %dma_start3A_246] : memref<10240x16xf32, #tpu.memory_space<vmem_shared>> -> memref<640x8xf32, #tpu.memory_space<vmem_shared>>
      tpu.enqueue_dma source(%dma_start3A_247 : memref<640x8xf32, #tpu.memory_space<vmem_shared>>) target(%dma_start3A_245 : memref<640x8xf32, #tpu.memory_space<hbm>>) target_semaphore(%run_scoped3A : memref<!tpu.dma_semaphore, #tpu.memory_space<semaphore_mem>>)
      %dma_wait3A_248 = tpu.memref_slice %arg9[%multiple_of3A_77, %multiple_of3A_80] : memref<10240x56xf32, #tpu.memory_space<hbm>> -> memref<640x8xf32, #tpu.memory_space<hbm>>
      %dma_wait3A_249 = arith.constant 0 : i32
      %dma_wait3A_250 = tpu.memref_slice %arg26[%multiple_of3A, %dma_wait3A_249] : memref<10240x16xf32, #tpu.memory_space<vmem_shared>> -> memref<640x8xf32, #tpu.memory_space<vmem_shared>>
      tpu.wait_dma2 semaphore(%run_scoped3A : memref<!tpu.dma_semaphore, #tpu.memory_space<semaphore_mem>>) src(%dma_wait3A_250 : memref<640x8xf32, #tpu.memory_space<vmem_shared>>) dst(%dma_wait3A_248 : memref<640x8xf32, #tpu.memory_space<hbm>>)
      tpu.yield
    }) : () -> ()
    %mul3A_81 = arith.constant 3 : i32
    %mul3A_82 = arith.muli %arg0, %mul3A_81 : i32
    %add3A_83 = arith.constant 1 : i32
    %add3A_84 = arith.addi %mul3A_82, %add3A_83 : i32
    %ge3A_85 = arith.constant 3 : i32
    %ge3A_86 = arith.cmpi sge, %add3A_84, %ge3A_85 : i32
    %add3A_87 = arith.constant 1 : i32
    %add3A_88 = arith.addi %add3A_84, %add3A_87 : i32
    %select_n3A_89 = arith.select %ge3A_86, %add3A_88, %add3A_84 : i32
    %mul3A_90 = arith.constant 10240 : i32
    %mul3A_91 = arith.muli %add3A_84, %mul3A_90 : i32
    %mul3A_92 = arith.constant 640 : i32
    %mul3A_93 = arith.muli %arg1, %mul3A_92 : i32
    %add3A_94 = arith.addi %mul3A_91, %mul3A_93 : i32
    "tpu.region"() ({
      %run_scoped3A = tpu.sem_alloc : memref<!tpu.dma_semaphore, #tpu.memory_space<semaphore_mem>>
      %dma_start3A_245 = arith.constant 0 : i32
      %dma_start3A_246 = tpu.memref_slice %arg24[%multiple_of3A, %dma_start3A_245] : memref<10240x128xbf16, #tpu.memory_space<vmem_shared>> -> memref<640x128xbf16, #tpu.memory_space<vmem_shared>>
      %dma_start3A_247 = arith.constant 0 : i32
      %dma_start3A_248 = tpu.memref_slice %arg2[%add3A_94, %dma_start3A_247] : memref<61440x128xbf16, #tpu.memory_space<hbm>> -> memref<640x128xbf16, #tpu.memory_space<hbm>>
      tpu.enqueue_dma source(%dma_start3A_248 : memref<640x128xbf16, #tpu.memory_space<hbm>>) target(%dma_start3A_246 : memref<640x128xbf16, #tpu.memory_space<vmem_shared>>) target_semaphore(%run_scoped3A : memref<!tpu.dma_semaphore, #tpu.memory_space<semaphore_mem>>)
      %dma_wait3A_249 = arith.constant 0 : i32
      %dma_wait3A_250 = tpu.memref_slice %arg24[%multiple_of3A, %dma_wait3A_249] : memref<10240x128xbf16, #tpu.memory_space<vmem_shared>> -> memref<640x128xbf16, #tpu.memory_space<vmem_shared>>
      %dma_wait3A_251 = arith.constant 0 : i32
      %dma_wait3A_252 = tpu.memref_slice %arg2[%add3A_94, %dma_wait3A_251] : memref<61440x128xbf16, #tpu.memory_space<hbm>> -> memref<640x128xbf16, #tpu.memory_space<hbm>>
      tpu.wait_dma2 semaphore(%run_scoped3A : memref<!tpu.dma_semaphore, #tpu.memory_space<semaphore_mem>>) src(%dma_wait3A_252 : memref<640x128xbf16, #tpu.memory_space<hbm>>) dst(%dma_wait3A_250 : memref<640x128xbf16, #tpu.memory_space<vmem_shared>>)
      tpu.yield
    }) : () -> ()
    %mul3A_95 = arith.constant 640 : i32
    %mul3A_96 = arith.muli %arg1, %mul3A_95 : i32
    %multiple_of3A_97 = tpu.assume_multiple %mul3A_96, 640 : i32
    %mul3A_98 = arith.constant 8 : i32
    %mul3A_99 = arith.muli %select_n3A_89, %mul3A_98 : i32
    %multiple_of3A_100 = tpu.assume_multiple %mul3A_99, 8 : i32
    "tpu.region"() ({
      %run_scoped3A = tpu.sem_alloc : memref<!tpu.dma_semaphore, #tpu.memory_space<semaphore_mem>>
      %dma_start3A_245 = arith.constant 0 : i32
      %dma_start3A_246 = tpu.memref_slice %arg26[%multiple_of3A, %dma_start3A_245] : memref<10240x16xf32, #tpu.memory_space<vmem_shared>> -> memref<640x8xf32, #tpu.memory_space<vmem_shared>>
      %dma_start3A_247 = tpu.memref_slice %arg8[%multiple_of3A_97, %multiple_of3A_100] : memref<10240x56xf32, #tpu.memory_space<hbm>> -> memref<640x8xf32, #tpu.memory_space<hbm>>
      tpu.enqueue_dma source(%dma_start3A_247 : memref<640x8xf32, #tpu.memory_space<hbm>>) target(%dma_start3A_246 : memref<640x8xf32, #tpu.memory_space<vmem_shared>>) target_semaphore(%run_scoped3A : memref<!tpu.dma_semaphore, #tpu.memory_space<semaphore_mem>>)
      %dma_wait3A_248 = arith.constant 0 : i32
      %dma_wait3A_249 = tpu.memref_slice %arg26[%multiple_of3A, %dma_wait3A_248] : memref<10240x16xf32, #tpu.memory_space<vmem_shared>> -> memref<640x8xf32, #tpu.memory_space<vmem_shared>>
      %dma_wait3A_250 = tpu.memref_slice %arg8[%multiple_of3A_97, %multiple_of3A_100] : memref<10240x56xf32, #tpu.memory_space<hbm>> -> memref<640x8xf32, #tpu.memory_space<hbm>>
      tpu.wait_dma2 semaphore(%run_scoped3A : memref<!tpu.dma_semaphore, #tpu.memory_space<semaphore_mem>>) src(%dma_wait3A_250 : memref<640x8xf32, #tpu.memory_space<hbm>>) dst(%dma_wait3A_249 : memref<640x8xf32, #tpu.memory_space<vmem_shared>>)
      tpu.yield
    }) : () -> ()
    %barrier3A_101 = arith.constant 0 : index
    tpu.barrier barrier_id(%barrier3A_101)
    %mul3A_102 = arith.constant 1536 : i32
    %mul3A_103 = arith.muli %arg1, %mul3A_102 : i32
    %add3A_104 = arith.constant 0 : i32
    %add3A_105 = arith.addi %mul3A_103, %add3A_104 : i32
    %mul3A_106 = arith.constant 24576 : i32
    %mul3A_107 = arith.muli %select_n3A_89, %mul3A_106 : i32
    %add3A_108 = arith.addi %mul3A_107, %add3A_105 : i32
    %multiple_of3A_109 = tpu.assume_multiple %add3A_108, 128 : i32
    "tpu.region"() ({
      %run_scoped3A = tpu.sem_alloc : memref<!tpu.dma_semaphore, #tpu.memory_space<semaphore_mem>>
      %dma_start3A_245 = tpu.memref_slice %arg4[%multiple_of3A_109] : memref<172032xi32, #tpu.memory_space<hbm>> -> memref<128xi32, #tpu.memory_space<hbm>>
      %dma_start3A_246 = tpu.memref_slice %arg4[%multiple_of3A_109] : memref<172032xi32, #tpu.memory_space<hbm>> -> memref<128xi32, #tpu.memory_space<hbm>>
      tpu.enqueue_dma source(%dma_start3A_246 : memref<128xi32, #tpu.memory_space<hbm>>) target(%arg10 : memref<128xi32, #tpu.memory_space<vmem>>) target_semaphore(%run_scoped3A : memref<!tpu.dma_semaphore, #tpu.memory_space<semaphore_mem>>)
      %dma_wait3A_247 = tpu.memref_slice %arg4[%multiple_of3A_109] : memref<172032xi32, #tpu.memory_space<hbm>> -> memref<128xi32, #tpu.memory_space<hbm>>
      %dma_wait3A_248 = tpu.memref_slice %arg4[%multiple_of3A_109] : memref<172032xi32, #tpu.memory_space<hbm>> -> memref<128xi32, #tpu.memory_space<hbm>>
      tpu.wait_dma2 semaphore(%run_scoped3A : memref<!tpu.dma_semaphore, #tpu.memory_space<semaphore_mem>>) src(%dma_wait3A_248 : memref<128xi32, #tpu.memory_space<hbm>>) dst(%arg10 : memref<128xi32, #tpu.memory_space<vmem>>)
      tpu.yield
    }) : () -> ()
    "tpu.region"() ({
      %run_scoped3A = tpu.sem_alloc : memref<!tpu.dma_semaphore, #tpu.memory_space<semaphore_mem>>
      %dma_start3A_245 = tpu.memref_slice %arg5[%multiple_of3A_109] : memref<172032xi32, #tpu.memory_space<hbm>> -> memref<128xi32, #tpu.memory_space<hbm>>
      %dma_start3A_246 = tpu.memref_slice %arg5[%multiple_of3A_109] : memref<172032xi32, #tpu.memory_space<hbm>> -> memref<128xi32, #tpu.memory_space<hbm>>
      tpu.enqueue_dma source(%dma_start3A_246 : memref<128xi32, #tpu.memory_space<hbm>>) target(%arg12 : memref<128xi32, #tpu.memory_space<vmem>>) target_semaphore(%run_scoped3A : memref<!tpu.dma_semaphore, #tpu.memory_space<semaphore_mem>>)
      %dma_wait3A_247 = tpu.memref_slice %arg5[%multiple_of3A_109] : memref<172032xi32, #tpu.memory_space<hbm>> -> memref<128xi32, #tpu.memory_space<hbm>>
      %dma_wait3A_248 = tpu.memref_slice %arg5[%multiple_of3A_109] : memref<172032xi32, #tpu.memory_space<hbm>> -> memref<128xi32, #tpu.memory_space<hbm>>
      tpu.wait_dma2 semaphore(%run_scoped3A : memref<!tpu.dma_semaphore, #tpu.memory_space<semaphore_mem>>) src(%dma_wait3A_248 : memref<128xi32, #tpu.memory_space<hbm>>) dst(%arg12 : memref<128xi32, #tpu.memory_space<vmem>>)
      tpu.yield
    }) : () -> ()
    %ge3A_110 = arith.constant 4 : i32
    %ge3A_111 = arith.cmpi sge, %select_n3A_89, %ge3A_110 : i32
    %sub3A_112 = arith.constant 1 : i32
    %sub3A_113 = arith.subi %select_n3A_89, %sub3A_112 : i32
    %select_n3A_114 = arith.select %ge3A_111, %sub3A_113, %select_n3A_89 : i32
    %mul3A_115 = arith.constant 24576 : i32
    %mul3A_116 = arith.muli %select_n3A_114, %mul3A_115 : i32
    %add3A_117 = arith.addi %mul3A_116, %add3A_105 : i32
    %jit3A_118 = arith.constant 8 : i32
    %div3A_119 = arith.divsi %add3A_117, %jit3A_118 : i32
    %sign3A_120 = arith.constant 0 : i32
    %sign3A_121 = arith.cmpi sgt, %add3A_117, %sign3A_120 : i32
    %sign3A_122 = arith.extui %sign3A_121 : i1 to i32
    %sign3A_123 = arith.constant 0 : i32
    %sign3A_124 = arith.cmpi slt, %add3A_117, %sign3A_123 : i32
    %sign3A_125 = arith.extui %sign3A_124 : i1 to i32
    %sign3A_126 = arith.subi %sign3A_122, %sign3A_125 : i32
    %sign3A_127 = arith.constant 0 : i32
    %sign3A_128 = arith.cmpi sgt, %jit3A_118, %sign3A_127 : i32
    %sign3A_129 = arith.extui %sign3A_128 : i1 to i32
    %sign3A_130 = arith.constant 0 : i32
    %sign3A_131 = arith.cmpi slt, %jit3A_118, %sign3A_130 : i32
    %sign3A_132 = arith.extui %sign3A_131 : i1 to i32
    %sign3A_133 = arith.subi %sign3A_129, %sign3A_132 : i32
    %ne3A_134 = arith.cmpi ne, %sign3A_126, %sign3A_133 : i32
    %rem3A_135 = arith.remsi %add3A_117, %jit3A_118 : i32
    %ne3A_136 = arith.constant 0 : i32
    %ne3A_137 = arith.cmpi ne, %rem3A_135, %ne3A_136 : i32
    %and3A_138 = arith.andi %ne3A_134, %ne3A_137 : i1
    %sub3A_139 = arith.constant 1 : i32
    %sub3A_140 = arith.subi %div3A_119, %sub3A_139 : i32
    %select_n3A_141 = arith.select %and3A_138, %sub3A_140, %div3A_119 : i32
    %multiple_of3A_142 = tpu.assume_multiple %select_n3A_141, 16 : i32
    "tpu.region"() ({
      %run_scoped3A = tpu.sem_alloc : memref<!tpu.dma_semaphore, #tpu.memory_space<semaphore_mem>>
      %dma_start3A_245 = arith.constant 0 : i32
      %dma_start3A_246 = tpu.memref_slice %arg6[%multiple_of3A_142, %dma_start3A_245] : memref<18432x128xf32, #tpu.memory_space<hbm>> -> memref<16x128xf32, #tpu.memory_space<hbm>>
      %dma_start3A_247 = arith.constant 0 : i32
      %dma_start3A_248 = tpu.memref_slice %arg6[%multiple_of3A_142, %dma_start3A_247] : memref<18432x128xf32, #tpu.memory_space<hbm>> -> memref<16x128xf32, #tpu.memory_space<hbm>>
      tpu.enqueue_dma source(%dma_start3A_248 : memref<16x128xf32, #tpu.memory_space<hbm>>) target(%arg16 : memref<16x128xf32, #tpu.memory_space<vmem>>) target_semaphore(%run_scoped3A : memref<!tpu.dma_semaphore, #tpu.memory_space<semaphore_mem>>)
      %dma_wait3A_249 = arith.constant 0 : i32
      %dma_wait3A_250 = tpu.memref_slice %arg6[%multiple_of3A_142, %dma_wait3A_249] : memref<18432x128xf32, #tpu.memory_space<hbm>> -> memref<16x128xf32, #tpu.memory_space<hbm>>
      %dma_wait3A_251 = arith.constant 0 : i32
      %dma_wait3A_252 = tpu.memref_slice %arg6[%multiple_of3A_142, %dma_wait3A_251] : memref<18432x128xf32, #tpu.memory_space<hbm>> -> memref<16x128xf32, #tpu.memory_space<hbm>>
      tpu.wait_dma2 semaphore(%run_scoped3A : memref<!tpu.dma_semaphore, #tpu.memory_space<semaphore_mem>>) src(%dma_wait3A_252 : memref<16x128xf32, #tpu.memory_space<hbm>>) dst(%arg16 : memref<16x128xf32, #tpu.memory_space<vmem>>)
      tpu.yield
    }) : () -> ()
    %dma_start3A_143 = arith.constant 0 : i32
    %dma_start3A_144 = arith.constant 0 : i32
    %dma_start3A_145 = tpu.memref_slice %arg24[%dma_start3A_143, %dma_start3A_144] : memref<10240x128xbf16, #tpu.memory_space<vmem_shared>> -> memref<10240x128xbf16, #tpu.memory_space<vmem_shared>>
    tpu.enqueue_indirect_dma source(%dma_start3A_145 : memref<10240x128xbf16, #tpu.memory_space<vmem_shared>>) target(%arg18 : memref<128x128xbf16, #tpu.memory_space<vmem>>) offsets(%arg10 : memref<128xi32, #tpu.memory_space<vmem>>) semaphore(%arg27 : memref<!tpu.dma_semaphore, #tpu.memory_space<semaphore_mem>>)
    %scan3A_146 = arith.constant 0 : i32
    %scan3A_147 = arith.constant 0 : i32
    %scan3A_148 = arith.constant 6 : i32
    %scan3A_149 = arith.addi %scan3A_147, %scan3A_148 : i32
    %scan3A_150 = arith.constant 1 : i32
    scf.for %scan3A_245 = %scan3A_147 to %scan3A_149 step %scan3A_150  : i32 {
      %mul3A_246 = arith.constant 2 : i32
      %mul3A_247 = arith.muli %mul3A_246, %scan3A_245 : i32
      %add3A_248 = arith.constant 1 : i32
      %add3A_249 = arith.addi %mul3A_247, %add3A_248 : i32
      %lt3A_250 = arith.constant 12 : i32
      %lt3A_251 = arith.cmpi slt, %add3A_249, %lt3A_250 : i32
      %convert_element_type3A_252 = arith.extui %lt3A_251 : i1 to i32
      %cond3A_253 = arith.constant 0 : i32
      %cond3A_254 = arith.cmpi ne, %convert_element_type3A_252, %cond3A_253 : i32
      scf.if %cond3A_254 {
        %add3A_355 = arith.constant 1 : i32
        %add3A_356 = arith.addi %mul3A_247, %add3A_355 : i32
        %mul3A_357 = arith.constant 1536 : i32
        %mul3A_358 = arith.muli %arg1, %mul3A_357 : i32
        %mul3A_359 = arith.constant 128 : i32
        %mul3A_360 = arith.muli %add3A_356, %mul3A_359 : i32
        %add3A_361 = arith.addi %mul3A_358, %mul3A_360 : i32
        %mul3A_362 = arith.constant 24576 : i32
        %mul3A_363 = arith.muli %select_n3A_89, %mul3A_362 : i32
        %add3A_364 = arith.addi %mul3A_363, %add3A_361 : i32
        %multiple_of3A_365 = tpu.assume_multiple %add3A_364, 128 : i32
        "tpu.region"() ({
          %run_scoped3A = tpu.sem_alloc : memref<!tpu.dma_semaphore, #tpu.memory_space<semaphore_mem>>
          %dma_start3A_402 = tpu.memref_slice %arg4[%multiple_of3A_365] : memref<172032xi32, #tpu.memory_space<hbm>> -> memref<128xi32, #tpu.memory_space<hbm>>
          %dma_start3A_403 = tpu.memref_slice %arg4[%multiple_of3A_365] : memref<172032xi32, #tpu.memory_space<hbm>> -> memref<128xi32, #tpu.memory_space<hbm>>
          tpu.enqueue_dma source(%dma_start3A_403 : memref<128xi32, #tpu.memory_space<hbm>>) target(%arg11 : memref<128xi32, #tpu.memory_space<vmem>>) target_semaphore(%run_scoped3A : memref<!tpu.dma_semaphore, #tpu.memory_space<semaphore_mem>>)
          %dma_wait3A_404 = tpu.memref_slice %arg4[%multiple_of3A_365] : memref<172032xi32, #tpu.memory_space<hbm>> -> memref<128xi32, #tpu.memory_space<hbm>>
          %dma_wait3A_405 = tpu.memref_slice %arg4[%multiple_of3A_365] : memref<172032xi32, #tpu.memory_space<hbm>> -> memref<128xi32, #tpu.memory_space<hbm>>
          tpu.wait_dma2 semaphore(%run_scoped3A : memref<!tpu.dma_semaphore, #tpu.memory_space<semaphore_mem>>) src(%dma_wait3A_405 : memref<128xi32, #tpu.memory_space<hbm>>) dst(%arg11 : memref<128xi32, #tpu.memory_space<vmem>>)
          tpu.yield
        }) : () -> ()
        "tpu.region"() ({
          %run_scoped3A = tpu.sem_alloc : memref<!tpu.dma_semaphore, #tpu.memory_space<semaphore_mem>>
          %dma_start3A_402 = tpu.memref_slice %arg5[%multiple_of3A_365] : memref<172032xi32, #tpu.memory_space<hbm>> -> memref<128xi32, #tpu.memory_space<hbm>>
          %dma_start3A_403 = tpu.memref_slice %arg5[%multiple_of3A_365] : memref<172032xi32, #tpu.memory_space<hbm>> -> memref<128xi32, #tpu.memory_space<hbm>>
          tpu.enqueue_dma source(%dma_start3A_403 : memref<128xi32, #tpu.memory_space<hbm>>) target(%arg13 : memref<128xi32, #tpu.memory_space<vmem>>) target_semaphore(%run_scoped3A : memref<!tpu.dma_semaphore, #tpu.memory_space<semaphore_mem>>)
          %dma_wait3A_404 = tpu.memref_slice %arg5[%multiple_of3A_365] : memref<172032xi32, #tpu.memory_space<hbm>> -> memref<128xi32, #tpu.memory_space<hbm>>
          %dma_wait3A_405 = tpu.memref_slice %arg5[%multiple_of3A_365] : memref<172032xi32, #tpu.memory_space<hbm>> -> memref<128xi32, #tpu.memory_space<hbm>>
          tpu.wait_dma2 semaphore(%run_scoped3A : memref<!tpu.dma_semaphore, #tpu.memory_space<semaphore_mem>>) src(%dma_wait3A_405 : memref<128xi32, #tpu.memory_space<hbm>>) dst(%arg13 : memref<128xi32, #tpu.memory_space<vmem>>)
          tpu.yield
        }) : () -> ()
        %ge3A_366 = arith.constant 4 : i32
        %ge3A_367 = arith.cmpi sge, %select_n3A_89, %ge3A_366 : i32
        %sub3A_368 = arith.constant 1 : i32
        %sub3A_369 = arith.subi %select_n3A_89, %sub3A_368 : i32
        %select_n3A_370 = arith.select %ge3A_367, %sub3A_369, %select_n3A_89 : i32
        %mul3A_371 = arith.constant 24576 : i32
        %mul3A_372 = arith.muli %select_n3A_370, %mul3A_371 : i32
        %add3A_373 = arith.addi %mul3A_372, %add3A_361 : i32
        %jit3A_374 = arith.constant 8 : i32
        %div3A_375 = arith.divsi %add3A_373, %jit3A_374 : i32
        %sign3A_376 = arith.constant 0 : i32
        %sign3A_377 = arith.cmpi sgt, %add3A_373, %sign3A_376 : i32
        %sign3A_378 = arith.extui %sign3A_377 : i1 to i32
        %sign3A_379 = arith.constant 0 : i32
        %sign3A_380 = arith.cmpi slt, %add3A_373, %sign3A_379 : i32
        %sign3A_381 = arith.extui %sign3A_380 : i1 to i32
        %sign3A_382 = arith.subi %sign3A_378, %sign3A_381 : i32
        %sign3A_383 = arith.constant 0 : i32
        %sign3A_384 = arith.cmpi sgt, %jit3A_374, %sign3A_383 : i32
        %sign3A_385 = arith.extui %sign3A_384 : i1 to i32
        %sign3A_386 = arith.constant 0 : i32
        %sign3A_387 = arith.cmpi slt, %jit3A_374, %sign3A_386 : i32
        %sign3A_388 = arith.extui %sign3A_387 : i1 to i32
        %sign3A_389 = arith.subi %sign3A_385, %sign3A_388 : i32
        %ne3A_390 = arith.cmpi ne, %sign3A_382, %sign3A_389 : i32
        %rem3A_391 = arith.remsi %add3A_373, %jit3A_374 : i32
        %ne3A_392 = arith.constant 0 : i32
        %ne3A_393 = arith.cmpi ne, %rem3A_391, %ne3A_392 : i32
        %and3A_394 = arith.andi %ne3A_390, %ne3A_393 : i1
        %sub3A_395 = arith.constant 1 : i32
        %sub3A_396 = arith.subi %div3A_375, %sub3A_395 : i32
        %select_n3A_397 = arith.select %and3A_394, %sub3A_396, %div3A_375 : i32
        %multiple_of3A_398 = tpu.assume_multiple %select_n3A_397, 16 : i32
        "tpu.region"() ({
          %run_scoped3A = tpu.sem_alloc : memref<!tpu.dma_semaphore, #tpu.memory_space<semaphore_mem>>
          %dma_start3A_402 = arith.constant 0 : i32
          %dma_start3A_403 = tpu.memref_slice %arg6[%multiple_of3A_398, %dma_start3A_402] : memref<18432x128xf32, #tpu.memory_space<hbm>> -> memref<16x128xf32, #tpu.memory_space<hbm>>
          %dma_start3A_404 = arith.constant 0 : i32
          %dma_start3A_405 = tpu.memref_slice %arg6[%multiple_of3A_398, %dma_start3A_404] : memref<18432x128xf32, #tpu.memory_space<hbm>> -> memref<16x128xf32, #tpu.memory_space<hbm>>
          tpu.enqueue_dma source(%dma_start3A_405 : memref<16x128xf32, #tpu.memory_space<hbm>>) target(%arg17 : memref<16x128xf32, #tpu.memory_space<vmem>>) target_semaphore(%run_scoped3A : memref<!tpu.dma_semaphore, #tpu.memory_space<semaphore_mem>>)
          %dma_wait3A_406 = arith.constant 0 : i32
          %dma_wait3A_407 = tpu.memref_slice %arg6[%multiple_of3A_398, %dma_wait3A_406] : memref<18432x128xf32, #tpu.memory_space<hbm>> -> memref<16x128xf32, #tpu.memory_space<hbm>>
          %dma_wait3A_408 = arith.constant 0 : i32
          %dma_wait3A_409 = tpu.memref_slice %arg6[%multiple_of3A_398, %dma_wait3A_408] : memref<18432x128xf32, #tpu.memory_space<hbm>> -> memref<16x128xf32, #tpu.memory_space<hbm>>
          tpu.wait_dma2 semaphore(%run_scoped3A : memref<!tpu.dma_semaphore, #tpu.memory_space<semaphore_mem>>) src(%dma_wait3A_409 : memref<16x128xf32, #tpu.memory_space<hbm>>) dst(%arg17 : memref<16x128xf32, #tpu.memory_space<vmem>>)
          tpu.yield
        }) : () -> ()
        %dma_start3A_399 = arith.constant 0 : i32
        %dma_start3A_400 = arith.constant 0 : i32
        %dma_start3A_401 = tpu.memref_slice %arg24[%dma_start3A_399, %dma_start3A_400] : memref<10240x128xbf16, #tpu.memory_space<vmem_shared>> -> memref<10240x128xbf16, #tpu.memory_space<vmem_shared>>
        tpu.enqueue_indirect_dma source(%dma_start3A_401 : memref<10240x128xbf16, #tpu.memory_space<vmem_shared>>) target(%arg19 : memref<128x128xbf16, #tpu.memory_space<vmem>>) offsets(%arg11 : memref<128xi32, #tpu.memory_space<vmem>>) semaphore(%arg28 : memref<!tpu.dma_semaphore, #tpu.memory_space<semaphore_mem>>)
      } else {
      }
      %dma_wait3A_255 = arith.constant 0 : i32
      %dma_wait3A_256 = arith.constant 0 : i32
      %dma_wait3A_257 = tpu.memref_slice %arg24[%dma_wait3A_255, %dma_wait3A_256] : memref<10240x128xbf16, #tpu.memory_space<vmem_shared>> -> memref<10240x128xbf16, #tpu.memory_space<vmem_shared>>
      tpu.wait_indirect_dma semaphore(%arg27 : memref<!tpu.dma_semaphore, #tpu.memory_space<semaphore_mem>>) src(%dma_wait3A_257 : memref<10240x128xbf16, #tpu.memory_space<vmem_shared>>) dst(%arg18 : memref<128x128xbf16, #tpu.memory_space<vmem>>)
      %ge3A_258 = arith.constant 1 : i32
      %ge3A_259 = arith.cmpi sge, %mul3A_247, %ge3A_258 : i32
      %convert_element_type3A_260 = arith.extui %ge3A_259 : i1 to i32
      %cond3A_261 = arith.constant 0 : i32
      %cond3A_262 = arith.cmpi ne, %convert_element_type3A_260, %cond3A_261 : i32
      scf.if %cond3A_262 {
        %dma_wait3A_355 = arith.constant 0 : i32
        %dma_wait3A_356 = arith.constant 0 : i32
        %dma_wait3A_357 = tpu.memref_slice %arg26[%dma_wait3A_355, %dma_wait3A_356] : memref<10240x16xf32, #tpu.memory_space<vmem_shared>> -> memref<10240x16xf32, #tpu.memory_space<vmem_shared>>
        tpu.wait_indirect_dma semaphore(%arg30 : memref<!tpu.dma_semaphore, #tpu.memory_space<semaphore_mem>>) src(%arg23 : memref<128x16xf32, #tpu.memory_space<vmem>>) dst(%dma_wait3A_357 : memref<10240x16xf32, #tpu.memory_space<vmem_shared>>)
      } else {
      }
      %parallel_loop3A = arith.constant 0 : i32
      %parallel_loop3A_263 = arith.constant 128 : i32
      %parallel_loop3A_264 = arith.constant 1 : i32
      scf.for %parallel_loop3A_355 = %parallel_loop3A to %parallel_loop3A_263 step %parallel_loop3A_264  : i32 {
        %parallel_loop3A_356 = arith.constant 3 : i32
        %parallel_loop3A_357 = arith.shrsi %parallel_loop3A_355, %parallel_loop3A_356 : i32
        %parallel_loop3A_358 = arith.constant 7 : i32
        %parallel_loop3A_359 = arith.andi %parallel_loop3A_355, %parallel_loop3A_358 : i32
        %parallel_loop3A_360 = arith.constant 16 : i32
        %parallel_loop3A_361 = arith.muli %parallel_loop3A_359, %parallel_loop3A_360 : i32
        %parallel_loop3A_362 = arith.index_cast %parallel_loop3A_357 : i32 to index
        %parallel_loop3A_363 = arith.index_cast %parallel_loop3A_361 : i32 to index
        %parallel_loop3A_364 = tpu.vector_load %arg16[%parallel_loop3A_362, %parallel_loop3A_363] {strides = array<i32>} : memref<16x128xf32, #tpu.memory_space<vmem>>, vector<16xf32>,
        %parallel_loop3A_365 = arith.index_cast %parallel_loop3A_355 : i32 to index
        %parallel_loop3A_366 = arith.constant 0 : index
        %parallel_loop3A_367 = tpu.vector_load %arg18[%parallel_loop3A_365, %parallel_loop3A_366] {strides = array<i32>} : memref<128x128xbf16, #tpu.memory_space<vmem>>, vector<32xbf16>,
        %parallel_loop3A_368 = tpu.unpack_subelements %parallel_loop3A_367, 0 {pack_format = #tpu.pack_format<interleaved>} : vector<32xbf16> -> vector<16xf32>
        %parallel_loop3A_369 = tpu.unpack_subelements %parallel_loop3A_367, 1 {pack_format = #tpu.pack_format<interleaved>} : vector<32xbf16> -> vector<16xf32>
        %parallel_loop3A_370 = arith.constant 0 : i32
        %parallel_loop3A_371 = arith.constant 1 : i32
        %parallel_loop3A_372 = vector.broadcast %parallel_loop3A_370 : i32 to vector<16xi32>
        %parallel_loop3A_373 = vector.broadcast %parallel_loop3A_371 : i32 to vector<16xi32>
        %parallel_loop3A_374 = arith.select %lt3A_1, %parallel_loop3A_372, %parallel_loop3A_373 : vector<16xi1>, vector<16xi32>
        %parallel_loop3A_375 = vector.shape_cast %parallel_loop3A_374 : vector<16xi32> to vector<16x1xi32>
        %parallel_loop3A_376 = vector.shape_cast %parallel_loop3A_375 : vector<16x1xi32> to vector<16xi32>
        %parallel_loop3A_377 = tpu.dynamic_gather %parallel_loop3A_364[%parallel_loop3A_376] in [0] : vector<16xf32>, vector<16xi32> -> vector<16xf32>
        %parallel_loop3A_378 = arith.constant 2 : i32
        %parallel_loop3A_379 = arith.constant 3 : i32
        %parallel_loop3A_380 = vector.broadcast %parallel_loop3A_378 : i32 to vector<16xi32>
        %parallel_loop3A_381 = vector.broadcast %parallel_loop3A_379 : i32 to vector<16xi32>
        %parallel_loop3A_382 = arith.select %lt3A_1, %parallel_loop3A_380, %parallel_loop3A_381 : vector<16xi1>, vector<16xi32>
        %parallel_loop3A_383 = vector.shape_cast %parallel_loop3A_382 : vector<16xi32> to vector<16x1xi32>
        %parallel_loop3A_384 = vector.shape_cast %parallel_loop3A_383 : vector<16x1xi32> to vector<16xi32>
        %parallel_loop3A_385 = tpu.dynamic_gather %parallel_loop3A_364[%parallel_loop3A_384] in [0] : vector<16xf32>, vector<16xi32> -> vector<16xf32>
        %parallel_loop3A_386 = arith.mulf %parallel_loop3A_377, %parallel_loop3A_368 : vector<16xf32>
        %parallel_loop3A_387 = arith.addf %broadcast_in_dim3A_10, %parallel_loop3A_386 : vector<16xf32>
        %parallel_loop3A_388 = arith.mulf %parallel_loop3A_385, %parallel_loop3A_369 : vector<16xf32>
        %parallel_loop3A_389 = arith.addf %parallel_loop3A_387, %parallel_loop3A_388 : vector<16xf32>
        %parallel_loop3A_390 = arith.index_cast %parallel_loop3A_355 : i32 to index
        %parallel_loop3A_391 = arith.constant 32 : index
        %parallel_loop3A_392 = tpu.vector_load %arg18[%parallel_loop3A_390, %parallel_loop3A_391] {strides = array<i32>} : memref<128x128xbf16, #tpu.memory_space<vmem>>, vector<32xbf16>,
        %parallel_loop3A_393 = tpu.unpack_subelements %parallel_loop3A_392, 0 {pack_format = #tpu.pack_format<interleaved>} : vector<32xbf16> -> vector<16xf32>
        %parallel_loop3A_394 = tpu.unpack_subelements %parallel_loop3A_392, 1 {pack_format = #tpu.pack_format<interleaved>} : vector<32xbf16> -> vector<16xf32>
        %parallel_loop3A_395 = arith.constant 4 : i32
        %parallel_loop3A_396 = arith.constant 5 : i32
        %parallel_loop3A_397 = vector.broadcast %parallel_loop3A_395 : i32 to vector<16xi32>
        %parallel_loop3A_398 = vector.broadcast %parallel_loop3A_396 : i32 to vector<16xi32>
        %parallel_loop3A_399 = arith.select %lt3A_1, %parallel_loop3A_397, %parallel_loop3A_398 : vector<16xi1>, vector<16xi32>
        %parallel_loop3A_400 = vector.shape_cast %parallel_loop3A_399 : vector<16xi32> to vector<16x1xi32>
        %parallel_loop3A_401 = vector.shape_cast %parallel_loop3A_400 : vector<16x1xi32> to vector<16xi32>
        %parallel_loop3A_402 = tpu.dynamic_gather %parallel_loop3A_364[%parallel_loop3A_401] in [0] : vector<16xf32>, vector<16xi32> -> vector<16xf32>
        %parallel_loop3A_403 = arith.constant 6 : i32
        %parallel_loop3A_404 = arith.constant 7 : i32
        %parallel_loop3A_405 = vector.broadcast %parallel_loop3A_403 : i32 to vector<16xi32>
        %parallel_loop3A_406 = vector.broadcast %parallel_loop3A_404 : i32 to vector<16xi32>
        %parallel_loop3A_407 = arith.select %lt3A_1, %parallel_loop3A_405, %parallel_loop3A_406 : vector<16xi1>, vector<16xi32>
        %parallel_loop3A_408 = vector.shape_cast %parallel_loop3A_407 : vector<16xi32> to vector<16x1xi32>
        %parallel_loop3A_409 = vector.shape_cast %parallel_loop3A_408 : vector<16x1xi32> to vector<16xi32>
        %parallel_loop3A_410 = tpu.dynamic_gather %parallel_loop3A_364[%parallel_loop3A_409] in [0] : vector<16xf32>, vector<16xi32> -> vector<16xf32>
        %parallel_loop3A_411 = arith.mulf %parallel_loop3A_402, %parallel_loop3A_393 : vector<16xf32>
        %parallel_loop3A_412 = arith.addf %parallel_loop3A_389, %parallel_loop3A_411 : vector<16xf32>
        %parallel_loop3A_413 = arith.mulf %parallel_loop3A_410, %parallel_loop3A_394 : vector<16xf32>
        %parallel_loop3A_414 = arith.addf %parallel_loop3A_412, %parallel_loop3A_413 : vector<16xf32>
        %parallel_loop3A_415 = arith.index_cast %parallel_loop3A_355 : i32 to index
        %parallel_loop3A_416 = arith.constant 64 : index
        %parallel_loop3A_417 = tpu.vector_load %arg18[%parallel_loop3A_415, %parallel_loop3A_416] {strides = array<i32>} : memref<128x128xbf16, #tpu.memory_space<vmem>>, vector<32xbf16>,
        %parallel_loop3A_418 = tpu.unpack_subelements %parallel_loop3A_417, 0 {pack_format = #tpu.pack_format<interleaved>} : vector<32xbf16> -> vector<16xf32>
        %parallel_loop3A_419 = tpu.unpack_subelements %parallel_loop3A_417, 1 {pack_format = #tpu.pack_format<interleaved>} : vector<32xbf16> -> vector<16xf32>
        %parallel_loop3A_420 = arith.constant 8 : i32
        %parallel_loop3A_421 = arith.constant 9 : i32
        %parallel_loop3A_422 = vector.broadcast %parallel_loop3A_420 : i32 to vector<16xi32>
        %parallel_loop3A_423 = vector.broadcast %parallel_loop3A_421 : i32 to vector<16xi32>
        %parallel_loop3A_424 = arith.select %lt3A_1, %parallel_loop3A_422, %parallel_loop3A_423 : vector<16xi1>, vector<16xi32>
        %parallel_loop3A_425 = vector.shape_cast %parallel_loop3A_424 : vector<16xi32> to vector<16x1xi32>
        %parallel_loop3A_426 = vector.shape_cast %parallel_loop3A_425 : vector<16x1xi32> to vector<16xi32>
        %parallel_loop3A_427 = tpu.dynamic_gather %parallel_loop3A_364[%parallel_loop3A_426] in [0] : vector<16xf32>, vector<16xi32> -> vector<16xf32>
        %parallel_loop3A_428 = arith.constant 10 : i32
        %parallel_loop3A_429 = arith.constant 11 : i32
        %parallel_loop3A_430 = vector.broadcast %parallel_loop3A_428 : i32 to vector<16xi32>
        %parallel_loop3A_431 = vector.broadcast %parallel_loop3A_429 : i32 to vector<16xi32>
        %parallel_loop3A_432 = arith.select %lt3A_1, %parallel_loop3A_430, %parallel_loop3A_431 : vector<16xi1>, vector<16xi32>
        %parallel_loop3A_433 = vector.shape_cast %parallel_loop3A_432 : vector<16xi32> to vector<16x1xi32>
        %parallel_loop3A_434 = vector.shape_cast %parallel_loop3A_433 : vector<16x1xi32> to vector<16xi32>
        %parallel_loop3A_435 = tpu.dynamic_gather %parallel_loop3A_364[%parallel_loop3A_434] in [0] : vector<16xf32>, vector<16xi32> -> vector<16xf32>
        %parallel_loop3A_436 = arith.mulf %parallel_loop3A_427, %parallel_loop3A_418 : vector<16xf32>
        %parallel_loop3A_437 = arith.addf %parallel_loop3A_414, %parallel_loop3A_436 : vector<16xf32>
        %parallel_loop3A_438 = arith.mulf %parallel_loop3A_435, %parallel_loop3A_419 : vector<16xf32>
        %parallel_loop3A_439 = arith.addf %parallel_loop3A_437, %parallel_loop3A_438 : vector<16xf32>
        %parallel_loop3A_440 = arith.index_cast %parallel_loop3A_355 : i32 to index
        %parallel_loop3A_441 = arith.constant 96 : index
        %parallel_loop3A_442 = tpu.vector_load %arg18[%parallel_loop3A_440, %parallel_loop3A_441] {strides = array<i32>} : memref<128x128xbf16, #tpu.memory_space<vmem>>, vector<32xbf16>,
        %parallel_loop3A_443 = tpu.unpack_subelements %parallel_loop3A_442, 0 {pack_format = #tpu.pack_format<interleaved>} : vector<32xbf16> -> vector<16xf32>
        %parallel_loop3A_444 = tpu.unpack_subelements %parallel_loop3A_442, 1 {pack_format = #tpu.pack_format<interleaved>} : vector<32xbf16> -> vector<16xf32>
        %parallel_loop3A_445 = arith.constant 12 : i32
        %parallel_loop3A_446 = arith.constant 13 : i32
        %parallel_loop3A_447 = vector.broadcast %parallel_loop3A_445 : i32 to vector<16xi32>
        %parallel_loop3A_448 = vector.broadcast %parallel_loop3A_446 : i32 to vector<16xi32>
        %parallel_loop3A_449 = arith.select %lt3A_1, %parallel_loop3A_447, %parallel_loop3A_448 : vector<16xi1>, vector<16xi32>
        %parallel_loop3A_450 = vector.shape_cast %parallel_loop3A_449 : vector<16xi32> to vector<16x1xi32>
        %parallel_loop3A_451 = vector.shape_cast %parallel_loop3A_450 : vector<16x1xi32> to vector<16xi32>
        %parallel_loop3A_452 = tpu.dynamic_gather %parallel_loop3A_364[%parallel_loop3A_451] in [0] : vector<16xf32>, vector<16xi32> -> vector<16xf32>
        %parallel_loop3A_453 = arith.constant 14 : i32
        %parallel_loop3A_454 = arith.constant 15 : i32
        %parallel_loop3A_455 = vector.broadcast %parallel_loop3A_453 : i32 to vector<16xi32>
        %parallel_loop3A_456 = vector.broadcast %parallel_loop3A_454 : i32 to vector<16xi32>
        %parallel_loop3A_457 = arith.select %lt3A_1, %parallel_loop3A_455, %parallel_loop3A_456 : vector<16xi1>, vector<16xi32>
        %parallel_loop3A_458 = vector.shape_cast %parallel_loop3A_457 : vector<16xi32> to vector<16x1xi32>
        %parallel_loop3A_459 = vector.shape_cast %parallel_loop3A_458 : vector<16x1xi32> to vector<16xi32>
        %parallel_loop3A_460 = tpu.dynamic_gather %parallel_loop3A_364[%parallel_loop3A_459] in [0] : vector<16xf32>, vector<16xi32> -> vector<16xf32>
        %parallel_loop3A_461 = arith.mulf %parallel_loop3A_452, %parallel_loop3A_443 : vector<16xf32>
        %parallel_loop3A_462 = arith.addf %parallel_loop3A_439, %parallel_loop3A_461 : vector<16xf32>
        %parallel_loop3A_463 = arith.mulf %parallel_loop3A_460, %parallel_loop3A_444 : vector<16xf32>
        %parallel_loop3A_464 = arith.addf %parallel_loop3A_462, %parallel_loop3A_463 : vector<16xf32>
        %parallel_loop3A_465 = vector.shape_cast %and3A_5 : vector<16xi32> to vector<16x1xi32>
        %parallel_loop3A_466 = vector.shape_cast %parallel_loop3A_465 : vector<16x1xi32> to vector<16xi32>
        %parallel_loop3A_467 = tpu.dynamic_gather %parallel_loop3A_464[%parallel_loop3A_466] in [0] : vector<16xf32>, vector<16xi32> -> vector<16xf32>
        %parallel_loop3A_468 = arith.addf %parallel_loop3A_464, %parallel_loop3A_467 : vector<16xf32>
        %parallel_loop3A_469 = arith.index_cast %parallel_loop3A_355 : i32 to index
        %parallel_loop3A_470 = arith.constant 0 : index
        %parallel_loop3A_471 = tpu.vector_load %arg22[%parallel_loop3A_469, %parallel_loop3A_470] {strides = array<i32>} : memref<128x16xf32, #tpu.memory_space<vmem>>, vector<16xf32>,
        tpu.vector_store %arg22[%parallel_loop3A_469, %parallel_loop3A_470], %parallel_loop3A_468 {strides = array<i32>} : memref<128x16xf32, #tpu.memory_space<vmem>>, vector<16xf32>,
      } {sc.loop_unroll_factor = 4 : i64, sc.parallel_access}
      %get3A = arith.constant 0 : index
      %get3A_265 = tpu.vector_load %arg12[%get3A] {strides = array<i32>} : memref<128xi32, #tpu.memory_space<vmem>>, vector<16xi32>,
      %swap3A = arith.constant 0 : index
      %swap3A_266 = tpu.vector_load %arg14[%swap3A] {strides = array<i32>} : memref<128xi32, #tpu.memory_space<vmem>>, vector<16xi32>,
      tpu.vector_store %arg14[%swap3A], %get3A_265 {strides = array<i32>} : memref<128xi32, #tpu.memory_space<vmem>>, vector<16xi32>,
      %get3A_267 = arith.constant 16 : index
      %get3A_268 = tpu.vector_load %arg12[%get3A_267] {strides = array<i32>} : memref<128xi32, #tpu.memory_space<vmem>>, vector<16xi32>,
      %swap3A_269 = arith.constant 16 : index
      %swap3A_270 = tpu.vector_load %arg14[%swap3A_269] {strides = array<i32>} : memref<128xi32, #tpu.memory_space<vmem>>, vector<16xi32>,
      tpu.vector_store %arg14[%swap3A_269], %get3A_268 {strides = array<i32>} : memref<128xi32, #tpu.memory_space<vmem>>, vector<16xi32>,
      %get3A_271 = arith.constant 32 : index
      %get3A_272 = tpu.vector_load %arg12[%get3A_271] {strides = array<i32>} : memref<128xi32, #tpu.memory_space<vmem>>, vector<16xi32>,
      %swap3A_273 = arith.constant 32 : index
      %swap3A_274 = tpu.vector_load %arg14[%swap3A_273] {strides = array<i32>} : memref<128xi32, #tpu.memory_space<vmem>>, vector<16xi32>,
      tpu.vector_store %arg14[%swap3A_273], %get3A_272 {strides = array<i32>} : memref<128xi32, #tpu.memory_space<vmem>>, vector<16xi32>,
      %get3A_275 = arith.constant 48 : index
      %get3A_276 = tpu.vector_load %arg12[%get3A_275] {strides = array<i32>} : memref<128xi32, #tpu.memory_space<vmem>>, vector<16xi32>,
      %swap3A_277 = arith.constant 48 : index
      %swap3A_278 = tpu.vector_load %arg14[%swap3A_277] {strides = array<i32>} : memref<128xi32, #tpu.memory_space<vmem>>, vector<16xi32>,
      tpu.vector_store %arg14[%swap3A_277], %get3A_276 {strides = array<i32>} : memref<128xi32, #tpu.memory_space<vmem>>, vector<16xi32>,
      %get3A_279 = arith.constant 64 : index
      %get3A_280 = tpu.vector_load %arg12[%get3A_279] {strides = array<i32>} : memref<128xi32, #tpu.memory_space<vmem>>, vector<16xi32>,
      %swap3A_281 = arith.constant 64 : index
      %swap3A_282 = tpu.vector_load %arg14[%swap3A_281] {strides = array<i32>} : memref<128xi32, #tpu.memory_space<vmem>>, vector<16xi32>,
      tpu.vector_store %arg14[%swap3A_281], %get3A_280 {strides = array<i32>} : memref<128xi32, #tpu.memory_space<vmem>>, vector<16xi32>,
      %get3A_283 = arith.constant 80 : index
      %get3A_284 = tpu.vector_load %arg12[%get3A_283] {strides = array<i32>} : memref<128xi32, #tpu.memory_space<vmem>>, vector<16xi32>,
      %swap3A_285 = arith.constant 80 : index
      %swap3A_286 = tpu.vector_load %arg14[%swap3A_285] {strides = array<i32>} : memref<128xi32, #tpu.memory_space<vmem>>, vector<16xi32>,
      tpu.vector_store %arg14[%swap3A_285], %get3A_284 {strides = array<i32>} : memref<128xi32, #tpu.memory_space<vmem>>, vector<16xi32>,
      %get3A_287 = arith.constant 96 : index
      %get3A_288 = tpu.vector_load %arg12[%get3A_287] {strides = array<i32>} : memref<128xi32, #tpu.memory_space<vmem>>, vector<16xi32>,
      %swap3A_289 = arith.constant 96 : index
      %swap3A_290 = tpu.vector_load %arg14[%swap3A_289] {strides = array<i32>} : memref<128xi32, #tpu.memory_space<vmem>>, vector<16xi32>,
      tpu.vector_store %arg14[%swap3A_289], %get3A_288 {strides = array<i32>} : memref<128xi32, #tpu.memory_space<vmem>>, vector<16xi32>,
      %get3A_291 = arith.constant 112 : index
      %get3A_292 = tpu.vector_load %arg12[%get3A_291] {strides = array<i32>} : memref<128xi32, #tpu.memory_space<vmem>>, vector<16xi32>,
      %swap3A_293 = arith.constant 112 : index
      %swap3A_294 = tpu.vector_load %arg14[%swap3A_293] {strides = array<i32>} : memref<128xi32, #tpu.memory_space<vmem>>, vector<16xi32>,
      tpu.vector_store %arg14[%swap3A_293], %get3A_292 {strides = array<i32>} : memref<128xi32, #tpu.memory_space<vmem>>, vector<16xi32>,
      %dma_start3A_295 = arith.constant 0 : i32
      %dma_start3A_296 = arith.constant 0 : i32
      %dma_start3A_297 = tpu.memref_slice %arg26[%dma_start3A_295, %dma_start3A_296] : memref<10240x16xf32, #tpu.memory_space<vmem_shared>> -> memref<10240x16xf32, #tpu.memory_space<vmem_shared>>
      tpu.enqueue_indirect_dma source(%arg22 : memref<128x16xf32, #tpu.memory_space<vmem>>) target(%dma_start3A_297 : memref<10240x16xf32, #tpu.memory_space<vmem_shared>>) offsets(%arg14 : memref<128xi32, #tpu.memory_space<vmem>>) semaphore(%arg29 : memref<!tpu.dma_semaphore, #tpu.memory_space<semaphore_mem>>) {add = true}
      %mul3A_298 = arith.constant 2 : i32
      %mul3A_299 = arith.muli %mul3A_298, %scan3A_245 : i32
      %add3A_300 = arith.constant 1 : i32
      %add3A_301 = arith.addi %mul3A_299, %add3A_300 : i32
      %add3A_302 = arith.constant 1 : i32
      %add3A_303 = arith.addi %add3A_301, %add3A_302 : i32
      %lt3A_304 = arith.constant 12 : i32
      %lt3A_305 = arith.cmpi slt, %add3A_303, %lt3A_304 : i32
      %convert_element_type3A_306 = arith.extui %lt3A_305 : i1 to i32
      %cond3A_307 = arith.constant 0 : i32
      %cond3A_308 = arith.cmpi ne, %convert_element_type3A_306, %cond3A_307 : i32
      scf.if %cond3A_308 {
        %add3A_355 = arith.constant 1 : i32
        %add3A_356 = arith.addi %add3A_301, %add3A_355 : i32
        %mul3A_357 = arith.constant 1536 : i32
        %mul3A_358 = arith.muli %arg1, %mul3A_357 : i32
        %mul3A_359 = arith.constant 128 : i32
        %mul3A_360 = arith.muli %add3A_356, %mul3A_359 : i32
        %add3A_361 = arith.addi %mul3A_358, %mul3A_360 : i32
        %mul3A_362 = arith.constant 24576 : i32
        %mul3A_363 = arith.muli %select_n3A_89, %mul3A_362 : i32
        %add3A_364 = arith.addi %mul3A_363, %add3A_361 : i32
        %multiple_of3A_365 = tpu.assume_multiple %add3A_364, 128 : i32
        "tpu.region"() ({
          %run_scoped3A = tpu.sem_alloc : memref<!tpu.dma_semaphore, #tpu.memory_space<semaphore_mem>>
          %dma_start3A_402 = tpu.memref_slice %arg4[%multiple_of3A_365] : memref<172032xi32, #tpu.memory_space<hbm>> -> memref<128xi32, #tpu.memory_space<hbm>>
          %dma_start3A_403 = tpu.memref_slice %arg4[%multiple_of3A_365] : memref<172032xi32, #tpu.memory_space<hbm>> -> memref<128xi32, #tpu.memory_space<hbm>>
          tpu.enqueue_dma source(%dma_start3A_403 : memref<128xi32, #tpu.memory_space<hbm>>) target(%arg10 : memref<128xi32, #tpu.memory_space<vmem>>) target_semaphore(%run_scoped3A : memref<!tpu.dma_semaphore, #tpu.memory_space<semaphore_mem>>)
          %dma_wait3A_404 = tpu.memref_slice %arg4[%multiple_of3A_365] : memref<172032xi32, #tpu.memory_space<hbm>> -> memref<128xi32, #tpu.memory_space<hbm>>
          %dma_wait3A_405 = tpu.memref_slice %arg4[%multiple_of3A_365] : memref<172032xi32, #tpu.memory_space<hbm>> -> memref<128xi32, #tpu.memory_space<hbm>>
          tpu.wait_dma2 semaphore(%run_scoped3A : memref<!tpu.dma_semaphore, #tpu.memory_space<semaphore_mem>>) src(%dma_wait3A_405 : memref<128xi32, #tpu.memory_space<hbm>>) dst(%arg10 : memref<128xi32, #tpu.memory_space<vmem>>)
          tpu.yield
        }) : () -> ()
        "tpu.region"() ({
          %run_scoped3A = tpu.sem_alloc : memref<!tpu.dma_semaphore, #tpu.memory_space<semaphore_mem>>
          %dma_start3A_402 = tpu.memref_slice %arg5[%multiple_of3A_365] : memref<172032xi32, #tpu.memory_space<hbm>> -> memref<128xi32, #tpu.memory_space<hbm>>
          %dma_start3A_403 = tpu.memref_slice %arg5[%multiple_of3A_365] : memref<172032xi32, #tpu.memory_space<hbm>> -> memref<128xi32, #tpu.memory_space<hbm>>
          tpu.enqueue_dma source(%dma_start3A_403 : memref<128xi32, #tpu.memory_space<hbm>>) target(%arg12 : memref<128xi32, #tpu.memory_space<vmem>>) target_semaphore(%run_scoped3A : memref<!tpu.dma_semaphore, #tpu.memory_space<semaphore_mem>>)
          %dma_wait3A_404 = tpu.memref_slice %arg5[%multiple_of3A_365] : memref<172032xi32, #tpu.memory_space<hbm>> -> memref<128xi32, #tpu.memory_space<hbm>>
          %dma_wait3A_405 = tpu.memref_slice %arg5[%multiple_of3A_365] : memref<172032xi32, #tpu.memory_space<hbm>> -> memref<128xi32, #tpu.memory_space<hbm>>
          tpu.wait_dma2 semaphore(%run_scoped3A : memref<!tpu.dma_semaphore, #tpu.memory_space<semaphore_mem>>) src(%dma_wait3A_405 : memref<128xi32, #tpu.memory_space<hbm>>) dst(%arg12 : memref<128xi32, #tpu.memory_space<vmem>>)
          tpu.yield
        }) : () -> ()
        %ge3A_366 = arith.constant 4 : i32
        %ge3A_367 = arith.cmpi sge, %select_n3A_89, %ge3A_366 : i32
        %sub3A_368 = arith.constant 1 : i32
        %sub3A_369 = arith.subi %select_n3A_89, %sub3A_368 : i32
        %select_n3A_370 = arith.select %ge3A_367, %sub3A_369, %select_n3A_89 : i32
        %mul3A_371 = arith.constant 24576 : i32
        %mul3A_372 = arith.muli %select_n3A_370, %mul3A_371 : i32
        %add3A_373 = arith.addi %mul3A_372, %add3A_361 : i32
        %jit3A_374 = arith.constant 8 : i32
        %div3A_375 = arith.divsi %add3A_373, %jit3A_374 : i32
        %sign3A_376 = arith.constant 0 : i32
        %sign3A_377 = arith.cmpi sgt, %add3A_373, %sign3A_376 : i32
        %sign3A_378 = arith.extui %sign3A_377 : i1 to i32
        %sign3A_379 = arith.constant 0 : i32
        %sign3A_380 = arith.cmpi slt, %add3A_373, %sign3A_379 : i32
        %sign3A_381 = arith.extui %sign3A_380 : i1 to i32
        %sign3A_382 = arith.subi %sign3A_378, %sign3A_381 : i32
        %sign3A_383 = arith.constant 0 : i32
        %sign3A_384 = arith.cmpi sgt, %jit3A_374, %sign3A_383 : i32
        %sign3A_385 = arith.extui %sign3A_384 : i1 to i32
        %sign3A_386 = arith.constant 0 : i32
        %sign3A_387 = arith.cmpi slt, %jit3A_374, %sign3A_386 : i32
        %sign3A_388 = arith.extui %sign3A_387 : i1 to i32
        %sign3A_389 = arith.subi %sign3A_385, %sign3A_388 : i32
        %ne3A_390 = arith.cmpi ne, %sign3A_382, %sign3A_389 : i32
        %rem3A_391 = arith.remsi %add3A_373, %jit3A_374 : i32
        %ne3A_392 = arith.constant 0 : i32
        %ne3A_393 = arith.cmpi ne, %rem3A_391, %ne3A_392 : i32
        %and3A_394 = arith.andi %ne3A_390, %ne3A_393 : i1
        %sub3A_395 = arith.constant 1 : i32
        %sub3A_396 = arith.subi %div3A_375, %sub3A_395 : i32
        %select_n3A_397 = arith.select %and3A_394, %sub3A_396, %div3A_375 : i32
        %multiple_of3A_398 = tpu.assume_multiple %select_n3A_397, 16 : i32
        "tpu.region"() ({
          %run_scoped3A = tpu.sem_alloc : memref<!tpu.dma_semaphore, #tpu.memory_space<semaphore_mem>>
          %dma_start3A_402 = arith.constant 0 : i32
          %dma_start3A_403 = tpu.memref_slice %arg6[%multiple_of3A_398, %dma_start3A_402] : memref<18432x128xf32, #tpu.memory_space<hbm>> -> memref<16x128xf32, #tpu.memory_space<hbm>>
          %dma_start3A_404 = arith.constant 0 : i32
          %dma_start3A_405 = tpu.memref_slice %arg6[%multiple_of3A_398, %dma_start3A_404] : memref<18432x128xf32, #tpu.memory_space<hbm>> -> memref<16x128xf32, #tpu.memory_space<hbm>>
          tpu.enqueue_dma source(%dma_start3A_405 : memref<16x128xf32, #tpu.memory_space<hbm>>) target(%arg16 : memref<16x128xf32, #tpu.memory_space<vmem>>) target_semaphore(%run_scoped3A : memref<!tpu.dma_semaphore, #tpu.memory_space<semaphore_mem>>)
          %dma_wait3A_406 = arith.constant 0 : i32
          %dma_wait3A_407 = tpu.memref_slice %arg6[%multiple_of3A_398, %dma_wait3A_406] : memref<18432x128xf32, #tpu.memory_space<hbm>> -> memref<16x128xf32, #tpu.memory_space<hbm>>
          %dma_wait3A_408 = arith.constant 0 : i32
          %dma_wait3A_409 = tpu.memref_slice %arg6[%multiple_of3A_398, %dma_wait3A_408] : memref<18432x128xf32, #tpu.memory_space<hbm>> -> memref<16x128xf32, #tpu.memory_space<hbm>>
          tpu.wait_dma2 semaphore(%run_scoped3A : memref<!tpu.dma_semaphore, #tpu.memory_space<semaphore_mem>>) src(%dma_wait3A_409 : memref<16x128xf32, #tpu.memory_space<hbm>>) dst(%arg16 : memref<16x128xf32, #tpu.memory_space<vmem>>)
          tpu.yield
        }) : () -> ()
        %dma_start3A_399 = arith.constant 0 : i32
        %dma_start3A_400 = arith.constant 0 : i32
        %dma_start3A_401 = tpu.memref_slice %arg24[%dma_start3A_399, %dma_start3A_400] : memref<10240x128xbf16, #tpu.memory_space<vmem_shared>> -> memref<10240x128xbf16, #tpu.memory_space<vmem_shared>>
        tpu.enqueue_indirect_dma source(%dma_start3A_401 : memref<10240x128xbf16, #tpu.memory_space<vmem_shared>>) target(%arg18 : memref<128x128xbf16, #tpu.memory_space<vmem>>) offsets(%arg10 : memref<128xi32, #tpu.memory_space<vmem>>) semaphore(%arg27 : memref<!tpu.dma_semaphore, #tpu.memory_space<semaphore_mem>>)
      } else {
      }
      %dma_wait3A_309 = arith.constant 0 : i32
      %dma_wait3A_310 = arith.constant 0 : i32
      %dma_wait3A_311 = tpu.memref_slice %arg24[%dma_wait3A_309, %dma_wait3A_310] : memref<10240x128xbf16, #tpu.memory_space<vmem_shared>> -> memref<10240x128xbf16, #tpu.memory_space<vmem_shared>>
      tpu.wait_indirect_dma semaphore(%arg28 : memref<!tpu.dma_semaphore, #tpu.memory_space<semaphore_mem>>) src(%dma_wait3A_311 : memref<10240x128xbf16, #tpu.memory_space<vmem_shared>>) dst(%arg19 : memref<128x128xbf16, #tpu.memory_space<vmem>>)
      %ge3A_312 = arith.constant 1 : i32
      %ge3A_313 = arith.cmpi sge, %add3A_301, %ge3A_312 : i32
      %convert_element_type3A_314 = arith.extui %ge3A_313 : i1 to i32
      %cond3A_315 = arith.constant 0 : i32
      %cond3A_316 = arith.cmpi ne, %convert_element_type3A_314, %cond3A_315 : i32
      scf.if %cond3A_316 {
        %dma_wait3A_355 = arith.constant 0 : i32
        %dma_wait3A_356 = arith.constant 0 : i32
        %dma_wait3A_357 = tpu.memref_slice %arg26[%dma_wait3A_355, %dma_wait3A_356] : memref<10240x16xf32, #tpu.memory_space<vmem_shared>> -> memref<10240x16xf32, #tpu.memory_space<vmem_shared>>
        tpu.wait_indirect_dma semaphore(%arg29 : memref<!tpu.dma_semaphore, #tpu.memory_space<semaphore_mem>>) src(%arg22 : memref<128x16xf32, #tpu.memory_space<vmem>>) dst(%dma_wait3A_357 : memref<10240x16xf32, #tpu.memory_space<vmem_shared>>)
      } else {
      }
      %parallel_loop3A_317 = arith.constant 0 : i32
      %parallel_loop3A_318 = arith.constant 128 : i32
      %parallel_loop3A_319 = arith.constant 1 : i32
      scf.for %parallel_loop3A_355 = %parallel_loop3A_317 to %parallel_loop3A_318 step %parallel_loop3A_319  : i32 {
        %parallel_loop3A_356 = arith.constant 3 : i32
        %parallel_loop3A_357 = arith.shrsi %parallel_loop3A_355, %parallel_loop3A_356 : i32
        %parallel_loop3A_358 = arith.constant 7 : i32
        %parallel_loop3A_359 = arith.andi %parallel_loop3A_355, %parallel_loop3A_358 : i32
        %parallel_loop3A_360 = arith.constant 16 : i32
        %parallel_loop3A_361 = arith.muli %parallel_loop3A_359, %parallel_loop3A_360 : i32
        %parallel_loop3A_362 = arith.index_cast %parallel_loop3A_357 : i32 to index
        %parallel_loop3A_363 = arith.index_cast %parallel_loop3A_361 : i32 to index
        %parallel_loop3A_364 = tpu.vector_load %arg17[%parallel_loop3A_362, %parallel_loop3A_363] {strides = array<i32>} : memref<16x128xf32, #tpu.memory_space<vmem>>, vector<16xf32>,
        %parallel_loop3A_365 = arith.index_cast %parallel_loop3A_355 : i32 to index
        %parallel_loop3A_366 = arith.constant 0 : index
        %parallel_loop3A_367 = tpu.vector_load %arg19[%parallel_loop3A_365, %parallel_loop3A_366] {strides = array<i32>} : memref<128x128xbf16, #tpu.memory_space<vmem>>, vector<32xbf16>,
        %parallel_loop3A_368 = tpu.unpack_subelements %parallel_loop3A_367, 0 {pack_format = #tpu.pack_format<interleaved>} : vector<32xbf16> -> vector<16xf32>
        %parallel_loop3A_369 = tpu.unpack_subelements %parallel_loop3A_367, 1 {pack_format = #tpu.pack_format<interleaved>} : vector<32xbf16> -> vector<16xf32>
        %parallel_loop3A_370 = arith.constant 0 : i32
        %parallel_loop3A_371 = arith.constant 1 : i32
        %parallel_loop3A_372 = vector.broadcast %parallel_loop3A_370 : i32 to vector<16xi32>
        %parallel_loop3A_373 = vector.broadcast %parallel_loop3A_371 : i32 to vector<16xi32>
        %parallel_loop3A_374 = arith.select %lt3A_1, %parallel_loop3A_372, %parallel_loop3A_373 : vector<16xi1>, vector<16xi32>
        %parallel_loop3A_375 = vector.shape_cast %parallel_loop3A_374 : vector<16xi32> to vector<16x1xi32>
        %parallel_loop3A_376 = vector.shape_cast %parallel_loop3A_375 : vector<16x1xi32> to vector<16xi32>
        %parallel_loop3A_377 = tpu.dynamic_gather %parallel_loop3A_364[%parallel_loop3A_376] in [0] : vector<16xf32>, vector<16xi32> -> vector<16xf32>
        %parallel_loop3A_378 = arith.constant 2 : i32
        %parallel_loop3A_379 = arith.constant 3 : i32
        %parallel_loop3A_380 = vector.broadcast %parallel_loop3A_378 : i32 to vector<16xi32>
        %parallel_loop3A_381 = vector.broadcast %parallel_loop3A_379 : i32 to vector<16xi32>
        %parallel_loop3A_382 = arith.select %lt3A_1, %parallel_loop3A_380, %parallel_loop3A_381 : vector<16xi1>, vector<16xi32>
        %parallel_loop3A_383 = vector.shape_cast %parallel_loop3A_382 : vector<16xi32> to vector<16x1xi32>
        %parallel_loop3A_384 = vector.shape_cast %parallel_loop3A_383 : vector<16x1xi32> to vector<16xi32>
        %parallel_loop3A_385 = tpu.dynamic_gather %parallel_loop3A_364[%parallel_loop3A_384] in [0] : vector<16xf32>, vector<16xi32> -> vector<16xf32>
        %parallel_loop3A_386 = arith.mulf %parallel_loop3A_377, %parallel_loop3A_368 : vector<16xf32>
        %parallel_loop3A_387 = arith.addf %broadcast_in_dim3A_10, %parallel_loop3A_386 : vector<16xf32>
        %parallel_loop3A_388 = arith.mulf %parallel_loop3A_385, %parallel_loop3A_369 : vector<16xf32>
        %parallel_loop3A_389 = arith.addf %parallel_loop3A_387, %parallel_loop3A_388 : vector<16xf32>
        %parallel_loop3A_390 = arith.index_cast %parallel_loop3A_355 : i32 to index
        %parallel_loop3A_391 = arith.constant 32 : index
        %parallel_loop3A_392 = tpu.vector_load %arg19[%parallel_loop3A_390, %parallel_loop3A_391] {strides = array<i32>} : memref<128x128xbf16, #tpu.memory_space<vmem>>, vector<32xbf16>,
        %parallel_loop3A_393 = tpu.unpack_subelements %parallel_loop3A_392, 0 {pack_format = #tpu.pack_format<interleaved>} : vector<32xbf16> -> vector<16xf32>
        %parallel_loop3A_394 = tpu.unpack_subelements %parallel_loop3A_392, 1 {pack_format = #tpu.pack_format<interleaved>} : vector<32xbf16> -> vector<16xf32>
        %parallel_loop3A_395 = arith.constant 4 : i32
        %parallel_loop3A_396 = arith.constant 5 : i32
        %parallel_loop3A_397 = vector.broadcast %parallel_loop3A_395 : i32 to vector<16xi32>
        %parallel_loop3A_398 = vector.broadcast %parallel_loop3A_396 : i32 to vector<16xi32>
        %parallel_loop3A_399 = arith.select %lt3A_1, %parallel_loop3A_397, %parallel_loop3A_398 : vector<16xi1>, vector<16xi32>
        %parallel_loop3A_400 = vector.shape_cast %parallel_loop3A_399 : vector<16xi32> to vector<16x1xi32>
        %parallel_loop3A_401 = vector.shape_cast %parallel_loop3A_400 : vector<16x1xi32> to vector<16xi32>
        %parallel_loop3A_402 = tpu.dynamic_gather %parallel_loop3A_364[%parallel_loop3A_401] in [0] : vector<16xf32>, vector<16xi32> -> vector<16xf32>
        %parallel_loop3A_403 = arith.constant 6 : i32
        %parallel_loop3A_404 = arith.constant 7 : i32
        %parallel_loop3A_405 = vector.broadcast %parallel_loop3A_403 : i32 to vector<16xi32>
        %parallel_loop3A_406 = vector.broadcast %parallel_loop3A_404 : i32 to vector<16xi32>
        %parallel_loop3A_407 = arith.select %lt3A_1, %parallel_loop3A_405, %parallel_loop3A_406 : vector<16xi1>, vector<16xi32>
        %parallel_loop3A_408 = vector.shape_cast %parallel_loop3A_407 : vector<16xi32> to vector<16x1xi32>
        %parallel_loop3A_409 = vector.shape_cast %parallel_loop3A_408 : vector<16x1xi32> to vector<16xi32>
        %parallel_loop3A_410 = tpu.dynamic_gather %parallel_loop3A_364[%parallel_loop3A_409] in [0] : vector<16xf32>, vector<16xi32> -> vector<16xf32>
        %parallel_loop3A_411 = arith.mulf %parallel_loop3A_402, %parallel_loop3A_393 : vector<16xf32>
        %parallel_loop3A_412 = arith.addf %parallel_loop3A_389, %parallel_loop3A_411 : vector<16xf32>
        %parallel_loop3A_413 = arith.mulf %parallel_loop3A_410, %parallel_loop3A_394 : vector<16xf32>
        %parallel_loop3A_414 = arith.addf %parallel_loop3A_412, %parallel_loop3A_413 : vector<16xf32>
        %parallel_loop3A_415 = arith.index_cast %parallel_loop3A_355 : i32 to index
        %parallel_loop3A_416 = arith.constant 64 : index
        %parallel_loop3A_417 = tpu.vector_load %arg19[%parallel_loop3A_415, %parallel_loop3A_416] {strides = array<i32>} : memref<128x128xbf16, #tpu.memory_space<vmem>>, vector<32xbf16>,
        %parallel_loop3A_418 = tpu.unpack_subelements %parallel_loop3A_417, 0 {pack_format = #tpu.pack_format<interleaved>} : vector<32xbf16> -> vector<16xf32>
        %parallel_loop3A_419 = tpu.unpack_subelements %parallel_loop3A_417, 1 {pack_format = #tpu.pack_format<interleaved>} : vector<32xbf16> -> vector<16xf32>
        %parallel_loop3A_420 = arith.constant 8 : i32
        %parallel_loop3A_421 = arith.constant 9 : i32
        %parallel_loop3A_422 = vector.broadcast %parallel_loop3A_420 : i32 to vector<16xi32>
        %parallel_loop3A_423 = vector.broadcast %parallel_loop3A_421 : i32 to vector<16xi32>
        %parallel_loop3A_424 = arith.select %lt3A_1, %parallel_loop3A_422, %parallel_loop3A_423 : vector<16xi1>, vector<16xi32>
        %parallel_loop3A_425 = vector.shape_cast %parallel_loop3A_424 : vector<16xi32> to vector<16x1xi32>
        %parallel_loop3A_426 = vector.shape_cast %parallel_loop3A_425 : vector<16x1xi32> to vector<16xi32>
        %parallel_loop3A_427 = tpu.dynamic_gather %parallel_loop3A_364[%parallel_loop3A_426] in [0] : vector<16xf32>, vector<16xi32> -> vector<16xf32>
        %parallel_loop3A_428 = arith.constant 10 : i32
        %parallel_loop3A_429 = arith.constant 11 : i32
        %parallel_loop3A_430 = vector.broadcast %parallel_loop3A_428 : i32 to vector<16xi32>
        %parallel_loop3A_431 = vector.broadcast %parallel_loop3A_429 : i32 to vector<16xi32>
        %parallel_loop3A_432 = arith.select %lt3A_1, %parallel_loop3A_430, %parallel_loop3A_431 : vector<16xi1>, vector<16xi32>
        %parallel_loop3A_433 = vector.shape_cast %parallel_loop3A_432 : vector<16xi32> to vector<16x1xi32>
        %parallel_loop3A_434 = vector.shape_cast %parallel_loop3A_433 : vector<16x1xi32> to vector<16xi32>
        %parallel_loop3A_435 = tpu.dynamic_gather %parallel_loop3A_364[%parallel_loop3A_434] in [0] : vector<16xf32>, vector<16xi32> -> vector<16xf32>
        %parallel_loop3A_436 = arith.mulf %parallel_loop3A_427, %parallel_loop3A_418 : vector<16xf32>
        %parallel_loop3A_437 = arith.addf %parallel_loop3A_414, %parallel_loop3A_436 : vector<16xf32>
        %parallel_loop3A_438 = arith.mulf %parallel_loop3A_435, %parallel_loop3A_419 : vector<16xf32>
        %parallel_loop3A_439 = arith.addf %parallel_loop3A_437, %parallel_loop3A_438 : vector<16xf32>
        %parallel_loop3A_440 = arith.index_cast %parallel_loop3A_355 : i32 to index
        %parallel_loop3A_441 = arith.constant 96 : index
        %parallel_loop3A_442 = tpu.vector_load %arg19[%parallel_loop3A_440, %parallel_loop3A_441] {strides = array<i32>} : memref<128x128xbf16, #tpu.memory_space<vmem>>, vector<32xbf16>,
        %parallel_loop3A_443 = tpu.unpack_subelements %parallel_loop3A_442, 0 {pack_format = #tpu.pack_format<interleaved>} : vector<32xbf16> -> vector<16xf32>
        %parallel_loop3A_444 = tpu.unpack_subelements %parallel_loop3A_442, 1 {pack_format = #tpu.pack_format<interleaved>} : vector<32xbf16> -> vector<16xf32>
        %parallel_loop3A_445 = arith.constant 12 : i32
        %parallel_loop3A_446 = arith.constant 13 : i32
        %parallel_loop3A_447 = vector.broadcast %parallel_loop3A_445 : i32 to vector<16xi32>
        %parallel_loop3A_448 = vector.broadcast %parallel_loop3A_446 : i32 to vector<16xi32>
        %parallel_loop3A_449 = arith.select %lt3A_1, %parallel_loop3A_447, %parallel_loop3A_448 : vector<16xi1>, vector<16xi32>
        %parallel_loop3A_450 = vector.shape_cast %parallel_loop3A_449 : vector<16xi32> to vector<16x1xi32>
        %parallel_loop3A_451 = vector.shape_cast %parallel_loop3A_450 : vector<16x1xi32> to vector<16xi32>
        %parallel_loop3A_452 = tpu.dynamic_gather %parallel_loop3A_364[%parallel_loop3A_451] in [0] : vector<16xf32>, vector<16xi32> -> vector<16xf32>
        %parallel_loop3A_453 = arith.constant 14 : i32
        %parallel_loop3A_454 = arith.constant 15 : i32
        %parallel_loop3A_455 = vector.broadcast %parallel_loop3A_453 : i32 to vector<16xi32>
        %parallel_loop3A_456 = vector.broadcast %parallel_loop3A_454 : i32 to vector<16xi32>
        %parallel_loop3A_457 = arith.select %lt3A_1, %parallel_loop3A_455, %parallel_loop3A_456 : vector<16xi1>, vector<16xi32>
        %parallel_loop3A_458 = vector.shape_cast %parallel_loop3A_457 : vector<16xi32> to vector<16x1xi32>
        %parallel_loop3A_459 = vector.shape_cast %parallel_loop3A_458 : vector<16x1xi32> to vector<16xi32>
        %parallel_loop3A_460 = tpu.dynamic_gather %parallel_loop3A_364[%parallel_loop3A_459] in [0] : vector<16xf32>, vector<16xi32> -> vector<16xf32>
        %parallel_loop3A_461 = arith.mulf %parallel_loop3A_452, %parallel_loop3A_443 : vector<16xf32>
        %parallel_loop3A_462 = arith.addf %parallel_loop3A_439, %parallel_loop3A_461 : vector<16xf32>
        %parallel_loop3A_463 = arith.mulf %parallel_loop3A_460, %parallel_loop3A_444 : vector<16xf32>
        %parallel_loop3A_464 = arith.addf %parallel_loop3A_462, %parallel_loop3A_463 : vector<16xf32>
        %parallel_loop3A_465 = vector.shape_cast %and3A_5 : vector<16xi32> to vector<16x1xi32>
        %parallel_loop3A_466 = vector.shape_cast %parallel_loop3A_465 : vector<16x1xi32> to vector<16xi32>
        %parallel_loop3A_467 = tpu.dynamic_gather %parallel_loop3A_464[%parallel_loop3A_466] in [0] : vector<16xf32>, vector<16xi32> -> vector<16xf32>
        %parallel_loop3A_468 = arith.addf %parallel_loop3A_464, %parallel_loop3A_467 : vector<16xf32>
        %parallel_loop3A_469 = arith.index_cast %parallel_loop3A_355 : i32 to index
        %parallel_loop3A_470 = arith.constant 0 : index
        %parallel_loop3A_471 = tpu.vector_load %arg23[%parallel_loop3A_469, %parallel_loop3A_470] {strides = array<i32>} : memref<128x16xf32, #tpu.memory_space<vmem>>, vector<16xf32>,
        tpu.vector_store %arg23[%parallel_loop3A_469, %parallel_loop3A_470], %parallel_loop3A_468 {strides = array<i32>} : memref<128x16xf32, #tpu.memory_space<vmem>>, vector<16xf32>,
      } {sc.loop_unroll_factor = 4 : i64, sc.parallel_access}
      %get3A_320 = arith.constant 0 : index
      %get3A_321 = tpu.vector_load %arg13[%get3A_320] {strides = array<i32>} : memref<128xi32, #tpu.memory_space<vmem>>, vector<16xi32>,
      %swap3A_322 = arith.constant 0 : index
      %swap3A_323 = tpu.vector_load %arg15[%swap3A_322] {strides = array<i32>} : memref<128xi32, #tpu.memory_space<vmem>>, vector<16xi32>,
      tpu.vector_store %arg15[%swap3A_322], %get3A_321 {strides = array<i32>} : memref<128xi32, #tpu.memory_space<vmem>>, vector<16xi32>,
      %get3A_324 = arith.constant 16 : index
      %get3A_325 = tpu.vector_load %arg13[%get3A_324] {strides = array<i32>} : memref<128xi32, #tpu.memory_space<vmem>>, vector<16xi32>,
      %swap3A_326 = arith.constant 16 : index
      %swap3A_327 = tpu.vector_load %arg15[%swap3A_326] {strides = array<i32>} : memref<128xi32, #tpu.memory_space<vmem>>, vector<16xi32>,
      tpu.vector_store %arg15[%swap3A_326], %get3A_325 {strides = array<i32>} : memref<128xi32, #tpu.memory_space<vmem>>, vector<16xi32>,
      %get3A_328 = arith.constant 32 : index
      %get3A_329 = tpu.vector_load %arg13[%get3A_328] {strides = array<i32>} : memref<128xi32, #tpu.memory_space<vmem>>, vector<16xi32>,
      %swap3A_330 = arith.constant 32 : index
      %swap3A_331 = tpu.vector_load %arg15[%swap3A_330] {strides = array<i32>} : memref<128xi32, #tpu.memory_space<vmem>>, vector<16xi32>,
      tpu.vector_store %arg15[%swap3A_330], %get3A_329 {strides = array<i32>} : memref<128xi32, #tpu.memory_space<vmem>>, vector<16xi32>,
      %get3A_332 = arith.constant 48 : index
      %get3A_333 = tpu.vector_load %arg13[%get3A_332] {strides = array<i32>} : memref<128xi32, #tpu.memory_space<vmem>>, vector<16xi32>,
      %swap3A_334 = arith.constant 48 : index
      %swap3A_335 = tpu.vector_load %arg15[%swap3A_334] {strides = array<i32>} : memref<128xi32, #tpu.memory_space<vmem>>, vector<16xi32>,
      tpu.vector_store %arg15[%swap3A_334], %get3A_333 {strides = array<i32>} : memref<128xi32, #tpu.memory_space<vmem>>, vector<16xi32>,
      %get3A_336 = arith.constant 64 : index
      %get3A_337 = tpu.vector_load %arg13[%get3A_336] {strides = array<i32>} : memref<128xi32, #tpu.memory_space<vmem>>, vector<16xi32>,
      %swap3A_338 = arith.constant 64 : index
      %swap3A_339 = tpu.vector_load %arg15[%swap3A_338] {strides = array<i32>} : memref<128xi32, #tpu.memory_space<vmem>>, vector<16xi32>,
      tpu.vector_store %arg15[%swap3A_338], %get3A_337 {strides = array<i32>} : memref<128xi32, #tpu.memory_space<vmem>>, vector<16xi32>,
      %get3A_340 = arith.constant 80 : index
      %get3A_341 = tpu.vector_load %arg13[%get3A_340] {strides = array<i32>} : memref<128xi32, #tpu.memory_space<vmem>>, vector<16xi32>,
      %swap3A_342 = arith.constant 80 : index
      %swap3A_343 = tpu.vector_load %arg15[%swap3A_342] {strides = array<i32>} : memref<128xi32, #tpu.memory_space<vmem>>, vector<16xi32>,
      tpu.vector_store %arg15[%swap3A_342], %get3A_341 {strides = array<i32>} : memref<128xi32, #tpu.memory_space<vmem>>, vector<16xi32>,
      %get3A_344 = arith.constant 96 : index
      %get3A_345 = tpu.vector_load %arg13[%get3A_344] {strides = array<i32>} : memref<128xi32, #tpu.memory_space<vmem>>, vector<16xi32>,
      %swap3A_346 = arith.constant 96 : index
      %swap3A_347 = tpu.vector_load %arg15[%swap3A_346] {strides = array<i32>} : memref<128xi32, #tpu.memory_space<vmem>>, vector<16xi32>,
      tpu.vector_store %arg15[%swap3A_346], %get3A_345 {strides = array<i32>} : memref<128xi32, #tpu.memory_space<vmem>>, vector<16xi32>,
      %get3A_348 = arith.constant 112 : index
      %get3A_349 = tpu.vector_load %arg13[%get3A_348] {strides = array<i32>} : memref<128xi32, #tpu.memory_space<vmem>>, vector<16xi32>,
      %swap3A_350 = arith.constant 112 : index
      %swap3A_351 = tpu.vector_load %arg15[%swap3A_350] {strides = array<i32>} : memref<128xi32, #tpu.memory_space<vmem>>, vector<16xi32>,
      tpu.vector_store %arg15[%swap3A_350], %get3A_349 {strides = array<i32>} : memref<128xi32, #tpu.memory_space<vmem>>, vector<16xi32>,
      %dma_start3A_352 = arith.constant 0 : i32
      %dma_start3A_353 = arith.constant 0 : i32
      %dma_start3A_354 = tpu.memref_slice %arg26[%dma_start3A_352, %dma_start3A_353] : memref<10240x16xf32, #tpu.memory_space<vmem_shared>> -> memref<10240x16xf32, #tpu.memory_space<vmem_shared>>
      tpu.enqueue_indirect_dma source(%arg23 : memref<128x16xf32, #tpu.memory_space<vmem>>) target(%dma_start3A_354 : memref<10240x16xf32, #tpu.memory_space<vmem_shared>>) offsets(%arg15 : memref<128xi32, #tpu.memory_space<vmem>>) semaphore(%arg30 : memref<!tpu.dma_semaphore, #tpu.memory_space<semaphore_mem>>) {add = true}
    }
    %scan3A_151 = arith.constant 6 : i32
    %dma_wait3A_152 = arith.constant 0 : i32
    %dma_wait3A_153 = arith.constant 0 : i32
    %dma_wait3A_154 = tpu.memref_slice %arg26[%dma_wait3A_152, %dma_wait3A_153] : memref<10240x16xf32, #tpu.memory_space<vmem_shared>> -> memref<10240x16xf32, #tpu.memory_space<vmem_shared>>
    tpu.wait_indirect_dma semaphore(%arg30 : memref<!tpu.dma_semaphore, #tpu.memory_space<semaphore_mem>>) src(%arg23 : memref<128x16xf32, #tpu.memory_space<vmem>>) dst(%dma_wait3A_154 : memref<10240x16xf32, #tpu.memory_space<vmem_shared>>)
    %barrier3A_155 = arith.constant 0 : index
    tpu.barrier barrier_id(%barrier3A_155)
    %mul3A_156 = arith.constant 640 : i32
    %mul3A_157 = arith.muli %arg1, %mul3A_156 : i32
    %multiple_of3A_158 = tpu.assume_multiple %mul3A_157, 640 : i32
    %mul3A_159 = arith.constant 8 : i32
    %mul3A_160 = arith.muli %select_n3A_89, %mul3A_159 : i32
    %multiple_of3A_161 = tpu.assume_multiple %mul3A_160, 8 : i32
    "tpu.region"() ({
      %run_scoped3A = tpu.sem_alloc : memref<!tpu.dma_semaphore, #tpu.memory_space<semaphore_mem>>
      %dma_start3A_245 = tpu.memref_slice %arg9[%multiple_of3A_158, %multiple_of3A_161] : memref<10240x56xf32, #tpu.memory_space<hbm>> -> memref<640x8xf32, #tpu.memory_space<hbm>>
      %dma_start3A_246 = arith.constant 0 : i32
      %dma_start3A_247 = tpu.memref_slice %arg26[%multiple_of3A, %dma_start3A_246] : memref<10240x16xf32, #tpu.memory_space<vmem_shared>> -> memref<640x8xf32, #tpu.memory_space<vmem_shared>>
      tpu.enqueue_dma source(%dma_start3A_247 : memref<640x8xf32, #tpu.memory_space<vmem_shared>>) target(%dma_start3A_245 : memref<640x8xf32, #tpu.memory_space<hbm>>) target_semaphore(%run_scoped3A : memref<!tpu.dma_semaphore, #tpu.memory_space<semaphore_mem>>)
      %dma_wait3A_248 = tpu.memref_slice %arg9[%multiple_of3A_158, %multiple_of3A_161] : memref<10240x56xf32, #tpu.memory_space<hbm>> -> memref<640x8xf32, #tpu.memory_space<hbm>>
      %dma_wait3A_249 = arith.constant 0 : i32
      %dma_wait3A_250 = tpu.memref_slice %arg26[%multiple_of3A, %dma_wait3A_249] : memref<10240x16xf32, #tpu.memory_space<vmem_shared>> -> memref<640x8xf32, #tpu.memory_space<vmem_shared>>
      tpu.wait_dma2 semaphore(%run_scoped3A : memref<!tpu.dma_semaphore, #tpu.memory_space<semaphore_mem>>) src(%dma_wait3A_250 : memref<640x8xf32, #tpu.memory_space<vmem_shared>>) dst(%dma_wait3A_248 : memref<640x8xf32, #tpu.memory_space<hbm>>)
      tpu.yield
    }) : () -> ()
    %mul3A_162 = arith.constant 3 : i32
    %mul3A_163 = arith.muli %arg0, %mul3A_162 : i32
    %add3A_164 = arith.constant 2 : i32
    %add3A_165 = arith.addi %mul3A_163, %add3A_164 : i32
    %ge3A_166 = arith.constant 3 : i32
    %ge3A_167 = arith.cmpi sge, %add3A_165, %ge3A_166 : i32
    %add3A_168 = arith.constant 1 : i32
    %add3A_169 = arith.addi %add3A_165, %add3A_168 : i32
    %select_n3A_170 = arith.select %ge3A_167, %add3A_169, %add3A_165 : i32
    %mul3A_171 = arith.constant 10240 : i32
    %mul3A_172 = arith.muli %add3A_165, %mul3A_171 : i32
    %mul3A_173 = arith.constant 640 : i32
    %mul3A_174 = arith.muli %arg1, %mul3A_173 : i32
    %add3A_175 = arith.addi %mul3A_172, %mul3A_174 : i32
    "tpu.region"() ({
      %run_scoped3A = tpu.sem_alloc : memref<!tpu.dma_semaphore, #tpu.memory_space<semaphore_mem>>
      %dma_start3A_245 = arith.constant 0 : i32
      %dma_start3A_246 = tpu.memref_slice %arg24[%multiple_of3A, %dma_start3A_245] : memref<10240x128xbf16, #tpu.memory_space<vmem_shared>> -> memref<640x128xbf16, #tpu.memory_space<vmem_shared>>
      %dma_start3A_247 = arith.constant 0 : i32
      %dma_start3A_248 = tpu.memref_slice %arg2[%add3A_175, %dma_start3A_247] : memref<61440x128xbf16, #tpu.memory_space<hbm>> -> memref<640x128xbf16, #tpu.memory_space<hbm>>
      tpu.enqueue_dma source(%dma_start3A_248 : memref<640x128xbf16, #tpu.memory_space<hbm>>) target(%dma_start3A_246 : memref<640x128xbf16, #tpu.memory_space<vmem_shared>>) target_semaphore(%run_scoped3A : memref<!tpu.dma_semaphore, #tpu.memory_space<semaphore_mem>>)
      %dma_wait3A_249 = arith.constant 0 : i32
      %dma_wait3A_250 = tpu.memref_slice %arg24[%multiple_of3A, %dma_wait3A_249] : memref<10240x128xbf16, #tpu.memory_space<vmem_shared>> -> memref<640x128xbf16, #tpu.memory_space<vmem_shared>>
      %dma_wait3A_251 = arith.constant 0 : i32
      %dma_wait3A_252 = tpu.memref_slice %arg2[%add3A_175, %dma_wait3A_251] : memref<61440x128xbf16, #tpu.memory_space<hbm>> -> memref<640x128xbf16, #tpu.memory_space<hbm>>
      tpu.wait_dma2 semaphore(%run_scoped3A : memref<!tpu.dma_semaphore, #tpu.memory_space<semaphore_mem>>) src(%dma_wait3A_252 : memref<640x128xbf16, #tpu.memory_space<hbm>>) dst(%dma_wait3A_250 : memref<640x128xbf16, #tpu.memory_space<vmem_shared>>)
      tpu.yield
    }) : () -> ()
    %mul3A_176 = arith.constant 640 : i32
    %mul3A_177 = arith.muli %arg1, %mul3A_176 : i32
    %multiple_of3A_178 = tpu.assume_multiple %mul3A_177, 640 : i32
    %mul3A_179 = arith.constant 8 : i32
    %mul3A_180 = arith.muli %select_n3A_170, %mul3A_179 : i32
    %multiple_of3A_181 = tpu.assume_multiple %mul3A_180, 8 : i32
    "tpu.region"() ({
      %run_scoped3A = tpu.sem_alloc : memref<!tpu.dma_semaphore, #tpu.memory_space<semaphore_mem>>
      %dma_start3A_245 = arith.constant 0 : i32
      %dma_start3A_246 = tpu.memref_slice %arg26[%multiple_of3A, %dma_start3A_245] : memref<10240x16xf32, #tpu.memory_space<vmem_shared>> -> memref<640x8xf32, #tpu.memory_space<vmem_shared>>
      %dma_start3A_247 = tpu.memref_slice %arg8[%multiple_of3A_178, %multiple_of3A_181] : memref<10240x56xf32, #tpu.memory_space<hbm>> -> memref<640x8xf32, #tpu.memory_space<hbm>>
      tpu.enqueue_dma source(%dma_start3A_247 : memref<640x8xf32, #tpu.memory_space<hbm>>) target(%dma_start3A_246 : memref<640x8xf32, #tpu.memory_space<vmem_shared>>) target_semaphore(%run_scoped3A : memref<!tpu.dma_semaphore, #tpu.memory_space<semaphore_mem>>)
      %dma_wait3A_248 = arith.constant 0 : i32
      %dma_wait3A_249 = tpu.memref_slice %arg26[%multiple_of3A, %dma_wait3A_248] : memref<10240x16xf32, #tpu.memory_space<vmem_shared>> -> memref<640x8xf32, #tpu.memory_space<vmem_shared>>
      %dma_wait3A_250 = tpu.memref_slice %arg8[%multiple_of3A_178, %multiple_of3A_181] : memref<10240x56xf32, #tpu.memory_space<hbm>> -> memref<640x8xf32, #tpu.memory_space<hbm>>
      tpu.wait_dma2 semaphore(%run_scoped3A : memref<!tpu.dma_semaphore, #tpu.memory_space<semaphore_mem>>) src(%dma_wait3A_250 : memref<640x8xf32, #tpu.memory_space<hbm>>) dst(%dma_wait3A_249 : memref<640x8xf32, #tpu.memory_space<vmem_shared>>)
      tpu.yield
    }) : () -> ()
    %barrier3A_182 = arith.constant 0 : index
    tpu.barrier barrier_id(%barrier3A_182)
    %mul3A_183 = arith.constant 1536 : i32
    %mul3A_184 = arith.muli %arg1, %mul3A_183 : i32
    %add3A_185 = arith.constant 0 : i32
    %add3A_186 = arith.addi %mul3A_184, %add3A_185 : i32
    %mul3A_187 = arith.constant 24576 : i32
    %mul3A_188 = arith.muli %select_n3A_170, %mul3A_187 : i32
    %add3A_189 = arith.addi %mul3A_188, %add3A_186 : i32
    %multiple_of3A_190 = tpu.assume_multiple %add3A_189, 128 : i32
    "tpu.region"() ({
      %run_scoped3A = tpu.sem_alloc : memref<!tpu.dma_semaphore, #tpu.memory_space<semaphore_mem>>
      %dma_start3A_245 = tpu.memref_slice %arg4[%multiple_of3A_190] : memref<172032xi32, #tpu.memory_space<hbm>> -> memref<128xi32, #tpu.memory_space<hbm>>
      %dma_start3A_246 = tpu.memref_slice %arg4[%multiple_of3A_190] : memref<172032xi32, #tpu.memory_space<hbm>> -> memref<128xi32, #tpu.memory_space<hbm>>
      tpu.enqueue_dma source(%dma_start3A_246 : memref<128xi32, #tpu.memory_space<hbm>>) target(%arg10 : memref<128xi32, #tpu.memory_space<vmem>>) target_semaphore(%run_scoped3A : memref<!tpu.dma_semaphore, #tpu.memory_space<semaphore_mem>>)
      %dma_wait3A_247 = tpu.memref_slice %arg4[%multiple_of3A_190] : memref<172032xi32, #tpu.memory_space<hbm>> -> memref<128xi32, #tpu.memory_space<hbm>>
      %dma_wait3A_248 = tpu.memref_slice %arg4[%multiple_of3A_190] : memref<172032xi32, #tpu.memory_space<hbm>> -> memref<128xi32, #tpu.memory_space<hbm>>
      tpu.wait_dma2 semaphore(%run_scoped3A : memref<!tpu.dma_semaphore, #tpu.memory_space<semaphore_mem>>) src(%dma_wait3A_248 : memref<128xi32, #tpu.memory_space<hbm>>) dst(%arg10 : memref<128xi32, #tpu.memory_space<vmem>>)
      tpu.yield
    }) : () -> ()
    "tpu.region"() ({
      %run_scoped3A = tpu.sem_alloc : memref<!tpu.dma_semaphore, #tpu.memory_space<semaphore_mem>>
      %dma_start3A_245 = tpu.memref_slice %arg5[%multiple_of3A_190] : memref<172032xi32, #tpu.memory_space<hbm>> -> memref<128xi32, #tpu.memory_space<hbm>>
      %dma_start3A_246 = tpu.memref_slice %arg5[%multiple_of3A_190] : memref<172032xi32, #tpu.memory_space<hbm>> -> memref<128xi32, #tpu.memory_space<hbm>>
      tpu.enqueue_dma source(%dma_start3A_246 : memref<128xi32, #tpu.memory_space<hbm>>) target(%arg12 : memref<128xi32, #tpu.memory_space<vmem>>) target_semaphore(%run_scoped3A : memref<!tpu.dma_semaphore, #tpu.memory_space<semaphore_mem>>)
      %dma_wait3A_247 = tpu.memref_slice %arg5[%multiple_of3A_190] : memref<172032xi32, #tpu.memory_space<hbm>> -> memref<128xi32, #tpu.memory_space<hbm>>
      %dma_wait3A_248 = tpu.memref_slice %arg5[%multiple_of3A_190] : memref<172032xi32, #tpu.memory_space<hbm>> -> memref<128xi32, #tpu.memory_space<hbm>>
      tpu.wait_dma2 semaphore(%run_scoped3A : memref<!tpu.dma_semaphore, #tpu.memory_space<semaphore_mem>>) src(%dma_wait3A_248 : memref<128xi32, #tpu.memory_space<hbm>>) dst(%arg12 : memref<128xi32, #tpu.memory_space<vmem>>)
      tpu.yield
    }) : () -> ()
    %ge3A_191 = arith.constant 4 : i32
    %ge3A_192 = arith.cmpi sge, %select_n3A_170, %ge3A_191 : i32
    %sub3A_193 = arith.constant 1 : i32
    %sub3A_194 = arith.subi %select_n3A_170, %sub3A_193 : i32
    %select_n3A_195 = arith.select %ge3A_192, %sub3A_194, %select_n3A_170 : i32
    %mul3A_196 = arith.constant 24576 : i32
    %mul3A_197 = arith.muli %select_n3A_195, %mul3A_196 : i32
    %add3A_198 = arith.addi %mul3A_197, %add3A_186 : i32
    %jit3A_199 = arith.constant 8 : i32
    %div3A_200 = arith.divsi %add3A_198, %jit3A_199 : i32
    %sign3A_201 = arith.constant 0 : i32
    %sign3A_202 = arith.cmpi sgt, %add3A_198, %sign3A_201 : i32
    %sign3A_203 = arith.extui %sign3A_202 : i1 to i32
    %sign3A_204 = arith.constant 0 : i32
    %sign3A_205 = arith.cmpi slt, %add3A_198, %sign3A_204 : i32
    %sign3A_206 = arith.extui %sign3A_205 : i1 to i32
    %sign3A_207 = arith.subi %sign3A_203, %sign3A_206 : i32
    %sign3A_208 = arith.constant 0 : i32
    %sign3A_209 = arith.cmpi sgt, %jit3A_199, %sign3A_208 : i32
    %sign3A_210 = arith.extui %sign3A_209 : i1 to i32
    %sign3A_211 = arith.constant 0 : i32
    %sign3A_212 = arith.cmpi slt, %jit3A_199, %sign3A_211 : i32
    %sign3A_213 = arith.extui %sign3A_212 : i1 to i32
    %sign3A_214 = arith.subi %sign3A_210, %sign3A_213 : i32
    %ne3A_215 = arith.cmpi ne, %sign3A_207, %sign3A_214 : i32
    %rem3A_216 = arith.remsi %add3A_198, %jit3A_199 : i32
    %ne3A_217 = arith.constant 0 : i32
    %ne3A_218 = arith.cmpi ne, %rem3A_216, %ne3A_217 : i32
    %and3A_219 = arith.andi %ne3A_215, %ne3A_218 : i1
    %sub3A_220 = arith.constant 1 : i32
    %sub3A_221 = arith.subi %div3A_200, %sub3A_220 : i32
    %select_n3A_222 = arith.select %and3A_219, %sub3A_221, %div3A_200 : i32
    %multiple_of3A_223 = tpu.assume_multiple %select_n3A_222, 16 : i32
    "tpu.region"() ({
      %run_scoped3A = tpu.sem_alloc : memref<!tpu.dma_semaphore, #tpu.memory_space<semaphore_mem>>
      %dma_start3A_245 = arith.constant 0 : i32
      %dma_start3A_246 = tpu.memref_slice %arg6[%multiple_of3A_223, %dma_start3A_245] : memref<18432x128xf32, #tpu.memory_space<hbm>> -> memref<16x128xf32, #tpu.memory_space<hbm>>
      %dma_start3A_247 = arith.constant 0 : i32
      %dma_start3A_248 = tpu.memref_slice %arg6[%multiple_of3A_223, %dma_start3A_247] : memref<18432x128xf32, #tpu.memory_space<hbm>> -> memref<16x128xf32, #tpu.memory_space<hbm>>
      tpu.enqueue_dma source(%dma_start3A_248 : memref<16x128xf32, #tpu.memory_space<hbm>>) target(%arg16 : memref<16x128xf32, #tpu.memory_space<vmem>>) target_semaphore(%run_scoped3A : memref<!tpu.dma_semaphore, #tpu.memory_space<semaphore_mem>>)
      %dma_wait3A_249 = arith.constant 0 : i32
      %dma_wait3A_250 = tpu.memref_slice %arg6[%multiple_of3A_223, %dma_wait3A_249] : memref<18432x128xf32, #tpu.memory_space<hbm>> -> memref<16x128xf32, #tpu.memory_space<hbm>>
      %dma_wait3A_251 = arith.constant 0 : i32
      %dma_wait3A_252 = tpu.memref_slice %arg6[%multiple_of3A_223, %dma_wait3A_251] : memref<18432x128xf32, #tpu.memory_space<hbm>> -> memref<16x128xf32, #tpu.memory_space<hbm>>
      tpu.wait_dma2 semaphore(%run_scoped3A : memref<!tpu.dma_semaphore, #tpu.memory_space<semaphore_mem>>) src(%dma_wait3A_252 : memref<16x128xf32, #tpu.memory_space<hbm>>) dst(%arg16 : memref<16x128xf32, #tpu.memory_space<vmem>>)
      tpu.yield
    }) : () -> ()
    %dma_start3A_224 = arith.constant 0 : i32
    %dma_start3A_225 = arith.constant 0 : i32
    %dma_start3A_226 = tpu.memref_slice %arg24[%dma_start3A_224, %dma_start3A_225] : memref<10240x128xbf16, #tpu.memory_space<vmem_shared>> -> memref<10240x128xbf16, #tpu.memory_space<vmem_shared>>
    tpu.enqueue_indirect_dma source(%dma_start3A_226 : memref<10240x128xbf16, #tpu.memory_space<vmem_shared>>) target(%arg18 : memref<128x128xbf16, #tpu.memory_space<vmem>>) offsets(%arg10 : memref<128xi32, #tpu.memory_space<vmem>>) semaphore(%arg27 : memref<!tpu.dma_semaphore, #tpu.memory_space<semaphore_mem>>)
    %scan3A_227 = arith.constant 0 : i32
    %scan3A_228 = arith.constant 0 : i32
    %scan3A_229 = arith.constant 6 : i32
    %scan3A_230 = arith.addi %scan3A_228, %scan3A_229 : i32
    %scan3A_231 = arith.constant 1 : i32
    scf.for %scan3A_245 = %scan3A_228 to %scan3A_230 step %scan3A_231  : i32 {
      %mul3A_246 = arith.constant 2 : i32
      %mul3A_247 = arith.muli %mul3A_246, %scan3A_245 : i32
      %add3A_248 = arith.constant 1 : i32
      %add3A_249 = arith.addi %mul3A_247, %add3A_248 : i32
      %lt3A_250 = arith.constant 12 : i32
      %lt3A_251 = arith.cmpi slt, %add3A_249, %lt3A_250 : i32
      %convert_element_type3A_252 = arith.extui %lt3A_251 : i1 to i32
      %cond3A_253 = arith.constant 0 : i32
      %cond3A_254 = arith.cmpi ne, %convert_element_type3A_252, %cond3A_253 : i32
      scf.if %cond3A_254 {
        %add3A_355 = arith.constant 1 : i32
        %add3A_356 = arith.addi %mul3A_247, %add3A_355 : i32
        %mul3A_357 = arith.constant 1536 : i32
        %mul3A_358 = arith.muli %arg1, %mul3A_357 : i32
        %mul3A_359 = arith.constant 128 : i32
        %mul3A_360 = arith.muli %add3A_356, %mul3A_359 : i32
        %add3A_361 = arith.addi %mul3A_358, %mul3A_360 : i32
        %mul3A_362 = arith.constant 24576 : i32
        %mul3A_363 = arith.muli %select_n3A_170, %mul3A_362 : i32
        %add3A_364 = arith.addi %mul3A_363, %add3A_361 : i32
        %multiple_of3A_365 = tpu.assume_multiple %add3A_364, 128 : i32
        "tpu.region"() ({
          %run_scoped3A = tpu.sem_alloc : memref<!tpu.dma_semaphore, #tpu.memory_space<semaphore_mem>>
          %dma_start3A_402 = tpu.memref_slice %arg4[%multiple_of3A_365] : memref<172032xi32, #tpu.memory_space<hbm>> -> memref<128xi32, #tpu.memory_space<hbm>>
          %dma_start3A_403 = tpu.memref_slice %arg4[%multiple_of3A_365] : memref<172032xi32, #tpu.memory_space<hbm>> -> memref<128xi32, #tpu.memory_space<hbm>>
          tpu.enqueue_dma source(%dma_start3A_403 : memref<128xi32, #tpu.memory_space<hbm>>) target(%arg11 : memref<128xi32, #tpu.memory_space<vmem>>) target_semaphore(%run_scoped3A : memref<!tpu.dma_semaphore, #tpu.memory_space<semaphore_mem>>)
          %dma_wait3A_404 = tpu.memref_slice %arg4[%multiple_of3A_365] : memref<172032xi32, #tpu.memory_space<hbm>> -> memref<128xi32, #tpu.memory_space<hbm>>
          %dma_wait3A_405 = tpu.memref_slice %arg4[%multiple_of3A_365] : memref<172032xi32, #tpu.memory_space<hbm>> -> memref<128xi32, #tpu.memory_space<hbm>>
          tpu.wait_dma2 semaphore(%run_scoped3A : memref<!tpu.dma_semaphore, #tpu.memory_space<semaphore_mem>>) src(%dma_wait3A_405 : memref<128xi32, #tpu.memory_space<hbm>>) dst(%arg11 : memref<128xi32, #tpu.memory_space<vmem>>)
          tpu.yield
        }) : () -> ()
        "tpu.region"() ({
          %run_scoped3A = tpu.sem_alloc : memref<!tpu.dma_semaphore, #tpu.memory_space<semaphore_mem>>
          %dma_start3A_402 = tpu.memref_slice %arg5[%multiple_of3A_365] : memref<172032xi32, #tpu.memory_space<hbm>> -> memref<128xi32, #tpu.memory_space<hbm>>
          %dma_start3A_403 = tpu.memref_slice %arg5[%multiple_of3A_365] : memref<172032xi32, #tpu.memory_space<hbm>> -> memref<128xi32, #tpu.memory_space<hbm>>
          tpu.enqueue_dma source(%dma_start3A_403 : memref<128xi32, #tpu.memory_space<hbm>>) target(%arg13 : memref<128xi32, #tpu.memory_space<vmem>>) target_semaphore(%run_scoped3A : memref<!tpu.dma_semaphore, #tpu.memory_space<semaphore_mem>>)
          %dma_wait3A_404 = tpu.memref_slice %arg5[%multiple_of3A_365] : memref<172032xi32, #tpu.memory_space<hbm>> -> memref<128xi32, #tpu.memory_space<hbm>>
          %dma_wait3A_405 = tpu.memref_slice %arg5[%multiple_of3A_365] : memref<172032xi32, #tpu.memory_space<hbm>> -> memref<128xi32, #tpu.memory_space<hbm>>
          tpu.wait_dma2 semaphore(%run_scoped3A : memref<!tpu.dma_semaphore, #tpu.memory_space<semaphore_mem>>) src(%dma_wait3A_405 : memref<128xi32, #tpu.memory_space<hbm>>) dst(%arg13 : memref<128xi32, #tpu.memory_space<vmem>>)
          tpu.yield
        }) : () -> ()
        %ge3A_366 = arith.constant 4 : i32
        %ge3A_367 = arith.cmpi sge, %select_n3A_170, %ge3A_366 : i32
        %sub3A_368 = arith.constant 1 : i32
        %sub3A_369 = arith.subi %select_n3A_170, %sub3A_368 : i32
        %select_n3A_370 = arith.select %ge3A_367, %sub3A_369, %select_n3A_170 : i32
        %mul3A_371 = arith.constant 24576 : i32
        %mul3A_372 = arith.muli %select_n3A_370, %mul3A_371 : i32
        %add3A_373 = arith.addi %mul3A_372, %add3A_361 : i32
        %jit3A_374 = arith.constant 8 : i32
        %div3A_375 = arith.divsi %add3A_373, %jit3A_374 : i32
        %sign3A_376 = arith.constant 0 : i32
        %sign3A_377 = arith.cmpi sgt, %add3A_373, %sign3A_376 : i32
        %sign3A_378 = arith.extui %sign3A_377 : i1 to i32
        %sign3A_379 = arith.constant 0 : i32
        %sign3A_380 = arith.cmpi slt, %add3A_373, %sign3A_379 : i32
        %sign3A_381 = arith.extui %sign3A_380 : i1 to i32
        %sign3A_382 = arith.subi %sign3A_378, %sign3A_381 : i32
        %sign3A_383 = arith.constant 0 : i32
        %sign3A_384 = arith.cmpi sgt, %jit3A_374, %sign3A_383 : i32
        %sign3A_385 = arith.extui %sign3A_384 : i1 to i32
        %sign3A_386 = arith.constant 0 : i32
        %sign3A_387 = arith.cmpi slt, %jit3A_374, %sign3A_386 : i32
        %sign3A_388 = arith.extui %sign3A_387 : i1 to i32
        %sign3A_389 = arith.subi %sign3A_385, %sign3A_388 : i32
        %ne3A_390 = arith.cmpi ne, %sign3A_382, %sign3A_389 : i32
        %rem3A_391 = arith.remsi %add3A_373, %jit3A_374 : i32
        %ne3A_392 = arith.constant 0 : i32
        %ne3A_393 = arith.cmpi ne, %rem3A_391, %ne3A_392 : i32
        %and3A_394 = arith.andi %ne3A_390, %ne3A_393 : i1
        %sub3A_395 = arith.constant 1 : i32
        %sub3A_396 = arith.subi %div3A_375, %sub3A_395 : i32
        %select_n3A_397 = arith.select %and3A_394, %sub3A_396, %div3A_375 : i32
        %multiple_of3A_398 = tpu.assume_multiple %select_n3A_397, 16 : i32
        "tpu.region"() ({
          %run_scoped3A = tpu.sem_alloc : memref<!tpu.dma_semaphore, #tpu.memory_space<semaphore_mem>>
          %dma_start3A_402 = arith.constant 0 : i32
          %dma_start3A_403 = tpu.memref_slice %arg6[%multiple_of3A_398, %dma_start3A_402] : memref<18432x128xf32, #tpu.memory_space<hbm>> -> memref<16x128xf32, #tpu.memory_space<hbm>>
          %dma_start3A_404 = arith.constant 0 : i32
          %dma_start3A_405 = tpu.memref_slice %arg6[%multiple_of3A_398, %dma_start3A_404] : memref<18432x128xf32, #tpu.memory_space<hbm>> -> memref<16x128xf32, #tpu.memory_space<hbm>>
          tpu.enqueue_dma source(%dma_start3A_405 : memref<16x128xf32, #tpu.memory_space<hbm>>) target(%arg17 : memref<16x128xf32, #tpu.memory_space<vmem>>) target_semaphore(%run_scoped3A : memref<!tpu.dma_semaphore, #tpu.memory_space<semaphore_mem>>)
          %dma_wait3A_406 = arith.constant 0 : i32
          %dma_wait3A_407 = tpu.memref_slice %arg6[%multiple_of3A_398, %dma_wait3A_406] : memref<18432x128xf32, #tpu.memory_space<hbm>> -> memref<16x128xf32, #tpu.memory_space<hbm>>
          %dma_wait3A_408 = arith.constant 0 : i32
          %dma_wait3A_409 = tpu.memref_slice %arg6[%multiple_of3A_398, %dma_wait3A_408] : memref<18432x128xf32, #tpu.memory_space<hbm>> -> memref<16x128xf32, #tpu.memory_space<hbm>>
          tpu.wait_dma2 semaphore(%run_scoped3A : memref<!tpu.dma_semaphore, #tpu.memory_space<semaphore_mem>>) src(%dma_wait3A_409 : memref<16x128xf32, #tpu.memory_space<hbm>>) dst(%arg17 : memref<16x128xf32, #tpu.memory_space<vmem>>)
          tpu.yield
        }) : () -> ()
        %dma_start3A_399 = arith.constant 0 : i32
        %dma_start3A_400 = arith.constant 0 : i32
        %dma_start3A_401 = tpu.memref_slice %arg24[%dma_start3A_399, %dma_start3A_400] : memref<10240x128xbf16, #tpu.memory_space<vmem_shared>> -> memref<10240x128xbf16, #tpu.memory_space<vmem_shared>>
        tpu.enqueue_indirect_dma source(%dma_start3A_401 : memref<10240x128xbf16, #tpu.memory_space<vmem_shared>>) target(%arg19 : memref<128x128xbf16, #tpu.memory_space<vmem>>) offsets(%arg11 : memref<128xi32, #tpu.memory_space<vmem>>) semaphore(%arg28 : memref<!tpu.dma_semaphore, #tpu.memory_space<semaphore_mem>>)
      } else {
      }
      %dma_wait3A_255 = arith.constant 0 : i32
      %dma_wait3A_256 = arith.constant 0 : i32
      %dma_wait3A_257 = tpu.memref_slice %arg24[%dma_wait3A_255, %dma_wait3A_256] : memref<10240x128xbf16, #tpu.memory_space<vmem_shared>> -> memref<10240x128xbf16, #tpu.memory_space<vmem_shared>>
      tpu.wait_indirect_dma semaphore(%arg27 : memref<!tpu.dma_semaphore, #tpu.memory_space<semaphore_mem>>) src(%dma_wait3A_257 : memref<10240x128xbf16, #tpu.memory_space<vmem_shared>>) dst(%arg18 : memref<128x128xbf16, #tpu.memory_space<vmem>>)
      %ge3A_258 = arith.constant 1 : i32
      %ge3A_259 = arith.cmpi sge, %mul3A_247, %ge3A_258 : i32
      %convert_element_type3A_260 = arith.extui %ge3A_259 : i1 to i32
      %cond3A_261 = arith.constant 0 : i32
      %cond3A_262 = arith.cmpi ne, %convert_element_type3A_260, %cond3A_261 : i32
      scf.if %cond3A_262 {
        %dma_wait3A_355 = arith.constant 0 : i32
        %dma_wait3A_356 = arith.constant 0 : i32
        %dma_wait3A_357 = tpu.memref_slice %arg26[%dma_wait3A_355, %dma_wait3A_356] : memref<10240x16xf32, #tpu.memory_space<vmem_shared>> -> memref<10240x16xf32, #tpu.memory_space<vmem_shared>>
        tpu.wait_indirect_dma semaphore(%arg30 : memref<!tpu.dma_semaphore, #tpu.memory_space<semaphore_mem>>) src(%arg23 : memref<128x16xf32, #tpu.memory_space<vmem>>) dst(%dma_wait3A_357 : memref<10240x16xf32, #tpu.memory_space<vmem_shared>>)
      } else {
      }
      %parallel_loop3A = arith.constant 0 : i32
      %parallel_loop3A_263 = arith.constant 128 : i32
      %parallel_loop3A_264 = arith.constant 1 : i32
      scf.for %parallel_loop3A_355 = %parallel_loop3A to %parallel_loop3A_263 step %parallel_loop3A_264  : i32 {
        %parallel_loop3A_356 = arith.constant 3 : i32
        %parallel_loop3A_357 = arith.shrsi %parallel_loop3A_355, %parallel_loop3A_356 : i32
        %parallel_loop3A_358 = arith.constant 7 : i32
        %parallel_loop3A_359 = arith.andi %parallel_loop3A_355, %parallel_loop3A_358 : i32
        %parallel_loop3A_360 = arith.constant 16 : i32
        %parallel_loop3A_361 = arith.muli %parallel_loop3A_359, %parallel_loop3A_360 : i32
        %parallel_loop3A_362 = arith.index_cast %parallel_loop3A_357 : i32 to index
        %parallel_loop3A_363 = arith.index_cast %parallel_loop3A_361 : i32 to index
        %parallel_loop3A_364 = tpu.vector_load %arg16[%parallel_loop3A_362, %parallel_loop3A_363] {strides = array<i32>} : memref<16x128xf32, #tpu.memory_space<vmem>>, vector<16xf32>,
        %parallel_loop3A_365 = arith.index_cast %parallel_loop3A_355 : i32 to index
        %parallel_loop3A_366 = arith.constant 0 : index
        %parallel_loop3A_367 = tpu.vector_load %arg18[%parallel_loop3A_365, %parallel_loop3A_366] {strides = array<i32>} : memref<128x128xbf16, #tpu.memory_space<vmem>>, vector<32xbf16>,
        %parallel_loop3A_368 = tpu.unpack_subelements %parallel_loop3A_367, 0 {pack_format = #tpu.pack_format<interleaved>} : vector<32xbf16> -> vector<16xf32>
        %parallel_loop3A_369 = tpu.unpack_subelements %parallel_loop3A_367, 1 {pack_format = #tpu.pack_format<interleaved>} : vector<32xbf16> -> vector<16xf32>
        %parallel_loop3A_370 = arith.constant 0 : i32
        %parallel_loop3A_371 = arith.constant 1 : i32
        %parallel_loop3A_372 = vector.broadcast %parallel_loop3A_370 : i32 to vector<16xi32>
        %parallel_loop3A_373 = vector.broadcast %parallel_loop3A_371 : i32 to vector<16xi32>
        %parallel_loop3A_374 = arith.select %lt3A_1, %parallel_loop3A_372, %parallel_loop3A_373 : vector<16xi1>, vector<16xi32>
        %parallel_loop3A_375 = vector.shape_cast %parallel_loop3A_374 : vector<16xi32> to vector<16x1xi32>
        %parallel_loop3A_376 = vector.shape_cast %parallel_loop3A_375 : vector<16x1xi32> to vector<16xi32>
        %parallel_loop3A_377 = tpu.dynamic_gather %parallel_loop3A_364[%parallel_loop3A_376] in [0] : vector<16xf32>, vector<16xi32> -> vector<16xf32>
        %parallel_loop3A_378 = arith.constant 2 : i32
        %parallel_loop3A_379 = arith.constant 3 : i32
        %parallel_loop3A_380 = vector.broadcast %parallel_loop3A_378 : i32 to vector<16xi32>
        %parallel_loop3A_381 = vector.broadcast %parallel_loop3A_379 : i32 to vector<16xi32>
        %parallel_loop3A_382 = arith.select %lt3A_1, %parallel_loop3A_380, %parallel_loop3A_381 : vector<16xi1>, vector<16xi32>
        %parallel_loop3A_383 = vector.shape_cast %parallel_loop3A_382 : vector<16xi32> to vector<16x1xi32>
        %parallel_loop3A_384 = vector.shape_cast %parallel_loop3A_383 : vector<16x1xi32> to vector<16xi32>
        %parallel_loop3A_385 = tpu.dynamic_gather %parallel_loop3A_364[%parallel_loop3A_384] in [0] : vector<16xf32>, vector<16xi32> -> vector<16xf32>
        %parallel_loop3A_386 = arith.mulf %parallel_loop3A_377, %parallel_loop3A_368 : vector<16xf32>
        %parallel_loop3A_387 = arith.addf %broadcast_in_dim3A_10, %parallel_loop3A_386 : vector<16xf32>
        %parallel_loop3A_388 = arith.mulf %parallel_loop3A_385, %parallel_loop3A_369 : vector<16xf32>
        %parallel_loop3A_389 = arith.addf %parallel_loop3A_387, %parallel_loop3A_388 : vector<16xf32>
        %parallel_loop3A_390 = arith.index_cast %parallel_loop3A_355 : i32 to index
        %parallel_loop3A_391 = arith.constant 32 : index
        %parallel_loop3A_392 = tpu.vector_load %arg18[%parallel_loop3A_390, %parallel_loop3A_391] {strides = array<i32>} : memref<128x128xbf16, #tpu.memory_space<vmem>>, vector<32xbf16>,
        %parallel_loop3A_393 = tpu.unpack_subelements %parallel_loop3A_392, 0 {pack_format = #tpu.pack_format<interleaved>} : vector<32xbf16> -> vector<16xf32>
        %parallel_loop3A_394 = tpu.unpack_subelements %parallel_loop3A_392, 1 {pack_format = #tpu.pack_format<interleaved>} : vector<32xbf16> -> vector<16xf32>
        %parallel_loop3A_395 = arith.constant 4 : i32
        %parallel_loop3A_396 = arith.constant 5 : i32
        %parallel_loop3A_397 = vector.broadcast %parallel_loop3A_395 : i32 to vector<16xi32>
        %parallel_loop3A_398 = vector.broadcast %parallel_loop3A_396 : i32 to vector<16xi32>
        %parallel_loop3A_399 = arith.select %lt3A_1, %parallel_loop3A_397, %parallel_loop3A_398 : vector<16xi1>, vector<16xi32>
        %parallel_loop3A_400 = vector.shape_cast %parallel_loop3A_399 : vector<16xi32> to vector<16x1xi32>
        %parallel_loop3A_401 = vector.shape_cast %parallel_loop3A_400 : vector<16x1xi32> to vector<16xi32>
        %parallel_loop3A_402 = tpu.dynamic_gather %parallel_loop3A_364[%parallel_loop3A_401] in [0] : vector<16xf32>, vector<16xi32> -> vector<16xf32>
        %parallel_loop3A_403 = arith.constant 6 : i32
        %parallel_loop3A_404 = arith.constant 7 : i32
        %parallel_loop3A_405 = vector.broadcast %parallel_loop3A_403 : i32 to vector<16xi32>
        %parallel_loop3A_406 = vector.broadcast %parallel_loop3A_404 : i32 to vector<16xi32>
        %parallel_loop3A_407 = arith.select %lt3A_1, %parallel_loop3A_405, %parallel_loop3A_406 : vector<16xi1>, vector<16xi32>
        %parallel_loop3A_408 = vector.shape_cast %parallel_loop3A_407 : vector<16xi32> to vector<16x1xi32>
        %parallel_loop3A_409 = vector.shape_cast %parallel_loop3A_408 : vector<16x1xi32> to vector<16xi32>
        %parallel_loop3A_410 = tpu.dynamic_gather %parallel_loop3A_364[%parallel_loop3A_409] in [0] : vector<16xf32>, vector<16xi32> -> vector<16xf32>
        %parallel_loop3A_411 = arith.mulf %parallel_loop3A_402, %parallel_loop3A_393 : vector<16xf32>
        %parallel_loop3A_412 = arith.addf %parallel_loop3A_389, %parallel_loop3A_411 : vector<16xf32>
        %parallel_loop3A_413 = arith.mulf %parallel_loop3A_410, %parallel_loop3A_394 : vector<16xf32>
        %parallel_loop3A_414 = arith.addf %parallel_loop3A_412, %parallel_loop3A_413 : vector<16xf32>
        %parallel_loop3A_415 = arith.index_cast %parallel_loop3A_355 : i32 to index
        %parallel_loop3A_416 = arith.constant 64 : index
        %parallel_loop3A_417 = tpu.vector_load %arg18[%parallel_loop3A_415, %parallel_loop3A_416] {strides = array<i32>} : memref<128x128xbf16, #tpu.memory_space<vmem>>, vector<32xbf16>,
        %parallel_loop3A_418 = tpu.unpack_subelements %parallel_loop3A_417, 0 {pack_format = #tpu.pack_format<interleaved>} : vector<32xbf16> -> vector<16xf32>
        %parallel_loop3A_419 = tpu.unpack_subelements %parallel_loop3A_417, 1 {pack_format = #tpu.pack_format<interleaved>} : vector<32xbf16> -> vector<16xf32>
        %parallel_loop3A_420 = arith.constant 8 : i32
        %parallel_loop3A_421 = arith.constant 9 : i32
        %parallel_loop3A_422 = vector.broadcast %parallel_loop3A_420 : i32 to vector<16xi32>
        %parallel_loop3A_423 = vector.broadcast %parallel_loop3A_421 : i32 to vector<16xi32>
        %parallel_loop3A_424 = arith.select %lt3A_1, %parallel_loop3A_422, %parallel_loop3A_423 : vector<16xi1>, vector<16xi32>
        %parallel_loop3A_425 = vector.shape_cast %parallel_loop3A_424 : vector<16xi32> to vector<16x1xi32>
        %parallel_loop3A_426 = vector.shape_cast %parallel_loop3A_425 : vector<16x1xi32> to vector<16xi32>
        %parallel_loop3A_427 = tpu.dynamic_gather %parallel_loop3A_364[%parallel_loop3A_426] in [0] : vector<16xf32>, vector<16xi32> -> vector<16xf32>
        %parallel_loop3A_428 = arith.constant 10 : i32
        %parallel_loop3A_429 = arith.constant 11 : i32
        %parallel_loop3A_430 = vector.broadcast %parallel_loop3A_428 : i32 to vector<16xi32>
        %parallel_loop3A_431 = vector.broadcast %parallel_loop3A_429 : i32 to vector<16xi32>
        %parallel_loop3A_432 = arith.select %lt3A_1, %parallel_loop3A_430, %parallel_loop3A_431 : vector<16xi1>, vector<16xi32>
        %parallel_loop3A_433 = vector.shape_cast %parallel_loop3A_432 : vector<16xi32> to vector<16x1xi32>
        %parallel_loop3A_434 = vector.shape_cast %parallel_loop3A_433 : vector<16x1xi32> to vector<16xi32>
        %parallel_loop3A_435 = tpu.dynamic_gather %parallel_loop3A_364[%parallel_loop3A_434] in [0] : vector<16xf32>, vector<16xi32> -> vector<16xf32>
        %parallel_loop3A_436 = arith.mulf %parallel_loop3A_427, %parallel_loop3A_418 : vector<16xf32>
        %parallel_loop3A_437 = arith.addf %parallel_loop3A_414, %parallel_loop3A_436 : vector<16xf32>
        %parallel_loop3A_438 = arith.mulf %parallel_loop3A_435, %parallel_loop3A_419 : vector<16xf32>
        %parallel_loop3A_439 = arith.addf %parallel_loop3A_437, %parallel_loop3A_438 : vector<16xf32>
        %parallel_loop3A_440 = arith.index_cast %parallel_loop3A_355 : i32 to index
        %parallel_loop3A_441 = arith.constant 96 : index
        %parallel_loop3A_442 = tpu.vector_load %arg18[%parallel_loop3A_440, %parallel_loop3A_441] {strides = array<i32>} : memref<128x128xbf16, #tpu.memory_space<vmem>>, vector<32xbf16>,
        %parallel_loop3A_443 = tpu.unpack_subelements %parallel_loop3A_442, 0 {pack_format = #tpu.pack_format<interleaved>} : vector<32xbf16> -> vector<16xf32>
        %parallel_loop3A_444 = tpu.unpack_subelements %parallel_loop3A_442, 1 {pack_format = #tpu.pack_format<interleaved>} : vector<32xbf16> -> vector<16xf32>
        %parallel_loop3A_445 = arith.constant 12 : i32
        %parallel_loop3A_446 = arith.constant 13 : i32
        %parallel_loop3A_447 = vector.broadcast %parallel_loop3A_445 : i32 to vector<16xi32>
        %parallel_loop3A_448 = vector.broadcast %parallel_loop3A_446 : i32 to vector<16xi32>
        %parallel_loop3A_449 = arith.select %lt3A_1, %parallel_loop3A_447, %parallel_loop3A_448 : vector<16xi1>, vector<16xi32>
        %parallel_loop3A_450 = vector.shape_cast %parallel_loop3A_449 : vector<16xi32> to vector<16x1xi32>
        %parallel_loop3A_451 = vector.shape_cast %parallel_loop3A_450 : vector<16x1xi32> to vector<16xi32>
        %parallel_loop3A_452 = tpu.dynamic_gather %parallel_loop3A_364[%parallel_loop3A_451] in [0] : vector<16xf32>, vector<16xi32> -> vector<16xf32>
        %parallel_loop3A_453 = arith.constant 14 : i32
        %parallel_loop3A_454 = arith.constant 15 : i32
        %parallel_loop3A_455 = vector.broadcast %parallel_loop3A_453 : i32 to vector<16xi32>
        %parallel_loop3A_456 = vector.broadcast %parallel_loop3A_454 : i32 to vector<16xi32>
        %parallel_loop3A_457 = arith.select %lt3A_1, %parallel_loop3A_455, %parallel_loop3A_456 : vector<16xi1>, vector<16xi32>
        %parallel_loop3A_458 = vector.shape_cast %parallel_loop3A_457 : vector<16xi32> to vector<16x1xi32>
        %parallel_loop3A_459 = vector.shape_cast %parallel_loop3A_458 : vector<16x1xi32> to vector<16xi32>
        %parallel_loop3A_460 = tpu.dynamic_gather %parallel_loop3A_364[%parallel_loop3A_459] in [0] : vector<16xf32>, vector<16xi32> -> vector<16xf32>
        %parallel_loop3A_461 = arith.mulf %parallel_loop3A_452, %parallel_loop3A_443 : vector<16xf32>
        %parallel_loop3A_462 = arith.addf %parallel_loop3A_439, %parallel_loop3A_461 : vector<16xf32>
        %parallel_loop3A_463 = arith.mulf %parallel_loop3A_460, %parallel_loop3A_444 : vector<16xf32>
        %parallel_loop3A_464 = arith.addf %parallel_loop3A_462, %parallel_loop3A_463 : vector<16xf32>
        %parallel_loop3A_465 = vector.shape_cast %and3A_5 : vector<16xi32> to vector<16x1xi32>
        %parallel_loop3A_466 = vector.shape_cast %parallel_loop3A_465 : vector<16x1xi32> to vector<16xi32>
        %parallel_loop3A_467 = tpu.dynamic_gather %parallel_loop3A_464[%parallel_loop3A_466] in [0] : vector<16xf32>, vector<16xi32> -> vector<16xf32>
        %parallel_loop3A_468 = arith.addf %parallel_loop3A_464, %parallel_loop3A_467 : vector<16xf32>
        %parallel_loop3A_469 = arith.index_cast %parallel_loop3A_355 : i32 to index
        %parallel_loop3A_470 = arith.constant 0 : index
        %parallel_loop3A_471 = tpu.vector_load %arg22[%parallel_loop3A_469, %parallel_loop3A_470] {strides = array<i32>} : memref<128x16xf32, #tpu.memory_space<vmem>>, vector<16xf32>,
        tpu.vector_store %arg22[%parallel_loop3A_469, %parallel_loop3A_470], %parallel_loop3A_468 {strides = array<i32>} : memref<128x16xf32, #tpu.memory_space<vmem>>, vector<16xf32>,
      } {sc.loop_unroll_factor = 4 : i64, sc.parallel_access}
      %get3A = arith.constant 0 : index
      %get3A_265 = tpu.vector_load %arg12[%get3A] {strides = array<i32>} : memref<128xi32, #tpu.memory_space<vmem>>, vector<16xi32>,
      %swap3A = arith.constant 0 : index
      %swap3A_266 = tpu.vector_load %arg14[%swap3A] {strides = array<i32>} : memref<128xi32, #tpu.memory_space<vmem>>, vector<16xi32>,
      tpu.vector_store %arg14[%swap3A], %get3A_265 {strides = array<i32>} : memref<128xi32, #tpu.memory_space<vmem>>, vector<16xi32>,
      %get3A_267 = arith.constant 16 : index
      %get3A_268 = tpu.vector_load %arg12[%get3A_267] {strides = array<i32>} : memref<128xi32, #tpu.memory_space<vmem>>, vector<16xi32>,
      %swap3A_269 = arith.constant 16 : index
      %swap3A_270 = tpu.vector_load %arg14[%swap3A_269] {strides = array<i32>} : memref<128xi32, #tpu.memory_space<vmem>>, vector<16xi32>,
      tpu.vector_store %arg14[%swap3A_269], %get3A_268 {strides = array<i32>} : memref<128xi32, #tpu.memory_space<vmem>>, vector<16xi32>,
      %get3A_271 = arith.constant 32 : index
      %get3A_272 = tpu.vector_load %arg12[%get3A_271] {strides = array<i32>} : memref<128xi32, #tpu.memory_space<vmem>>, vector<16xi32>,
      %swap3A_273 = arith.constant 32 : index
      %swap3A_274 = tpu.vector_load %arg14[%swap3A_273] {strides = array<i32>} : memref<128xi32, #tpu.memory_space<vmem>>, vector<16xi32>,
      tpu.vector_store %arg14[%swap3A_273], %get3A_272 {strides = array<i32>} : memref<128xi32, #tpu.memory_space<vmem>>, vector<16xi32>,
      %get3A_275 = arith.constant 48 : index
      %get3A_276 = tpu.vector_load %arg12[%get3A_275] {strides = array<i32>} : memref<128xi32, #tpu.memory_space<vmem>>, vector<16xi32>,
      %swap3A_277 = arith.constant 48 : index
      %swap3A_278 = tpu.vector_load %arg14[%swap3A_277] {strides = array<i32>} : memref<128xi32, #tpu.memory_space<vmem>>, vector<16xi32>,
      tpu.vector_store %arg14[%swap3A_277], %get3A_276 {strides = array<i32>} : memref<128xi32, #tpu.memory_space<vmem>>, vector<16xi32>,
      %get3A_279 = arith.constant 64 : index
      %get3A_280 = tpu.vector_load %arg12[%get3A_279] {strides = array<i32>} : memref<128xi32, #tpu.memory_space<vmem>>, vector<16xi32>,
      %swap3A_281 = arith.constant 64 : index
      %swap3A_282 = tpu.vector_load %arg14[%swap3A_281] {strides = array<i32>} : memref<128xi32, #tpu.memory_space<vmem>>, vector<16xi32>,
      tpu.vector_store %arg14[%swap3A_281], %get3A_280 {strides = array<i32>} : memref<128xi32, #tpu.memory_space<vmem>>, vector<16xi32>,
      %get3A_283 = arith.constant 80 : index
      %get3A_284 = tpu.vector_load %arg12[%get3A_283] {strides = array<i32>} : memref<128xi32, #tpu.memory_space<vmem>>, vector<16xi32>,
      %swap3A_285 = arith.constant 80 : index
      %swap3A_286 = tpu.vector_load %arg14[%swap3A_285] {strides = array<i32>} : memref<128xi32, #tpu.memory_space<vmem>>, vector<16xi32>,
      tpu.vector_store %arg14[%swap3A_285], %get3A_284 {strides = array<i32>} : memref<128xi32, #tpu.memory_space<vmem>>, vector<16xi32>,
      %get3A_287 = arith.constant 96 : index
      %get3A_288 = tpu.vector_load %arg12[%get3A_287] {strides = array<i32>} : memref<128xi32, #tpu.memory_space<vmem>>, vector<16xi32>,
      %swap3A_289 = arith.constant 96 : index
      %swap3A_290 = tpu.vector_load %arg14[%swap3A_289] {strides = array<i32>} : memref<128xi32, #tpu.memory_space<vmem>>, vector<16xi32>,
      tpu.vector_store %arg14[%swap3A_289], %get3A_288 {strides = array<i32>} : memref<128xi32, #tpu.memory_space<vmem>>, vector<16xi32>,
      %get3A_291 = arith.constant 112 : index
      %get3A_292 = tpu.vector_load %arg12[%get3A_291] {strides = array<i32>} : memref<128xi32, #tpu.memory_space<vmem>>, vector<16xi32>,
      %swap3A_293 = arith.constant 112 : index
      %swap3A_294 = tpu.vector_load %arg14[%swap3A_293] {strides = array<i32>} : memref<128xi32, #tpu.memory_space<vmem>>, vector<16xi32>,
      tpu.vector_store %arg14[%swap3A_293], %get3A_292 {strides = array<i32>} : memref<128xi32, #tpu.memory_space<vmem>>, vector<16xi32>,
      %dma_start3A_295 = arith.constant 0 : i32
      %dma_start3A_296 = arith.constant 0 : i32
      %dma_start3A_297 = tpu.memref_slice %arg26[%dma_start3A_295, %dma_start3A_296] : memref<10240x16xf32, #tpu.memory_space<vmem_shared>> -> memref<10240x16xf32, #tpu.memory_space<vmem_shared>>
      tpu.enqueue_indirect_dma source(%arg22 : memref<128x16xf32, #tpu.memory_space<vmem>>) target(%dma_start3A_297 : memref<10240x16xf32, #tpu.memory_space<vmem_shared>>) offsets(%arg14 : memref<128xi32, #tpu.memory_space<vmem>>) semaphore(%arg29 : memref<!tpu.dma_semaphore, #tpu.memory_space<semaphore_mem>>) {add = true}
      %mul3A_298 = arith.constant 2 : i32
      %mul3A_299 = arith.muli %mul3A_298, %scan3A_245 : i32
      %add3A_300 = arith.constant 1 : i32
      %add3A_301 = arith.addi %mul3A_299, %add3A_300 : i32
      %add3A_302 = arith.constant 1 : i32
      %add3A_303 = arith.addi %add3A_301, %add3A_302 : i32
      %lt3A_304 = arith.constant 12 : i32
      %lt3A_305 = arith.cmpi slt, %add3A_303, %lt3A_304 : i32
      %convert_element_type3A_306 = arith.extui %lt3A_305 : i1 to i32
      %cond3A_307 = arith.constant 0 : i32
      %cond3A_308 = arith.cmpi ne, %convert_element_type3A_306, %cond3A_307 : i32
      scf.if %cond3A_308 {
        %add3A_355 = arith.constant 1 : i32
        %add3A_356 = arith.addi %add3A_301, %add3A_355 : i32
        %mul3A_357 = arith.constant 1536 : i32
        %mul3A_358 = arith.muli %arg1, %mul3A_357 : i32
        %mul3A_359 = arith.constant 128 : i32
        %mul3A_360 = arith.muli %add3A_356, %mul3A_359 : i32
        %add3A_361 = arith.addi %mul3A_358, %mul3A_360 : i32
        %mul3A_362 = arith.constant 24576 : i32
        %mul3A_363 = arith.muli %select_n3A_170, %mul3A_362 : i32
        %add3A_364 = arith.addi %mul3A_363, %add3A_361 : i32
        %multiple_of3A_365 = tpu.assume_multiple %add3A_364, 128 : i32
        "tpu.region"() ({
          %run_scoped3A = tpu.sem_alloc : memref<!tpu.dma_semaphore, #tpu.memory_space<semaphore_mem>>
          %dma_start3A_402 = tpu.memref_slice %arg4[%multiple_of3A_365] : memref<172032xi32, #tpu.memory_space<hbm>> -> memref<128xi32, #tpu.memory_space<hbm>>
          %dma_start3A_403 = tpu.memref_slice %arg4[%multiple_of3A_365] : memref<172032xi32, #tpu.memory_space<hbm>> -> memref<128xi32, #tpu.memory_space<hbm>>
          tpu.enqueue_dma source(%dma_start3A_403 : memref<128xi32, #tpu.memory_space<hbm>>) target(%arg10 : memref<128xi32, #tpu.memory_space<vmem>>) target_semaphore(%run_scoped3A : memref<!tpu.dma_semaphore, #tpu.memory_space<semaphore_mem>>)
          %dma_wait3A_404 = tpu.memref_slice %arg4[%multiple_of3A_365] : memref<172032xi32, #tpu.memory_space<hbm>> -> memref<128xi32, #tpu.memory_space<hbm>>
          %dma_wait3A_405 = tpu.memref_slice %arg4[%multiple_of3A_365] : memref<172032xi32, #tpu.memory_space<hbm>> -> memref<128xi32, #tpu.memory_space<hbm>>
          tpu.wait_dma2 semaphore(%run_scoped3A : memref<!tpu.dma_semaphore, #tpu.memory_space<semaphore_mem>>) src(%dma_wait3A_405 : memref<128xi32, #tpu.memory_space<hbm>>) dst(%arg10 : memref<128xi32, #tpu.memory_space<vmem>>)
          tpu.yield
        }) : () -> ()
        "tpu.region"() ({
          %run_scoped3A = tpu.sem_alloc : memref<!tpu.dma_semaphore, #tpu.memory_space<semaphore_mem>>
          %dma_start3A_402 = tpu.memref_slice %arg5[%multiple_of3A_365] : memref<172032xi32, #tpu.memory_space<hbm>> -> memref<128xi32, #tpu.memory_space<hbm>>
          %dma_start3A_403 = tpu.memref_slice %arg5[%multiple_of3A_365] : memref<172032xi32, #tpu.memory_space<hbm>> -> memref<128xi32, #tpu.memory_space<hbm>>
          tpu.enqueue_dma source(%dma_start3A_403 : memref<128xi32, #tpu.memory_space<hbm>>) target(%arg12 : memref<128xi32, #tpu.memory_space<vmem>>) target_semaphore(%run_scoped3A : memref<!tpu.dma_semaphore, #tpu.memory_space<semaphore_mem>>)
          %dma_wait3A_404 = tpu.memref_slice %arg5[%multiple_of3A_365] : memref<172032xi32, #tpu.memory_space<hbm>> -> memref<128xi32, #tpu.memory_space<hbm>>
          %dma_wait3A_405 = tpu.memref_slice %arg5[%multiple_of3A_365] : memref<172032xi32, #tpu.memory_space<hbm>> -> memref<128xi32, #tpu.memory_space<hbm>>
          tpu.wait_dma2 semaphore(%run_scoped3A : memref<!tpu.dma_semaphore, #tpu.memory_space<semaphore_mem>>) src(%dma_wait3A_405 : memref<128xi32, #tpu.memory_space<hbm>>) dst(%arg12 : memref<128xi32, #tpu.memory_space<vmem>>)
          tpu.yield
        }) : () -> ()
        %ge3A_366 = arith.constant 4 : i32
        %ge3A_367 = arith.cmpi sge, %select_n3A_170, %ge3A_366 : i32
        %sub3A_368 = arith.constant 1 : i32
        %sub3A_369 = arith.subi %select_n3A_170, %sub3A_368 : i32
        %select_n3A_370 = arith.select %ge3A_367, %sub3A_369, %select_n3A_170 : i32
        %mul3A_371 = arith.constant 24576 : i32
        %mul3A_372 = arith.muli %select_n3A_370, %mul3A_371 : i32
        %add3A_373 = arith.addi %mul3A_372, %add3A_361 : i32
        %jit3A_374 = arith.constant 8 : i32
        %div3A_375 = arith.divsi %add3A_373, %jit3A_374 : i32
        %sign3A_376 = arith.constant 0 : i32
        %sign3A_377 = arith.cmpi sgt, %add3A_373, %sign3A_376 : i32
        %sign3A_378 = arith.extui %sign3A_377 : i1 to i32
        %sign3A_379 = arith.constant 0 : i32
        %sign3A_380 = arith.cmpi slt, %add3A_373, %sign3A_379 : i32
        %sign3A_381 = arith.extui %sign3A_380 : i1 to i32
        %sign3A_382 = arith.subi %sign3A_378, %sign3A_381 : i32
        %sign3A_383 = arith.constant 0 : i32
        %sign3A_384 = arith.cmpi sgt, %jit3A_374, %sign3A_383 : i32
        %sign3A_385 = arith.extui %sign3A_384 : i1 to i32
        %sign3A_386 = arith.constant 0 : i32
        %sign3A_387 = arith.cmpi slt, %jit3A_374, %sign3A_386 : i32
        %sign3A_388 = arith.extui %sign3A_387 : i1 to i32
        %sign3A_389 = arith.subi %sign3A_385, %sign3A_388 : i32
        %ne3A_390 = arith.cmpi ne, %sign3A_382, %sign3A_389 : i32
        %rem3A_391 = arith.remsi %add3A_373, %jit3A_374 : i32
        %ne3A_392 = arith.constant 0 : i32
        %ne3A_393 = arith.cmpi ne, %rem3A_391, %ne3A_392 : i32
        %and3A_394 = arith.andi %ne3A_390, %ne3A_393 : i1
        %sub3A_395 = arith.constant 1 : i32
        %sub3A_396 = arith.subi %div3A_375, %sub3A_395 : i32
        %select_n3A_397 = arith.select %and3A_394, %sub3A_396, %div3A_375 : i32
        %multiple_of3A_398 = tpu.assume_multiple %select_n3A_397, 16 : i32
        "tpu.region"() ({
          %run_scoped3A = tpu.sem_alloc : memref<!tpu.dma_semaphore, #tpu.memory_space<semaphore_mem>>
          %dma_start3A_402 = arith.constant 0 : i32
          %dma_start3A_403 = tpu.memref_slice %arg6[%multiple_of3A_398, %dma_start3A_402] : memref<18432x128xf32, #tpu.memory_space<hbm>> -> memref<16x128xf32, #tpu.memory_space<hbm>>
          %dma_start3A_404 = arith.constant 0 : i32
          %dma_start3A_405 = tpu.memref_slice %arg6[%multiple_of3A_398, %dma_start3A_404] : memref<18432x128xf32, #tpu.memory_space<hbm>> -> memref<16x128xf32, #tpu.memory_space<hbm>>
          tpu.enqueue_dma source(%dma_start3A_405 : memref<16x128xf32, #tpu.memory_space<hbm>>) target(%arg16 : memref<16x128xf32, #tpu.memory_space<vmem>>) target_semaphore(%run_scoped3A : memref<!tpu.dma_semaphore, #tpu.memory_space<semaphore_mem>>)
          %dma_wait3A_406 = arith.constant 0 : i32
          %dma_wait3A_407 = tpu.memref_slice %arg6[%multiple_of3A_398, %dma_wait3A_406] : memref<18432x128xf32, #tpu.memory_space<hbm>> -> memref<16x128xf32, #tpu.memory_space<hbm>>
          %dma_wait3A_408 = arith.constant 0 : i32
          %dma_wait3A_409 = tpu.memref_slice %arg6[%multiple_of3A_398, %dma_wait3A_408] : memref<18432x128xf32, #tpu.memory_space<hbm>> -> memref<16x128xf32, #tpu.memory_space<hbm>>
          tpu.wait_dma2 semaphore(%run_scoped3A : memref<!tpu.dma_semaphore, #tpu.memory_space<semaphore_mem>>) src(%dma_wait3A_409 : memref<16x128xf32, #tpu.memory_space<hbm>>) dst(%arg16 : memref<16x128xf32, #tpu.memory_space<vmem>>)
          tpu.yield
        }) : () -> ()
        %dma_start3A_399 = arith.constant 0 : i32
        %dma_start3A_400 = arith.constant 0 : i32
        %dma_start3A_401 = tpu.memref_slice %arg24[%dma_start3A_399, %dma_start3A_400] : memref<10240x128xbf16, #tpu.memory_space<vmem_shared>> -> memref<10240x128xbf16, #tpu.memory_space<vmem_shared>>
        tpu.enqueue_indirect_dma source(%dma_start3A_401 : memref<10240x128xbf16, #tpu.memory_space<vmem_shared>>) target(%arg18 : memref<128x128xbf16, #tpu.memory_space<vmem>>) offsets(%arg10 : memref<128xi32, #tpu.memory_space<vmem>>) semaphore(%arg27 : memref<!tpu.dma_semaphore, #tpu.memory_space<semaphore_mem>>)
      } else {
      }
      %dma_wait3A_309 = arith.constant 0 : i32
      %dma_wait3A_310 = arith.constant 0 : i32
      %dma_wait3A_311 = tpu.memref_slice %arg24[%dma_wait3A_309, %dma_wait3A_310] : memref<10240x128xbf16, #tpu.memory_space<vmem_shared>> -> memref<10240x128xbf16, #tpu.memory_space<vmem_shared>>
      tpu.wait_indirect_dma semaphore(%arg28 : memref<!tpu.dma_semaphore, #tpu.memory_space<semaphore_mem>>) src(%dma_wait3A_311 : memref<10240x128xbf16, #tpu.memory_space<vmem_shared>>) dst(%arg19 : memref<128x128xbf16, #tpu.memory_space<vmem>>)
      %ge3A_312 = arith.constant 1 : i32
      %ge3A_313 = arith.cmpi sge, %add3A_301, %ge3A_312 : i32
      %convert_element_type3A_314 = arith.extui %ge3A_313 : i1 to i32
      %cond3A_315 = arith.constant 0 : i32
      %cond3A_316 = arith.cmpi ne, %convert_element_type3A_314, %cond3A_315 : i32
      scf.if %cond3A_316 {
        %dma_wait3A_355 = arith.constant 0 : i32
        %dma_wait3A_356 = arith.constant 0 : i32
        %dma_wait3A_357 = tpu.memref_slice %arg26[%dma_wait3A_355, %dma_wait3A_356] : memref<10240x16xf32, #tpu.memory_space<vmem_shared>> -> memref<10240x16xf32, #tpu.memory_space<vmem_shared>>
        tpu.wait_indirect_dma semaphore(%arg29 : memref<!tpu.dma_semaphore, #tpu.memory_space<semaphore_mem>>) src(%arg22 : memref<128x16xf32, #tpu.memory_space<vmem>>) dst(%dma_wait3A_357 : memref<10240x16xf32, #tpu.memory_space<vmem_shared>>)
      } else {
      }
      %parallel_loop3A_317 = arith.constant 0 : i32
      %parallel_loop3A_318 = arith.constant 128 : i32
      %parallel_loop3A_319 = arith.constant 1 : i32
      scf.for %parallel_loop3A_355 = %parallel_loop3A_317 to %parallel_loop3A_318 step %parallel_loop3A_319  : i32 {
        %parallel_loop3A_356 = arith.constant 3 : i32
        %parallel_loop3A_357 = arith.shrsi %parallel_loop3A_355, %parallel_loop3A_356 : i32
        %parallel_loop3A_358 = arith.constant 7 : i32
        %parallel_loop3A_359 = arith.andi %parallel_loop3A_355, %parallel_loop3A_358 : i32
        %parallel_loop3A_360 = arith.constant 16 : i32
        %parallel_loop3A_361 = arith.muli %parallel_loop3A_359, %parallel_loop3A_360 : i32
        %parallel_loop3A_362 = arith.index_cast %parallel_loop3A_357 : i32 to index
        %parallel_loop3A_363 = arith.index_cast %parallel_loop3A_361 : i32 to index
        %parallel_loop3A_364 = tpu.vector_load %arg17[%parallel_loop3A_362, %parallel_loop3A_363] {strides = array<i32>} : memref<16x128xf32, #tpu.memory_space<vmem>>, vector<16xf32>,
        %parallel_loop3A_365 = arith.index_cast %parallel_loop3A_355 : i32 to index
        %parallel_loop3A_366 = arith.constant 0 : index
        %parallel_loop3A_367 = tpu.vector_load %arg19[%parallel_loop3A_365, %parallel_loop3A_366] {strides = array<i32>} : memref<128x128xbf16, #tpu.memory_space<vmem>>, vector<32xbf16>,
        %parallel_loop3A_368 = tpu.unpack_subelements %parallel_loop3A_367, 0 {pack_format = #tpu.pack_format<interleaved>} : vector<32xbf16> -> vector<16xf32>
        %parallel_loop3A_369 = tpu.unpack_subelements %parallel_loop3A_367, 1 {pack_format = #tpu.pack_format<interleaved>} : vector<32xbf16> -> vector<16xf32>
        %parallel_loop3A_370 = arith.constant 0 : i32
        %parallel_loop3A_371 = arith.constant 1 : i32
        %parallel_loop3A_372 = vector.broadcast %parallel_loop3A_370 : i32 to vector<16xi32>
        %parallel_loop3A_373 = vector.broadcast %parallel_loop3A_371 : i32 to vector<16xi32>
        %parallel_loop3A_374 = arith.select %lt3A_1, %parallel_loop3A_372, %parallel_loop3A_373 : vector<16xi1>, vector<16xi32>
        %parallel_loop3A_375 = vector.shape_cast %parallel_loop3A_374 : vector<16xi32> to vector<16x1xi32>
        %parallel_loop3A_376 = vector.shape_cast %parallel_loop3A_375 : vector<16x1xi32> to vector<16xi32>
        %parallel_loop3A_377 = tpu.dynamic_gather %parallel_loop3A_364[%parallel_loop3A_376] in [0] : vector<16xf32>, vector<16xi32> -> vector<16xf32>
        %parallel_loop3A_378 = arith.constant 2 : i32
        %parallel_loop3A_379 = arith.constant 3 : i32
        %parallel_loop3A_380 = vector.broadcast %parallel_loop3A_378 : i32 to vector<16xi32>
        %parallel_loop3A_381 = vector.broadcast %parallel_loop3A_379 : i32 to vector<16xi32>
        %parallel_loop3A_382 = arith.select %lt3A_1, %parallel_loop3A_380, %parallel_loop3A_381 : vector<16xi1>, vector<16xi32>
        %parallel_loop3A_383 = vector.shape_cast %parallel_loop3A_382 : vector<16xi32> to vector<16x1xi32>
        %parallel_loop3A_384 = vector.shape_cast %parallel_loop3A_383 : vector<16x1xi32> to vector<16xi32>
        %parallel_loop3A_385 = tpu.dynamic_gather %parallel_loop3A_364[%parallel_loop3A_384] in [0] : vector<16xf32>, vector<16xi32> -> vector<16xf32>
        %parallel_loop3A_386 = arith.mulf %parallel_loop3A_377, %parallel_loop3A_368 : vector<16xf32>
        %parallel_loop3A_387 = arith.addf %broadcast_in_dim3A_10, %parallel_loop3A_386 : vector<16xf32>
        %parallel_loop3A_388 = arith.mulf %parallel_loop3A_385, %parallel_loop3A_369 : vector<16xf32>
        %parallel_loop3A_389 = arith.addf %parallel_loop3A_387, %parallel_loop3A_388 : vector<16xf32>
        %parallel_loop3A_390 = arith.index_cast %parallel_loop3A_355 : i32 to index
        %parallel_loop3A_391 = arith.constant 32 : index
        %parallel_loop3A_392 = tpu.vector_load %arg19[%parallel_loop3A_390, %parallel_loop3A_391] {strides = array<i32>} : memref<128x128xbf16, #tpu.memory_space<vmem>>, vector<32xbf16>,
        %parallel_loop3A_393 = tpu.unpack_subelements %parallel_loop3A_392, 0 {pack_format = #tpu.pack_format<interleaved>} : vector<32xbf16> -> vector<16xf32>
        %parallel_loop3A_394 = tpu.unpack_subelements %parallel_loop3A_392, 1 {pack_format = #tpu.pack_format<interleaved>} : vector<32xbf16> -> vector<16xf32>
        %parallel_loop3A_395 = arith.constant 4 : i32
        %parallel_loop3A_396 = arith.constant 5 : i32
        %parallel_loop3A_397 = vector.broadcast %parallel_loop3A_395 : i32 to vector<16xi32>
        %parallel_loop3A_398 = vector.broadcast %parallel_loop3A_396 : i32 to vector<16xi32>
        %parallel_loop3A_399 = arith.select %lt3A_1, %parallel_loop3A_397, %parallel_loop3A_398 : vector<16xi1>, vector<16xi32>
        %parallel_loop3A_400 = vector.shape_cast %parallel_loop3A_399 : vector<16xi32> to vector<16x1xi32>
        %parallel_loop3A_401 = vector.shape_cast %parallel_loop3A_400 : vector<16x1xi32> to vector<16xi32>
        %parallel_loop3A_402 = tpu.dynamic_gather %parallel_loop3A_364[%parallel_loop3A_401] in [0] : vector<16xf32>, vector<16xi32> -> vector<16xf32>
        %parallel_loop3A_403 = arith.constant 6 : i32
        %parallel_loop3A_404 = arith.constant 7 : i32
        %parallel_loop3A_405 = vector.broadcast %parallel_loop3A_403 : i32 to vector<16xi32>
        %parallel_loop3A_406 = vector.broadcast %parallel_loop3A_404 : i32 to vector<16xi32>
        %parallel_loop3A_407 = arith.select %lt3A_1, %parallel_loop3A_405, %parallel_loop3A_406 : vector<16xi1>, vector<16xi32>
        %parallel_loop3A_408 = vector.shape_cast %parallel_loop3A_407 : vector<16xi32> to vector<16x1xi32>
        %parallel_loop3A_409 = vector.shape_cast %parallel_loop3A_408 : vector<16x1xi32> to vector<16xi32>
        %parallel_loop3A_410 = tpu.dynamic_gather %parallel_loop3A_364[%parallel_loop3A_409] in [0] : vector<16xf32>, vector<16xi32> -> vector<16xf32>
        %parallel_loop3A_411 = arith.mulf %parallel_loop3A_402, %parallel_loop3A_393 : vector<16xf32>
        %parallel_loop3A_412 = arith.addf %parallel_loop3A_389, %parallel_loop3A_411 : vector<16xf32>
        %parallel_loop3A_413 = arith.mulf %parallel_loop3A_410, %parallel_loop3A_394 : vector<16xf32>
        %parallel_loop3A_414 = arith.addf %parallel_loop3A_412, %parallel_loop3A_413 : vector<16xf32>
        %parallel_loop3A_415 = arith.index_cast %parallel_loop3A_355 : i32 to index
        %parallel_loop3A_416 = arith.constant 64 : index
        %parallel_loop3A_417 = tpu.vector_load %arg19[%parallel_loop3A_415, %parallel_loop3A_416] {strides = array<i32>} : memref<128x128xbf16, #tpu.memory_space<vmem>>, vector<32xbf16>,
        %parallel_loop3A_418 = tpu.unpack_subelements %parallel_loop3A_417, 0 {pack_format = #tpu.pack_format<interleaved>} : vector<32xbf16> -> vector<16xf32>
        %parallel_loop3A_419 = tpu.unpack_subelements %parallel_loop3A_417, 1 {pack_format = #tpu.pack_format<interleaved>} : vector<32xbf16> -> vector<16xf32>
        %parallel_loop3A_420 = arith.constant 8 : i32
        %parallel_loop3A_421 = arith.constant 9 : i32
        %parallel_loop3A_422 = vector.broadcast %parallel_loop3A_420 : i32 to vector<16xi32>
        %parallel_loop3A_423 = vector.broadcast %parallel_loop3A_421 : i32 to vector<16xi32>
        %parallel_loop3A_424 = arith.select %lt3A_1, %parallel_loop3A_422, %parallel_loop3A_423 : vector<16xi1>, vector<16xi32>
        %parallel_loop3A_425 = vector.shape_cast %parallel_loop3A_424 : vector<16xi32> to vector<16x1xi32>
        %parallel_loop3A_426 = vector.shape_cast %parallel_loop3A_425 : vector<16x1xi32> to vector<16xi32>
        %parallel_loop3A_427 = tpu.dynamic_gather %parallel_loop3A_364[%parallel_loop3A_426] in [0] : vector<16xf32>, vector<16xi32> -> vector<16xf32>
        %parallel_loop3A_428 = arith.constant 10 : i32
        %parallel_loop3A_429 = arith.constant 11 : i32
        %parallel_loop3A_430 = vector.broadcast %parallel_loop3A_428 : i32 to vector<16xi32>
        %parallel_loop3A_431 = vector.broadcast %parallel_loop3A_429 : i32 to vector<16xi32>
        %parallel_loop3A_432 = arith.select %lt3A_1, %parallel_loop3A_430, %parallel_loop3A_431 : vector<16xi1>, vector<16xi32>
        %parallel_loop3A_433 = vector.shape_cast %parallel_loop3A_432 : vector<16xi32> to vector<16x1xi32>
        %parallel_loop3A_434 = vector.shape_cast %parallel_loop3A_433 : vector<16x1xi32> to vector<16xi32>
        %parallel_loop3A_435 = tpu.dynamic_gather %parallel_loop3A_364[%parallel_loop3A_434] in [0] : vector<16xf32>, vector<16xi32> -> vector<16xf32>
        %parallel_loop3A_436 = arith.mulf %parallel_loop3A_427, %parallel_loop3A_418 : vector<16xf32>
        %parallel_loop3A_437 = arith.addf %parallel_loop3A_414, %parallel_loop3A_436 : vector<16xf32>
        %parallel_loop3A_438 = arith.mulf %parallel_loop3A_435, %parallel_loop3A_419 : vector<16xf32>
        %parallel_loop3A_439 = arith.addf %parallel_loop3A_437, %parallel_loop3A_438 : vector<16xf32>
        %parallel_loop3A_440 = arith.index_cast %parallel_loop3A_355 : i32 to index
        %parallel_loop3A_441 = arith.constant 96 : index
        %parallel_loop3A_442 = tpu.vector_load %arg19[%parallel_loop3A_440, %parallel_loop3A_441] {strides = array<i32>} : memref<128x128xbf16, #tpu.memory_space<vmem>>, vector<32xbf16>,
        %parallel_loop3A_443 = tpu.unpack_subelements %parallel_loop3A_442, 0 {pack_format = #tpu.pack_format<interleaved>} : vector<32xbf16> -> vector<16xf32>
        %parallel_loop3A_444 = tpu.unpack_subelements %parallel_loop3A_442, 1 {pack_format = #tpu.pack_format<interleaved>} : vector<32xbf16> -> vector<16xf32>
        %parallel_loop3A_445 = arith.constant 12 : i32
        %parallel_loop3A_446 = arith.constant 13 : i32
        %parallel_loop3A_447 = vector.broadcast %parallel_loop3A_445 : i32 to vector<16xi32>
        %parallel_loop3A_448 = vector.broadcast %parallel_loop3A_446 : i32 to vector<16xi32>
        %parallel_loop3A_449 = arith.select %lt3A_1, %parallel_loop3A_447, %parallel_loop3A_448 : vector<16xi1>, vector<16xi32>
        %parallel_loop3A_450 = vector.shape_cast %parallel_loop3A_449 : vector<16xi32> to vector<16x1xi32>
        %parallel_loop3A_451 = vector.shape_cast %parallel_loop3A_450 : vector<16x1xi32> to vector<16xi32>
        %parallel_loop3A_452 = tpu.dynamic_gather %parallel_loop3A_364[%parallel_loop3A_451] in [0] : vector<16xf32>, vector<16xi32> -> vector<16xf32>
        %parallel_loop3A_453 = arith.constant 14 : i32
        %parallel_loop3A_454 = arith.constant 15 : i32
        %parallel_loop3A_455 = vector.broadcast %parallel_loop3A_453 : i32 to vector<16xi32>
        %parallel_loop3A_456 = vector.broadcast %parallel_loop3A_454 : i32 to vector<16xi32>
        %parallel_loop3A_457 = arith.select %lt3A_1, %parallel_loop3A_455, %parallel_loop3A_456 : vector<16xi1>, vector<16xi32>
        %parallel_loop3A_458 = vector.shape_cast %parallel_loop3A_457 : vector<16xi32> to vector<16x1xi32>
        %parallel_loop3A_459 = vector.shape_cast %parallel_loop3A_458 : vector<16x1xi32> to vector<16xi32>
        %parallel_loop3A_460 = tpu.dynamic_gather %parallel_loop3A_364[%parallel_loop3A_459] in [0] : vector<16xf32>, vector<16xi32> -> vector<16xf32>
        %parallel_loop3A_461 = arith.mulf %parallel_loop3A_452, %parallel_loop3A_443 : vector<16xf32>
        %parallel_loop3A_462 = arith.addf %parallel_loop3A_439, %parallel_loop3A_461 : vector<16xf32>
        %parallel_loop3A_463 = arith.mulf %parallel_loop3A_460, %parallel_loop3A_444 : vector<16xf32>
        %parallel_loop3A_464 = arith.addf %parallel_loop3A_462, %parallel_loop3A_463 : vector<16xf32>
        %parallel_loop3A_465 = vector.shape_cast %and3A_5 : vector<16xi32> to vector<16x1xi32>
        %parallel_loop3A_466 = vector.shape_cast %parallel_loop3A_465 : vector<16x1xi32> to vector<16xi32>
        %parallel_loop3A_467 = tpu.dynamic_gather %parallel_loop3A_464[%parallel_loop3A_466] in [0] : vector<16xf32>, vector<16xi32> -> vector<16xf32>
        %parallel_loop3A_468 = arith.addf %parallel_loop3A_464, %parallel_loop3A_467 : vector<16xf32>
        %parallel_loop3A_469 = arith.index_cast %parallel_loop3A_355 : i32 to index
        %parallel_loop3A_470 = arith.constant 0 : index
        %parallel_loop3A_471 = tpu.vector_load %arg23[%parallel_loop3A_469, %parallel_loop3A_470] {strides = array<i32>} : memref<128x16xf32, #tpu.memory_space<vmem>>, vector<16xf32>,
        tpu.vector_store %arg23[%parallel_loop3A_469, %parallel_loop3A_470], %parallel_loop3A_468 {strides = array<i32>} : memref<128x16xf32, #tpu.memory_space<vmem>>, vector<16xf32>,
      } {sc.loop_unroll_factor = 4 : i64, sc.parallel_access}
      %get3A_320 = arith.constant 0 : index
      %get3A_321 = tpu.vector_load %arg13[%get3A_320] {strides = array<i32>} : memref<128xi32, #tpu.memory_space<vmem>>, vector<16xi32>,
      %swap3A_322 = arith.constant 0 : index
      %swap3A_323 = tpu.vector_load %arg15[%swap3A_322] {strides = array<i32>} : memref<128xi32, #tpu.memory_space<vmem>>, vector<16xi32>,
      tpu.vector_store %arg15[%swap3A_322], %get3A_321 {strides = array<i32>} : memref<128xi32, #tpu.memory_space<vmem>>, vector<16xi32>,
      %get3A_324 = arith.constant 16 : index
      %get3A_325 = tpu.vector_load %arg13[%get3A_324] {strides = array<i32>} : memref<128xi32, #tpu.memory_space<vmem>>, vector<16xi32>,
      %swap3A_326 = arith.constant 16 : index
      %swap3A_327 = tpu.vector_load %arg15[%swap3A_326] {strides = array<i32>} : memref<128xi32, #tpu.memory_space<vmem>>, vector<16xi32>,
      tpu.vector_store %arg15[%swap3A_326], %get3A_325 {strides = array<i32>} : memref<128xi32, #tpu.memory_space<vmem>>, vector<16xi32>,
      %get3A_328 = arith.constant 32 : index
      %get3A_329 = tpu.vector_load %arg13[%get3A_328] {strides = array<i32>} : memref<128xi32, #tpu.memory_space<vmem>>, vector<16xi32>,
      %swap3A_330 = arith.constant 32 : index
      %swap3A_331 = tpu.vector_load %arg15[%swap3A_330] {strides = array<i32>} : memref<128xi32, #tpu.memory_space<vmem>>, vector<16xi32>,
      tpu.vector_store %arg15[%swap3A_330], %get3A_329 {strides = array<i32>} : memref<128xi32, #tpu.memory_space<vmem>>, vector<16xi32>,
      %get3A_332 = arith.constant 48 : index
      %get3A_333 = tpu.vector_load %arg13[%get3A_332] {strides = array<i32>} : memref<128xi32, #tpu.memory_space<vmem>>, vector<16xi32>,
      %swap3A_334 = arith.constant 48 : index
      %swap3A_335 = tpu.vector_load %arg15[%swap3A_334] {strides = array<i32>} : memref<128xi32, #tpu.memory_space<vmem>>, vector<16xi32>,
      tpu.vector_store %arg15[%swap3A_334], %get3A_333 {strides = array<i32>} : memref<128xi32, #tpu.memory_space<vmem>>, vector<16xi32>,
      %get3A_336 = arith.constant 64 : index
      %get3A_337 = tpu.vector_load %arg13[%get3A_336] {strides = array<i32>} : memref<128xi32, #tpu.memory_space<vmem>>, vector<16xi32>,
      %swap3A_338 = arith.constant 64 : index
      %swap3A_339 = tpu.vector_load %arg15[%swap3A_338] {strides = array<i32>} : memref<128xi32, #tpu.memory_space<vmem>>, vector<16xi32>,
      tpu.vector_store %arg15[%swap3A_338], %get3A_337 {strides = array<i32>} : memref<128xi32, #tpu.memory_space<vmem>>, vector<16xi32>,
      %get3A_340 = arith.constant 80 : index
      %get3A_341 = tpu.vector_load %arg13[%get3A_340] {strides = array<i32>} : memref<128xi32, #tpu.memory_space<vmem>>, vector<16xi32>,
      %swap3A_342 = arith.constant 80 : index
      %swap3A_343 = tpu.vector_load %arg15[%swap3A_342] {strides = array<i32>} : memref<128xi32, #tpu.memory_space<vmem>>, vector<16xi32>,
      tpu.vector_store %arg15[%swap3A_342], %get3A_341 {strides = array<i32>} : memref<128xi32, #tpu.memory_space<vmem>>, vector<16xi32>,
      %get3A_344 = arith.constant 96 : index
      %get3A_345 = tpu.vector_load %arg13[%get3A_344] {strides = array<i32>} : memref<128xi32, #tpu.memory_space<vmem>>, vector<16xi32>,
      %swap3A_346 = arith.constant 96 : index
      %swap3A_347 = tpu.vector_load %arg15[%swap3A_346] {strides = array<i32>} : memref<128xi32, #tpu.memory_space<vmem>>, vector<16xi32>,
      tpu.vector_store %arg15[%swap3A_346], %get3A_345 {strides = array<i32>} : memref<128xi32, #tpu.memory_space<vmem>>, vector<16xi32>,
      %get3A_348 = arith.constant 112 : index
      %get3A_349 = tpu.vector_load %arg13[%get3A_348] {strides = array<i32>} : memref<128xi32, #tpu.memory_space<vmem>>, vector<16xi32>,
      %swap3A_350 = arith.constant 112 : index
      %swap3A_351 = tpu.vector_load %arg15[%swap3A_350] {strides = array<i32>} : memref<128xi32, #tpu.memory_space<vmem>>, vector<16xi32>,
      tpu.vector_store %arg15[%swap3A_350], %get3A_349 {strides = array<i32>} : memref<128xi32, #tpu.memory_space<vmem>>, vector<16xi32>,
      %dma_start3A_352 = arith.constant 0 : i32
      %dma_start3A_353 = arith.constant 0 : i32
      %dma_start3A_354 = tpu.memref_slice %arg26[%dma_start3A_352, %dma_start3A_353] : memref<10240x16xf32, #tpu.memory_space<vmem_shared>> -> memref<10240x16xf32, #tpu.memory_space<vmem_shared>>
      tpu.enqueue_indirect_dma source(%arg23 : memref<128x16xf32, #tpu.memory_space<vmem>>) target(%dma_start3A_354 : memref<10240x16xf32, #tpu.memory_space<vmem_shared>>) offsets(%arg15 : memref<128xi32, #tpu.memory_space<vmem>>) semaphore(%arg30 : memref<!tpu.dma_semaphore, #tpu.memory_space<semaphore_mem>>) {add = true}
    }
    %scan3A_232 = arith.constant 6 : i32
    %dma_wait3A_233 = arith.constant 0 : i32
    %dma_wait3A_234 = arith.constant 0 : i32
    %dma_wait3A_235 = tpu.memref_slice %arg26[%dma_wait3A_233, %dma_wait3A_234] : memref<10240x16xf32, #tpu.memory_space<vmem_shared>> -> memref<10240x16xf32, #tpu.memory_space<vmem_shared>>
    tpu.wait_indirect_dma semaphore(%arg30 : memref<!tpu.dma_semaphore, #tpu.memory_space<semaphore_mem>>) src(%arg23 : memref<128x16xf32, #tpu.memory_space<vmem>>) dst(%dma_wait3A_235 : memref<10240x16xf32, #tpu.memory_space<vmem_shared>>)
    %barrier3A_236 = arith.constant 0 : index
    tpu.barrier barrier_id(%barrier3A_236)
    %mul3A_237 = arith.constant 640 : i32
    %mul3A_238 = arith.muli %arg1, %mul3A_237 : i32
    %multiple_of3A_239 = tpu.assume_multiple %mul3A_238, 640 : i32
    %mul3A_240 = arith.constant 8 : i32
    %mul3A_241 = arith.muli %select_n3A_170, %mul3A_240 : i32
    %multiple_of3A_242 = tpu.assume_multiple %mul3A_241, 8 : i32
    "tpu.region"() ({
      %run_scoped3A = tpu.sem_alloc : memref<!tpu.dma_semaphore, #tpu.memory_space<semaphore_mem>>
      %dma_start3A_245 = tpu.memref_slice %arg9[%multiple_of3A_239, %multiple_of3A_242] : memref<10240x56xf32, #tpu.memory_space<hbm>> -> memref<640x8xf32, #tpu.memory_space<hbm>>
      %dma_start3A_246 = arith.constant 0 : i32
      %dma_start3A_247 = tpu.memref_slice %arg26[%multiple_of3A, %dma_start3A_246] : memref<10240x16xf32, #tpu.memory_space<vmem_shared>> -> memref<640x8xf32, #tpu.memory_space<vmem_shared>>
      tpu.enqueue_dma source(%dma_start3A_247 : memref<640x8xf32, #tpu.memory_space<vmem_shared>>) target(%dma_start3A_245 : memref<640x8xf32, #tpu.memory_space<hbm>>) target_semaphore(%run_scoped3A : memref<!tpu.dma_semaphore, #tpu.memory_space<semaphore_mem>>)
      %dma_wait3A_248 = tpu.memref_slice %arg9[%multiple_of3A_239, %multiple_of3A_242] : memref<10240x56xf32, #tpu.memory_space<hbm>> -> memref<640x8xf32, #tpu.memory_space<hbm>>
      %dma_wait3A_249 = arith.constant 0 : i32
      %dma_wait3A_250 = tpu.memref_slice %arg26[%multiple_of3A, %dma_wait3A_249] : memref<10240x16xf32, #tpu.memory_space<vmem_shared>> -> memref<640x8xf32, #tpu.memory_space<vmem_shared>>
      tpu.wait_dma2 semaphore(%run_scoped3A : memref<!tpu.dma_semaphore, #tpu.memory_space<semaphore_mem>>) src(%dma_wait3A_250 : memref<640x8xf32, #tpu.memory_space<vmem_shared>>) dst(%dma_wait3A_248 : memref<640x8xf32, #tpu.memory_space<hbm>>)
      tpu.yield
    }) : () -> ()
    %eq3A = arith.constant 0 : i32
    %eq3A_243 = arith.cmpi eq, %arg0, %eq3A : i32
    %convert_element_type3A = arith.extui %eq3A_243 : i1 to i32
    %cond3A = arith.constant 0 : i32
    %cond3A_244 = arith.cmpi ne, %convert_element_type3A, %cond3A : i32
    scf.if %cond3A_244 {
      %mul3A_245 = arith.constant 640 : i32
      %mul3A_246 = arith.muli %arg1, %mul3A_245 : i32
      "tpu.region"() ({
        %run_scoped3A = tpu.sem_alloc : memref<!tpu.dma_semaphore, #tpu.memory_space<semaphore_mem>>
        %dma_start3A_303 = arith.constant 0 : i32
        %dma_start3A_304 = tpu.memref_slice %arg25[%multiple_of3A, %dma_start3A_303] : memref<10240x32xbf16, #tpu.memory_space<vmem_shared>> -> memref<640x32xbf16, #tpu.memory_space<vmem_shared>>
        %dma_start3A_305 = arith.constant 0 : i32
        %dma_start3A_306 = tpu.memref_slice %arg3[%mul3A_246, %dma_start3A_305] : memref<10240x32xbf16, #tpu.memory_space<hbm>> -> memref<640x32xbf16, #tpu.memory_space<hbm>>
        tpu.enqueue_dma source(%dma_start3A_306 : memref<640x32xbf16, #tpu.memory_space<hbm>>) target(%dma_start3A_304 : memref<640x32xbf16, #tpu.memory_space<vmem_shared>>) target_semaphore(%run_scoped3A : memref<!tpu.dma_semaphore, #tpu.memory_space<semaphore_mem>>)
        %dma_wait3A_307 = arith.constant 0 : i32
        %dma_wait3A_308 = tpu.memref_slice %arg25[%multiple_of3A, %dma_wait3A_307] : memref<10240x32xbf16, #tpu.memory_space<vmem_shared>> -> memref<640x32xbf16, #tpu.memory_space<vmem_shared>>
        %dma_wait3A_309 = arith.constant 0 : i32
        %dma_wait3A_310 = tpu.memref_slice %arg3[%mul3A_246, %dma_wait3A_309] : memref<10240x32xbf16, #tpu.memory_space<hbm>> -> memref<640x32xbf16, #tpu.memory_space<hbm>>
        tpu.wait_dma2 semaphore(%run_scoped3A : memref<!tpu.dma_semaphore, #tpu.memory_space<semaphore_mem>>) src(%dma_wait3A_310 : memref<640x32xbf16, #tpu.memory_space<hbm>>) dst(%dma_wait3A_308 : memref<640x32xbf16, #tpu.memory_space<vmem_shared>>)
        tpu.yield
      }) : () -> ()
      %mul3A_247 = arith.constant 640 : i32
      %mul3A_248 = arith.muli %arg1, %mul3A_247 : i32
      %multiple_of3A_249 = tpu.assume_multiple %mul3A_248, 640 : i32
      %multiple_of3A_250 = arith.constant 24 : i32
      %multiple_of3A_251 = tpu.assume_multiple %multiple_of3A_250, 8 : i32
      "tpu.region"() ({
        %run_scoped3A = tpu.sem_alloc : memref<!tpu.dma_semaphore, #tpu.memory_space<semaphore_mem>>
        %dma_start3A_303 = arith.constant 0 : i32
        %dma_start3A_304 = tpu.memref_slice %arg26[%multiple_of3A, %dma_start3A_303] : memref<10240x16xf32, #tpu.memory_space<vmem_shared>> -> memref<640x8xf32, #tpu.memory_space<vmem_shared>>
        %dma_start3A_305 = tpu.memref_slice %arg8[%multiple_of3A_249, %multiple_of3A_251] : memref<10240x56xf32, #tpu.memory_space<hbm>> -> memref<640x8xf32, #tpu.memory_space<hbm>>
        tpu.enqueue_dma source(%dma_start3A_305 : memref<640x8xf32, #tpu.memory_space<hbm>>) target(%dma_start3A_304 : memref<640x8xf32, #tpu.memory_space<vmem_shared>>) target_semaphore(%run_scoped3A : memref<!tpu.dma_semaphore, #tpu.memory_space<semaphore_mem>>)
        %dma_wait3A_306 = arith.constant 0 : i32
        %dma_wait3A_307 = tpu.memref_slice %arg26[%multiple_of3A, %dma_wait3A_306] : memref<10240x16xf32, #tpu.memory_space<vmem_shared>> -> memref<640x8xf32, #tpu.memory_space<vmem_shared>>
        %dma_wait3A_308 = tpu.memref_slice %arg8[%multiple_of3A_249, %multiple_of3A_251] : memref<10240x56xf32, #tpu.memory_space<hbm>> -> memref<640x8xf32, #tpu.memory_space<hbm>>
        tpu.wait_dma2 semaphore(%run_scoped3A : memref<!tpu.dma_semaphore, #tpu.memory_space<semaphore_mem>>) src(%dma_wait3A_308 : memref<640x8xf32, #tpu.memory_space<hbm>>) dst(%dma_wait3A_307 : memref<640x8xf32, #tpu.memory_space<vmem_shared>>)
        tpu.yield
      }) : () -> ()
      %barrier3A_252 = arith.constant 0 : index
      tpu.barrier barrier_id(%barrier3A_252)
      %mul3A_253 = arith.constant 1536 : i32
      %mul3A_254 = arith.muli %arg1, %mul3A_253 : i32
      %add3A_255 = arith.constant 0 : i32
      %add3A_256 = arith.addi %mul3A_254, %add3A_255 : i32
      %add3A_257 = arith.constant 73728 : i32
      %add3A_258 = arith.addi %add3A_257, %add3A_256 : i32
      %multiple_of3A_259 = tpu.assume_multiple %add3A_258, 128 : i32
      "tpu.region"() ({
        %run_scoped3A = tpu.sem_alloc : memref<!tpu.dma_semaphore, #tpu.memory_space<semaphore_mem>>
        %dma_start3A_303 = tpu.memref_slice %arg4[%multiple_of3A_259] : memref<172032xi32, #tpu.memory_space<hbm>> -> memref<128xi32, #tpu.memory_space<hbm>>
        %dma_start3A_304 = tpu.memref_slice %arg4[%multiple_of3A_259] : memref<172032xi32, #tpu.memory_space<hbm>> -> memref<128xi32, #tpu.memory_space<hbm>>
        tpu.enqueue_dma source(%dma_start3A_304 : memref<128xi32, #tpu.memory_space<hbm>>) target(%arg10 : memref<128xi32, #tpu.memory_space<vmem>>) target_semaphore(%run_scoped3A : memref<!tpu.dma_semaphore, #tpu.memory_space<semaphore_mem>>)
        %dma_wait3A_305 = tpu.memref_slice %arg4[%multiple_of3A_259] : memref<172032xi32, #tpu.memory_space<hbm>> -> memref<128xi32, #tpu.memory_space<hbm>>
        %dma_wait3A_306 = tpu.memref_slice %arg4[%multiple_of3A_259] : memref<172032xi32, #tpu.memory_space<hbm>> -> memref<128xi32, #tpu.memory_space<hbm>>
        tpu.wait_dma2 semaphore(%run_scoped3A : memref<!tpu.dma_semaphore, #tpu.memory_space<semaphore_mem>>) src(%dma_wait3A_306 : memref<128xi32, #tpu.memory_space<hbm>>) dst(%arg10 : memref<128xi32, #tpu.memory_space<vmem>>)
        tpu.yield
      }) : () -> ()
      "tpu.region"() ({
        %run_scoped3A = tpu.sem_alloc : memref<!tpu.dma_semaphore, #tpu.memory_space<semaphore_mem>>
        %dma_start3A_303 = tpu.memref_slice %arg5[%multiple_of3A_259] : memref<172032xi32, #tpu.memory_space<hbm>> -> memref<128xi32, #tpu.memory_space<hbm>>
        %dma_start3A_304 = tpu.memref_slice %arg5[%multiple_of3A_259] : memref<172032xi32, #tpu.memory_space<hbm>> -> memref<128xi32, #tpu.memory_space<hbm>>
        tpu.enqueue_dma source(%dma_start3A_304 : memref<128xi32, #tpu.memory_space<hbm>>) target(%arg12 : memref<128xi32, #tpu.memory_space<vmem>>) target_semaphore(%run_scoped3A : memref<!tpu.dma_semaphore, #tpu.memory_space<semaphore_mem>>)
        %dma_wait3A_305 = tpu.memref_slice %arg5[%multiple_of3A_259] : memref<172032xi32, #tpu.memory_space<hbm>> -> memref<128xi32, #tpu.memory_space<hbm>>
        %dma_wait3A_306 = tpu.memref_slice %arg5[%multiple_of3A_259] : memref<172032xi32, #tpu.memory_space<hbm>> -> memref<128xi32, #tpu.memory_space<hbm>>
        tpu.wait_dma2 semaphore(%run_scoped3A : memref<!tpu.dma_semaphore, #tpu.memory_space<semaphore_mem>>) src(%dma_wait3A_306 : memref<128xi32, #tpu.memory_space<hbm>>) dst(%arg12 : memref<128xi32, #tpu.memory_space<vmem>>)
        tpu.yield
      }) : () -> ()
      %jit3A_260 = arith.constant 8 : i32
      %div3A_261 = arith.divsi %add3A_256, %jit3A_260 : i32
      %sign3A_262 = arith.constant 0 : i32
      %sign3A_263 = arith.cmpi sgt, %add3A_256, %sign3A_262 : i32
      %sign3A_264 = arith.extui %sign3A_263 : i1 to i32
      %sign3A_265 = arith.constant 0 : i32
      %sign3A_266 = arith.cmpi slt, %add3A_256, %sign3A_265 : i32
      %sign3A_267 = arith.extui %sign3A_266 : i1 to i32
      %sign3A_268 = arith.subi %sign3A_264, %sign3A_267 : i32
      %sign3A_269 = arith.constant 0 : i32
      %sign3A_270 = arith.cmpi sgt, %jit3A_260, %sign3A_269 : i32
      %sign3A_271 = arith.extui %sign3A_270 : i1 to i32
      %sign3A_272 = arith.constant 0 : i32
      %sign3A_273 = arith.cmpi slt, %jit3A_260, %sign3A_272 : i32
      %sign3A_274 = arith.extui %sign3A_273 : i1 to i32
      %sign3A_275 = arith.subi %sign3A_271, %sign3A_274 : i32
      %ne3A_276 = arith.cmpi ne, %sign3A_268, %sign3A_275 : i32
      %rem3A_277 = arith.remsi %add3A_256, %jit3A_260 : i32
      %ne3A_278 = arith.constant 0 : i32
      %ne3A_279 = arith.cmpi ne, %rem3A_277, %ne3A_278 : i32
      %and3A_280 = arith.andi %ne3A_276, %ne3A_279 : i1
      %sub3A_281 = arith.constant 1 : i32
      %sub3A_282 = arith.subi %div3A_261, %sub3A_281 : i32
      %select_n3A_283 = arith.select %and3A_280, %sub3A_282, %div3A_261 : i32
      %multiple_of3A_284 = tpu.assume_multiple %select_n3A_283, 16 : i32
      "tpu.region"() ({
        %run_scoped3A = tpu.sem_alloc : memref<!tpu.dma_semaphore, #tpu.memory_space<semaphore_mem>>
        %dma_start3A_303 = arith.constant 0 : i32
        %dma_start3A_304 = tpu.memref_slice %arg7[%multiple_of3A_284, %dma_start3A_303] : memref<3072x128xf32, #tpu.memory_space<hbm>> -> memref<16x128xf32, #tpu.memory_space<hbm>>
        %dma_start3A_305 = arith.constant 0 : i32
        %dma_start3A_306 = tpu.memref_slice %arg7[%multiple_of3A_284, %dma_start3A_305] : memref<3072x128xf32, #tpu.memory_space<hbm>> -> memref<16x128xf32, #tpu.memory_space<hbm>>
        tpu.enqueue_dma source(%dma_start3A_306 : memref<16x128xf32, #tpu.memory_space<hbm>>) target(%arg16 : memref<16x128xf32, #tpu.memory_space<vmem>>) target_semaphore(%run_scoped3A : memref<!tpu.dma_semaphore, #tpu.memory_space<semaphore_mem>>)
        %dma_wait3A_307 = arith.constant 0 : i32
        %dma_wait3A_308 = tpu.memref_slice %arg7[%multiple_of3A_284, %dma_wait3A_307] : memref<3072x128xf32, #tpu.memory_space<hbm>> -> memref<16x128xf32, #tpu.memory_space<hbm>>
        %dma_wait3A_309 = arith.constant 0 : i32
        %dma_wait3A_310 = tpu.memref_slice %arg7[%multiple_of3A_284, %dma_wait3A_309] : memref<3072x128xf32, #tpu.memory_space<hbm>> -> memref<16x128xf32, #tpu.memory_space<hbm>>
        tpu.wait_dma2 semaphore(%run_scoped3A : memref<!tpu.dma_semaphore, #tpu.memory_space<semaphore_mem>>) src(%dma_wait3A_310 : memref<16x128xf32, #tpu.memory_space<hbm>>) dst(%arg16 : memref<16x128xf32, #tpu.memory_space<vmem>>)
        tpu.yield
      }) : () -> ()
      %dma_start3A_285 = arith.constant 0 : i32
      %dma_start3A_286 = arith.constant 0 : i32
      %dma_start3A_287 = tpu.memref_slice %arg25[%dma_start3A_285, %dma_start3A_286] : memref<10240x32xbf16, #tpu.memory_space<vmem_shared>> -> memref<10240x32xbf16, #tpu.memory_space<vmem_shared>>
      tpu.enqueue_indirect_dma source(%dma_start3A_287 : memref<10240x32xbf16, #tpu.memory_space<vmem_shared>>) target(%arg20 : memref<128x32xbf16, #tpu.memory_space<vmem>>) offsets(%arg10 : memref<128xi32, #tpu.memory_space<vmem>>) semaphore(%arg27 : memref<!tpu.dma_semaphore, #tpu.memory_space<semaphore_mem>>)
      %scan3A_288 = arith.constant 0 : i32
      %scan3A_289 = arith.constant 0 : i32
      %scan3A_290 = arith.constant 6 : i32
      %scan3A_291 = arith.addi %scan3A_289, %scan3A_290 : i32
      %scan3A_292 = arith.constant 1 : i32
      scf.for %scan3A_303 = %scan3A_289 to %scan3A_291 step %scan3A_292  : i32 {
        %mul3A_304 = arith.constant 2 : i32
        %mul3A_305 = arith.muli %mul3A_304, %scan3A_303 : i32
        %add3A_306 = arith.constant 1 : i32
        %add3A_307 = arith.addi %mul3A_305, %add3A_306 : i32
        %lt3A_308 = arith.constant 12 : i32
        %lt3A_309 = arith.cmpi slt, %add3A_307, %lt3A_308 : i32
        %convert_element_type3A_310 = arith.extui %lt3A_309 : i1 to i32
        %cond3A_311 = arith.constant 0 : i32
        %cond3A_312 = arith.cmpi ne, %convert_element_type3A_310, %cond3A_311 : i32
        scf.if %cond3A_312 {
          %add3A_413 = arith.constant 1 : i32
          %add3A_414 = arith.addi %mul3A_305, %add3A_413 : i32
          %mul3A_415 = arith.constant 1536 : i32
          %mul3A_416 = arith.muli %arg1, %mul3A_415 : i32
          %mul3A_417 = arith.constant 128 : i32
          %mul3A_418 = arith.muli %add3A_414, %mul3A_417 : i32
          %add3A_419 = arith.addi %mul3A_416, %mul3A_418 : i32
          %add3A_420 = arith.constant 73728 : i32
          %add3A_421 = arith.addi %add3A_420, %add3A_419 : i32
          %multiple_of3A_422 = tpu.assume_multiple %add3A_421, 128 : i32
          "tpu.region"() ({
            %run_scoped3A = tpu.sem_alloc : memref<!tpu.dma_semaphore, #tpu.memory_space<semaphore_mem>>
            %dma_start3A_451 = tpu.memref_slice %arg4[%multiple_of3A_422] : memref<172032xi32, #tpu.memory_space<hbm>> -> memref<128xi32, #tpu.memory_space<hbm>>
            %dma_start3A_452 = tpu.memref_slice %arg4[%multiple_of3A_422] : memref<172032xi32, #tpu.memory_space<hbm>> -> memref<128xi32, #tpu.memory_space<hbm>>
            tpu.enqueue_dma source(%dma_start3A_452 : memref<128xi32, #tpu.memory_space<hbm>>) target(%arg11 : memref<128xi32, #tpu.memory_space<vmem>>) target_semaphore(%run_scoped3A : memref<!tpu.dma_semaphore, #tpu.memory_space<semaphore_mem>>)
            %dma_wait3A_453 = tpu.memref_slice %arg4[%multiple_of3A_422] : memref<172032xi32, #tpu.memory_space<hbm>> -> memref<128xi32, #tpu.memory_space<hbm>>
            %dma_wait3A_454 = tpu.memref_slice %arg4[%multiple_of3A_422] : memref<172032xi32, #tpu.memory_space<hbm>> -> memref<128xi32, #tpu.memory_space<hbm>>
            tpu.wait_dma2 semaphore(%run_scoped3A : memref<!tpu.dma_semaphore, #tpu.memory_space<semaphore_mem>>) src(%dma_wait3A_454 : memref<128xi32, #tpu.memory_space<hbm>>) dst(%arg11 : memref<128xi32, #tpu.memory_space<vmem>>)
            tpu.yield
          }) : () -> ()
          "tpu.region"() ({
            %run_scoped3A = tpu.sem_alloc : memref<!tpu.dma_semaphore, #tpu.memory_space<semaphore_mem>>
            %dma_start3A_451 = tpu.memref_slice %arg5[%multiple_of3A_422] : memref<172032xi32, #tpu.memory_space<hbm>> -> memref<128xi32, #tpu.memory_space<hbm>>
            %dma_start3A_452 = tpu.memref_slice %arg5[%multiple_of3A_422] : memref<172032xi32, #tpu.memory_space<hbm>> -> memref<128xi32, #tpu.memory_space<hbm>>
            tpu.enqueue_dma source(%dma_start3A_452 : memref<128xi32, #tpu.memory_space<hbm>>) target(%arg13 : memref<128xi32, #tpu.memory_space<vmem>>) target_semaphore(%run_scoped3A : memref<!tpu.dma_semaphore, #tpu.memory_space<semaphore_mem>>)
            %dma_wait3A_453 = tpu.memref_slice %arg5[%multiple_of3A_422] : memref<172032xi32, #tpu.memory_space<hbm>> -> memref<128xi32, #tpu.memory_space<hbm>>
            %dma_wait3A_454 = tpu.memref_slice %arg5[%multiple_of3A_422] : memref<172032xi32, #tpu.memory_space<hbm>> -> memref<128xi32, #tpu.memory_space<hbm>>
            tpu.wait_dma2 semaphore(%run_scoped3A : memref<!tpu.dma_semaphore, #tpu.memory_space<semaphore_mem>>) src(%dma_wait3A_454 : memref<128xi32, #tpu.memory_space<hbm>>) dst(%arg13 : memref<128xi32, #tpu.memory_space<vmem>>)
            tpu.yield
          }) : () -> ()
          %jit3A_423 = arith.constant 8 : i32
          %div3A_424 = arith.divsi %add3A_419, %jit3A_423 : i32
          %sign3A_425 = arith.constant 0 : i32
          %sign3A_426 = arith.cmpi sgt, %add3A_419, %sign3A_425 : i32
          %sign3A_427 = arith.extui %sign3A_426 : i1 to i32
          %sign3A_428 = arith.constant 0 : i32
          %sign3A_429 = arith.cmpi slt, %add3A_419, %sign3A_428 : i32
          %sign3A_430 = arith.extui %sign3A_429 : i1 to i32
          %sign3A_431 = arith.subi %sign3A_427, %sign3A_430 : i32
          %sign3A_432 = arith.constant 0 : i32
          %sign3A_433 = arith.cmpi sgt, %jit3A_423, %sign3A_432 : i32
          %sign3A_434 = arith.extui %sign3A_433 : i1 to i32
          %sign3A_435 = arith.constant 0 : i32
          %sign3A_436 = arith.cmpi slt, %jit3A_423, %sign3A_435 : i32
          %sign3A_437 = arith.extui %sign3A_436 : i1 to i32
          %sign3A_438 = arith.subi %sign3A_434, %sign3A_437 : i32
          %ne3A_439 = arith.cmpi ne, %sign3A_431, %sign3A_438 : i32
          %rem3A_440 = arith.remsi %add3A_419, %jit3A_423 : i32
          %ne3A_441 = arith.constant 0 : i32
          %ne3A_442 = arith.cmpi ne, %rem3A_440, %ne3A_441 : i32
          %and3A_443 = arith.andi %ne3A_439, %ne3A_442 : i1
          %sub3A_444 = arith.constant 1 : i32
          %sub3A_445 = arith.subi %div3A_424, %sub3A_444 : i32
          %select_n3A_446 = arith.select %and3A_443, %sub3A_445, %div3A_424 : i32
          %multiple_of3A_447 = tpu.assume_multiple %select_n3A_446, 16 : i32
          "tpu.region"() ({
            %run_scoped3A = tpu.sem_alloc : memref<!tpu.dma_semaphore, #tpu.memory_space<semaphore_mem>>
            %dma_start3A_451 = arith.constant 0 : i32
            %dma_start3A_452 = tpu.memref_slice %arg7[%multiple_of3A_447, %dma_start3A_451] : memref<3072x128xf32, #tpu.memory_space<hbm>> -> memref<16x128xf32, #tpu.memory_space<hbm>>
            %dma_start3A_453 = arith.constant 0 : i32
            %dma_start3A_454 = tpu.memref_slice %arg7[%multiple_of3A_447, %dma_start3A_453] : memref<3072x128xf32, #tpu.memory_space<hbm>> -> memref<16x128xf32, #tpu.memory_space<hbm>>
            tpu.enqueue_dma source(%dma_start3A_454 : memref<16x128xf32, #tpu.memory_space<hbm>>) target(%arg17 : memref<16x128xf32, #tpu.memory_space<vmem>>) target_semaphore(%run_scoped3A : memref<!tpu.dma_semaphore, #tpu.memory_space<semaphore_mem>>)
            %dma_wait3A_455 = arith.constant 0 : i32
            %dma_wait3A_456 = tpu.memref_slice %arg7[%multiple_of3A_447, %dma_wait3A_455] : memref<3072x128xf32, #tpu.memory_space<hbm>> -> memref<16x128xf32, #tpu.memory_space<hbm>>
            %dma_wait3A_457 = arith.constant 0 : i32
            %dma_wait3A_458 = tpu.memref_slice %arg7[%multiple_of3A_447, %dma_wait3A_457] : memref<3072x128xf32, #tpu.memory_space<hbm>> -> memref<16x128xf32, #tpu.memory_space<hbm>>
            tpu.wait_dma2 semaphore(%run_scoped3A : memref<!tpu.dma_semaphore, #tpu.memory_space<semaphore_mem>>) src(%dma_wait3A_458 : memref<16x128xf32, #tpu.memory_space<hbm>>) dst(%arg17 : memref<16x128xf32, #tpu.memory_space<vmem>>)
            tpu.yield
          }) : () -> ()
          %dma_start3A_448 = arith.constant 0 : i32
          %dma_start3A_449 = arith.constant 0 : i32
          %dma_start3A_450 = tpu.memref_slice %arg25[%dma_start3A_448, %dma_start3A_449] : memref<10240x32xbf16, #tpu.memory_space<vmem_shared>> -> memref<10240x32xbf16, #tpu.memory_space<vmem_shared>>
          tpu.enqueue_indirect_dma source(%dma_start3A_450 : memref<10240x32xbf16, #tpu.memory_space<vmem_shared>>) target(%arg21 : memref<128x32xbf16, #tpu.memory_space<vmem>>) offsets(%arg11 : memref<128xi32, #tpu.memory_space<vmem>>) semaphore(%arg28 : memref<!tpu.dma_semaphore, #tpu.memory_space<semaphore_mem>>)
        } else {
        }
        %dma_wait3A_313 = arith.constant 0 : i32
        %dma_wait3A_314 = arith.constant 0 : i32
        %dma_wait3A_315 = tpu.memref_slice %arg25[%dma_wait3A_313, %dma_wait3A_314] : memref<10240x32xbf16, #tpu.memory_space<vmem_shared>> -> memref<10240x32xbf16, #tpu.memory_space<vmem_shared>>
        tpu.wait_indirect_dma semaphore(%arg27 : memref<!tpu.dma_semaphore, #tpu.memory_space<semaphore_mem>>) src(%dma_wait3A_315 : memref<10240x32xbf16, #tpu.memory_space<vmem_shared>>) dst(%arg20 : memref<128x32xbf16, #tpu.memory_space<vmem>>)
        %ge3A_316 = arith.constant 1 : i32
        %ge3A_317 = arith.cmpi sge, %mul3A_305, %ge3A_316 : i32
        %convert_element_type3A_318 = arith.extui %ge3A_317 : i1 to i32
        %cond3A_319 = arith.constant 0 : i32
        %cond3A_320 = arith.cmpi ne, %convert_element_type3A_318, %cond3A_319 : i32
        scf.if %cond3A_320 {
          %dma_wait3A_413 = arith.constant 0 : i32
          %dma_wait3A_414 = arith.constant 0 : i32
          %dma_wait3A_415 = tpu.memref_slice %arg26[%dma_wait3A_413, %dma_wait3A_414] : memref<10240x16xf32, #tpu.memory_space<vmem_shared>> -> memref<10240x16xf32, #tpu.memory_space<vmem_shared>>
          tpu.wait_indirect_dma semaphore(%arg30 : memref<!tpu.dma_semaphore, #tpu.memory_space<semaphore_mem>>) src(%arg23 : memref<128x16xf32, #tpu.memory_space<vmem>>) dst(%dma_wait3A_415 : memref<10240x16xf32, #tpu.memory_space<vmem_shared>>)
        } else {
        }
        %parallel_loop3A = arith.constant 0 : i32
        %parallel_loop3A_321 = arith.constant 128 : i32
        %parallel_loop3A_322 = arith.constant 1 : i32
        scf.for %parallel_loop3A_413 = %parallel_loop3A to %parallel_loop3A_321 step %parallel_loop3A_322  : i32 {
          %parallel_loop3A_414 = arith.constant 3 : i32
          %parallel_loop3A_415 = arith.shrsi %parallel_loop3A_413, %parallel_loop3A_414 : i32
          %parallel_loop3A_416 = arith.constant 7 : i32
          %parallel_loop3A_417 = arith.andi %parallel_loop3A_413, %parallel_loop3A_416 : i32
          %parallel_loop3A_418 = arith.constant 16 : i32
          %parallel_loop3A_419 = arith.muli %parallel_loop3A_417, %parallel_loop3A_418 : i32
          %parallel_loop3A_420 = arith.index_cast %parallel_loop3A_415 : i32 to index
          %parallel_loop3A_421 = arith.index_cast %parallel_loop3A_419 : i32 to index
          %parallel_loop3A_422 = tpu.vector_load %arg16[%parallel_loop3A_420, %parallel_loop3A_421] {strides = array<i32>} : memref<16x128xf32, #tpu.memory_space<vmem>>, vector<16xf32>,
          %parallel_loop3A_423 = arith.index_cast %parallel_loop3A_413 : i32 to index
          %parallel_loop3A_424 = arith.constant 0 : index
          %parallel_loop3A_425 = tpu.vector_load %arg20[%parallel_loop3A_423, %parallel_loop3A_424] {strides = array<i32>} : memref<128x32xbf16, #tpu.memory_space<vmem>>, vector<32xbf16>,
          %parallel_loop3A_426 = tpu.unpack_subelements %parallel_loop3A_425, 0 {pack_format = #tpu.pack_format<interleaved>} : vector<32xbf16> -> vector<16xf32>
          %parallel_loop3A_427 = tpu.unpack_subelements %parallel_loop3A_425, 1 {pack_format = #tpu.pack_format<interleaved>} : vector<32xbf16> -> vector<16xf32>
          %parallel_loop3A_428 = vector.shape_cast %broadcast_in_dim3A_6 : vector<16xi32> to vector<16x1xi32>
          %parallel_loop3A_429 = vector.shape_cast %parallel_loop3A_428 : vector<16x1xi32> to vector<16xi32>
          %parallel_loop3A_430 = tpu.dynamic_gather %parallel_loop3A_422[%parallel_loop3A_429] in [0] : vector<16xf32>, vector<16xi32> -> vector<16xf32>
          %parallel_loop3A_431 = arith.select %lt3A_1, %parallel_loop3A_430, %broadcast_in_dim3A_8 : vector<16xi1>, vector<16xf32>
          %parallel_loop3A_432 = arith.mulf %parallel_loop3A_431, %parallel_loop3A_426 : vector<16xf32>
          %parallel_loop3A_433 = vector.shape_cast %and3A_5 : vector<16xi32> to vector<16x1xi32>
          %parallel_loop3A_434 = vector.shape_cast %parallel_loop3A_433 : vector<16x1xi32> to vector<16xi32>
          %parallel_loop3A_435 = tpu.dynamic_gather %parallel_loop3A_432[%parallel_loop3A_434] in [0] : vector<16xf32>, vector<16xi32> -> vector<16xf32>
          %parallel_loop3A_436 = arith.addf %parallel_loop3A_432, %parallel_loop3A_435 : vector<16xf32>
          %parallel_loop3A_437 = arith.index_cast %parallel_loop3A_413 : i32 to index
          %parallel_loop3A_438 = arith.constant 0 : index
          %parallel_loop3A_439 = tpu.vector_load %arg22[%parallel_loop3A_437, %parallel_loop3A_438] {strides = array<i32>} : memref<128x16xf32, #tpu.memory_space<vmem>>, vector<16xf32>,
          tpu.vector_store %arg22[%parallel_loop3A_437, %parallel_loop3A_438], %parallel_loop3A_436 {strides = array<i32>} : memref<128x16xf32, #tpu.memory_space<vmem>>, vector<16xf32>,
        } {sc.loop_unroll_factor = 4 : i64, sc.parallel_access}
        %get3A = arith.constant 0 : index
        %get3A_323 = tpu.vector_load %arg12[%get3A] {strides = array<i32>} : memref<128xi32, #tpu.memory_space<vmem>>, vector<16xi32>,
        %swap3A = arith.constant 0 : index
        %swap3A_324 = tpu.vector_load %arg14[%swap3A] {strides = array<i32>} : memref<128xi32, #tpu.memory_space<vmem>>, vector<16xi32>,
        tpu.vector_store %arg14[%swap3A], %get3A_323 {strides = array<i32>} : memref<128xi32, #tpu.memory_space<vmem>>, vector<16xi32>,
        %get3A_325 = arith.constant 16 : index
        %get3A_326 = tpu.vector_load %arg12[%get3A_325] {strides = array<i32>} : memref<128xi32, #tpu.memory_space<vmem>>, vector<16xi32>,
        %swap3A_327 = arith.constant 16 : index
        %swap3A_328 = tpu.vector_load %arg14[%swap3A_327] {strides = array<i32>} : memref<128xi32, #tpu.memory_space<vmem>>, vector<16xi32>,
        tpu.vector_store %arg14[%swap3A_327], %get3A_326 {strides = array<i32>} : memref<128xi32, #tpu.memory_space<vmem>>, vector<16xi32>,
        %get3A_329 = arith.constant 32 : index
        %get3A_330 = tpu.vector_load %arg12[%get3A_329] {strides = array<i32>} : memref<128xi32, #tpu.memory_space<vmem>>, vector<16xi32>,
        %swap3A_331 = arith.constant 32 : index
        %swap3A_332 = tpu.vector_load %arg14[%swap3A_331] {strides = array<i32>} : memref<128xi32, #tpu.memory_space<vmem>>, vector<16xi32>,
        tpu.vector_store %arg14[%swap3A_331], %get3A_330 {strides = array<i32>} : memref<128xi32, #tpu.memory_space<vmem>>, vector<16xi32>,
        %get3A_333 = arith.constant 48 : index
        %get3A_334 = tpu.vector_load %arg12[%get3A_333] {strides = array<i32>} : memref<128xi32, #tpu.memory_space<vmem>>, vector<16xi32>,
        %swap3A_335 = arith.constant 48 : index
        %swap3A_336 = tpu.vector_load %arg14[%swap3A_335] {strides = array<i32>} : memref<128xi32, #tpu.memory_space<vmem>>, vector<16xi32>,
        tpu.vector_store %arg14[%swap3A_335], %get3A_334 {strides = array<i32>} : memref<128xi32, #tpu.memory_space<vmem>>, vector<16xi32>,
        %get3A_337 = arith.constant 64 : index
        %get3A_338 = tpu.vector_load %arg12[%get3A_337] {strides = array<i32>} : memref<128xi32, #tpu.memory_space<vmem>>, vector<16xi32>,
        %swap3A_339 = arith.constant 64 : index
        %swap3A_340 = tpu.vector_load %arg14[%swap3A_339] {strides = array<i32>} : memref<128xi32, #tpu.memory_space<vmem>>, vector<16xi32>,
        tpu.vector_store %arg14[%swap3A_339], %get3A_338 {strides = array<i32>} : memref<128xi32, #tpu.memory_space<vmem>>, vector<16xi32>,
        %get3A_341 = arith.constant 80 : index
        %get3A_342 = tpu.vector_load %arg12[%get3A_341] {strides = array<i32>} : memref<128xi32, #tpu.memory_space<vmem>>, vector<16xi32>,
        %swap3A_343 = arith.constant 80 : index
        %swap3A_344 = tpu.vector_load %arg14[%swap3A_343] {strides = array<i32>} : memref<128xi32, #tpu.memory_space<vmem>>, vector<16xi32>,
        tpu.vector_store %arg14[%swap3A_343], %get3A_342 {strides = array<i32>} : memref<128xi32, #tpu.memory_space<vmem>>, vector<16xi32>,
        %get3A_345 = arith.constant 96 : index
        %get3A_346 = tpu.vector_load %arg12[%get3A_345] {strides = array<i32>} : memref<128xi32, #tpu.memory_space<vmem>>, vector<16xi32>,
        %swap3A_347 = arith.constant 96 : index
        %swap3A_348 = tpu.vector_load %arg14[%swap3A_347] {strides = array<i32>} : memref<128xi32, #tpu.memory_space<vmem>>, vector<16xi32>,
        tpu.vector_store %arg14[%swap3A_347], %get3A_346 {strides = array<i32>} : memref<128xi32, #tpu.memory_space<vmem>>, vector<16xi32>,
        %get3A_349 = arith.constant 112 : index
        %get3A_350 = tpu.vector_load %arg12[%get3A_349] {strides = array<i32>} : memref<128xi32, #tpu.memory_space<vmem>>, vector<16xi32>,
        %swap3A_351 = arith.constant 112 : index
        %swap3A_352 = tpu.vector_load %arg14[%swap3A_351] {strides = array<i32>} : memref<128xi32, #tpu.memory_space<vmem>>, vector<16xi32>,
        tpu.vector_store %arg14[%swap3A_351], %get3A_350 {strides = array<i32>} : memref<128xi32, #tpu.memory_space<vmem>>, vector<16xi32>,
        %dma_start3A_353 = arith.constant 0 : i32
        %dma_start3A_354 = arith.constant 0 : i32
        %dma_start3A_355 = tpu.memref_slice %arg26[%dma_start3A_353, %dma_start3A_354] : memref<10240x16xf32, #tpu.memory_space<vmem_shared>> -> memref<10240x16xf32, #tpu.memory_space<vmem_shared>>
        tpu.enqueue_indirect_dma source(%arg22 : memref<128x16xf32, #tpu.memory_space<vmem>>) target(%dma_start3A_355 : memref<10240x16xf32, #tpu.memory_space<vmem_shared>>) offsets(%arg14 : memref<128xi32, #tpu.memory_space<vmem>>) semaphore(%arg29 : memref<!tpu.dma_semaphore, #tpu.memory_space<semaphore_mem>>) {add = true}
        %mul3A_356 = arith.constant 2 : i32
        %mul3A_357 = arith.muli %mul3A_356, %scan3A_303 : i32
        %add3A_358 = arith.constant 1 : i32
        %add3A_359 = arith.addi %mul3A_357, %add3A_358 : i32
        %add3A_360 = arith.constant 1 : i32
        %add3A_361 = arith.addi %add3A_359, %add3A_360 : i32
        %lt3A_362 = arith.constant 12 : i32
        %lt3A_363 = arith.cmpi slt, %add3A_361, %lt3A_362 : i32
        %convert_element_type3A_364 = arith.extui %lt3A_363 : i1 to i32
        %cond3A_365 = arith.constant 0 : i32
        %cond3A_366 = arith.cmpi ne, %convert_element_type3A_364, %cond3A_365 : i32
        scf.if %cond3A_366 {
          %add3A_413 = arith.constant 1 : i32
          %add3A_414 = arith.addi %add3A_359, %add3A_413 : i32
          %mul3A_415 = arith.constant 1536 : i32
          %mul3A_416 = arith.muli %arg1, %mul3A_415 : i32
          %mul3A_417 = arith.constant 128 : i32
          %mul3A_418 = arith.muli %add3A_414, %mul3A_417 : i32
          %add3A_419 = arith.addi %mul3A_416, %mul3A_418 : i32
          %add3A_420 = arith.constant 73728 : i32
          %add3A_421 = arith.addi %add3A_420, %add3A_419 : i32
          %multiple_of3A_422 = tpu.assume_multiple %add3A_421, 128 : i32
          "tpu.region"() ({
            %run_scoped3A = tpu.sem_alloc : memref<!tpu.dma_semaphore, #tpu.memory_space<semaphore_mem>>
            %dma_start3A_451 = tpu.memref_slice %arg4[%multiple_of3A_422] : memref<172032xi32, #tpu.memory_space<hbm>> -> memref<128xi32, #tpu.memory_space<hbm>>
            %dma_start3A_452 = tpu.memref_slice %arg4[%multiple_of3A_422] : memref<172032xi32, #tpu.memory_space<hbm>> -> memref<128xi32, #tpu.memory_space<hbm>>
            tpu.enqueue_dma source(%dma_start3A_452 : memref<128xi32, #tpu.memory_space<hbm>>) target(%arg10 : memref<128xi32, #tpu.memory_space<vmem>>) target_semaphore(%run_scoped3A : memref<!tpu.dma_semaphore, #tpu.memory_space<semaphore_mem>>)
            %dma_wait3A_453 = tpu.memref_slice %arg4[%multiple_of3A_422] : memref<172032xi32, #tpu.memory_space<hbm>> -> memref<128xi32, #tpu.memory_space<hbm>>
            %dma_wait3A_454 = tpu.memref_slice %arg4[%multiple_of3A_422] : memref<172032xi32, #tpu.memory_space<hbm>> -> memref<128xi32, #tpu.memory_space<hbm>>
            tpu.wait_dma2 semaphore(%run_scoped3A : memref<!tpu.dma_semaphore, #tpu.memory_space<semaphore_mem>>) src(%dma_wait3A_454 : memref<128xi32, #tpu.memory_space<hbm>>) dst(%arg10 : memref<128xi32, #tpu.memory_space<vmem>>)
            tpu.yield
          }) : () -> ()
          "tpu.region"() ({
            %run_scoped3A = tpu.sem_alloc : memref<!tpu.dma_semaphore, #tpu.memory_space<semaphore_mem>>
            %dma_start3A_451 = tpu.memref_slice %arg5[%multiple_of3A_422] : memref<172032xi32, #tpu.memory_space<hbm>> -> memref<128xi32, #tpu.memory_space<hbm>>
            %dma_start3A_452 = tpu.memref_slice %arg5[%multiple_of3A_422] : memref<172032xi32, #tpu.memory_space<hbm>> -> memref<128xi32, #tpu.memory_space<hbm>>
            tpu.enqueue_dma source(%dma_start3A_452 : memref<128xi32, #tpu.memory_space<hbm>>) target(%arg12 : memref<128xi32, #tpu.memory_space<vmem>>) target_semaphore(%run_scoped3A : memref<!tpu.dma_semaphore, #tpu.memory_space<semaphore_mem>>)
            %dma_wait3A_453 = tpu.memref_slice %arg5[%multiple_of3A_422] : memref<172032xi32, #tpu.memory_space<hbm>> -> memref<128xi32, #tpu.memory_space<hbm>>
            %dma_wait3A_454 = tpu.memref_slice %arg5[%multiple_of3A_422] : memref<172032xi32, #tpu.memory_space<hbm>> -> memref<128xi32, #tpu.memory_space<hbm>>
            tpu.wait_dma2 semaphore(%run_scoped3A : memref<!tpu.dma_semaphore, #tpu.memory_space<semaphore_mem>>) src(%dma_wait3A_454 : memref<128xi32, #tpu.memory_space<hbm>>) dst(%arg12 : memref<128xi32, #tpu.memory_space<vmem>>)
            tpu.yield
          }) : () -> ()
          %jit3A_423 = arith.constant 8 : i32
          %div3A_424 = arith.divsi %add3A_419, %jit3A_423 : i32
          %sign3A_425 = arith.constant 0 : i32
          %sign3A_426 = arith.cmpi sgt, %add3A_419, %sign3A_425 : i32
          %sign3A_427 = arith.extui %sign3A_426 : i1 to i32
          %sign3A_428 = arith.constant 0 : i32
          %sign3A_429 = arith.cmpi slt, %add3A_419, %sign3A_428 : i32
          %sign3A_430 = arith.extui %sign3A_429 : i1 to i32
          %sign3A_431 = arith.subi %sign3A_427, %sign3A_430 : i32
          %sign3A_432 = arith.constant 0 : i32
          %sign3A_433 = arith.cmpi sgt, %jit3A_423, %sign3A_432 : i32
          %sign3A_434 = arith.extui %sign3A_433 : i1 to i32
          %sign3A_435 = arith.constant 0 : i32
          %sign3A_436 = arith.cmpi slt, %jit3A_423, %sign3A_435 : i32
          %sign3A_437 = arith.extui %sign3A_436 : i1 to i32
          %sign3A_438 = arith.subi %sign3A_434, %sign3A_437 : i32
          %ne3A_439 = arith.cmpi ne, %sign3A_431, %sign3A_438 : i32
          %rem3A_440 = arith.remsi %add3A_419, %jit3A_423 : i32
          %ne3A_441 = arith.constant 0 : i32
          %ne3A_442 = arith.cmpi ne, %rem3A_440, %ne3A_441 : i32
          %and3A_443 = arith.andi %ne3A_439, %ne3A_442 : i1
          %sub3A_444 = arith.constant 1 : i32
          %sub3A_445 = arith.subi %div3A_424, %sub3A_444 : i32
          %select_n3A_446 = arith.select %and3A_443, %sub3A_445, %div3A_424 : i32
          %multiple_of3A_447 = tpu.assume_multiple %select_n3A_446, 16 : i32
          "tpu.region"() ({
            %run_scoped3A = tpu.sem_alloc : memref<!tpu.dma_semaphore, #tpu.memory_space<semaphore_mem>>
            %dma_start3A_451 = arith.constant 0 : i32
            %dma_start3A_452 = tpu.memref_slice %arg7[%multiple_of3A_447, %dma_start3A_451] : memref<3072x128xf32, #tpu.memory_space<hbm>> -> memref<16x128xf32, #tpu.memory_space<hbm>>
            %dma_start3A_453 = arith.constant 0 : i32
            %dma_start3A_454 = tpu.memref_slice %arg7[%multiple_of3A_447, %dma_start3A_453] : memref<3072x128xf32, #tpu.memory_space<hbm>> -> memref<16x128xf32, #tpu.memory_space<hbm>>
            tpu.enqueue_dma source(%dma_start3A_454 : memref<16x128xf32, #tpu.memory_space<hbm>>) target(%arg16 : memref<16x128xf32, #tpu.memory_space<vmem>>) target_semaphore(%run_scoped3A : memref<!tpu.dma_semaphore, #tpu.memory_space<semaphore_mem>>)
            %dma_wait3A_455 = arith.constant 0 : i32
            %dma_wait3A_456 = tpu.memref_slice %arg7[%multiple_of3A_447, %dma_wait3A_455] : memref<3072x128xf32, #tpu.memory_space<hbm>> -> memref<16x128xf32, #tpu.memory_space<hbm>>
            %dma_wait3A_457 = arith.constant 0 : i32
            %dma_wait3A_458 = tpu.memref_slice %arg7[%multiple_of3A_447, %dma_wait3A_457] : memref<3072x128xf32, #tpu.memory_space<hbm>> -> memref<16x128xf32, #tpu.memory_space<hbm>>
            tpu.wait_dma2 semaphore(%run_scoped3A : memref<!tpu.dma_semaphore, #tpu.memory_space<semaphore_mem>>) src(%dma_wait3A_458 : memref<16x128xf32, #tpu.memory_space<hbm>>) dst(%arg16 : memref<16x128xf32, #tpu.memory_space<vmem>>)
            tpu.yield
          }) : () -> ()
          %dma_start3A_448 = arith.constant 0 : i32
          %dma_start3A_449 = arith.constant 0 : i32
          %dma_start3A_450 = tpu.memref_slice %arg25[%dma_start3A_448, %dma_start3A_449] : memref<10240x32xbf16, #tpu.memory_space<vmem_shared>> -> memref<10240x32xbf16, #tpu.memory_space<vmem_shared>>
          tpu.enqueue_indirect_dma source(%dma_start3A_450 : memref<10240x32xbf16, #tpu.memory_space<vmem_shared>>) target(%arg20 : memref<128x32xbf16, #tpu.memory_space<vmem>>) offsets(%arg10 : memref<128xi32, #tpu.memory_space<vmem>>) semaphore(%arg27 : memref<!tpu.dma_semaphore, #tpu.memory_space<semaphore_mem>>)
        } else {
        }
        %dma_wait3A_367 = arith.constant 0 : i32
        %dma_wait3A_368 = arith.constant 0 : i32
        %dma_wait3A_369 = tpu.memref_slice %arg25[%dma_wait3A_367, %dma_wait3A_368] : memref<10240x32xbf16, #tpu.memory_space<vmem_shared>> -> memref<10240x32xbf16, #tpu.memory_space<vmem_shared>>
        tpu.wait_indirect_dma semaphore(%arg28 : memref<!tpu.dma_semaphore, #tpu.memory_space<semaphore_mem>>) src(%dma_wait3A_369 : memref<10240x32xbf16, #tpu.memory_space<vmem_shared>>) dst(%arg21 : memref<128x32xbf16, #tpu.memory_space<vmem>>)
        %ge3A_370 = arith.constant 1 : i32
        %ge3A_371 = arith.cmpi sge, %add3A_359, %ge3A_370 : i32
        %convert_element_type3A_372 = arith.extui %ge3A_371 : i1 to i32
        %cond3A_373 = arith.constant 0 : i32
        %cond3A_374 = arith.cmpi ne, %convert_element_type3A_372, %cond3A_373 : i32
        scf.if %cond3A_374 {
          %dma_wait3A_413 = arith.constant 0 : i32
          %dma_wait3A_414 = arith.constant 0 : i32
          %dma_wait3A_415 = tpu.memref_slice %arg26[%dma_wait3A_413, %dma_wait3A_414] : memref<10240x16xf32, #tpu.memory_space<vmem_shared>> -> memref<10240x16xf32, #tpu.memory_space<vmem_shared>>
          tpu.wait_indirect_dma semaphore(%arg29 : memref<!tpu.dma_semaphore, #tpu.memory_space<semaphore_mem>>) src(%arg22 : memref<128x16xf32, #tpu.memory_space<vmem>>) dst(%dma_wait3A_415 : memref<10240x16xf32, #tpu.memory_space<vmem_shared>>)
        } else {
        }
        %parallel_loop3A_375 = arith.constant 0 : i32
        %parallel_loop3A_376 = arith.constant 128 : i32
        %parallel_loop3A_377 = arith.constant 1 : i32
        scf.for %parallel_loop3A_413 = %parallel_loop3A_375 to %parallel_loop3A_376 step %parallel_loop3A_377  : i32 {
          %parallel_loop3A_414 = arith.constant 3 : i32
          %parallel_loop3A_415 = arith.shrsi %parallel_loop3A_413, %parallel_loop3A_414 : i32
          %parallel_loop3A_416 = arith.constant 7 : i32
          %parallel_loop3A_417 = arith.andi %parallel_loop3A_413, %parallel_loop3A_416 : i32
          %parallel_loop3A_418 = arith.constant 16 : i32
          %parallel_loop3A_419 = arith.muli %parallel_loop3A_417, %parallel_loop3A_418 : i32
          %parallel_loop3A_420 = arith.index_cast %parallel_loop3A_415 : i32 to index
          %parallel_loop3A_421 = arith.index_cast %parallel_loop3A_419 : i32 to index
          %parallel_loop3A_422 = tpu.vector_load %arg17[%parallel_loop3A_420, %parallel_loop3A_421] {strides = array<i32>} : memref<16x128xf32, #tpu.memory_space<vmem>>, vector<16xf32>,
          %parallel_loop3A_423 = arith.index_cast %parallel_loop3A_413 : i32 to index
          %parallel_loop3A_424 = arith.constant 0 : index
          %parallel_loop3A_425 = tpu.vector_load %arg21[%parallel_loop3A_423, %parallel_loop3A_424] {strides = array<i32>} : memref<128x32xbf16, #tpu.memory_space<vmem>>, vector<32xbf16>,
          %parallel_loop3A_426 = tpu.unpack_subelements %parallel_loop3A_425, 0 {pack_format = #tpu.pack_format<interleaved>} : vector<32xbf16> -> vector<16xf32>
          %parallel_loop3A_427 = tpu.unpack_subelements %parallel_loop3A_425, 1 {pack_format = #tpu.pack_format<interleaved>} : vector<32xbf16> -> vector<16xf32>
          %parallel_loop3A_428 = vector.shape_cast %broadcast_in_dim3A_6 : vector<16xi32> to vector<16x1xi32>
          %parallel_loop3A_429 = vector.shape_cast %parallel_loop3A_428 : vector<16x1xi32> to vector<16xi32>
          %parallel_loop3A_430 = tpu.dynamic_gather %parallel_loop3A_422[%parallel_loop3A_429] in [0] : vector<16xf32>, vector<16xi32> -> vector<16xf32>
          %parallel_loop3A_431 = arith.select %lt3A_1, %parallel_loop3A_430, %broadcast_in_dim3A_8 : vector<16xi1>, vector<16xf32>
          %parallel_loop3A_432 = arith.mulf %parallel_loop3A_431, %parallel_loop3A_426 : vector<16xf32>
          %parallel_loop3A_433 = vector.shape_cast %and3A_5 : vector<16xi32> to vector<16x1xi32>
          %parallel_loop3A_434 = vector.shape_cast %parallel_loop3A_433 : vector<16x1xi32> to vector<16xi32>
          %parallel_loop3A_435 = tpu.dynamic_gather %parallel_loop3A_432[%parallel_loop3A_434] in [0] : vector<16xf32>, vector<16xi32> -> vector<16xf32>
          %parallel_loop3A_436 = arith.addf %parallel_loop3A_432, %parallel_loop3A_435 : vector<16xf32>
          %parallel_loop3A_437 = arith.index_cast %parallel_loop3A_413 : i32 to index
          %parallel_loop3A_438 = arith.constant 0 : index
          %parallel_loop3A_439 = tpu.vector_load %arg23[%parallel_loop3A_437, %parallel_loop3A_438] {strides = array<i32>} : memref<128x16xf32, #tpu.memory_space<vmem>>, vector<16xf32>,
          tpu.vector_store %arg23[%parallel_loop3A_437, %parallel_loop3A_438], %parallel_loop3A_436 {strides = array<i32>} : memref<128x16xf32, #tpu.memory_space<vmem>>, vector<16xf32>,
        } {sc.loop_unroll_factor = 4 : i64, sc.parallel_access}
        %get3A_378 = arith.constant 0 : index
        %get3A_379 = tpu.vector_load %arg13[%get3A_378] {strides = array<i32>} : memref<128xi32, #tpu.memory_space<vmem>>, vector<16xi32>,
        %swap3A_380 = arith.constant 0 : index
        %swap3A_381 = tpu.vector_load %arg15[%swap3A_380] {strides = array<i32>} : memref<128xi32, #tpu.memory_space<vmem>>, vector<16xi32>,
        tpu.vector_store %arg15[%swap3A_380], %get3A_379 {strides = array<i32>} : memref<128xi32, #tpu.memory_space<vmem>>, vector<16xi32>,
        %get3A_382 = arith.constant 16 : index
        %get3A_383 = tpu.vector_load %arg13[%get3A_382] {strides = array<i32>} : memref<128xi32, #tpu.memory_space<vmem>>, vector<16xi32>,
        %swap3A_384 = arith.constant 16 : index
        %swap3A_385 = tpu.vector_load %arg15[%swap3A_384] {strides = array<i32>} : memref<128xi32, #tpu.memory_space<vmem>>, vector<16xi32>,
        tpu.vector_store %arg15[%swap3A_384], %get3A_383 {strides = array<i32>} : memref<128xi32, #tpu.memory_space<vmem>>, vector<16xi32>,
        %get3A_386 = arith.constant 32 : index
        %get3A_387 = tpu.vector_load %arg13[%get3A_386] {strides = array<i32>} : memref<128xi32, #tpu.memory_space<vmem>>, vector<16xi32>,
        %swap3A_388 = arith.constant 32 : index
        %swap3A_389 = tpu.vector_load %arg15[%swap3A_388] {strides = array<i32>} : memref<128xi32, #tpu.memory_space<vmem>>, vector<16xi32>,
        tpu.vector_store %arg15[%swap3A_388], %get3A_387 {strides = array<i32>} : memref<128xi32, #tpu.memory_space<vmem>>, vector<16xi32>,
        %get3A_390 = arith.constant 48 : index
        %get3A_391 = tpu.vector_load %arg13[%get3A_390] {strides = array<i32>} : memref<128xi32, #tpu.memory_space<vmem>>, vector<16xi32>,
        %swap3A_392 = arith.constant 48 : index
        %swap3A_393 = tpu.vector_load %arg15[%swap3A_392] {strides = array<i32>} : memref<128xi32, #tpu.memory_space<vmem>>, vector<16xi32>,
        tpu.vector_store %arg15[%swap3A_392], %get3A_391 {strides = array<i32>} : memref<128xi32, #tpu.memory_space<vmem>>, vector<16xi32>,
        %get3A_394 = arith.constant 64 : index
        %get3A_395 = tpu.vector_load %arg13[%get3A_394] {strides = array<i32>} : memref<128xi32, #tpu.memory_space<vmem>>, vector<16xi32>,
        %swap3A_396 = arith.constant 64 : index
        %swap3A_397 = tpu.vector_load %arg15[%swap3A_396] {strides = array<i32>} : memref<128xi32, #tpu.memory_space<vmem>>, vector<16xi32>,
        tpu.vector_store %arg15[%swap3A_396], %get3A_395 {strides = array<i32>} : memref<128xi32, #tpu.memory_space<vmem>>, vector<16xi32>,
        %get3A_398 = arith.constant 80 : index
        %get3A_399 = tpu.vector_load %arg13[%get3A_398] {strides = array<i32>} : memref<128xi32, #tpu.memory_space<vmem>>, vector<16xi32>,
        %swap3A_400 = arith.constant 80 : index
        %swap3A_401 = tpu.vector_load %arg15[%swap3A_400] {strides = array<i32>} : memref<128xi32, #tpu.memory_space<vmem>>, vector<16xi32>,
        tpu.vector_store %arg15[%swap3A_400], %get3A_399 {strides = array<i32>} : memref<128xi32, #tpu.memory_space<vmem>>, vector<16xi32>,
        %get3A_402 = arith.constant 96 : index
        %get3A_403 = tpu.vector_load %arg13[%get3A_402] {strides = array<i32>} : memref<128xi32, #tpu.memory_space<vmem>>, vector<16xi32>,
        %swap3A_404 = arith.constant 96 : index
        %swap3A_405 = tpu.vector_load %arg15[%swap3A_404] {strides = array<i32>} : memref<128xi32, #tpu.memory_space<vmem>>, vector<16xi32>,
        tpu.vector_store %arg15[%swap3A_404], %get3A_403 {strides = array<i32>} : memref<128xi32, #tpu.memory_space<vmem>>, vector<16xi32>,
        %get3A_406 = arith.constant 112 : index
        %get3A_407 = tpu.vector_load %arg13[%get3A_406] {strides = array<i32>} : memref<128xi32, #tpu.memory_space<vmem>>, vector<16xi32>,
        %swap3A_408 = arith.constant 112 : index
        %swap3A_409 = tpu.vector_load %arg15[%swap3A_408] {strides = array<i32>} : memref<128xi32, #tpu.memory_space<vmem>>, vector<16xi32>,
        tpu.vector_store %arg15[%swap3A_408], %get3A_407 {strides = array<i32>} : memref<128xi32, #tpu.memory_space<vmem>>, vector<16xi32>,
        %dma_start3A_410 = arith.constant 0 : i32
        %dma_start3A_411 = arith.constant 0 : i32
        %dma_start3A_412 = tpu.memref_slice %arg26[%dma_start3A_410, %dma_start3A_411] : memref<10240x16xf32, #tpu.memory_space<vmem_shared>> -> memref<10240x16xf32, #tpu.memory_space<vmem_shared>>
        tpu.enqueue_indirect_dma source(%arg23 : memref<128x16xf32, #tpu.memory_space<vmem>>) target(%dma_start3A_412 : memref<10240x16xf32, #tpu.memory_space<vmem_shared>>) offsets(%arg15 : memref<128xi32, #tpu.memory_space<vmem>>) semaphore(%arg30 : memref<!tpu.dma_semaphore, #tpu.memory_space<semaphore_mem>>) {add = true}
      }
      %scan3A_293 = arith.constant 6 : i32
      %dma_wait3A_294 = arith.constant 0 : i32
      %dma_wait3A_295 = arith.constant 0 : i32
      %dma_wait3A_296 = tpu.memref_slice %arg26[%dma_wait3A_294, %dma_wait3A_295] : memref<10240x16xf32, #tpu.memory_space<vmem_shared>> -> memref<10240x16xf32, #tpu.memory_space<vmem_shared>>
      tpu.wait_indirect_dma semaphore(%arg30 : memref<!tpu.dma_semaphore, #tpu.memory_space<semaphore_mem>>) src(%arg23 : memref<128x16xf32, #tpu.memory_space<vmem>>) dst(%dma_wait3A_296 : memref<10240x16xf32, #tpu.memory_space<vmem_shared>>)
      %barrier3A_297 = arith.constant 0 : index
      tpu.barrier barrier_id(%barrier3A_297)
      %mul3A_298 = arith.constant 640 : i32
      %mul3A_299 = arith.muli %arg1, %mul3A_298 : i32
      %multiple_of3A_300 = tpu.assume_multiple %mul3A_299, 640 : i32
      %multiple_of3A_301 = arith.constant 24 : i32
      %multiple_of3A_302 = tpu.assume_multiple %multiple_of3A_301, 8 : i32
      "tpu.region"() ({
        %run_scoped3A = tpu.sem_alloc : memref<!tpu.dma_semaphore, #tpu.memory_space<semaphore_mem>>
        %dma_start3A_303 = tpu.memref_slice %arg9[%multiple_of3A_300, %multiple_of3A_302] : memref<10240x56xf32, #tpu.memory_space<hbm>> -> memref<640x8xf32, #tpu.memory_space<hbm>>
        %dma_start3A_304 = arith.constant 0 : i32
        %dma_start3A_305 = tpu.memref_slice %arg26[%multiple_of3A, %dma_start3A_304] : memref<10240x16xf32, #tpu.memory_space<vmem_shared>> -> memref<640x8xf32, #tpu.memory_space<vmem_shared>>
        tpu.enqueue_dma source(%dma_start3A_305 : memref<640x8xf32, #tpu.memory_space<vmem_shared>>) target(%dma_start3A_303 : memref<640x8xf32, #tpu.memory_space<hbm>>) target_semaphore(%run_scoped3A : memref<!tpu.dma_semaphore, #tpu.memory_space<semaphore_mem>>)
        %dma_wait3A_306 = tpu.memref_slice %arg9[%multiple_of3A_300, %multiple_of3A_302] : memref<10240x56xf32, #tpu.memory_space<hbm>> -> memref<640x8xf32, #tpu.memory_space<hbm>>
        %dma_wait3A_307 = arith.constant 0 : i32
        %dma_wait3A_308 = tpu.memref_slice %arg26[%multiple_of3A, %dma_wait3A_307] : memref<10240x16xf32, #tpu.memory_space<vmem_shared>> -> memref<640x8xf32, #tpu.memory_space<vmem_shared>>
        tpu.wait_dma2 semaphore(%run_scoped3A : memref<!tpu.dma_semaphore, #tpu.memory_space<semaphore_mem>>) src(%dma_wait3A_308 : memref<640x8xf32, #tpu.memory_space<vmem_shared>>) dst(%dma_wait3A_306 : memref<640x8xf32, #tpu.memory_space<hbm>>)
        tpu.yield
      }) : () -> ()
    } else {
    }
    return
  }
}

module attributes {stable_mosaic.version = 14 : i64} {
  func.func @_tc_stage1(%arg0: i32, %arg1: memref<400x128xf32, #tpu.memory_space<vmem>>, %arg2: memref<400x128xf32, #tpu.memory_space<vmem>>, %arg3: memref<400x128xf32, #tpu.memory_space<vmem>>, %arg4: memref<128x128xf32, #tpu.memory_space<vmem>>, %arg5: memref<128x128xf32, #tpu.memory_space<vmem>>, %arg6: memref<128x128xf32, #tpu.memory_space<vmem>>, %arg7: memref<128x32xf32, #tpu.memory_space<vmem>>, %arg8: memref<128x128xf32, #tpu.memory_space<vmem>>, %arg9: memref<128x128xf32, #tpu.memory_space<vmem>>, %arg10: memref<128x128xf32, #tpu.memory_space<vmem>>, %arg11: memref<128x56xf32, #tpu.memory_space<vmem>>, %arg12: memref<8x56xf32, #tpu.memory_space<vmem>>, %arg13: memref<6x400x128xbf16, #tpu.memory_space<vmem>>, %arg14: memref<400x32xbf16, #tpu.memory_space<vmem>>, %arg15: memref<400x56xf32, #tpu.memory_space<vmem>>) attributes {dimension_semantics = [#tpu.dimension_semantics<arbitrary>], iteration_bounds = array<i64: 25>, scalar_prefetch = 0 : i64, scratch_operands = 0 : i64, tpu.core_type = #tpu.core_type<tc>, window_params = [{transform_indices = @transform_0, window_bounds = array<i64: 400, 128>}, {transform_indices = @transform_1, window_bounds = array<i64: 400, 128>}, {transform_indices = @transform_2, window_bounds = array<i64: 400, 128>}, {pipeline_mode = #tpu.pipeline_mode<synchronous>, transform_indices = @transform_3, window_bounds = array<i64: 128, 128>}, {pipeline_mode = #tpu.pipeline_mode<synchronous>, transform_indices = @transform_4, window_bounds = array<i64: 128, 128>}, {pipeline_mode = #tpu.pipeline_mode<synchronous>, transform_indices = @transform_5, window_bounds = array<i64: 128, 128>}, {pipeline_mode = #tpu.pipeline_mode<synchronous>, transform_indices = @transform_6, window_bounds = array<i64: 128, 32>}, {pipeline_mode = #tpu.pipeline_mode<synchronous>, transform_indices = @transform_7, window_bounds = array<i64: 128, 128>}, {pipeline_mode = #tpu.pipeline_mode<synchronous>, transform_indices = @transform_8, window_bounds = array<i64: 128, 128>}, {pipeline_mode = #tpu.pipeline_mode<synchronous>, transform_indices = @transform_9, window_bounds = array<i64: 128, 128>}, {pipeline_mode = #tpu.pipeline_mode<synchronous>, transform_indices = @transform_10, window_bounds = array<i64: 128, 56>}, {pipeline_mode = #tpu.pipeline_mode<synchronous>, transform_indices = @transform_11, window_bounds = array<i64: 8, 56>}, {transform_indices = @transform_12, window_bounds = array<i64: 6, 400, 128>}, {transform_indices = @transform_13, window_bounds = array<i64: 400, 32>}, {transform_indices = @transform_14, window_bounds = array<i64: 400, 56>}]} {
    %get3A = arith.constant 0 : index
    %get3A_0 = arith.constant 0 : index
    %get3A_1 = vector.load %arg1[%get3A, %get3A_0] : memref<400x128xf32, #tpu.memory_space<vmem>>, vector<400x128xf32>
    %get3A_2 = arith.constant 0 : index
    %get3A_3 = arith.constant 0 : index
    %get3A_4 = vector.load %arg2[%get3A_2, %get3A_3] : memref<400x128xf32, #tpu.memory_space<vmem>>, vector<400x128xf32>
    %get3A_5 = arith.constant 0 : index
    %get3A_6 = arith.constant 0 : index
    %get3A_7 = vector.load %arg3[%get3A_5, %get3A_6] : memref<400x128xf32, #tpu.memory_space<vmem>>, vector<400x128xf32>
    %get3A_8 = arith.constant 0 : index
    %get3A_9 = arith.constant 0 : index
    %get3A_10 = vector.load %arg4[%get3A_8, %get3A_9] : memref<128x128xf32, #tpu.memory_space<vmem>>, vector<128x128xf32>
    %dot_general3A = arith.constant dense<0.000000e+00> : vector<400x128xf32>
    %dot_general3A_11 = tpu.matmul %get3A_1, %get3A_10, %dot_general3A {dimension_numbers = #tpu.dot_dimension_numbers<[1], [0], [0], [1], [0, 0, 1, 1], [], []>, transpose_lhs_hint = false} : vector<400x128xf32>, vector<128x128xf32>, vector<400x128xf32> -> vector<400x128xf32>
    %convert_element_type3A = arith.truncf %dot_general3A_11 : vector<400x128xf32> to vector<400x128xbf16>
    %swap3A = arith.constant 0 : index
    %swap3A_12 = arith.constant 0 : index
    %swap3A_13 = arith.constant 0 : index
    %swap3A_14 = vector.load %arg13[%swap3A, %swap3A_12, %swap3A_13] : memref<6x400x128xbf16, #tpu.memory_space<vmem>>, vector<1x400x128xbf16>
    %swap3A_15 = vector.shape_cast %swap3A_14 : vector<1x400x128xbf16> to vector<400x128xbf16>
    %swap3A_16 = vector.shape_cast %convert_element_type3A : vector<400x128xbf16> to vector<1x400x128xbf16>
    tpu.vector_store %arg13[%swap3A, %swap3A_12, %swap3A_13], %swap3A_16 {strides = array<i32>} : memref<6x400x128xbf16, #tpu.memory_space<vmem>>, vector<1x400x128xbf16>,
    %get3A_17 = arith.constant 0 : index
    %get3A_18 = arith.constant 0 : index
    %get3A_19 = vector.load %arg5[%get3A_17, %get3A_18] : memref<128x128xf32, #tpu.memory_space<vmem>>, vector<128x128xf32>
    %dot_general3A_20 = arith.constant dense<0.000000e+00> : vector<400x128xf32>
    %dot_general3A_21 = tpu.matmul %get3A_4, %get3A_19, %dot_general3A_20 {dimension_numbers = #tpu.dot_dimension_numbers<[1], [0], [0], [1], [0, 0, 1, 1], [], []>, transpose_lhs_hint = false} : vector<400x128xf32>, vector<128x128xf32>, vector<400x128xf32> -> vector<400x128xf32>
    %convert_element_type3A_22 = arith.truncf %dot_general3A_21 : vector<400x128xf32> to vector<400x128xbf16>
    %swap3A_23 = arith.constant 1 : index
    %swap3A_24 = arith.constant 0 : index
    %swap3A_25 = arith.constant 0 : index
    %swap3A_26 = vector.load %arg13[%swap3A_23, %swap3A_24, %swap3A_25] : memref<6x400x128xbf16, #tpu.memory_space<vmem>>, vector<1x400x128xbf16>
    %swap3A_27 = vector.shape_cast %swap3A_26 : vector<1x400x128xbf16> to vector<400x128xbf16>
    %swap3A_28 = vector.shape_cast %convert_element_type3A_22 : vector<400x128xbf16> to vector<1x400x128xbf16>
    tpu.vector_store %arg13[%swap3A_23, %swap3A_24, %swap3A_25], %swap3A_28 {strides = array<i32>} : memref<6x400x128xbf16, #tpu.memory_space<vmem>>, vector<1x400x128xbf16>,
    %get3A_29 = arith.constant 0 : index
    %get3A_30 = arith.constant 0 : index
    %get3A_31 = vector.load %arg6[%get3A_29, %get3A_30] : memref<128x128xf32, #tpu.memory_space<vmem>>, vector<128x128xf32>
    %dot_general3A_32 = arith.constant dense<0.000000e+00> : vector<400x128xf32>
    %dot_general3A_33 = tpu.matmul %get3A_7, %get3A_31, %dot_general3A_32 {dimension_numbers = #tpu.dot_dimension_numbers<[1], [0], [0], [1], [0, 0, 1, 1], [], []>, transpose_lhs_hint = false} : vector<400x128xf32>, vector<128x128xf32>, vector<400x128xf32> -> vector<400x128xf32>
    %convert_element_type3A_34 = arith.truncf %dot_general3A_33 : vector<400x128xf32> to vector<400x128xbf16>
    %swap3A_35 = arith.constant 2 : index
    %swap3A_36 = arith.constant 0 : index
    %swap3A_37 = arith.constant 0 : index
    %swap3A_38 = vector.load %arg13[%swap3A_35, %swap3A_36, %swap3A_37] : memref<6x400x128xbf16, #tpu.memory_space<vmem>>, vector<1x400x128xbf16>
    %swap3A_39 = vector.shape_cast %swap3A_38 : vector<1x400x128xbf16> to vector<400x128xbf16>
    %swap3A_40 = vector.shape_cast %convert_element_type3A_34 : vector<400x128xbf16> to vector<1x400x128xbf16>
    tpu.vector_store %arg13[%swap3A_35, %swap3A_36, %swap3A_37], %swap3A_40 {strides = array<i32>} : memref<6x400x128xbf16, #tpu.memory_space<vmem>>, vector<1x400x128xbf16>,
    %get3A_41 = arith.constant 0 : index
    %get3A_42 = arith.constant 0 : index
    %get3A_43 = vector.load %arg7[%get3A_41, %get3A_42] : memref<128x32xf32, #tpu.memory_space<vmem>>, vector<128x32xf32>
    %dot_general3A_44 = arith.constant dense<0.000000e+00> : vector<400x32xf32>
    %dot_general3A_45 = tpu.matmul %get3A_1, %get3A_43, %dot_general3A_44 {dimension_numbers = #tpu.dot_dimension_numbers<[1], [0], [0], [1], [0, 0, 1, 1], [], []>, transpose_lhs_hint = false} : vector<400x128xf32>, vector<128x32xf32>, vector<400x32xf32> -> vector<400x32xf32>
    %convert_element_type3A_46 = arith.truncf %dot_general3A_45 : vector<400x32xf32> to vector<400x32xbf16>
    %swap3A_47 = arith.constant 0 : index
    %swap3A_48 = arith.constant 0 : index
    %swap3A_49 = vector.load %arg14[%swap3A_47, %swap3A_48] : memref<400x32xbf16, #tpu.memory_space<vmem>>, vector<400x32xbf16>
    tpu.vector_store %arg14[%swap3A_47, %swap3A_48], %convert_element_type3A_46 {strides = array<i32>} : memref<400x32xbf16, #tpu.memory_space<vmem>>, vector<400x32xbf16>,
    %get3A_50 = arith.constant 0 : index
    %get3A_51 = arith.constant 0 : index
    %get3A_52 = vector.load %arg8[%get3A_50, %get3A_51] : memref<128x128xf32, #tpu.memory_space<vmem>>, vector<128x128xf32>
    %dot_general3A_53 = arith.constant dense<0.000000e+00> : vector<400x128xf32>
    %dot_general3A_54 = tpu.matmul %get3A_1, %get3A_52, %dot_general3A_53 {dimension_numbers = #tpu.dot_dimension_numbers<[1], [0], [0], [1], [0, 0, 1, 1], [], []>, transpose_lhs_hint = false} : vector<400x128xf32>, vector<128x128xf32>, vector<400x128xf32> -> vector<400x128xf32>
    %convert_element_type3A_55 = arith.truncf %dot_general3A_54 : vector<400x128xf32> to vector<400x128xbf16>
    %swap3A_56 = arith.constant 3 : index
    %swap3A_57 = arith.constant 0 : index
    %swap3A_58 = arith.constant 0 : index
    %swap3A_59 = vector.load %arg13[%swap3A_56, %swap3A_57, %swap3A_58] : memref<6x400x128xbf16, #tpu.memory_space<vmem>>, vector<1x400x128xbf16>
    %swap3A_60 = vector.shape_cast %swap3A_59 : vector<1x400x128xbf16> to vector<400x128xbf16>
    %swap3A_61 = vector.shape_cast %convert_element_type3A_55 : vector<400x128xbf16> to vector<1x400x128xbf16>
    tpu.vector_store %arg13[%swap3A_56, %swap3A_57, %swap3A_58], %swap3A_61 {strides = array<i32>} : memref<6x400x128xbf16, #tpu.memory_space<vmem>>, vector<1x400x128xbf16>,
    %get3A_62 = arith.constant 0 : index
    %get3A_63 = arith.constant 0 : index
    %get3A_64 = vector.load %arg9[%get3A_62, %get3A_63] : memref<128x128xf32, #tpu.memory_space<vmem>>, vector<128x128xf32>
    %dot_general3A_65 = arith.constant dense<0.000000e+00> : vector<400x128xf32>
    %dot_general3A_66 = tpu.matmul %get3A_4, %get3A_64, %dot_general3A_65 {dimension_numbers = #tpu.dot_dimension_numbers<[1], [0], [0], [1], [0, 0, 1, 1], [], []>, transpose_lhs_hint = false} : vector<400x128xf32>, vector<128x128xf32>, vector<400x128xf32> -> vector<400x128xf32>
    %convert_element_type3A_67 = arith.truncf %dot_general3A_66 : vector<400x128xf32> to vector<400x128xbf16>
    %swap3A_68 = arith.constant 4 : index
    %swap3A_69 = arith.constant 0 : index
    %swap3A_70 = arith.constant 0 : index
    %swap3A_71 = vector.load %arg13[%swap3A_68, %swap3A_69, %swap3A_70] : memref<6x400x128xbf16, #tpu.memory_space<vmem>>, vector<1x400x128xbf16>
    %swap3A_72 = vector.shape_cast %swap3A_71 : vector<1x400x128xbf16> to vector<400x128xbf16>
    %swap3A_73 = vector.shape_cast %convert_element_type3A_67 : vector<400x128xbf16> to vector<1x400x128xbf16>
    tpu.vector_store %arg13[%swap3A_68, %swap3A_69, %swap3A_70], %swap3A_73 {strides = array<i32>} : memref<6x400x128xbf16, #tpu.memory_space<vmem>>, vector<1x400x128xbf16>,
    %get3A_74 = arith.constant 0 : index
    %get3A_75 = arith.constant 0 : index
    %get3A_76 = vector.load %arg10[%get3A_74, %get3A_75] : memref<128x128xf32, #tpu.memory_space<vmem>>, vector<128x128xf32>
    %dot_general3A_77 = arith.constant dense<0.000000e+00> : vector<400x128xf32>
    %dot_general3A_78 = tpu.matmul %get3A_7, %get3A_76, %dot_general3A_77 {dimension_numbers = #tpu.dot_dimension_numbers<[1], [0], [0], [1], [0, 0, 1, 1], [], []>, transpose_lhs_hint = false} : vector<400x128xf32>, vector<128x128xf32>, vector<400x128xf32> -> vector<400x128xf32>
    %convert_element_type3A_79 = arith.truncf %dot_general3A_78 : vector<400x128xf32> to vector<400x128xbf16>
    %swap3A_80 = arith.constant 5 : index
    %swap3A_81 = arith.constant 0 : index
    %swap3A_82 = arith.constant 0 : index
    %swap3A_83 = vector.load %arg13[%swap3A_80, %swap3A_81, %swap3A_82] : memref<6x400x128xbf16, #tpu.memory_space<vmem>>, vector<1x400x128xbf16>
    %swap3A_84 = vector.shape_cast %swap3A_83 : vector<1x400x128xbf16> to vector<400x128xbf16>
    %swap3A_85 = vector.shape_cast %convert_element_type3A_79 : vector<400x128xbf16> to vector<1x400x128xbf16>
    tpu.vector_store %arg13[%swap3A_80, %swap3A_81, %swap3A_82], %swap3A_85 {strides = array<i32>} : memref<6x400x128xbf16, #tpu.memory_space<vmem>>, vector<1x400x128xbf16>,
    %get3A_86 = arith.constant 0 : index
    %get3A_87 = arith.constant 0 : index
    %get3A_88 = vector.load %arg11[%get3A_86, %get3A_87] : memref<128x56xf32, #tpu.memory_space<vmem>>, vector<128x56xf32>
    %dot_general3A_89 = arith.constant dense<0.000000e+00> : vector<400x56xf32>
    %dot_general3A_90 = tpu.matmul %get3A_4, %get3A_88, %dot_general3A_89 {dimension_numbers = #tpu.dot_dimension_numbers<[1], [0], [0], [1], [0, 0, 1, 1], [], []>, transpose_lhs_hint = false} : vector<400x128xf32>, vector<128x56xf32>, vector<400x56xf32> -> vector<400x56xf32>
    %get3A_91 = arith.constant 0 : index
    %get3A_92 = arith.constant 0 : index
    %get3A_93 = vector.load %arg12[%get3A_91, %get3A_92] : memref<8x56xf32, #tpu.memory_space<vmem>>, vector<8x56xf32>
    %slice3A = vector.extract_strided_slice %get3A_93 {offsets = [0, 0], sizes = [1, 56], strides = [1, 1]} : vector<8x56xf32> to vector<1x56xf32>
    %add3A = vector.broadcast %slice3A : vector<1x56xf32> to vector<400x56xf32>
    %add3A_94 = arith.addf %dot_general3A_90, %add3A : vector<400x56xf32>
    %swap3A_95 = arith.constant 0 : index
    %swap3A_96 = arith.constant 0 : index
    %swap3A_97 = vector.load %arg15[%swap3A_95, %swap3A_96] : memref<400x56xf32, #tpu.memory_space<vmem>>, vector<400x56xf32>
    tpu.vector_store %arg15[%swap3A_95, %swap3A_96], %add3A_94 {strides = array<i32>} : memref<400x56xf32, #tpu.memory_space<vmem>>, vector<400x56xf32>,
    return
  }
  func.func @transform_0(%arg0: i32) -> (i32, i32) {
    %c0_i32 = arith.constant 0 : i32
    %c0_i32_0 = arith.constant 0 : i32
    return %arg0, %c0_i32 : i32, i32
  }
  func.func @transform_1(%arg0: i32) -> (i32, i32) {
    %c0_i32 = arith.constant 0 : i32
    %c0_i32_0 = arith.constant 0 : i32
    return %arg0, %c0_i32 : i32, i32
  }
  func.func @transform_2(%arg0: i32) -> (i32, i32) {
    %c0_i32 = arith.constant 0 : i32
    %c0_i32_0 = arith.constant 0 : i32
    return %arg0, %c0_i32 : i32, i32
  }
  func.func @transform_3(%arg0: i32) -> (i32, i32) {
    %c0_i32 = arith.constant 0 : i32
    %c0_i32_0 = arith.constant 0 : i32
    %c0_i32_1 = arith.constant 0 : i32
    return %c0_i32, %c0_i32_0 : i32, i32
  }
  func.func @transform_4(%arg0: i32) -> (i32, i32) {
    %c0_i32 = arith.constant 0 : i32
    %c0_i32_0 = arith.constant 0 : i32
    %c0_i32_1 = arith.constant 0 : i32
    return %c0_i32, %c0_i32_0 : i32, i32
  }
  func.func @transform_5(%arg0: i32) -> (i32, i32) {
    %c0_i32 = arith.constant 0 : i32
    %c0_i32_0 = arith.constant 0 : i32
    %c0_i32_1 = arith.constant 0 : i32
    return %c0_i32, %c0_i32_0 : i32, i32
  }
  func.func @transform_6(%arg0: i32) -> (i32, i32) {
    %c0_i32 = arith.constant 0 : i32
    %c0_i32_0 = arith.constant 0 : i32
    %c0_i32_1 = arith.constant 0 : i32
    return %c0_i32, %c0_i32_0 : i32, i32
  }
  func.func @transform_7(%arg0: i32) -> (i32, i32) {
    %c0_i32 = arith.constant 0 : i32
    %c0_i32_0 = arith.constant 0 : i32
    %c0_i32_1 = arith.constant 0 : i32
    return %c0_i32, %c0_i32_0 : i32, i32
  }
  func.func @transform_8(%arg0: i32) -> (i32, i32) {
    %c0_i32 = arith.constant 0 : i32
    %c0_i32_0 = arith.constant 0 : i32
    %c0_i32_1 = arith.constant 0 : i32
    return %c0_i32, %c0_i32_0 : i32, i32
  }
  func.func @transform_9(%arg0: i32) -> (i32, i32) {
    %c0_i32 = arith.constant 0 : i32
    %c0_i32_0 = arith.constant 0 : i32
    %c0_i32_1 = arith.constant 0 : i32
    return %c0_i32, %c0_i32_0 : i32, i32
  }
  func.func @transform_10(%arg0: i32) -> (i32, i32) {
    %c0_i32 = arith.constant 0 : i32
    %c0_i32_0 = arith.constant 0 : i32
    %c0_i32_1 = arith.constant 0 : i32
    return %c0_i32, %c0_i32_0 : i32, i32
  }
  func.func @transform_11(%arg0: i32) -> (i32, i32) {
    %c0_i32 = arith.constant 0 : i32
    %c0_i32_0 = arith.constant 0 : i32
    %c0_i32_1 = arith.constant 0 : i32
    return %c0_i32, %c0_i32_0 : i32, i32
  }
  func.func @transform_12(%arg0: i32) -> (i32, i32, i32) {
    %c0_i32 = arith.constant 0 : i32
    %c0_i32_0 = arith.constant 0 : i32
    %c0_i32_1 = arith.constant 0 : i32
    return %c0_i32, %arg0, %c0_i32_0 : i32, i32, i32
  }
  func.func @transform_13(%arg0: i32) -> (i32, i32) {
    %c0_i32 = arith.constant 0 : i32
    %c0_i32_0 = arith.constant 0 : i32
    return %arg0, %c0_i32 : i32, i32
  }
  func.func @transform_14(%arg0: i32) -> (i32, i32) {
    %c0_i32 = arith.constant 0 : i32
    %c0_i32_0 = arith.constant 0 : i32
    return %arg0, %c0_i32 : i32, i32
  }
}

</mosaic_0001>

<sc_bundles>
// kernel: kernel.4.cloned.1.call-start
scs
__scs_entry_jumppad:
0x0: {  	(pc) =	sbr.rel $0x88, $3  }
0x1: {  	(tag) =	ssettag $0x0;
	lr =	simm.s32 $0x1  }
0x2: {  	[smem:$0x3F7A] =	sst lr;
	_ =	strace $0xD0000000  }
0x3: {  	_ = 	snop  }
0x4: {  	_ = 	snop  }
0x5: {  	_ = 	snop  }
0x6: {  	_ = 	snop  }
0x7: {  	_ = 	snop  }
__scs_overlays_trampoline_lowered:
0x8: {  	[smem:$0x3F89] =	sst s0  }
0x9: {  	[smem:$0x3F8A] =	sst s1  }
0xa: {  	[smem:$0x3F8B] =	sst s2  }
0xb: {  	[smem:$0x3F8C] =	sst s3  }
0xc: {  	[smem:$0x3F8D] =	sst s4  }
0xd: {  	[smem:$0x3F8E] =	sst s5  }
0xe: {  	[smem:$0x3F8F] =	sst s6  }
0xf: {  	[smem:$0x3F90] =	sst s7  }
0x10: {  	[smem:$0x3F91] =	sst s8  }
0x11: {  	[smem:$0x3F92] =	sst s9;
	s0 =	simm.s32 @!p0 $0x0  }
0x12: {  	s1 =	sld [smem:$0x3F78];
	s0 =	simm.s32 @p0 $0x1  }
0x13: {  	[smem:$0x3F93] =	sst s0;
	s0 =	simm.s32 @!p1 $0x0  }
0x14: {  	s2 =	sld [smem:$0x3F77];
	s0 =	simm.s32 @p1 $0x1  }
0x15: {  	[smem:$0x3F94] =	sst s0;
	s0 =	simm.s32 @!p2 $0x0  }
0x16: {  	s3 =	sld [smem:$0x3FDB];
	s0 =	simm.s32 @p2 $0x1  }
0x17: {  	s4 =	simm.s32 $0x1BF5;
	[smem:$0x3F96] =	sst s0  }
0x18: {  	s0 =	sld [smem:$0x3F79];
	_ =	swait.ge [sflag:s4], $0x0  }
0x19: {  	s7 =	sld [smem:$0x3F7A]  }
0x1a: {  	s8 =	sadd.s32 $0xFFFFE003, lr  }
0x1b: {  	s9 =	sadd.s32 $0xFFFFFEF7, lr;
	s5 =	simm.s32 $0xFFFFFFFF;
	p2 =	slt.u32 s8, $0xFFFFF086  }
0x1c: {  	p1 =	slt.u32 s9, $0xF7A;
	s5 =	simm.s32 @!p2 $0x0  }
0x1d: {  	s5 =	simm.s32 @p1 $0x1;
	p0 =	seq.s32 s7, s2  }
0x1e: {  	s7 =	smul.u32 @!p0 $0xF7A, s2;
	p2 =	seq.s32 @!p0 s5, $0x0  }
0x1f: {  	s9 =	smul.u32 $0xF7A, s1;
	s8 =	simm.s32 @!p0 $0x1BF5;
	p2 =	por !p2, p0  }
0x20: {  	[sflag:s8] =	ssyncset.s32 @!p0 $0xFFFFF086;
	s6 =	sadd.s32 @!p0 s3, s7;
	s7 =	simm.s32 @!p0 $0x108  }
0x21: {  	s3 =	sadd.s32 s3, s9;
	s6 =	sadd.s32 @!p0 $0x88, s6;
	s7 =	simm.s32 @p2 $0x1082  }
0x22: {  	[simem:s7], [sflag:s8] =	dma.local @!p0 [hbm:s6], $0xF7A  }
0x23: {  	s9 =	sor.u32 $0xD0000000, s2;
	s6 =	simm.s32 $0x108;
	_ =	swait.ge @!p0 [sflag:s8], $0x0  }
0x24: {  	s3 =	sadd.s32 $0x88, s3;
	s6 =	simm.s32 @!p1 $0x1082;
	[sflag:s4] =	ssyncset.s32 $0xFFFFF086  }
0x25: {  	[simem:s6], [sflag:s4] =	dma.local [hbm:s3], $0xF7A  }
0x26: {  	[smem:$0x3F7A] =	sst s1;
	(tag) =	ssettag s2;
	_ =	strace s9  }
0x27: {  	s1 =	sld [smem:$0x3F8A]  }
0x28: {  	s2 =	sld [smem:$0x3F8B]  }
0x29: {  	s4 =	sld [smem:$0x3F8D]  }
0x2a: {  	p0 =	seq.s32 s5, $0x0;
	s5 =	sld [smem:$0x3F8E]  }
0x2b: {  	s6 =	sld [smem:$0x3F8F]  }
0x2c: {  	s7 =	sld [smem:$0x3F90]  }
0x2d: {  	s3 =	simm.s32 $0x108;
	s8 =	sld [smem:$0x3F91]  }
0x2e: {  	s3 =	simm.s32 @!p0 $0x1082;
	s9 =	sld [smem:$0x3F92]  }
0x2f: {  	lr =	sadd.s32 s0, s3;
	s0 =	sld [smem:$0x3F89]  }
0x30: {  	s3 =	sld [smem:$0x3F8C]  }
0x31: {  	[smem:$0x3F95] =	sst s10  }
0x32: {  	s10 =	sld [smem:$0x3F93];
	_ =	sdelay $0x3  }
0x33: {  	p0 =	seq.s32 s10, $0x1;
	s10 =	sld [smem:$0x3F95];
	_ =	sdelay $0x3  }
0x34: {  	[smem:$0x3F95] =	sst s10  }
0x35: {  	s10 =	sld [smem:$0x3F94];
	_ =	sdelay $0x3  }
0x36: {  	p1 =	seq.s32 s10, $0x1;
	s10 =	sld [smem:$0x3F95];
	_ =	sdelay $0x3  }
0x37: {  	[smem:$0x3F95] =	sst s10  }
0x38: {  	s10 =	sld [smem:$0x3F96]  }
0x39: {  	_ = 	snop;
	(pc) =	sbr.ind lr, $3  }
0x3a: {  	_ = 	snop  }
0x3b: {  	_ = 	snop  }
0x3c: {  	p2 =	seq.s32 s10, $0x1;
	s10 =	sld [smem:$0x3F95]  }
0x3d: {  	_ =	shalt  }
0x3e: {  	_ =	shalt  }
0x3f: {  	_ =	shalt  }
0x40: {  	_ =	shalt  }
0x41: {  	_ =	shalt  }
0x42: {  	_ =	shalt  }
0x43: {  	_ =	shalt  }
0x44: {  	_ =	shalt  }
0x45: {  	_ =	shalt  }
0x46: {  	_ =	shalt  }
0x47: {  	_ =	shalt  }
0x48: {  	_ =	shalt  }
0x49: {  	_ =	shalt  }
0x4a: {  	_ =	shalt  }
0x4b: {  	_ =	shalt  }
0x4c: {  	_ =	shalt  }
0x4d: {  	_ =	shalt  }
0x4e: {  	_ =	shalt  }
0x4f: {  	_ =	shalt  }
0x50: {  	_ =	shalt  }
0x51: {  	_ =	shalt  }
0x52: {  	_ =	shalt  }
0x53: {  	_ =	shalt  }
0x54: {  	_ =	shalt  }
0x55: {  	_ =	shalt  }
0x56: {  	_ =	shalt  }
0x57: {  	_ =	shalt  }
0x58: {  	_ =	shalt  }
0x59: {  	_ =	shalt  }
0x5a: {  	_ =	shalt  }
0x5b: {  	_ =	shalt  }
0x5c: {  	_ =	shalt  }
0x5d: {  	_ =	shalt  }
0x5e: {  	_ =	shalt  }
0x5f: {  	_ =	shalt  }
0x60: {  	_ =	shalt  }
0x61: {  	_ =	shalt  }
0x62: {  	_ =	shalt  }
0x63: {  	_ =	shalt  }
0x64: {  	_ =	shalt  }
0x65: {  	_ =	shalt  }
0x66: {  	_ =	shalt  }
0x67: {  	_ =	shalt  }
0x68: {  	_ =	shalt  }
0x69: {  	_ =	shalt  }
0x6a: {  	_ =	shalt  }
0x6b: {  	_ =	shalt  }
0x6c: {  	_ =	shalt  }
0x6d: {  	_ =	shalt  }
0x6e: {  	_ =	shalt  }
0x6f: {  	_ =	shalt  }
0x70: {  	_ =	shalt  }
0x71: {  	_ =	shalt  }
0x72: {  	_ =	shalt  }
0x73: {  	_ =	shalt  }
0x74: {  	_ =	shalt  }
0x75: {  	_ =	shalt  }
0x76: {  	_ =	shalt  }
0x77: {  	_ =	shalt  }
0x78: {  	_ =	shalt  }
0x79: {  	_ =	shalt  }
0x7a: {  	_ =	shalt  }
0x7b: {  	_ =	shalt  }
0x7c: {  	_ =	shalt  }
0x7d: {  	_ =	shalt  }
0x7e: {  	_ =	shalt  }
0x7f: {  	_ =	shalt  }
0x80: {  	_ =	shalt  }
0x81: {  	_ =	shalt  }
0x82: {  	_ =	shalt  }
0x83: {  	_ =	shalt  }
0x84: {  	_ =	shalt  }
0x85: {  	_ =	shalt  }
0x86: {  	_ =	shalt  }
0x87: {  	_ =	shalt  }
.Lfunc_end0:
.L_simem_size_0:
called_computation_lowered:
.L_overlay_start_0:
0x88: {  	s2 =	sld [smem:$0x3FD9]  }
0x89: {  	s3 =	sld [smem:$0x3FFE];
	_ =	sdelay $0x1  }
0x8a: {  	s1 =	srdreg.scid  }
0x8b: {  	s0 =	sand.u32 $0x1, s1  }
0x8c: {  	s17 =	sshll.u32 s0, $0xA;
	s2 =	sadd.s32 s3, s2  }
0x8d: {  	s2 =	sadd.s32 s2, s17  }
0x8e: {  	[smem:$0x3FA1] =	sst s2  }
0x8f: {  	_ = 	snop  }
0x90: {  	s2 =	sld [smem:$0x3FD0];
	(tm) =	ssettm $0x1  }
0x91: {  	s18 =	sld [smem:$0x3FFB];
	_ =	sdelay $0x3  }
0x92: {  	_ =	strace s18  }
0x93: {  	s3 =	sld [smem:$0x3FFC];
	_ =	sdelay $0x3  }
0x94: {  	_ =	strace s3  }
0x95: {  	s3 =	sld [smem:$0x3FFD];
	_ =	sdelay $0x3  }
0x96: {  	_ =	strace s3  }
0x97: {  	_ =	strace $0x8FFFFFFF  }
0x98: {  	s19 =	sld [smem:$0x3FDB];
	_ =	sdelay $0x1  }
0x99: {  	s4 =	simm.s32 $_scs_section_size  }
0x9a: {  	s5 =	simm.s32 $_size__tile_overlayer_lowered;
	s6 =	simm.s32 $_tile_overlayer_lowered  }
0x9b: {  	s22 =	simm.s32 $0x1BFF;
	s21 =	sshll.u32 s6, $0x1;
	s3 =	sadd.s32 s4, s19  }
0x9c: {  	s7 =	simm.s32 $0x0;
	s20 =	sshll.u32 s5, $0x1;
	s5 =	sadd.s32 s21, s3  }
0x9d: {  	[timem:s7], [sflag:s22] =	dma.local [hbm:s5], s20  }
0x9e: {  	_ =	swait.ge [sflag:s22], s20  }
0x9f: {  	s4 =	ssub.s32 $0x0, s20;
	[sflag:s22] =	ssyncset.done $0x0  }
0xa0: {  	[sflag:s22] =	ssyncadd.s32 s4;
	_ =	sdelay $0x1  }
0xa1: {  	s23 =	simm.s32 $0x1B8B  }
0xa2: {  	_ =	swait.ge [sflag:s23], $0x1  }
0xa3: {  	[sflag:s23] =	ssyncset.done $0x0  }
0xa4: {  	s25 =	simm.s32 $0x1B8E;
	s24 =	sld [smem:$0x3FFE];
	[sflag:s23] =	ssyncadd.s32 $0xFFFFFFFF  }
0xa5: {  	s26 =	simm.s32 $execute0_lowered;
	[smem:$0x3FD2] =	sst s25  }
0xa6: {  	s5 =	sshll.u32 s26, $0x1;
	_ =	strace $0x80000046;
	[dreg:$0x1] =	wrdreg $0xFFFFFFFF  }
0xa7: {  	s28 =	simm.s32 $_size_execute0_lowered;
	s3 =	sadd.s32 s3, s5;
	[dreg:$0x0] =	wrdreg $0x0  }
0xa8: {  	s5 =	sshll.u32 s28, $0x1;
	[dreg:$0x2] =	wrdreg s3  }
0xa9: {  	[dreg:$0x3] =	wrdreg s5  }
0xaa: {  	[dreg:$0x4] =	wrdreg $0xC0  }
0xab: {  	_ =	task [dreg:s7], $0x5FFFF  }
0xac: {  	[dreg:$0x1] =	wrdreg $0xFFFFFFFF  }
0xad: {  	[dreg:$0x0] =	wrdreg $0x60  }
0xae: {  	[dreg:$0x2] =	wrdreg s24  }
0xaf: {  	[dreg:$0x3] =	wrdreg s2  }
0xb0: {  	[dreg:$0x4] =	wrdreg $0x73000  }
0xb1: {  	[dreg:$0x5] =	wrdreg $0x13B000  }
0xb2: {  	[dreg:$0x6] =	wrdreg $0x113000  }
0xb3: {  	[dreg:$0x7] =	wrdreg $0x9  }
0xb4: {  	_ =	task.clear_ibuf [dreg:s7], $0x8FFFF;
	_ =	strace $0x90000046  }
0xb5: {  	s29 =	simm.s32 $0x9;
	_ =	strace $0x80000048  }
0xb6: {  	_ =	swait.ge [sflag:s29], $0x1  }
0xb7: {  	[sflag:s29] =	ssyncadd.s32 $0xFFFFFFFF  }
0xb8: {  	_ =	strace $0x90000048  }
0xb9: {  	_ =	sfence  }
0xba: {  	s30 =	sld [smem:$0x0];
	_ =	sdelay $0x2  }
0xbb: {  	s31 =	sshll.u32 s1, $0xD;
	s1 =	sshrl.u32 s1, $0x2  }
0xbc: {  	s3 =	sand.u32 $0x4000, s31;
	s1 =	sadd.s32 s1, s30  }
0xbd: {  	s0 =	sor.u32 s3, s0;
	s1 =	sshll.u32 s1, $0x11  }
0xbe: {  	s0 =	sor.u32 s1, s0  }
0xbf: {  	s0 =	sadd.s32 $0x8F2B, s0  }
0xc0: {  	[sflag:s0] =	ssyncadd.remote.s32 $0x1  }
0xc1: {  	_ =	sfence.sel $0xFFFF  }
0xc2: {  	[dreg:$0x0] =	wrdreg $0xFFFFFFFF;
	(pc) =	sbr.abs _section_cstart, $3  }
0xc3: {  	[dreg:$0x1] =	wrdreg $0xFFFFFFFF  }
0xc4: {  	_ =	task.clear_ibuf [dreg:s7], $0x2FFFF;
	_ =	strace $0x9FFFFFFF  }
0xc5: {  	(tm) =	ssettm $0x7FFFFFFF  }
tec
execute0_lowered:
.L_overlay_start_1:
0x0: {  	(tag) =	ssettag $0x1  }
0x1: {  	s9 =	rddreg [dreg:$0x0]  }
0x2: {  	s24 =	rddreg [dreg:$0x1]  }
0x3: {  	s2 =	rddreg [dreg:$0x2];
	s0 =	srdreg.scid  }
0x4: {  	s21 =	stileid.u32;
	s4 =	rddreg [dreg:$0x3]  }
0x5: {  	s26 =	rddreg [dreg:$0x4];
	s6 =	simm.s32 $0x0;
	s14 =	simm.s32 $0x5  }
0x6: {  	s19 =	simm.s32 $0x6;
	s28 =	simm.s32 $0x2;
	s1 =	smul.u32 $0x280, s21  }
0x7: {  	s5 =	sand.u32 $0x1, s0;
	s0 =	smul.u32 $0x5000, s21;
	[smem:$0x7FF] =	sst s6  }
0x8: {  	s7 =	sadd.s32 $0x64C00, s9;
	s10 =	sadd.s32 $0x1000, s9;
	s17 =	smul.u32 $0x1180, s21  }
0x9: {  	s12 =	sadd.s32 $0x6A000, s9;
	s3 =	smul.u32 $0x7800, s5;
	_ =	strace $0x80000047  }
0xa: {  	s16 =	ssub.s32 $0x2, s5;
	p0 =	seq.s32 s5, $0x1;
	s13 =	sshll.u32 s5, $0x2  }
0xb: {  	s15 =	sshrl.u32 s0, $0x4;
	s11 =	sshrl.u32 s16, $0x1;
	s13 =	sor.u32 s13, s17  }
0xc: {  	s14 =	simm.s32 @!p0 $0x1;
	s19 =	simm.s32 @!p0 $0x2;
	s0 =	sshrl.u32 s0, $0x1  }
0xd: {  	s1 =	sadd.s32 s1, s3;
	s3 =	ssub.s32 s16, s11;
	s16 =	sadd.s32 s10, s13  }
0xe: {  	s18 =	sor.u32 s14, s17;
	s13 =	sadd.s32 s12, s13;
	s23 =	sor.u32 s19, s17  }
0xf: {  	s11 =	sor.u32 $0x3, s17;
	s17 =	sadd.s32 $0x17800, s9;
	s30 =	smul.u32 $0x6000, s19  }
0x10: {  	s0 =	sadd.s32 s0, s26;
	s1 =	sshll.u32 s1, $0x3;
	[dreg:$0x6] =	wrdreg s16  }
0x11: {  	[dreg:$0x7] =	wrdreg s13;
	s20 =	sadd.s32 s10, s18;
	s22 =	sadd.s32 s12, s18  }
0x12: {  	s25 =	sadd.s32 s10, s23;
	s13 =	sadd.s32 s12, s23;
	s10 =	sadd.s32 s10, s11  }
0x13: {  	s29 =	sadd.s32 s12, s11;
	s11 =	smul.u32 $0xA000, s21;
	[dreg:$0x8] =	wrdreg s20  }
0x14: {  	s16 =	sadd.s32 $0x5F800, s9;
	s18 =	smul.u32 $0x600, s21;
	[dreg:$0x9] =	wrdreg s22  }
0x15: {  	s23 =	smul.u32 $0x12000, s5;
	s8 =	sadd.s32 s1, s9;
	[dreg:$0xa] =	wrdreg s25  }
0x16: {  	s1 =	sadd.s32 s15, s9;
	s15 =	smul.u32 $0x28000, s21;
	[dreg:$0xb] =	wrdreg s13  }
0x17: {  	s0 =	sshrl.u32 s0, $0x3;
	[dreg:$0xc] =	wrdreg s10;
	s20 =	smul.u32 $0x18000, s5  }
0x18: {  	[dreg:$0xd] =	wrdreg s29;
	s13 =	sshll.u32 s21, $0x6;
	s22 =	smul.u32 $0x6000, s14  }
0x19: {  	s25 =	ssub.s32 s14, s5;
	s5 =	ssub.s32 s19, s5;
	[smem:$0x7FD] =	sst s0  }
0x1a: {  	s31 =	sor.u32 $0x1C05, s13;
	s25 =	smul.u32 $0x6000, s25;
	s19 =	sadd.s32 $0xA1000, s8  }
0x1b: {  	s14 =	sadd.s32 s18, s23;
	s1 =	sadd.s32 $0x12800, s1;
	[dreg:$0x17] =	wrdreg s19  }
0x1c: {  	s12 =	sshrl.u32 s15, $0x2;
	s15 =	sshrl.u32 s11, $0x2;
	[dreg:$0x1d] =	wrdreg s1  }
0x1d: {  	s29 =	sor.u32 s18, s20;
	[dreg:$0xf] =	wrdreg s31;
	s9 =	sadd.s32 s12, s2  }
0x1e: {  	s12 =	sshrl.u32 s29, $0x3;
	[dreg:$0xe] =	wrdreg s9;
	s9 =	sadd.s32 s15, s4  }
0x1f: {  	s29 =	sadd.s32 s18, s25;
	s13 =	sadd.s32 s7, s12;
	[dreg:$0x10] =	wrdreg s9  }
0x20: {  	s15 =	sadd.s32 s18, s22;
	[dreg:$0x11] =	wrdreg s13;
	s9 =	sadd.s32 s16, s12  }
0x21: {  	s13 =	sshll.u32 s29, $0x1;
	s29 =	sadd.s32 $0xB5000, s8;
	[dreg:$0x12] =	wrdreg s9  }
0x22: {  	s12 =	sshrl.u32 s15, $0x3;
	s8 =	sadd.s32 $0xC9000, s8;
	[dreg:$0x18] =	wrdreg s29  }
0x23: {  	s9 =	sshll.u32 s14, $0x1;
	s14 =	sadd.s32 s7, s12;
	[dreg:$0x19] =	wrdreg s8  }
0x24: {  	s0 =	simm.s32 $0x80;
	s15 =	sadd.s32 s17, s13;
	[dreg:$0x14] =	wrdreg s14  }
0x25: {  	s13 =	sshrl.u32 s18, $0x3;
	s29 =	smax.u32 s3, $0x1;
	[dreg:$0x16] =	wrdreg s15  }
0x26: {  	s9 =	sadd.s32 s17, s9;
	s14 =	smul.u32 $0x6000, s5;
	[smem:$0x7FC] =	sst s29  }
0x27: {  	s15 =	smul.u32 $0xC00, s21;
	[dreg:$0x13] =	wrdreg s9;
	s9 =	sadd.s32 s16, s12  }
0x28: {  	[dreg:$0x15] =	wrdreg s9;
	s9 =	sadd.s32 s18, s30;
	s10 =	sadd.s32 s18, s14  }
0x29: {  	v0 =	vimm.s32 $0xFEDCBA98;
	s26 =	sadd.s32 s24, s15;
	s5 =	sshrl.u32 s9, $0x3;
	s12 =	sshll.u32 s10, $0x1  }
0x2a: {  	v1 =	vlaneseq.u32;
	v2 =	vimm.s32 $0x76543210;
	v3 =	vunpack.c.l.s4.s8 v0;
	[smem:$0x7FB] =	sst s26;
	s11 =	sadd.s32 s7, s5;
	s5 =	sadd.s32 s16, s5  }
.Ltmp0:
0x2b: {  	vm0 =	vmmov $0xff;
	v0 =	vshrl.u32 v1, $0x3;
	v5 =	vunpack.c.l.s4.s8 v2;
	[dreg:$0x1b] =	wrdreg s5;
	s5 =	sadd.s32 s17, s12;
	(pc) =	sbr.rel .LBB2_1-.Ltmp0, $4  }
0x2c: {  	v1 =	vor.u32 $0x2, v0;
	v2 =	vor.u32 $0x4, v0;
	v7 =	vunpack.c.0.s8.s32 v3;
	s3 =	simm.s32 $0x0;
	[dreg:$0x1c] =	wrdreg s5;
	s5 =	sadd.s32 $0x2400, s13  }
0x2d: {  	v4 =	vor.u32 $0x8, v0;
	v6 =	vor.u32 $0xC, v0;
	v8 =	vunpack.c.0.s8.s32 v5;
	s24 =	simm.s32 $0x5;
	[dreg:$0x1a] =	wrdreg s11;
	s19 =	sadd.s32 s7, s5  }
0x2e: {  	v3 =	vor.u32 $0x6, v0;
	v5 =	vor.u32 $0xA, v0;
	v9 =	vand.u32 $0xF, v7;
	s26 =	simm.s32 $0x1;
	s21 =	sadd.s32 s16, s5;
	[dreg:$0x1e] =	wrdreg s19  }
0x2f: {  	v7 =	vor.u32 $0xE, v0;
	v8 =	vcombine.low v9, v8;
	v9 =	vimm.s32 $0x0;
	s13 =	simm.s32 $0x3;
	[dreg:$0x1f] =	wrdreg s21;
	s19 =	sor.u32 $0x100, s18  }
.LBB2_27:
0x30: {  	s1 =	sld [smem:$0x7FC];
	_ =	sdelay $0x1  }
0x31: {  	s3 =	sadd.s32 $0x1, s3  }
0x32: {  	p1 =	sne.s32 s3, s1  }
.Ltmp1:
0x33: {  	_ = 	snop;
	(pc) =	sbr.rel @!p1 .LBB2_28-.Ltmp1, $1  }
0x34: {  	_ =	sdelay $0x3  }
.LBB2_1:
0x35: {  	[smem:$0x7F8] =	sst s3  }
0x36: {  	s1 =	rddreg [dreg:$0xe]  }
0x37: {  	s15 =	rddreg [dreg:$0x17];
	s12 =	sshrl.u32 s1, $0x3  }
0x38: {  	[smem:$0x7F9] =	sst s12  }
0x39: {  	[spmem:s12], [sflag:s31] =	dma.local [hbm:s15], $0x1400  }
0x3a: {  	_ =	swait.ge [sflag:s24], $0x1400  }
0x3b: {  	s21 =	rddreg [dreg:$0x10]  }
0x3c: {  	[sflag:s24] =	ssyncset.done $0x0;
	s3 =	rddreg [dreg:$0x6];
	s5 =	sshrl.u32 s21, $0x3  }
0x3d: {  	s8 =	simm.s32 $0x7;
	[sflag:s24] =	ssyncadd.s32 $0xFFFFEC00;
	[smem:$0x7FA] =	sst s5  }
0x3e: {  	[spmem:s5@s28], [sflag:s31] =	dma.strided [hbm:s3@s8], $0x280, s26, $0x1   }
0x3f: {  	_ =	swait.ge [sflag:s24], $0x280  }
0x40: {  	[sflag:s24] =	ssyncset.done $0x0  }
0x41: {  	[sflag:s24] =	ssyncadd.s32 $0xFFFFFD80  }
0x42: {  	[bflag:$0x0] =	sbarrier.arrive $0xFFFF  }
0x43: {  	s9 =	rddreg [dreg:$0x11]  }
0x44: {  	[tilespmem:s6], [sflag:$0x5] =	stream.linear.gather [hbm4b:s9+s6], $0x80, $0x38;
	[tilespmem:$0x16300] =	vst v63  }
0x45: {  	_ =	swait.ge [sflag:s24], $0x80  }
0x46: {  	[sflag:s24] =	ssyncset.done $0x0  }
0x47: {  	s11 =	simm.s32 $0x100;
	s10 =	rddreg [dreg:$0x12];
	[sflag:s24] =	ssyncadd.s32 $0xFFFFFF80  }
0x48: {  	[tilespmem:s11], [sflag:$0x5] =	stream.linear.gather [hbm4b:s10+s6], $0x80, $0x38;
	[tilespmem:$0x16300] =	vst v63  }
0x49: {  	_ =	swait.ge [sflag:s24], $0x80  }
0x4a: {  	[sflag:s24] =	ssyncset.done $0x0  }
0x4b: {  	s15 =	simm.s32 $0x300;
	s12 =	rddreg [dreg:$0x13];
	[sflag:s24] =	ssyncadd.s32 $0xFFFFFF80  }
0x4c: {  	[tilespmem:s15], [sflag:$0x5] =	stream.linear.gather [hbm4b:s12+s6], $0x800, $0x38;
	[tilespmem:$0x16300] =	vst v63  }
0x4d: {  	_ =	swait.ge [sflag:s24], $0x800  }
0x4e: {  	[sflag:s24] =	ssyncset.done $0x0  }
0x4f: {  	s29 =	simm.s32 $0x0;
	s21 =	simm.s32 $0x1300;
	[sflag:s24] =	ssyncadd.s32 $0xFFFFF800  }
0x50: {  	[tilespmem:s21], [sflag:$0x1] =	stream.indirect.gather [spmem:s2], $0x40, s6, s0, $0xb8;
	[tilespmem:$0x16300] =	vst v63  }
.LBB2_2:
0x51: {  	s3 =	sshll.u32 s29, $0x8  }
0x52: {  	s1 =	sadd.s32 s3, s18  }
0x53: {  	s1 =	sadd.s32 $0x80, s1  }
0x54: {  	s5 =	sadd.s32 s20, s1  }
0x55: {  	s5 =	sshrl.u32 s5, $0x3  }
0x56: {  	s8 =	sadd.s32 s7, s5  }
0x57: {  	[tilespmem:s0], [sflag:$0x5] =	stream.linear.gather [hbm4b:s8+s6], $0x80, $0x38;
	[tilespmem:$0x16300] =	vst v63  }
0x58: {  	_ =	swait.ge [sflag:s24], $0x80  }
0x59: {  	s21 =	simm.s32 $0x180;
	[sflag:s24] =	ssyncset.done $0x0  }
0x5a: {  	s1 =	sadd.s32 s23, s1;
	s5 =	sadd.s32 s16, s5;
	[sflag:s24] =	ssyncadd.s32 $0xFFFFFF80  }
0x5b: {  	[tilespmem:s21], [sflag:$0x5] =	stream.linear.gather [hbm4b:s5+s6], $0x80, $0x38;
	[tilespmem:$0x16300] =	vst v63  }
0x5c: {  	s1 =	sshll.u32 s1, $0x1;
	_ =	swait.ge [sflag:s24], $0x80  }
0x5d: {  	s1 =	sand.u32 $0x1FFFFF00, s1;
	[sflag:s24] =	ssyncset.done $0x0  }
0x5e: {  	s1 =	sadd.s32 s17, s1;
	s8 =	simm.s32 $0xB00;
	[sflag:s24] =	ssyncadd.s32 $0xFFFFFF80  }
0x5f: {  	[tilespmem:s8], [sflag:$0x5] =	stream.linear.gather [hbm4b:s1+s6], $0x800, $0x38;
	[tilespmem:$0x16300] =	vst v63  }
0x60: {  	_ =	swait.ge [sflag:s24], $0x800  }
0x61: {  	[sflag:s24] =	ssyncset.done $0x0  }
0x62: {  	s9 =	simm.s32 $0x3300;
	[sflag:s24] =	ssyncadd.s32 $0xFFFFF800  }
0x63: {  	[tilespmem:s9], [sflag:$0x2] =	stream.indirect.gather [spmem:s2], $0x40, s0, s0, $0xb8;
	[tilespmem:$0x16300] =	vst v63  }
0x64: {  	_ =	swait.ge [sflag:s26], $0x2000  }
0x65: {  	p1 =	seq.s32 s29, $0x0;
	[sflag:s26] =	ssyncset.done $0x0  }
0x66: {  	s10 =	simm.s32 $0x0;
	s1 =	simm.s32 @!p1 $0x4;
	[sflag:s26] =	ssyncadd.s32 $0xFFFFE000  }
0x67: {  	s11 =	sand.u32 $0x780, s10;
	s9 =	simm.s32 $0x30;
	_ =	swait.ge @!p1 [sflag:s1], $0x800  }
0x68: {  	s8 =	sadd.s32 $0x300, s11;
	s9 =	sand.u32 $0x70, s9;
	[sflag:s1] =	ssyncset.done @!p1 $0x0  }
0x69: {  	s9 =	sor.u32 s9, s8;
	[sflag:s1] =	ssyncadd.s32 @!p1 $0xFFFFF800  }
0x6a: {  	s12 =	simm.s32 $0x1380;
	s5 =	sand.u32 $0x40, s10;
	v13 =	vld [tilespmem:s9+$0x0]  }
0x6b: {  	s5 =	sor.u32 s5, s8;
	v14 =	vld [tilespmem:s12+$0x40]  }
0x6c: {  	v10 =	vld [tilespmem:s5+$0x0]  }
0x6d: {  	s10 =	simm.s32 $0x20;
	v16 =	vld [tilespmem:s12+$0x50]  }
0x6e: {  	s15 =	simm.s32 $0x10;
	s21 =	sand.u32 $0x60, s10;
	v18 =	vld [tilespmem:s12+$0xFFFFFF80]  }
0x6f: {  	s9 =	sand.u32 $0x50, s15;
	s5 =	sor.u32 s21, s8;
	v27 =	vld [tilespmem:s12+$0x70];
	s21 =	simm.s32 $0x1480  }
0x70: {  	s9 =	sor.u32 s9, s8;
	v53 =	vld [tilespmem:s21+$0x10]  }
0x71: {  	v12 =	vld [tilespmem:s9+$0x0];
	v15 =	vperm.xlane v13, v0;
	v17 =	vunpack.i.l.bf16.f32 v14;
	v19 =	vperm.xlane v13, v1  }
0x72: {  	v20 =	vperm.xlane v10, v0;
	v14 =	vunpack.i.u.bf16.f32 v14;
	v23 =	vperm.xlane v10, v1  }
0x73: {  	v21 =	vld [tilespmem:s12+$0x60];
	v24 =	vunpack.i.l.bf16.f32 v16;
	v26 =	vunpack.i.l.bf16.f32 v18;
	v15 =	vmul.f32 v15, v17  }
0x74: {  	v11 =	vld [tilespmem:s5+$0x0];
	v16 =	vunpack.i.u.bf16.f32 v16;
	v28 =	vunpack.i.l.bf16.f32 v27;
	v18 =	vunpack.i.u.bf16.f32 v18  }
0x75: {  	v17 =	vld [tilespmem:s12+$0xFFFFFFC0];
	v14 =	vmul.f32 v19, v14;
	v19 =	vperm.xlane v13, v2;
	v15 =	vadd.f32 $0.0e+00, v15  }
0x76: {  	v27 =	vunpack.i.u.bf16.f32 v27;
	v55 =	vunpack.i.u.bf16.f32 v53;
	v22 =	vperm.xlane v12, v0  }
0x77: {  	v25 =	vld [tilespmem:s12+$0x0];
	v19 =	vmul.f32 v19, v24;
	v14 =	vadd.f32 v14, v15;
	v15 =	vperm.xlane v13, v3  }
0x78: {  	v20 =	vmul.f32 v20, v26;
	v26 =	vunpack.i.l.bf16.f32 v21;
	v21 =	vunpack.i.u.bf16.f32 v21  }
0x79: {  	v14 =	vadd.f32 v19, v14;
	v15 =	vmul.f32 v15, v16;
	v16 =	vperm.xlane v13, v4  }
0x7a: {  	v18 =	vmul.f32 v23, v18;
	v24 =	vperm.xlane v11, v0;
	v19 =	vunpack.i.l.bf16.f32 v17  }
0x7b: {  	v14 =	vadd.f32 v15, v14;
	v15 =	vperm.xlane v13, v5;
	v16 =	vmul.f32 v16, v26  }
0x7c: {  	v17 =	vunpack.i.u.bf16.f32 v17;
	v19 =	vmul.f32 v22, v19;
	v26 =	vunpack.i.l.bf16.f32 v25  }
0x7d: {  	v14 =	vadd.f32 v16, v14;
	v15 =	vmul.f32 v15, v21;
	v16 =	vperm.xlane v13, v6  }
0x7e: {  	v25 =	vunpack.i.u.bf16.f32 v25;
	v22 =	vmul.f32 v24, v26;
	v24 =	vld [tilespmem:s12+$0xFFFFFF90];
	v13 =	vperm.xlane v13, v7  }
0x7f: {  	v21 =	vperm.xlane v12, v1;
	v14 =	vadd.f32 v15, v14;
	v15 =	vld [tilespmem:s12+$0xFFFFFFD0];
	v16 =	vmul.f32 v16, v28  }
0x80: {  	v26 =	vperm.xlane v11, v1;
	v19 =	vadd.f32 $0.0e+00, v19;
	v28 =	vld [tilespmem:s12+$0x10];
	v13 =	vmul.f32 v13, v27  }
0x81: {  	v17 =	vmul.f32 v21, v17;
	v21 =	vperm.xlane v10, v2;
	v14 =	vadd.f32 v16, v14  }
0x82: {  	v16 =	vadd.f32 $0.0e+00, v20;
	v20 =	vadd.f32 $0.0e+00, v22;
	v22 =	vmul.f32 v26, v25  }
0x83: {  	v25 =	vperm.xlane v12, v2;
	v17 =	vadd.f32 v17, v19;
	v14 =	vadd.f32 v13, v14  }
0x84: {  	v13 =	vunpack.i.l.bf16.f32 v24;
	v16 =	vadd.f32 v18, v16;
	v18 =	vperm.xlane v11, v2  }
0x85: {  	v20 =	vadd.f32 v22, v20;
	v23 =	vunpack.i.l.bf16.f32 v15;
	v27 =	vunpack.i.l.bf16.f32 v28  }
0x86: {  	v26 =	vld [tilespmem:s12+$0xFFFFFFA0];
	v13 =	vmul.f32 v21, v13;
	v15 =	vunpack.i.u.bf16.f32 v15;
	v21 =	vmul.f32 v25, v23  }
0x87: {  	v19 =	vld [tilespmem:s12+$0xFFFFFFE0];
	v18 =	vmul.f32 v18, v27;
	v23 =	vunpack.i.u.bf16.f32 v24;
	v24 =	vperm.xlane v10, v3  }
0x88: {  	v22 =	vld [tilespmem:s12+$0x20];
	v25 =	vperm.xlane v12, v3;
	v27 =	vunpack.i.u.bf16.f32 v28;
	v28 =	vperm.xlane v11, v3  }
0x89: {  	v13 =	vadd.f32 v13, v16;
	v16 =	vmul.f32 v24, v23;
	v17 =	vadd.f32 v21, v17  }
0x8a: {  	v15 =	vmul.f32 v25, v15;
	v18 =	vadd.f32 v18, v20;
	v20 =	vmul.f32 v28, v27  }
0x8b: {  	v21 =	vunpack.i.l.bf16.f32 v26;
	v23 =	vperm.xlane v10, v4;
	v24 =	vperm.xlane v12, v4  }
0x8c: {  	v25 =	vunpack.i.l.bf16.f32 v19;
	v28 =	vperm.xlane v11, v4;
	v19 =	vunpack.i.u.bf16.f32 v19  }
0x8d: {  	v27 =	vunpack.i.l.bf16.f32 v22;
	v22 =	vunpack.i.u.bf16.f32 v22;
	v13 =	vadd.f32 v16, v13  }
0x8e: {  	v16 =	vmul.f32 v23, v21;
	v15 =	vadd.f32 v15, v17;
	v21 =	vmul.f32 v24, v25  }
0x8f: {  	v29 =	vld [tilespmem:s12+$0xFFFFFFB0];
	v24 =	vunpack.i.u.bf16.f32 v26;
	v25 =	vperm.xlane v10, v5;
	v26 =	vperm.xlane v12, v5  }
0x90: {  	v18 =	vadd.f32 v20, v18;
	v20 =	vmul.f32 v28, v27;
	v27 =	vperm.xlane v11, v5  }
0x91: {  	s1 =	simm.s32 $0x40;
	v17 =	vld [tilespmem:s12+$0xFFFFFFF0];
	v13 =	vadd.f32 v16, v13;
	v16 =	vmul.f32 v25, v24;
	v19 =	vmul.f32 v26, v19  }
0x92: {  	s11 =	simm.s32 $0x70;
	s10 =	sand.u32 $0x780, s1;
	v23 =	vld [tilespmem:s12+$0x30];
	v18 =	vadd.f32 v20, v18;
	v20 =	vmul.f32 v27, v22;
	v22 =	vperm.xlane v10, v6  }
0x93: {  	s5 =	sadd.s32 $0x300, s10;
	s8 =	sand.u32 $0x70, s11;
	v15 =	vadd.f32 v21, v15;
	v24 =	vperm.xlane v12, v6;
	v27 =	vperm.xlane v11, v6  }
0x94: {  	s8 =	sor.u32 s8, s5;
	v21 =	vunpack.i.l.bf16.f32 v29;
	v10 =	vperm.xlane v10, v7;
	v12 =	vperm.xlane v12, v7  }
0x95: {  	v11 =	vperm.xlane v11, v7;
	v13 =	vadd.f32 v16, v13;
	v16 =	vmul.f32 v22, v21;
	v22 =	vld [tilespmem:s8+$0x0]  }
0x96: {  	v15 =	vadd.f32 v19, v15;
	v18 =	vadd.f32 v20, v18;
	v21 =	vunpack.i.u.bf16.f32 v29;
	v29 =	vld [tilespmem:s21+$0x60]  }
0x97: {  	s1 =	sand.u32 $0x40, s1;
	s12 =	simm.s32 $0x50;
	v25 =	vunpack.i.l.bf16.f32 v17;
	v26 =	vunpack.i.l.bf16.f32 v23;
	v10 =	vmul.f32 v10, v21;
	v21 =	vld [tilespmem:s21+$0xFFFFFF80]  }
0x98: {  	s1 =	sor.u32 s1, s5;
	s9 =	sand.u32 $0x50, s12;
	v17 =	vunpack.i.u.bf16.f32 v17;
	v19 =	vmul.f32 v24, v25;
	v20 =	vmul.f32 v27, v26;
	v24 =	vld [tilespmem:s21+$0x40]  }
0x99: {  	s9 =	sor.u32 s9, s5;
	v23 =	vunpack.i.u.bf16.f32 v23;
	v25 =	vadd.f32 v16, v13;
	v12 =	vmul.f32 v12, v17;
	v16 =	vld [tilespmem:s1+$0x0]  }
0x9a: {  	v13 =	vld [tilespmem:s9+$0x0];
	v11 =	vmul.f32 v11, v23;
	v19 =	vadd.f32 v19, v15;
	v17 =	vadd.f32 v20, v18  }
0x9b: {  	s15 =	simm.s32 $0x60;
	v18 =	vperm.xlane v14, v8;
	v20 =	vadd.f32 v10, v25;
	v27 =	vperm.xlane v22, v1  }
0x9c: {  	s8 =	sand.u32 $0x60, s15;
	v34 =	vunpack.i.l.bf16.f32 v29;
	v29 =	vunpack.i.u.bf16.f32 v29;
	v10 =	vadd.f32 v12, v19  }
0x9d: {  	s5 =	sor.u32 s8, s5;
	v26 =	vld [tilespmem:s21+$0xFFFFFFC0];
	v11 =	vadd.f32 v11, v17;
	v23 =	vadd.f32 v14, v18;
	v17 =	vperm.xlane v22, v0  }
0x9e: {  	v15 =	vld [tilespmem:s5+$0x0];
	v19 =	vperm.xlane v20, v8;
	v48 =	vunpack.i.l.bf16.f32 v21;
	v30 =	vperm.xlane v16, v1  }
0x9f: {  	v25 =	vunpack.i.l.bf16.f32 v24;
	v61 =	vperm.xlane v13, v5;
	v14 =	vperm.xlane v10, v8  }
0xa0: {  	v18 =	vld [tilespmem:s21+$0x50];
	v24 =	vunpack.i.u.bf16.f32 v24;
	v12 =	vperm.xlane v11, v8;
	v17 =	vmul.f32 v17, v25  }
0xa1: {  	v28 =	vadd.f32 v20, v19;
	v19 =	vperm.xlane v16, v0;
	v20 =	vperm.xlane v13, v0  }
0xa2: {  	v21 =	vunpack.i.u.bf16.f32 v21;
	v24 =	vmul.f32 v27, v24;
	v27 =	vperm.xlane v22, v2  }
0xa3: {  	v33 =	vunpack.i.l.bf16.f32 v26;
	v31 =	vperm.xlane v15, v0;
	v50 =	vperm.xlane v15, v1  }
0xa4: {  	v21 =	vmul.f32 v30, v21;
	v30 =	vperm.xlane v13, v2;
	v17 =	vadd.f32 $0.0e+00, v17  }
0xa5: {  	v54 =	vperm.xlane v15, v2;
	v56 =	vperm.xlane v15, v3;
	v32 =	vunpack.i.l.bf16.f32 v18  }
0xa6: {  	v25 =	vld [tilespmem:s21+$0x0];
	v17 =	vadd.f32 v24, v17;
	v24 =	vperm.xlane v22, v3;
	v27 =	vmul.f32 v27, v32  }
0xa7: {  	v59 =	vperm.xlane v15, v4;
	v63 =	vperm.xlane v15, v5;
	v18 =	vunpack.i.u.bf16.f32 v18  }
0xa8: {  	v17 =	vadd.f32 v27, v17;
	v18 =	vmul.f32 v24, v18;
	v24 =	vperm.xlane v22, v4;
	v27 =	vld [tilespmem:s21+$0x70]  }
0xa9: {  	v26 =	vunpack.i.u.bf16.f32 v26;
	v19 =	vmul.f32 v19, v48;
	v20 =	vmul.f32 v20, v33  }
0xaa: {  	v17 =	vadd.f32 v18, v17;
	v18 =	vperm.xlane v22, v5;
	v24 =	vmul.f32 v24, v34  }
0xab: {  	v19 =	vadd.f32 $0.0e+00, v19;
	v20 =	vadd.f32 $0.0e+00, v20;
	v49 =	vunpack.i.l.bf16.f32 v25  }
0xac: {  	v17 =	vadd.f32 v24, v17;
	v18 =	vmul.f32 v18, v29;
	v24 =	vperm.xlane v22, v6  }
0xad: {  	v25 =	vunpack.i.u.bf16.f32 v25;
	v29 =	vperm.xlane v13, v1;
	v51 =	vunpack.i.l.bf16.f32 v27  }
0xae: {  	v52 =	vld [tilespmem:s21+$0xFFFFFF90];
	v17 =	vadd.f32 v18, v17;
	v18 =	vperm.xlane v22, v7;
	v22 =	vmul.f32 v24, v51  }
0xaf: {  	v31 =	vmul.f32 v31, v49;
	v25 =	vmul.f32 v50, v25;
	v27 =	vunpack.i.u.bf16.f32 v27;
	v24 =	vld [tilespmem:s21+$0xFFFFFFD0]  }
0xb0: {  	v17 =	vadd.f32 v22, v17;
	v18 =	vmul.f32 v18, v27;
	v22 =	vmul.f32 v29, v26  }
0xb1: {  	v19 =	vadd.f32 v21, v19;
	v21 =	vunpack.i.l.bf16.f32 v53;
	v26 =	vadd.f32 $0.0e+00, v31  }
0xb2: {  	v27 =	vperm.xlane v16, v2;
	v17 =	vadd.f32 v18, v17;
	v20 =	vadd.f32 v22, v20;
	v22 =	vld [tilespmem:s21+$0xFFFFFFE0]  }
0xb3: {  	v21 =	vmul.f32 v54, v21;
	v18 =	vunpack.i.l.bf16.f32 v52;
	v25 =	vadd.f32 v25, v26;
	v26 =	vld [tilespmem:s21+$0x20]  }
0xb4: {  	v29 =	vunpack.i.l.bf16.f32 v24;
	v18 =	vmul.f32 v27, v18;
	v31 =	vperm.xlane v17, v8  }
0xb5: {  	v35 =	vld [tilespmem:s21+$0xFFFFFFA0];
	v24 =	vunpack.i.u.bf16.f32 v24;
	v21 =	vadd.f32 v21, v25;
	v25 =	vmul.f32 v56, v55  }
0xb6: {  	v18 =	vadd.f32 v18, v19;
	v27 =	vadd.f32 v17, v31;
	v17 =	vmul.f32 v30, v29  }
0xb7: {  	v29 =	vunpack.i.u.bf16.f32 v52;
	v30 =	vperm.xlane v16, v3;
	v31 =	vperm.xlane v13, v3  }
0xb8: {  	v57 =	vunpack.i.l.bf16.f32 v22;
	v58 =	vunpack.i.l.bf16.f32 v26;
	v62 =	vunpack.i.u.bf16.f32 v22  }
0xb9: {  	v26 =	vunpack.i.u.bf16.f32 v26;
	v19 =	vmul.f32 v30, v29;
	v20 =	vadd.f32 v17, v20  }
0xba: {  	v24 =	vmul.f32 v31, v24;
	v29 =	vunpack.i.l.bf16.f32 v35;
	v30 =	vperm.xlane v16, v4;
	v17 =	vld [tilespmem:s21+$0xFFFFFFB0]  }
0xbb: {  	s1 =	simm.s32 $0x6320;
	v31 =	vperm.xlane v13, v4;
	v60 =	vmul.f32 v59, v58;
	v36 =	vadd.f32 v19, v18;
	v18 =	vld [tilespmem:s21+$0xFFFFFFF0]  }
0xbc: {  	[tilespmem:s1+$0x10] =	vst v23;
	v23 =	vmul.f32 v63, v26;
	v29 =	vmul.f32 v30, v29;
	v20 =	vadd.f32 v24, v20;
	v19 =	vld [tilespmem:s21+$0x30]  }
0xbd: {  	v30 =	vmul.f32 v31, v57;
	v31 =	vadd.f32 v25, v21;
	v25 =	vperm.xlane v16, v5  }
0xbe: {  	v26 =	vperm.xlane v13, v6;
	v24 =	vunpack.i.u.bf16.f32 v35;
	v21 =	vadd.f32 v29, v36  }
0xbf: {  	v24 =	vmul.f32 v25, v24;
	v22 =	vadd.f32 v30, v20;
	v25 =	vmul.f32 v61, v62  }
0xc0: {  	s5 =	simm.s32 $0x6360;
	[tilespmem:s1+$0xFFFFFFE0] =	vst v28;
	v20 =	vadd.f32 v60, v31;
	v31 =	vperm.xlane v16, v6;
	v30 =	vperm.xlane v15, v6  }
0xc1: {  	s10 =	simm.s32 $0x4;
	s8 =	simm.s32 $0x80;
	[tilespmem:s5+$0x10] =	vst v27;
	v28 =	vunpack.i.l.bf16.f32 v17;
	v29 =	vunpack.i.l.bf16.f32 v18;
	v27 =	vunpack.i.l.bf16.f32 v19  }
.LBB2_3:
0xc2: {  	s9 =	sand.u32 $0x780, s8;
	s11 =	sadd.s32 $0x30, s8;
	s10 =	sadd.s32 $0x4, s10;
	v21 =	vadd.f32 v24, v21;
	v24 =	vmul.f32 v31, v28;
	v22 =	vadd.f32 v25, v22  }
0xc3: {  	v25 =	vmul.f32 v26, v29;
	v20 =	vadd.f32 v23, v20;
	s9 =	sadd.s32 $0x300, s9;
	s11 =	sand.u32 $0x70, s11;
	p1 =	slt.u32 s10, $0x7C;
	v23 =	vmul.f32 v30, v27  }
0xc4: {  	s12 =	sadd.s32 $0x10, s8;
	s15 =	sadd.s32 $0x20, s8;
	v17 =	vunpack.i.u.bf16.f32 v17;
	v16 =	vperm.xlane v16, v7;
	v26 =	vperm.xlane v13, v7;
	s11 =	sor.u32 s11, s9  }
0xc5: {  	v18 =	vunpack.i.u.bf16.f32 v18;
	v19 =	vunpack.i.u.bf16.f32 v19;
	v15 =	vperm.xlane v15, v7;
	s21 =	sadd.s32 $0x100, s21;
	s12 =	sand.u32 $0x50, s12;
	s15 =	sand.u32 $0x60, s15;
	v27 =	vld [tilespmem:s11+$0x0]  }
0xc6: {  	s12 =	sor.u32 s12, s9;
	s15 =	sor.u32 s15, s9;
	v21 =	vadd.f32 v24, v21;
	v17 =	vmul.f32 v16, v17;
	v22 =	vadd.f32 v25, v22;
	s11 =	sand.u32 $0x40, s8;
	v28 =	vld [tilespmem:s21+$0x40]  }
0xc7: {  	v18 =	vmul.f32 v26, v18;
	v19 =	vmul.f32 v15, v19;
	v20 =	vadd.f32 v23, v20;
	s9 =	sor.u32 s11, s9;
	v13 =	vld [tilespmem:s12+$0x0]  }
0xc8: {  	v14 =	vadd.f32 v10, v14;
	v17 =	vadd.f32 v17, v21;
	v16 =	vld [tilespmem:s9+$0x0]  }
0xc9: {  	v10 =	vadd.f32 v18, v22;
	v18 =	vadd.f32 v19, v20;
	v15 =	vld [tilespmem:s15+$0x0]  }
0xca: {  	v22 =	vadd.f32 v11, v12;
	v21 =	vperm.xlane v17, v8;
	v19 =	vperm.xlane v27, v0;
	v20 =	vld [tilespmem:s21+$0x50];
	[tilespmem:s1+$0xFFFFFFF0] =	vst v14  }
0xcb: {  	v12 =	vperm.xlane v18, v8;
	v11 =	vmovc v18;
	v14 =	vperm.xlane v10, v8;
	v23 =	vld [tilespmem:s21+$0xFFFFFF80];
	v24 =	vunpack.i.l.bf16.f32 v28  }
0xcc: {  	v18 =	vperm.xlane v27, v1;
	v17 =	vadd.f32 v17, v21;
	v25 =	vld [tilespmem:s21+$0xFFFFFFC0];
	v19 =	vmul.f32 v19, v24;
	[tilespmem:s1+$0x0] =	vst v22;
	s1 =	smov.u32 s5  }
0xcd: {  	v26 =	vunpack.i.u.bf16.f32 v28;
	v22 =	vperm.xlane v13, v0;
	v21 =	vperm.xlane v16, v0;
	v24 =	vld [tilespmem:s21+$0x0]  }
0xce: {  	v18 =	vmul.f32 v18, v26;
	v26 =	vperm.xlane v27, v2;
	v19 =	vadd.f32 $0.0e+00, v19;
	v28 =	vld [tilespmem:s21+$0x60];
	[tilespmem:s5+$0xFFFFFFE0] =	vst v17  }
0xcf: {  	v29 =	vperm.xlane v16, v1;
	v17 =	vperm.xlane v15, v0;
	v30 =	vld [tilespmem:s21+$0xFFFFFF90];
	v31 =	vunpack.i.l.bf16.f32 v20  }
0xd0: {  	v32 =	vld [tilespmem:s21+$0xFFFFFFD0];
	v18 =	vadd.f32 v18, v19;
	v19 =	vperm.xlane v27, v3;
	v26 =	vmul.f32 v26, v31  }
0xd1: {  	v20 =	vunpack.i.u.bf16.f32 v20;
	v31 =	vunpack.i.l.bf16.f32 v23;
	v33 =	vunpack.i.l.bf16.f32 v25;
	v34 =	vld [tilespmem:s21+$0x10]  }
0xd2: {  	v18 =	vadd.f32 v26, v18;
	v19 =	vmul.f32 v19, v20;
	v20 =	vperm.xlane v27, v4;
	v26 =	vld [tilespmem:s21+$0x70]  }
0xd3: {  	v21 =	vmul.f32 v21, v31;
	v35 =	vunpack.i.l.bf16.f32 v24;
	v31 =	vld [tilespmem:s21+$0xFFFFFFA0];
	v36 =	vunpack.i.l.bf16.f32 v28  }
0xd4: {  	v37 =	vld [tilespmem:s21+$0xFFFFFFE0];
	v18 =	vadd.f32 v19, v18;
	v19 =	vperm.xlane v27, v5;
	v20 =	vmul.f32 v20, v36  }
0xd5: {  	v22 =	vmul.f32 v22, v33;
	v33 =	vmul.f32 v17, v35;
	v28 =	vunpack.i.u.bf16.f32 v28;
	v35 =	vld [tilespmem:s21+$0x20]  }
0xd6: {  	v36 =	vperm.xlane v27, v6;
	v17 =	vld [tilespmem:s21+$0xFFFFFFB0];
	v20 =	vadd.f32 v20, v18;
	v28 =	vmul.f32 v19, v28  }
0xd7: {  	v38 =	vperm.xlane v13, v1;
	v39 =	vperm.xlane v15, v1;
	v18 =	vld [tilespmem:s21+$0xFFFFFFF0];
	v40 =	vunpack.i.l.bf16.f32 v26  }
0xd8: {  	v27 =	vperm.xlane v27, v7;
	v19 =	vld [tilespmem:s21+$0x30];
	v20 =	vadd.f32 v28, v20;
	v28 =	vmul.f32 v36, v40  }
0xd9: {  	v23 =	vunpack.i.u.bf16.f32 v23;
	v25 =	vunpack.i.u.bf16.f32 v25;
	v26 =	vunpack.i.u.bf16.f32 v26  }
0xda: {  	v24 =	vunpack.i.u.bf16.f32 v24;
	v26 =	vmul.f32 v27, v26;
	v20 =	vadd.f32 v28, v20  }
0xdb: {  	v23 =	vmul.f32 v29, v23;
	v21 =	vadd.f32 $0.0e+00, v21;
	v22 =	vadd.f32 $0.0e+00, v22  }
0xdc: {  	v25 =	vmul.f32 v38, v25;
	v27 =	vadd.f32 $0.0e+00, v33;
	v20 =	vadd.f32 v26, v20  }
0xdd: {  	v24 =	vmul.f32 v39, v24;
	v28 =	vperm.xlane v16, v2;
	v26 =	vunpack.i.l.bf16.f32 v30  }
0xde: {  	v29 =	vunpack.i.l.bf16.f32 v32;
	v33 =	vperm.xlane v13, v2;
	v36 =	vperm.xlane v20, v8  }
0xdf: {  	v38 =	vperm.xlane v15, v2;
	v21 =	vadd.f32 v23, v21;
	v23 =	vunpack.i.l.bf16.f32 v34  }
0xe0: {  	v22 =	vadd.f32 v25, v22;
	v26 =	vmul.f32 v28, v26;
	v20 =	vadd.f32 v20, v36  }
0xe1: {  	s5 =	sadd.s32 $0x40, s5;
	v23 =	vmul.f32 v38, v23;
	v25 =	vmul.f32 v33, v29;
	v24 =	vadd.f32 v24, v27  }
0xe2: {  	v27 =	vunpack.i.u.bf16.f32 v30;
	v29 =	vperm.xlane v13, v3;
	v28 =	vperm.xlane v16, v3;
	[tilespmem:s5+$0x10] =	vst v20  }
0xe3: {  	v30 =	vunpack.i.u.bf16.f32 v34;
	v20 =	vunpack.i.u.bf16.f32 v32;
	v32 =	vperm.xlane v15, v3  }
0xe4: {  	v22 =	vadd.f32 v25, v22;
	v21 =	vadd.f32 v26, v21;
	v26 =	vmul.f32 v28, v27  }
0xe5: {  	v23 =	vadd.f32 v23, v24;
	v20 =	vmul.f32 v29, v20;
	v24 =	vmul.f32 v32, v30  }
0xe6: {  	v25 =	vunpack.i.l.bf16.f32 v31;
	v27 =	vperm.xlane v16, v4;
	v28 =	vperm.xlane v13, v4  }
0xe7: {  	v29 =	vunpack.i.l.bf16.f32 v37;
	v30 =	vunpack.i.l.bf16.f32 v35;
	v32 =	vperm.xlane v15, v4  }
0xe8: {  	v21 =	vadd.f32 v26, v21;
	v25 =	vmul.f32 v27, v25;
	v20 =	vadd.f32 v20, v22  }
0xe9: {  	v22 =	vmul.f32 v28, v29;
	v23 =	vadd.f32 v24, v23;
	v26 =	vmul.f32 v32, v30  }
0xea: {  	v27 =	vperm.xlane v16, v5;
	v28 =	vperm.xlane v13, v5;
	v24 =	vunpack.i.u.bf16.f32 v31  }
.Ltmp2:
0xeb: {  	v29 =	vunpack.i.u.bf16.f32 v37;
	v30 =	vunpack.i.u.bf16.f32 v35;
	v31 =	vperm.xlane v15, v5;
	(pc) =	sbr.rel @p1 .LBB2_3-.Ltmp2, $4  }
0xec: {  	v21 =	vadd.f32 v25, v21;
	v24 =	vmul.f32 v27, v24;
	v22 =	vadd.f32 v22, v20  }
0xed: {  	v25 =	vmul.f32 v28, v29;
	v20 =	vadd.f32 v26, v23;
	v23 =	vmul.f32 v31, v30  }
0xee: {  	v28 =	vunpack.i.l.bf16.f32 v17;
	v31 =	vperm.xlane v16, v6;
	v26 =	vperm.xlane v13, v6  }
0xef: {  	s8 =	sadd.s32 $0x40, s8;
	v29 =	vunpack.i.l.bf16.f32 v18;
	v27 =	vunpack.i.l.bf16.f32 v19;
	v30 =	vperm.xlane v15, v6  }
0xf0: {  	v21 =	vadd.f32 v24, v21  }
0xf1: {  	v24 =	vmul.f32 v31, v28;
	v22 =	vadd.f32 v25, v22;
	v25 =	vmul.f32 v26, v29  }
0xf2: {  	v20 =	vadd.f32 v23, v20;
	v16 =	vperm.xlane v16, v7;
	v17 =	vunpack.i.u.bf16.f32 v17  }
0xf3: {  	v13 =	vperm.xlane v13, v7;
	v18 =	vunpack.i.u.bf16.f32 v18;
	v15 =	vperm.xlane v15, v7  }
0xf4: {  	v23 =	vmul.f32 v30, v27;
	v21 =	vadd.f32 v24, v21;
	v16 =	vmul.f32 v16, v17  }
0xf5: {  	v17 =	vunpack.i.u.bf16.f32 v19;
	v19 =	vadd.f32 v25, v22;
	v13 =	vmul.f32 v13, v18  }
0xf6: {  	v18 =	vadd.f32 v23, v20;
	v15 =	vmul.f32 v15, v17;
	v16 =	vadd.f32 v16, v21  }
0xf7: {  	v13 =	vadd.f32 v13, v19  }
0xf8: {  	v10 =	vadd.f32 v10, v14;
	v14 =	vadd.f32 v15, v18;
	v15 =	vperm.xlane v16, v8  }
0xf9: {  	v11 =	vadd.f32 v11, v12;
	v12 =	vperm.xlane v13, v8  }
0xfa: {  	[tilespmem:s1+$0xFFFFFFF0] =	vst v10;
	v10 =	vperm.xlane v14, v8;
	v15 =	vadd.f32 v16, v15  }
0xfb: {  	[tilespmem:s1+$0x0] =	vst v11;
	v11 =	vadd.f32 v13, v12  }
0xfc: {  	v10 =	vadd.f32 v14, v10;
	[tilespmem:s5+$0xFFFFFFE0] =	vst v15  }
0xfd: {  	[tilespmem:s5+$0xFFFFFFF0] =	vst v11  }
0xfe: {  	[tilespmem:s5+$0x0] =	vst v10  }
0xff: {  	v10 =	vld [tilespmem:$0x100]  }
0x100: {  	v11 =	vld [tilespmem:$0x110]  }
0x101: {  	v12 =	vld [tilespmem:$0x120]  }
0x102: {  	v13 =	vld [tilespmem:$0x130]  }
0x103: {  	v14 =	vld [tilespmem:$0x140]  }
0x104: {  	[tilespmem:$0x200] =	vst v10;
	v10 =	vld [tilespmem:$0x150]  }
0x105: {  	[tilespmem:$0x210] =	vst v11;
	v11 =	vld [tilespmem:$0x160]  }
0x106: {  	[tilespmem:$0x220] =	vst v12;
	v12 =	vld [tilespmem:$0x170]  }
0x107: {  	[tilespmem:$0x230] =	vst v13  }
0x108: {  	p1 =	seq.s32 s29, $0x5;
	[tilespmem:$0x240] =	vst v14  }
0x109: {  	s1 =	sadd.s32 @!p1 s3, s19;
	[tilespmem:$0x250] =	vst v10  }
0x10a: {  	s3 =	sadd.s32 @!p1 s20, s1;
	[tilespmem:$0x260] =	vst v11  }
0x10b: {  	s15 =	simm.s32 $0x200;
	s21 =	simm.s32 $0x6300;
	s3 =	sshrl.u32 @!p1 s3, $0x3;
	[tilespmem:$0x270] =	vst v12  }
0x10c: {  	[spmem:s4] =	stream.indirect.scatter.add.f32 [tilespmem:s21], [sflag:$0x3], $0x10, s15, s0, $0xb8;
	[tilespmem:$0x16300] =	vst v63  }
0x10d: {  	s8 =	simm.s32 @!p1 $0x0;
	s5 =	sadd.s32 @!p1 s7, s3  }
0x10e: {  	[tilespmem:s8], [sflag:$0x5] =	stream.linear.gather @!p1 [hbm4b:s5+s8], $0x80, $0x38;
	[tilespmem:$0x16300] =	vst v63  }
0x10f: {  	s5 =	simm.s32 @!p1 $0x5  }
0x110: {  	_ =	swait.ge @!p1 [sflag:s5], $0x80  }
0x111: {  	s9 =	simm.s32 @!p1 $0x100;
	[sflag:s5] =	ssyncset.done @!p1 $0x0  }
0x112: {  	s1 =	sadd.s32 @!p1 s23, s1;
	s3 =	sadd.s32 @!p1 s16, s3;
	[sflag:s5] =	ssyncadd.s32 @!p1 $0xFFFFFF80  }
0x113: {  	[tilespmem:s9], [sflag:$0x5] =	stream.linear.gather @!p1 [hbm4b:s3+s8], $0x80, $0x38;
	[tilespmem:$0x16300] =	vst v63  }
0x114: {  	s1 =	sshll.u32 @!p1 s1, $0x1;
	_ =	swait.ge @!p1 [sflag:s5], $0x80  }
0x115: {  	s1 =	sand.u32 @!p1 $0x1FFFFE00, s1;
	[sflag:s5] =	ssyncset.done @!p1 $0x0  }
0x116: {  	s1 =	sadd.s32 @!p1 s17, s1;
	s3 =	simm.s32 @!p1 $0x300;
	[sflag:s5] =	ssyncadd.s32 @!p1 $0xFFFFFF80  }
0x117: {  	[tilespmem:s3], [sflag:$0x5] =	stream.linear.gather @!p1 [hbm4b:s1+s8], $0x800, $0x38;
	[tilespmem:$0x16300] =	vst v63  }
0x118: {  	_ =	swait.ge @!p1 [sflag:s5], $0x800  }
0x119: {  	[sflag:s5] =	ssyncset.done @!p1 $0x0  }
0x11a: {  	s1 =	simm.s32 @!p1 $0x80;
	s3 =	simm.s32 @!p1 $0x1300;
	[sflag:s5] =	ssyncadd.s32 @!p1 $0xFFFFF800  }
0x11b: {  	[tilespmem:s3], [sflag:$0x1] =	stream.indirect.gather @!p1 [spmem:s2], $0x40, s8, s1, $0xb8;
	[tilespmem:$0x16300] =	vst v63  }
0x11c: {  	_ =	swait.ge [sflag:s28], $0x2000  }
0x11d: {  	[sflag:s28] =	ssyncset.done $0x0  }
0x11e: {  	s8 =	simm.s32 $0x0;
	[sflag:s28] =	ssyncadd.s32 $0xFFFFE000  }
0x11f: {  	s15 =	simm.s32 $0x30;
	s12 =	sand.u32 $0x780, s8;
	_ =	swait.ge [sflag:s13], $0x800  }
0x120: {  	s9 =	sand.u32 $0x70, s15;
	s21 =	sadd.s32 $0xB00, s12;
	[sflag:s13] =	ssyncset.done $0x0  }
0x121: {  	s5 =	sor.u32 s9, s21;
	[sflag:s13] =	ssyncadd.s32 $0xFFFFF800  }
0x122: {  	s10 =	simm.s32 $0x3380;
	s3 =	sand.u32 $0x40, s8;
	v13 =	vld [tilespmem:s5+$0x0]  }
0x123: {  	s3 =	sor.u32 s3, s21;
	v14 =	vld [tilespmem:s10+$0x40]  }
0x124: {  	v10 =	vld [tilespmem:s3+$0x0]  }
0x125: {  	v16 =	vld [tilespmem:s10+$0x50]  }
0x126: {  	v18 =	vld [tilespmem:s10+$0xFFFFFF80]  }
0x127: {  	s11 =	simm.s32 $0x10  }
0x128: {  	s5 =	sand.u32 $0x50, s11;
	v27 =	vld [tilespmem:s10+$0x70];
	v15 =	vperm.xlane v13, v0  }
0x129: {  	v21 =	vld [tilespmem:s10+$0x60];
	s5 =	sor.u32 s5, s21;
	v17 =	vunpack.i.l.bf16.f32 v14;
	v19 =	vperm.xlane v13, v1;
	v20 =	vperm.xlane v10, v0  }
0x12a: {  	v12 =	vld [tilespmem:s5+$0x0];
	v14 =	vunpack.i.u.bf16.f32 v14;
	v23 =	vperm.xlane v10, v1;
	v15 =	vmul.f32 v15, v17  }
0x12b: {  	s12 =	simm.s32 $0x20;
	v24 =	vunpack.i.l.bf16.f32 v16;
	v26 =	vunpack.i.l.bf16.f32 v18;
	v16 =	vunpack.i.u.bf16.f32 v16  }
0x12c: {  	s15 =	sand.u32 $0x60, s12;
	v17 =	vld [tilespmem:s10+$0xFFFFFFC0];
	v14 =	vmul.f32 v19, v14;
	v19 =	vperm.xlane v13, v2;
	v15 =	vadd.f32 $0.0e+00, v15  }
0x12d: {  	s3 =	sor.u32 s15, s21;
	v25 =	vld [tilespmem:s10+$0x0];
	v28 =	vunpack.i.l.bf16.f32 v27;
	v18 =	vunpack.i.u.bf16.f32 v18;
	v27 =	vunpack.i.u.bf16.f32 v27  }
0x12e: {  	v11 =	vld [tilespmem:s3+$0x0];
	v19 =	vmul.f32 v19, v24;
	v14 =	vadd.f32 v14, v15;
	v15 =	vperm.xlane v13, v3  }
0x12f: {  	v22 =	vperm.xlane v12, v0;
	v20 =	vmul.f32 v20, v26;
	v26 =	vunpack.i.l.bf16.f32 v21  }
0x130: {  	v14 =	vadd.f32 v19, v14;
	v15 =	vmul.f32 v15, v16;
	v16 =	vperm.xlane v13, v4  }
0x131: {  	v21 =	vunpack.i.u.bf16.f32 v21;
	v18 =	vmul.f32 v23, v18;
	v19 =	vunpack.i.l.bf16.f32 v17  }
0x132: {  	v14 =	vadd.f32 v15, v14;
	v15 =	vperm.xlane v13, v5;
	v16 =	vmul.f32 v16, v26  }
0x133: {  	v24 =	vperm.xlane v11, v0;
	v19 =	vmul.f32 v22, v19;
	v26 =	vunpack.i.l.bf16.f32 v25  }
0x134: {  	v14 =	vadd.f32 v16, v14;
	v15 =	vmul.f32 v15, v21;
	v16 =	vperm.xlane v13, v6  }
0x135: {  	v17 =	vunpack.i.u.bf16.f32 v17;
	v22 =	vmul.f32 v24, v26;
	v21 =	vperm.xlane v12, v1  }
0x136: {  	v24 =	vld [tilespmem:s10+$0xFFFFFF90];
	v13 =	vperm.xlane v13, v7;
	v14 =	vadd.f32 v15, v14;
	v16 =	vmul.f32 v16, v28  }
0x137: {  	v25 =	vunpack.i.u.bf16.f32 v25;
	v26 =	vperm.xlane v11, v1;
	v19 =	vadd.f32 $0.0e+00, v19;
	v15 =	vld [tilespmem:s10+$0xFFFFFFD0]  }
0x138: {  	v28 =	vld [tilespmem:s10+$0x10];
	v13 =	vmul.f32 v13, v27;
	v17 =	vmul.f32 v21, v17;
	v14 =	vadd.f32 v16, v14  }
0x139: {  	v21 =	vperm.xlane v10, v2;
	v16 =	vadd.f32 $0.0e+00, v20;
	v20 =	vadd.f32 $0.0e+00, v22  }
0x13a: {  	v22 =	vmul.f32 v26, v25;
	v25 =	vperm.xlane v12, v2;
	v17 =	vadd.f32 v17, v19  }
0x13b: {  	v14 =	vadd.f32 v13, v14;
	v13 =	vunpack.i.l.bf16.f32 v24;
	v16 =	vadd.f32 v18, v16  }
0x13c: {  	v18 =	vperm.xlane v11, v2;
	v20 =	vadd.f32 v22, v20;
	v23 =	vunpack.i.l.bf16.f32 v15  }
0x13d: {  	v26 =	vld [tilespmem:s10+$0xFFFFFFA0];
	v27 =	vunpack.i.l.bf16.f32 v28;
	v13 =	vmul.f32 v21, v13;
	v15 =	vunpack.i.u.bf16.f32 v15  }
0x13e: {  	v19 =	vld [tilespmem:s10+$0xFFFFFFE0];
	v21 =	vmul.f32 v25, v23;
	v23 =	vunpack.i.u.bf16.f32 v24;
	v24 =	vperm.xlane v10, v3  }
0x13f: {  	v22 =	vld [tilespmem:s10+$0x20];
	v18 =	vmul.f32 v18, v27;
	v25 =	vperm.xlane v12, v3;
	v27 =	vunpack.i.u.bf16.f32 v28  }
0x140: {  	v28 =	vperm.xlane v11, v3;
	v13 =	vadd.f32 v13, v16;
	v16 =	vmul.f32 v24, v23  }
0x141: {  	v17 =	vadd.f32 v21, v17;
	v15 =	vmul.f32 v25, v15;
	v18 =	vadd.f32 v18, v20  }
0x142: {  	v20 =	vmul.f32 v28, v27;
	v21 =	vunpack.i.l.bf16.f32 v26;
	v23 =	vperm.xlane v10, v4  }
0x143: {  	v24 =	vperm.xlane v12, v4;
	v25 =	vunpack.i.l.bf16.f32 v19;
	v28 =	vperm.xlane v11, v4  }
0x144: {  	v19 =	vunpack.i.u.bf16.f32 v19;
	v27 =	vunpack.i.l.bf16.f32 v22;
	v22 =	vunpack.i.u.bf16.f32 v22  }
0x145: {  	v13 =	vadd.f32 v16, v13;
	v16 =	vmul.f32 v23, v21;
	v21 =	vmul.f32 v24, v25  }
0x146: {  	v18 =	vadd.f32 v20, v18;
	v20 =	vmul.f32 v28, v27;
	v25 =	vperm.xlane v10, v5  }
0x147: {  	v29 =	vld [tilespmem:s10+$0xFFFFFFB0];
	v24 =	vunpack.i.u.bf16.f32 v26;
	v26 =	vperm.xlane v12, v5;
	v27 =	vperm.xlane v11, v5  }
0x148: {  	v15 =	vadd.f32 v15, v17;
	v13 =	vadd.f32 v16, v13;
	v16 =	vmul.f32 v25, v24  }
0x149: {  	s21 =	simm.s32 $0x40;
	v17 =	vld [tilespmem:s10+$0xFFFFFFF0];
	v19 =	vmul.f32 v26, v19;
	v18 =	vadd.f32 v20, v18;
	v20 =	vmul.f32 v27, v22  }
0x14a: {  	s9 =	simm.s32 $0x70;
	s8 =	sand.u32 $0x780, s21;
	v23 =	vld [tilespmem:s10+$0x30];
	v22 =	vperm.xlane v10, v6;
	v24 =	vperm.xlane v12, v6  }
0x14b: {  	s11 =	sand.u32 $0x70, s9;
	s10 =	sadd.s32 $0xB00, s8;
	v15 =	vadd.f32 v21, v15;
	v27 =	vperm.xlane v11, v6;
	v10 =	vperm.xlane v10, v7  }
0x14c: {  	s3 =	sor.u32 s11, s10;
	v21 =	vunpack.i.l.bf16.f32 v29;
	v12 =	vperm.xlane v12, v7;
	v11 =	vperm.xlane v11, v7  }
0x14d: {  	v13 =	vadd.f32 v16, v13;
	v16 =	vmul.f32 v22, v21;
	v21 =	vunpack.i.u.bf16.f32 v29;
	v22 =	vld [tilespmem:s3+$0x0];
	s3 =	simm.s32 $0x3480  }
0x14e: {  	v15 =	vadd.f32 v19, v15;
	v25 =	vunpack.i.l.bf16.f32 v17;
	v10 =	vmul.f32 v10, v21;
	v21 =	vld [tilespmem:s3+$0xFFFFFF80]  }
0x14f: {  	s12 =	simm.s32 $0x50;
	s1 =	sand.u32 $0x40, s21;
	v18 =	vadd.f32 v20, v18;
	v26 =	vunpack.i.l.bf16.f32 v23;
	v29 =	vld [tilespmem:s3+$0x60];
	v19 =	vmul.f32 v24, v25  }
0x150: {  	s5 =	sand.u32 $0x50, s12;
	s1 =	sor.u32 s1, s10;
	v17 =	vunpack.i.u.bf16.f32 v17;
	v23 =	vunpack.i.u.bf16.f32 v23;
	v20 =	vmul.f32 v27, v26;
	v24 =	vld [tilespmem:s3+$0x40]  }
0x151: {  	s5 =	sor.u32 s5, s10;
	v25 =	vadd.f32 v16, v13;
	v12 =	vmul.f32 v12, v17;
	v16 =	vld [tilespmem:s1+$0x0];
	v19 =	vadd.f32 v19, v15  }
0x152: {  	v13 =	vld [tilespmem:s5+$0x0];
	v11 =	vmul.f32 v11, v23;
	v17 =	vadd.f32 v20, v18;
	v18 =	vperm.xlane v14, v8  }
0x153: {  	s15 =	simm.s32 $0x60;
	v20 =	vadd.f32 v10, v25;
	v27 =	vperm.xlane v22, v1;
	v10 =	vadd.f32 v12, v19  }
0x154: {  	s9 =	sand.u32 $0x60, s15;
	v53 =	vld [tilespmem:s3+$0x10];
	v11 =	vadd.f32 v11, v17;
	v23 =	vadd.f32 v14, v18;
	v17 =	vperm.xlane v22, v0  }
0x155: {  	s21 =	sor.u32 s9, s10;
	v26 =	vld [tilespmem:s3+$0xFFFFFFC0];
	v19 =	vperm.xlane v20, v8;
	v48 =	vunpack.i.l.bf16.f32 v21;
	v34 =	vunpack.i.l.bf16.f32 v29  }
0x156: {  	v15 =	vld [tilespmem:s21+$0x0];
	v29 =	vunpack.i.u.bf16.f32 v29;
	v21 =	vunpack.i.u.bf16.f32 v21;
	v30 =	vperm.xlane v16, v1  }
0x157: {  	v25 =	vunpack.i.l.bf16.f32 v24;
	v61 =	vperm.xlane v13, v5;
	v14 =	vperm.xlane v10, v8  }
0x158: {  	v18 =	vld [tilespmem:s3+$0x50];
	v24 =	vunpack.i.u.bf16.f32 v24;
	v12 =	vperm.xlane v11, v8;
	v17 =	vmul.f32 v17, v25  }
0x159: {  	v28 =	vadd.f32 v20, v19;
	v19 =	vperm.xlane v16, v0;
	v20 =	vperm.xlane v13, v0  }
0x15a: {  	v55 =	vunpack.i.u.bf16.f32 v53;
	v24 =	vmul.f32 v27, v24;
	v27 =	vperm.xlane v22, v2  }
0x15b: {  	v33 =	vunpack.i.l.bf16.f32 v26;
	v31 =	vperm.xlane v15, v0;
	v50 =	vperm.xlane v15, v1  }
0x15c: {  	v21 =	vmul.f32 v30, v21;
	v30 =	vperm.xlane v13, v2;
	v17 =	vadd.f32 $0.0e+00, v17  }
0x15d: {  	v54 =	vperm.xlane v15, v2;
	v56 =	vperm.xlane v15, v3;
	v32 =	vunpack.i.l.bf16.f32 v18  }
0x15e: {  	v25 =	vld [tilespmem:s3+$0x0];
	v17 =	vadd.f32 v24, v17;
	v24 =	vperm.xlane v22, v3;
	v27 =	vmul.f32 v27, v32  }
0x15f: {  	v59 =	vperm.xlane v15, v4;
	v63 =	vperm.xlane v15, v5;
	v18 =	vunpack.i.u.bf16.f32 v18  }
0x160: {  	v17 =	vadd.f32 v27, v17;
	v18 =	vmul.f32 v24, v18;
	v24 =	vperm.xlane v22, v4;
	v27 =	vld [tilespmem:s3+$0x70]  }
0x161: {  	v26 =	vunpack.i.u.bf16.f32 v26;
	v19 =	vmul.f32 v19, v48;
	v20 =	vmul.f32 v20, v33  }
0x162: {  	v17 =	vadd.f32 v18, v17;
	v18 =	vperm.xlane v22, v5;
	v24 =	vmul.f32 v24, v34  }
0x163: {  	v19 =	vadd.f32 $0.0e+00, v19;
	v20 =	vadd.f32 $0.0e+00, v20;
	v49 =	vunpack.i.l.bf16.f32 v25  }
0x164: {  	v17 =	vadd.f32 v24, v17;
	v18 =	vmul.f32 v18, v29;
	v24 =	vperm.xlane v22, v6  }
0x165: {  	v25 =	vunpack.i.u.bf16.f32 v25;
	v29 =	vperm.xlane v13, v1;
	v51 =	vunpack.i.l.bf16.f32 v27  }
0x166: {  	v52 =	vld [tilespmem:s3+$0xFFFFFF90];
	v17 =	vadd.f32 v18, v17;
	v18 =	vperm.xlane v22, v7;
	v22 =	vmul.f32 v24, v51  }
0x167: {  	v31 =	vmul.f32 v31, v49;
	v25 =	vmul.f32 v50, v25;
	v27 =	vunpack.i.u.bf16.f32 v27;
	v24 =	vld [tilespmem:s3+$0xFFFFFFD0]  }
0x168: {  	v17 =	vadd.f32 v22, v17;
	v18 =	vmul.f32 v18, v27;
	v22 =	vmul.f32 v29, v26  }
0x169: {  	v19 =	vadd.f32 v21, v19;
	v21 =	vunpack.i.l.bf16.f32 v53;
	v26 =	vadd.f32 $0.0e+00, v31  }
0x16a: {  	v27 =	vperm.xlane v16, v2;
	v17 =	vadd.f32 v18, v17;
	v20 =	vadd.f32 v22, v20;
	v22 =	vld [tilespmem:s3+$0xFFFFFFE0]  }
0x16b: {  	v21 =	vmul.f32 v54, v21;
	v18 =	vunpack.i.l.bf16.f32 v52;
	v25 =	vadd.f32 v25, v26;
	v26 =	vld [tilespmem:s3+$0x20]  }
0x16c: {  	v29 =	vunpack.i.l.bf16.f32 v24;
	v18 =	vmul.f32 v27, v18;
	v31 =	vperm.xlane v17, v8  }
0x16d: {  	v35 =	vld [tilespmem:s3+$0xFFFFFFA0];
	v24 =	vunpack.i.u.bf16.f32 v24;
	v21 =	vadd.f32 v21, v25;
	v25 =	vmul.f32 v56, v55  }
0x16e: {  	v18 =	vadd.f32 v18, v19;
	v27 =	vadd.f32 v17, v31;
	v17 =	vmul.f32 v30, v29  }
0x16f: {  	v29 =	vunpack.i.u.bf16.f32 v52;
	v30 =	vperm.xlane v16, v3;
	v31 =	vperm.xlane v13, v3  }
0x170: {  	v57 =	vunpack.i.l.bf16.f32 v22;
	v58 =	vunpack.i.l.bf16.f32 v26;
	v62 =	vunpack.i.u.bf16.f32 v22  }
0x171: {  	v26 =	vunpack.i.u.bf16.f32 v26;
	v19 =	vmul.f32 v30, v29;
	v20 =	vadd.f32 v17, v20  }
0x172: {  	v24 =	vmul.f32 v31, v24;
	v29 =	vunpack.i.l.bf16.f32 v35;
	v30 =	vperm.xlane v16, v4;
	v17 =	vld [tilespmem:s3+$0xFFFFFFB0]  }
0x173: {  	s1 =	simm.s32 $0x6B20;
	v31 =	vperm.xlane v13, v4;
	v60 =	vmul.f32 v59, v58;
	v36 =	vadd.f32 v19, v18;
	v18 =	vld [tilespmem:s3+$0xFFFFFFF0]  }
0x174: {  	[tilespmem:s1+$0x10] =	vst v23;
	v23 =	vmul.f32 v63, v26;
	v29 =	vmul.f32 v30, v29;
	v20 =	vadd.f32 v24, v20;
	v19 =	vld [tilespmem:s3+$0x30]  }
0x175: {  	v30 =	vmul.f32 v31, v57;
	v31 =	vadd.f32 v25, v21;
	v25 =	vperm.xlane v16, v5  }
0x176: {  	v26 =	vperm.xlane v13, v6;
	v24 =	vunpack.i.u.bf16.f32 v35;
	v21 =	vadd.f32 v29, v36  }
0x177: {  	v24 =	vmul.f32 v25, v24;
	v22 =	vadd.f32 v30, v20;
	v25 =	vmul.f32 v61, v62  }
0x178: {  	s5 =	simm.s32 $0x6B60;
	[tilespmem:s1+$0xFFFFFFE0] =	vst v28;
	v20 =	vadd.f32 v60, v31;
	v31 =	vperm.xlane v16, v6;
	v30 =	vperm.xlane v15, v6  }
0x179: {  	s8 =	simm.s32 $0x80;
	s10 =	simm.s32 $0x4;
	[tilespmem:s5+$0x10] =	vst v27;
	v28 =	vunpack.i.l.bf16.f32 v17;
	v29 =	vunpack.i.l.bf16.f32 v18;
	v27 =	vunpack.i.l.bf16.f32 v19  }
.LBB2_5:
0x17a: {  	s9 =	sand.u32 $0x780, s8;
	s11 =	sadd.s32 $0x30, s8;
	s10 =	sadd.s32 $0x4, s10;
	v21 =	vadd.f32 v24, v21;
	v24 =	vmul.f32 v31, v28;
	v22 =	vadd.f32 v25, v22  }
0x17b: {  	v25 =	vmul.f32 v26, v29;
	v20 =	vadd.f32 v23, v20;
	s9 =	sadd.s32 $0xB00, s9;
	s11 =	sand.u32 $0x70, s11;
	p1 =	slt.u32 s10, $0x7C;
	v23 =	vmul.f32 v30, v27  }
0x17c: {  	s12 =	sadd.s32 $0x10, s8;
	s15 =	sadd.s32 $0x20, s8;
	v17 =	vunpack.i.u.bf16.f32 v17;
	v16 =	vperm.xlane v16, v7;
	v26 =	vperm.xlane v13, v7;
	s11 =	sor.u32 s11, s9  }
0x17d: {  	v18 =	vunpack.i.u.bf16.f32 v18;
	v19 =	vunpack.i.u.bf16.f32 v19;
	v15 =	vperm.xlane v15, v7;
	s3 =	sadd.s32 $0x100, s3;
	s12 =	sand.u32 $0x50, s12;
	s15 =	sand.u32 $0x60, s15;
	v27 =	vld [tilespmem:s11+$0x0]  }
0x17e: {  	s12 =	sor.u32 s12, s9;
	s15 =	sor.u32 s15, s9;
	v21 =	vadd.f32 v24, v21;
	v17 =	vmul.f32 v16, v17;
	v22 =	vadd.f32 v25, v22;
	s11 =	sand.u32 $0x40, s8;
	v28 =	vld [tilespmem:s3+$0x40]  }
0x17f: {  	v18 =	vmul.f32 v26, v18;
	v19 =	vmul.f32 v15, v19;
	v20 =	vadd.f32 v23, v20;
	s9 =	sor.u32 s11, s9;
	v13 =	vld [tilespmem:s12+$0x0]  }
0x180: {  	v14 =	vadd.f32 v10, v14;
	v17 =	vadd.f32 v17, v21;
	v16 =	vld [tilespmem:s9+$0x0]  }
0x181: {  	v10 =	vadd.f32 v18, v22;
	v18 =	vadd.f32 v19, v20;
	v15 =	vld [tilespmem:s15+$0x0]  }
0x182: {  	v22 =	vadd.f32 v11, v12;
	v21 =	vperm.xlane v17, v8;
	v19 =	vperm.xlane v27, v0;
	v20 =	vld [tilespmem:s3+$0x50];
	[tilespmem:s1+$0xFFFFFFF0] =	vst v14  }
0x183: {  	v12 =	vperm.xlane v18, v8;
	v11 =	vmovc v18;
	v14 =	vperm.xlane v10, v8;
	v23 =	vld [tilespmem:s3+$0xFFFFFF80];
	v24 =	vunpack.i.l.bf16.f32 v28  }
0x184: {  	v18 =	vperm.xlane v27, v1;
	v17 =	vadd.f32 v17, v21;
	v25 =	vld [tilespmem:s3+$0xFFFFFFC0];
	v19 =	vmul.f32 v19, v24;
	[tilespmem:s1+$0x0] =	vst v22;
	s1 =	smov.u32 s5  }
0x185: {  	v26 =	vunpack.i.u.bf16.f32 v28;
	v22 =	vperm.xlane v13, v0;
	v21 =	vperm.xlane v16, v0;
	v24 =	vld [tilespmem:s3+$0x0]  }
0x186: {  	v18 =	vmul.f32 v18, v26;
	v26 =	vperm.xlane v27, v2;
	v19 =	vadd.f32 $0.0e+00, v19;
	v28 =	vld [tilespmem:s3+$0x60];
	[tilespmem:s5+$0xFFFFFFE0] =	vst v17  }
0x187: {  	v29 =	vperm.xlane v16, v1;
	v17 =	vperm.xlane v15, v0;
	v30 =	vld [tilespmem:s3+$0xFFFFFF90];
	v31 =	vunpack.i.l.bf16.f32 v20  }
0x188: {  	v32 =	vld [tilespmem:s3+$0xFFFFFFD0];
	v18 =	vadd.f32 v18, v19;
	v19 =	vperm.xlane v27, v3;
	v26 =	vmul.f32 v26, v31  }
0x189: {  	v20 =	vunpack.i.u.bf16.f32 v20;
	v31 =	vunpack.i.l.bf16.f32 v23;
	v33 =	vunpack.i.l.bf16.f32 v25;
	v34 =	vld [tilespmem:s3+$0x10]  }
0x18a: {  	v18 =	vadd.f32 v26, v18;
	v19 =	vmul.f32 v19, v20;
	v20 =	vperm.xlane v27, v4;
	v26 =	vld [tilespmem:s3+$0x70]  }
0x18b: {  	v21 =	vmul.f32 v21, v31;
	v35 =	vunpack.i.l.bf16.f32 v24;
	v31 =	vld [tilespmem:s3+$0xFFFFFFA0];
	v36 =	vunpack.i.l.bf16.f32 v28  }
0x18c: {  	v37 =	vld [tilespmem:s3+$0xFFFFFFE0];
	v18 =	vadd.f32 v19, v18;
	v19 =	vperm.xlane v27, v5;
	v20 =	vmul.f32 v20, v36  }
0x18d: {  	v22 =	vmul.f32 v22, v33;
	v33 =	vmul.f32 v17, v35;
	v28 =	vunpack.i.u.bf16.f32 v28;
	v35 =	vld [tilespmem:s3+$0x20]  }
0x18e: {  	v36 =	vperm.xlane v27, v6;
	v17 =	vld [tilespmem:s3+$0xFFFFFFB0];
	v20 =	vadd.f32 v20, v18;
	v28 =	vmul.f32 v19, v28  }
0x18f: {  	v38 =	vperm.xlane v13, v1;
	v39 =	vperm.xlane v15, v1;
	v18 =	vld [tilespmem:s3+$0xFFFFFFF0];
	v40 =	vunpack.i.l.bf16.f32 v26  }
0x190: {  	v27 =	vperm.xlane v27, v7;
	v19 =	vld [tilespmem:s3+$0x30];
	v20 =	vadd.f32 v28, v20;
	v28 =	vmul.f32 v36, v40  }
0x191: {  	v23 =	vunpack.i.u.bf16.f32 v23;
	v25 =	vunpack.i.u.bf16.f32 v25;
	v26 =	vunpack.i.u.bf16.f32 v26  }
0x192: {  	v24 =	vunpack.i.u.bf16.f32 v24;
	v26 =	vmul.f32 v27, v26;
	v20 =	vadd.f32 v28, v20  }
0x193: {  	v23 =	vmul.f32 v29, v23;
	v21 =	vadd.f32 $0.0e+00, v21;
	v22 =	vadd.f32 $0.0e+00, v22  }
0x194: {  	v25 =	vmul.f32 v38, v25;
	v27 =	vadd.f32 $0.0e+00, v33;
	v20 =	vadd.f32 v26, v20  }
0x195: {  	v24 =	vmul.f32 v39, v24;
	v28 =	vperm.xlane v16, v2;
	v26 =	vunpack.i.l.bf16.f32 v30  }
0x196: {  	v29 =	vunpack.i.l.bf16.f32 v32;
	v33 =	vperm.xlane v13, v2;
	v36 =	vperm.xlane v20, v8  }
0x197: {  	v38 =	vperm.xlane v15, v2;
	v21 =	vadd.f32 v23, v21;
	v23 =	vunpack.i.l.bf16.f32 v34  }
0x198: {  	v22 =	vadd.f32 v25, v22;
	v26 =	vmul.f32 v28, v26;
	v20 =	vadd.f32 v20, v36  }
0x199: {  	s5 =	sadd.s32 $0x40, s5;
	v23 =	vmul.f32 v38, v23;
	v25 =	vmul.f32 v33, v29;
	v24 =	vadd.f32 v24, v27  }
0x19a: {  	v27 =	vunpack.i.u.bf16.f32 v30;
	v29 =	vperm.xlane v13, v3;
	v28 =	vperm.xlane v16, v3;
	[tilespmem:s5+$0x10] =	vst v20  }
0x19b: {  	v30 =	vunpack.i.u.bf16.f32 v34;
	v20 =	vunpack.i.u.bf16.f32 v32;
	v32 =	vperm.xlane v15, v3  }
0x19c: {  	v22 =	vadd.f32 v25, v22;
	v21 =	vadd.f32 v26, v21;
	v26 =	vmul.f32 v28, v27  }
0x19d: {  	v23 =	vadd.f32 v23, v24;
	v20 =	vmul.f32 v29, v20;
	v24 =	vmul.f32 v32, v30  }
0x19e: {  	v25 =	vunpack.i.l.bf16.f32 v31;
	v27 =	vperm.xlane v16, v4;
	v28 =	vperm.xlane v13, v4  }
0x19f: {  	v29 =	vunpack.i.l.bf16.f32 v37;
	v30 =	vunpack.i.l.bf16.f32 v35;
	v32 =	vperm.xlane v15, v4  }
0x1a0: {  	v21 =	vadd.f32 v26, v21;
	v25 =	vmul.f32 v27, v25;
	v20 =	vadd.f32 v20, v22  }
0x1a1: {  	v22 =	vmul.f32 v28, v29;
	v23 =	vadd.f32 v24, v23;
	v26 =	vmul.f32 v32, v30  }
0x1a2: {  	v27 =	vperm.xlane v16, v5;
	v28 =	vperm.xlane v13, v5;
	v24 =	vunpack.i.u.bf16.f32 v31  }
.Ltmp3:
0x1a3: {  	v29 =	vunpack.i.u.bf16.f32 v37;
	v30 =	vunpack.i.u.bf16.f32 v35;
	v31 =	vperm.xlane v15, v5;
	(pc) =	sbr.rel @p1 .LBB2_5-.Ltmp3, $4  }
0x1a4: {  	v21 =	vadd.f32 v25, v21;
	v24 =	vmul.f32 v27, v24;
	v22 =	vadd.f32 v22, v20  }
0x1a5: {  	v25 =	vmul.f32 v28, v29;
	v20 =	vadd.f32 v26, v23;
	v23 =	vmul.f32 v31, v30  }
0x1a6: {  	v28 =	vunpack.i.l.bf16.f32 v17;
	v31 =	vperm.xlane v16, v6;
	v26 =	vperm.xlane v13, v6  }
0x1a7: {  	s8 =	sadd.s32 $0x40, s8;
	v29 =	vunpack.i.l.bf16.f32 v18;
	v27 =	vunpack.i.l.bf16.f32 v19;
	v30 =	vperm.xlane v15, v6  }
0x1a8: {  	v21 =	vadd.f32 v24, v21  }
0x1a9: {  	v51 =	vmul.f32 v31, v28;
	v22 =	vadd.f32 v25, v22;
	v52 =	vmul.f32 v26, v29  }
0x1aa: {  	v20 =	vadd.f32 v23, v20;
	v16 =	vperm.xlane v16, v7;
	v17 =	vunpack.i.u.bf16.f32 v17  }
0x1ab: {  	v13 =	vperm.xlane v13, v7;
	v18 =	vunpack.i.u.bf16.f32 v18;
	v15 =	vperm.xlane v15, v7  }
0x1ac: {  	v53 =	vmul.f32 v30, v27;
	v21 =	vadd.f32 v51, v21;
	v16 =	vmul.f32 v16, v17  }
0x1ad: {  	v54 =	vunpack.i.u.bf16.f32 v19;
	v55 =	vadd.f32 v52, v22;
	v13 =	vmul.f32 v13, v18  }
0x1ae: {  	v15 =	vmul.f32 v15, v54;
	v56 =	vadd.f32 v53, v20;
	v16 =	vadd.f32 v16, v21  }
0x1af: {  	v13 =	vadd.f32 v13, v55  }
0x1b0: {  	v10 =	vadd.f32 v10, v14;
	v57 =	vadd.f32 v15, v56;
	v58 =	vperm.xlane v16, v8  }
0x1b1: {  	v11 =	vadd.f32 v11, v12;
	v59 =	vperm.xlane v13, v8  }
0x1b2: {  	[tilespmem:s1+$0xFFFFFFF0] =	vst v10;
	v10 =	vperm.xlane v57, v8;
	v15 =	vadd.f32 v16, v58  }
0x1b3: {  	[tilespmem:s1+$0x0] =	vst v11;
	v11 =	vadd.f32 v13, v59  }
0x1b4: {  	v10 =	vadd.f32 v57, v10;
	[tilespmem:s5+$0xFFFFFFE0] =	vst v15  }
0x1b5: {  	[tilespmem:s5+$0xFFFFFFF0] =	vst v11  }
0x1b6: {  	[tilespmem:s5+$0x0] =	vst v10  }
0x1b7: {  	v10 =	vld [tilespmem:$0x180]  }
0x1b8: {  	v11 =	vld [tilespmem:$0x190]  }
0x1b9: {  	v60 =	vld [tilespmem:$0x1A0]  }
0x1ba: {  	v61 =	vld [tilespmem:$0x1B0]  }
0x1bb: {  	v62 =	vld [tilespmem:$0x1C0]  }
0x1bc: {  	v63 =	vld [tilespmem:$0x1F0];
	[tilespmem:$0x280] =	vst v10  }
0x1bd: {  	v10 =	vld [tilespmem:$0x1D0];
	[tilespmem:$0x290] =	vst v11  }
0x1be: {  	s29 =	sadd.s32 $0x1, s29;
	v11 =	vld [tilespmem:$0x1E0];
	[tilespmem:$0x2A0] =	vst v60  }
0x1bf: {  	p1 =	sne.s32 s29, $0x6;
	[tilespmem:$0x2B0] =	vst v61  }
.Ltmp4:
0x1c0: {  	[tilespmem:$0x2C0] =	vst v62;
	(pc) =	sbr.rel @p1 .LBB2_2-.Ltmp4, $4  }
0x1c1: {  	[tilespmem:$0x2F0] =	vst v63  }
0x1c2: {  	[tilespmem:$0x2D0] =	vst v10  }
0x1c3: {  	s21 =	simm.s32 $0x280;
	s3 =	simm.s32 $0x6B00;
	[tilespmem:$0x2E0] =	vst v11  }
0x1c4: {  	[spmem:s4] =	stream.indirect.scatter.add.f32 [tilespmem:s3], [sflag:$0x4], $0x10, s21, s0, $0xb8;
	[tilespmem:$0x16300] =	vst v63  }
0x1c5: {  	s1 =	simm.s32 $0x4  }
0x1c6: {  	_ =	swait.ge [sflag:s1], $0x800  }
0x1c7: {  	[sflag:s1] =	ssyncset.done $0x0  }
0x1c8: {  	[sflag:s1] =	ssyncadd.s32 $0xFFFFF800  }
0x1c9: {  	[bflag:$0x0] =	sbarrier.arrive $0xFFFF  }
0x1ca: {  	s5 =	sld [smem:$0x7FA];
	_ =	sdelay $0x1  }
0x1cb: {  	s3 =	simm.s32 $0x7;
	s15 =	rddreg [dreg:$0x7]  }
0x1cc: {  	[hbm:s15@s3], [sflag:s31] =	dma.strided [spmem:s5@s28], $0x280, s26, $0x1   }
0x1cd: {  	_ =	swait.ge [sflag:s24], $0x280  }
0x1ce: {  	s8 =	sld [smem:$0x7F9]  }
0x1cf: {  	[sflag:s24] =	ssyncset.done $0x0  }
0x1d0: {  	s21 =	rddreg [dreg:$0x18];
	[sflag:s24] =	ssyncadd.s32 $0xFFFFFD80  }
0x1d1: {  	[spmem:s8], [sflag:s31] =	dma.local [hbm:s21], $0x1400  }
0x1d2: {  	_ =	swait.ge [sflag:s24], $0x1400  }
0x1d3: {  	[sflag:s24] =	ssyncset.done $0x0  }
0x1d4: {  	s9 =	rddreg [dreg:$0x8];
	[sflag:s24] =	ssyncadd.s32 $0xFFFFEC00  }
0x1d5: {  	[spmem:s5@s28], [sflag:s31] =	dma.strided [hbm:s9@s3], $0x280, s26, $0x1   }
0x1d6: {  	_ =	swait.ge [sflag:s24], $0x280  }
0x1d7: {  	[sflag:s24] =	ssyncset.done $0x0  }
0x1d8: {  	[sflag:s24] =	ssyncadd.s32 $0xFFFFFD80  }
0x1d9: {  	[bflag:$0x0] =	sbarrier.arrive $0xFFFF  }
0x1da: {  	s29 =	simm.s32 $0x0;
	s10 =	rddreg [dreg:$0x14]  }
0x1db: {  	[tilespmem:s29], [sflag:$0x5] =	stream.linear.gather [hbm4b:s10+s29], $0x80, $0x38;
	[tilespmem:$0x16300] =	vst v63  }
0x1dc: {  	_ =	swait.ge [sflag:s24], $0x80  }
0x1dd: {  	[sflag:s24] =	ssyncset.done $0x0  }
0x1de: {  	s12 =	simm.s32 $0x100;
	s11 =	rddreg [dreg:$0x15];
	[sflag:s24] =	ssyncadd.s32 $0xFFFFFF80  }
0x1df: {  	[tilespmem:s12], [sflag:$0x5] =	stream.linear.gather [hbm4b:s11+s29], $0x80, $0x38;
	[tilespmem:$0x16300] =	vst v63  }
0x1e0: {  	_ =	swait.ge [sflag:s24], $0x80  }
0x1e1: {  	[sflag:s24] =	ssyncset.done $0x0  }
0x1e2: {  	s21 =	simm.s32 $0x300;
	s15 =	rddreg [dreg:$0x16];
	[sflag:s24] =	ssyncadd.s32 $0xFFFFFF80  }
0x1e3: {  	[tilespmem:s21], [sflag:$0x5] =	stream.linear.gather [hbm4b:s15+s29], $0x800, $0x38;
	[tilespmem:$0x16300] =	vst v63  }
0x1e4: {  	_ =	swait.ge [sflag:s24], $0x800  }
0x1e5: {  	[sflag:s24] =	ssyncset.done $0x0  }
0x1e6: {  	s31 =	simm.s32 $0x1300;
	s3 =	simm.s32 $0x0;
	[sflag:s24] =	ssyncadd.s32 $0xFFFFF800  }
0x1e7: {  	[tilespmem:s31], [sflag:$0x1] =	stream.indirect.gather [spmem:s2], $0x40, s29, s0, $0xb8;
	[tilespmem:$0x16300] =	vst v63  }
.LBB2_8:
0x1e8: {  	s21 =	sshll.u32 s3, $0x8  }
0x1e9: {  	s1 =	sadd.s32 s21, s18  }
0x1ea: {  	s1 =	sadd.s32 $0x80, s1  }
0x1eb: {  	s5 =	sadd.s32 s22, s1  }
0x1ec: {  	s5 =	sshrl.u32 s5, $0x3  }
0x1ed: {  	s8 =	sadd.s32 s7, s5  }
0x1ee: {  	[tilespmem:s0], [sflag:$0x5] =	stream.linear.gather [hbm4b:s8+s6], $0x80, $0x38;
	[tilespmem:$0x16300] =	vst v63  }
0x1ef: {  	_ =	swait.ge [sflag:s24], $0x80  }
0x1f0: {  	s31 =	simm.s32 $0x180;
	[sflag:s24] =	ssyncset.done $0x0  }
0x1f1: {  	s1 =	sadd.s32 s25, s1;
	s5 =	sadd.s32 s16, s5;
	[sflag:s24] =	ssyncadd.s32 $0xFFFFFF80  }
0x1f2: {  	[tilespmem:s31], [sflag:$0x5] =	stream.linear.gather [hbm4b:s5+s6], $0x80, $0x38;
	[tilespmem:$0x16300] =	vst v63  }
0x1f3: {  	s1 =	sshll.u32 s1, $0x1;
	_ =	swait.ge [sflag:s24], $0x80  }
0x1f4: {  	s1 =	sand.u32 $0x1FFFFF00, s1;
	[sflag:s24] =	ssyncset.done $0x0  }
0x1f5: {  	s1 =	sadd.s32 s17, s1;
	s8 =	simm.s32 $0xB00;
	[sflag:s24] =	ssyncadd.s32 $0xFFFFFF80  }
0x1f6: {  	[tilespmem:s8], [sflag:$0x5] =	stream.linear.gather [hbm4b:s1+s6], $0x800, $0x38;
	[tilespmem:$0x16300] =	vst v63  }
0x1f7: {  	_ =	swait.ge [sflag:s24], $0x800  }
0x1f8: {  	[sflag:s24] =	ssyncset.done $0x0  }
0x1f9: {  	s9 =	simm.s32 $0x3300;
	[sflag:s24] =	ssyncadd.s32 $0xFFFFF800  }
0x1fa: {  	[tilespmem:s9], [sflag:$0x2] =	stream.indirect.gather [spmem:s2], $0x40, s0, s0, $0xb8;
	[tilespmem:$0x16300] =	vst v63  }
0x1fb: {  	_ =	swait.ge [sflag:s26], $0x2000  }
0x1fc: {  	p1 =	seq.s32 s3, $0x0;
	[sflag:s26] =	ssyncset.done $0x0  }
0x1fd: {  	s1 =	simm.s32 @!p1 $0x4;
	[sflag:s26] =	ssyncadd.s32 $0xFFFFE000  }
0x1fe: {  	s10 =	sand.u32 $0x780, s29;
	s11 =	simm.s32 $0x30;
	_ =	swait.ge @!p1 [sflag:s1], $0x800  }
0x1ff: {  	s5 =	sadd.s32 $0x300, s10;
	s8 =	sand.u32 $0x70, s11;
	[sflag:s1] =	ssyncset.done @!p1 $0x0  }
0x200: {  	s8 =	sor.u32 s8, s5;
	[sflag:s1] =	ssyncadd.s32 @!p1 $0xFFFFF800  }
0x201: {  	s12 =	simm.s32 $0x1380;
	s9 =	sand.u32 $0x40, s29;
	v13 =	vld [tilespmem:s8+$0x0]  }
0x202: {  	s9 =	sor.u32 s9, s5;
	v14 =	vld [tilespmem:s12+$0x40]  }
0x203: {  	v10 =	vld [tilespmem:s9+$0x0]  }
0x204: {  	v16 =	vld [tilespmem:s12+$0x50]  }
0x205: {  	v18 =	vld [tilespmem:s12+$0xFFFFFF80]  }
0x206: {  	s15 =	simm.s32 $0x10  }
0x207: {  	s8 =	sand.u32 $0x50, s15;
	v27 =	vld [tilespmem:s12+$0x70];
	v15 =	vperm.xlane v13, v0  }
0x208: {  	v21 =	vld [tilespmem:s12+$0x60];
	s8 =	sor.u32 s8, s5;
	v17 =	vunpack.i.l.bf16.f32 v14;
	v19 =	vperm.xlane v13, v1;
	v20 =	vperm.xlane v10, v0  }
0x209: {  	v12 =	vld [tilespmem:s8+$0x0];
	v14 =	vunpack.i.u.bf16.f32 v14;
	v23 =	vperm.xlane v10, v1;
	v15 =	vmul.f32 v15, v17  }
0x20a: {  	s10 =	simm.s32 $0x20;
	v24 =	vunpack.i.l.bf16.f32 v16;
	v26 =	vunpack.i.l.bf16.f32 v18;
	v16 =	vunpack.i.u.bf16.f32 v16  }
0x20b: {  	s31 =	sand.u32 $0x60, s10;
	v17 =	vld [tilespmem:s12+$0xFFFFFFC0];
	v14 =	vmul.f32 v19, v14;
	v19 =	vperm.xlane v13, v2;
	v15 =	vadd.f32 $0.0e+00, v15  }
0x20c: {  	v25 =	vld [tilespmem:s12+$0x0];
	s5 =	sor.u32 s31, s5;
	v28 =	vunpack.i.l.bf16.f32 v27;
	v18 =	vunpack.i.u.bf16.f32 v18;
	v27 =	vunpack.i.u.bf16.f32 v27  }
0x20d: {  	v11 =	vld [tilespmem:s5+$0x0];
	v19 =	vmul.f32 v19, v24;
	v14 =	vadd.f32 v14, v15;
	v15 =	vperm.xlane v13, v3  }
0x20e: {  	v22 =	vperm.xlane v12, v0;
	v20 =	vmul.f32 v20, v26;
	v26 =	vunpack.i.l.bf16.f32 v21  }
0x20f: {  	v14 =	vadd.f32 v19, v14;
	v15 =	vmul.f32 v15, v16;
	v16 =	vperm.xlane v13, v4  }
0x210: {  	v21 =	vunpack.i.u.bf16.f32 v21;
	v18 =	vmul.f32 v23, v18;
	v19 =	vunpack.i.l.bf16.f32 v17  }
0x211: {  	v14 =	vadd.f32 v15, v14;
	v15 =	vperm.xlane v13, v5;
	v16 =	vmul.f32 v16, v26  }
0x212: {  	v24 =	vperm.xlane v11, v0;
	v19 =	vmul.f32 v22, v19;
	v26 =	vunpack.i.l.bf16.f32 v25  }
0x213: {  	v14 =	vadd.f32 v16, v14;
	v15 =	vmul.f32 v15, v21;
	v16 =	vperm.xlane v13, v6  }
0x214: {  	v17 =	vunpack.i.u.bf16.f32 v17;
	v22 =	vmul.f32 v24, v26;
	v21 =	vperm.xlane v12, v1  }
0x215: {  	v24 =	vld [tilespmem:s12+$0xFFFFFF90];
	v13 =	vperm.xlane v13, v7;
	v14 =	vadd.f32 v15, v14;
	v16 =	vmul.f32 v16, v28  }
0x216: {  	v25 =	vunpack.i.u.bf16.f32 v25;
	v26 =	vperm.xlane v11, v1;
	v19 =	vadd.f32 $0.0e+00, v19;
	v15 =	vld [tilespmem:s12+$0xFFFFFFD0]  }
0x217: {  	v28 =	vld [tilespmem:s12+$0x10];
	v13 =	vmul.f32 v13, v27;
	v17 =	vmul.f32 v21, v17;
	v14 =	vadd.f32 v16, v14  }
0x218: {  	v21 =	vperm.xlane v10, v2;
	v16 =	vadd.f32 $0.0e+00, v20;
	v20 =	vadd.f32 $0.0e+00, v22  }
0x219: {  	v22 =	vmul.f32 v26, v25;
	v25 =	vperm.xlane v12, v2;
	v17 =	vadd.f32 v17, v19  }
0x21a: {  	v14 =	vadd.f32 v13, v14;
	v13 =	vunpack.i.l.bf16.f32 v24;
	v16 =	vadd.f32 v18, v16  }
0x21b: {  	v18 =	vperm.xlane v11, v2;
	v20 =	vadd.f32 v22, v20;
	v23 =	vunpack.i.l.bf16.f32 v15  }
0x21c: {  	v26 =	vld [tilespmem:s12+$0xFFFFFFA0];
	v27 =	vunpack.i.l.bf16.f32 v28;
	v13 =	vmul.f32 v21, v13;
	v15 =	vunpack.i.u.bf16.f32 v15  }
0x21d: {  	v19 =	vld [tilespmem:s12+$0xFFFFFFE0];
	v21 =	vmul.f32 v25, v23;
	v23 =	vunpack.i.u.bf16.f32 v24;
	v24 =	vperm.xlane v10, v3  }
0x21e: {  	v22 =	vld [tilespmem:s12+$0x20];
	v18 =	vmul.f32 v18, v27;
	v25 =	vperm.xlane v12, v3;
	v27 =	vunpack.i.u.bf16.f32 v28  }
0x21f: {  	v28 =	vperm.xlane v11, v3;
	v13 =	vadd.f32 v13, v16;
	v16 =	vmul.f32 v24, v23  }
0x220: {  	v17 =	vadd.f32 v21, v17;
	v15 =	vmul.f32 v25, v15;
	v18 =	vadd.f32 v18, v20  }
0x221: {  	v20 =	vmul.f32 v28, v27;
	v21 =	vunpack.i.l.bf16.f32 v26;
	v23 =	vperm.xlane v10, v4  }
0x222: {  	v24 =	vperm.xlane v12, v4;
	v25 =	vunpack.i.l.bf16.f32 v19;
	v28 =	vperm.xlane v11, v4  }
0x223: {  	v19 =	vunpack.i.u.bf16.f32 v19;
	v27 =	vunpack.i.l.bf16.f32 v22;
	v22 =	vunpack.i.u.bf16.f32 v22  }
0x224: {  	v13 =	vadd.f32 v16, v13;
	v16 =	vmul.f32 v23, v21;
	v21 =	vmul.f32 v24, v25  }
0x225: {  	v18 =	vadd.f32 v20, v18;
	v20 =	vmul.f32 v28, v27;
	v25 =	vperm.xlane v10, v5  }
0x226: {  	v29 =	vld [tilespmem:s12+$0xFFFFFFB0];
	v24 =	vunpack.i.u.bf16.f32 v26;
	v26 =	vperm.xlane v12, v5;
	v27 =	vperm.xlane v11, v5  }
0x227: {  	v15 =	vadd.f32 v15, v17;
	v13 =	vadd.f32 v16, v13;
	v16 =	vmul.f32 v25, v24  }
0x228: {  	s10 =	simm.s32 $0x40;
	v17 =	vld [tilespmem:s12+$0xFFFFFFF0];
	v19 =	vmul.f32 v26, v19;
	v18 =	vadd.f32 v20, v18;
	v20 =	vmul.f32 v27, v22  }
0x229: {  	s15 =	simm.s32 $0x70;
	v23 =	vld [tilespmem:s12+$0x30];
	s12 =	sand.u32 $0x780, s10;
	v22 =	vperm.xlane v10, v6;
	v24 =	vperm.xlane v12, v6  }
0x22a: {  	s11 =	sand.u32 $0x70, s15;
	s31 =	sadd.s32 $0x300, s12;
	v15 =	vadd.f32 v21, v15;
	v27 =	vperm.xlane v11, v6;
	v10 =	vperm.xlane v10, v7  }
0x22b: {  	v21 =	vunpack.i.l.bf16.f32 v29;
	s1 =	sor.u32 s11, s31;
	v12 =	vperm.xlane v12, v7;
	v11 =	vperm.xlane v11, v7  }
0x22c: {  	v13 =	vadd.f32 v16, v13;
	v16 =	vmul.f32 v22, v21;
	v21 =	vunpack.i.u.bf16.f32 v29;
	v22 =	vld [tilespmem:s1+$0x0];
	s1 =	simm.s32 $0x1480  }
0x22d: {  	v15 =	vadd.f32 v19, v15;
	v25 =	vunpack.i.l.bf16.f32 v17;
	v10 =	vmul.f32 v10, v21;
	v21 =	vld [tilespmem:s1+$0xFFFFFF80]  }
0x22e: {  	s5 =	sand.u32 $0x40, s10;
	s12 =	simm.s32 $0x50;
	v18 =	vadd.f32 v20, v18;
	v26 =	vunpack.i.l.bf16.f32 v23;
	v29 =	vld [tilespmem:s1+$0x60];
	v19 =	vmul.f32 v24, v25  }
0x22f: {  	s8 =	sand.u32 $0x50, s12;
	s5 =	sor.u32 s5, s31;
	v17 =	vunpack.i.u.bf16.f32 v17;
	v23 =	vunpack.i.u.bf16.f32 v23;
	v20 =	vmul.f32 v27, v26;
	v24 =	vld [tilespmem:s1+$0x40]  }
0x230: {  	s8 =	sor.u32 s8, s31;
	v25 =	vadd.f32 v16, v13;
	v12 =	vmul.f32 v12, v17;
	v16 =	vld [tilespmem:s5+$0x0];
	v19 =	vadd.f32 v19, v15  }
0x231: {  	v13 =	vld [tilespmem:s8+$0x0];
	v11 =	vmul.f32 v11, v23;
	v17 =	vadd.f32 v20, v18;
	v18 =	vperm.xlane v14, v8  }
0x232: {  	s15 =	simm.s32 $0x60;
	v20 =	vadd.f32 v10, v25;
	v27 =	vperm.xlane v22, v1;
	v10 =	vadd.f32 v12, v19  }
0x233: {  	s10 =	sand.u32 $0x60, s15;
	v53 =	vld [tilespmem:s1+$0x10];
	v11 =	vadd.f32 v11, v17;
	v23 =	vadd.f32 v14, v18;
	v17 =	vperm.xlane v22, v0  }
0x234: {  	s31 =	sor.u32 s10, s31;
	v26 =	vld [tilespmem:s1+$0xFFFFFFC0];
	v19 =	vperm.xlane v20, v8;
	v48 =	vunpack.i.l.bf16.f32 v21;
	v34 =	vunpack.i.l.bf16.f32 v29  }
0x235: {  	v15 =	vld [tilespmem:s31+$0x0];
	v29 =	vunpack.i.u.bf16.f32 v29;
	v21 =	vunpack.i.u.bf16.f32 v21;
	v30 =	vperm.xlane v16, v1  }
0x236: {  	v25 =	vunpack.i.l.bf16.f32 v24;
	v61 =	vperm.xlane v13, v5;
	v14 =	vperm.xlane v10, v8  }
0x237: {  	v18 =	vld [tilespmem:s1+$0x50];
	v24 =	vunpack.i.u.bf16.f32 v24;
	v12 =	vperm.xlane v11, v8;
	v17 =	vmul.f32 v17, v25  }
0x238: {  	v28 =	vadd.f32 v20, v19;
	v19 =	vperm.xlane v16, v0;
	v20 =	vperm.xlane v13, v0  }
0x239: {  	v55 =	vunpack.i.u.bf16.f32 v53;
	v24 =	vmul.f32 v27, v24;
	v27 =	vperm.xlane v22, v2  }
0x23a: {  	v33 =	vunpack.i.l.bf16.f32 v26;
	v31 =	vperm.xlane v15, v0;
	v50 =	vperm.xlane v15, v1  }
0x23b: {  	v21 =	vmul.f32 v30, v21;
	v30 =	vperm.xlane v13, v2;
	v17 =	vadd.f32 $0.0e+00, v17  }
0x23c: {  	v54 =	vperm.xlane v15, v2;
	v56 =	vperm.xlane v15, v3;
	v32 =	vunpack.i.l.bf16.f32 v18  }
0x23d: {  	v25 =	vld [tilespmem:s1+$0x0];
	v17 =	vadd.f32 v24, v17;
	v24 =	vperm.xlane v22, v3;
	v27 =	vmul.f32 v27, v32  }
0x23e: {  	v59 =	vperm.xlane v15, v4;
	v63 =	vperm.xlane v15, v5;
	v18 =	vunpack.i.u.bf16.f32 v18  }
0x23f: {  	v17 =	vadd.f32 v27, v17;
	v18 =	vmul.f32 v24, v18;
	v24 =	vperm.xlane v22, v4;
	v27 =	vld [tilespmem:s1+$0x70]  }
0x240: {  	v26 =	vunpack.i.u.bf16.f32 v26;
	v19 =	vmul.f32 v19, v48;
	v20 =	vmul.f32 v20, v33  }
0x241: {  	v17 =	vadd.f32 v18, v17;
	v18 =	vperm.xlane v22, v5;
	v24 =	vmul.f32 v24, v34  }
0x242: {  	v19 =	vadd.f32 $0.0e+00, v19;
	v20 =	vadd.f32 $0.0e+00, v20;
	v49 =	vunpack.i.l.bf16.f32 v25  }
0x243: {  	v17 =	vadd.f32 v24, v17;
	v18 =	vmul.f32 v18, v29;
	v24 =	vperm.xlane v22, v6  }
0x244: {  	v25 =	vunpack.i.u.bf16.f32 v25;
	v29 =	vperm.xlane v13, v1;
	v51 =	vunpack.i.l.bf16.f32 v27  }
0x245: {  	v52 =	vld [tilespmem:s1+$0xFFFFFF90];
	v17 =	vadd.f32 v18, v17;
	v18 =	vperm.xlane v22, v7;
	v22 =	vmul.f32 v24, v51  }
0x246: {  	v31 =	vmul.f32 v31, v49;
	v25 =	vmul.f32 v50, v25;
	v27 =	vunpack.i.u.bf16.f32 v27;
	v24 =	vld [tilespmem:s1+$0xFFFFFFD0]  }
0x247: {  	v17 =	vadd.f32 v22, v17;
	v18 =	vmul.f32 v18, v27;
	v22 =	vmul.f32 v29, v26  }
0x248: {  	v19 =	vadd.f32 v21, v19;
	v21 =	vunpack.i.l.bf16.f32 v53;
	v26 =	vadd.f32 $0.0e+00, v31  }
0x249: {  	v27 =	vperm.xlane v16, v2;
	v17 =	vadd.f32 v18, v17;
	v20 =	vadd.f32 v22, v20;
	v22 =	vld [tilespmem:s1+$0xFFFFFFE0]  }
0x24a: {  	v21 =	vmul.f32 v54, v21;
	v18 =	vunpack.i.l.bf16.f32 v52;
	v25 =	vadd.f32 v25, v26;
	v26 =	vld [tilespmem:s1+$0x20]  }
0x24b: {  	v29 =	vunpack.i.l.bf16.f32 v24;
	v18 =	vmul.f32 v27, v18;
	v31 =	vperm.xlane v17, v8  }
0x24c: {  	v35 =	vld [tilespmem:s1+$0xFFFFFFA0];
	v24 =	vunpack.i.u.bf16.f32 v24;
	v21 =	vadd.f32 v21, v25;
	v25 =	vmul.f32 v56, v55  }
0x24d: {  	v18 =	vadd.f32 v18, v19;
	v27 =	vadd.f32 v17, v31;
	v17 =	vmul.f32 v30, v29  }
0x24e: {  	v29 =	vunpack.i.u.bf16.f32 v52;
	v30 =	vperm.xlane v16, v3;
	v31 =	vperm.xlane v13, v3  }
0x24f: {  	v57 =	vunpack.i.l.bf16.f32 v22;
	v58 =	vunpack.i.l.bf16.f32 v26;
	v62 =	vunpack.i.u.bf16.f32 v22  }
0x250: {  	v26 =	vunpack.i.u.bf16.f32 v26;
	v19 =	vmul.f32 v30, v29;
	v20 =	vadd.f32 v17, v20  }
0x251: {  	v24 =	vmul.f32 v31, v24;
	v29 =	vunpack.i.l.bf16.f32 v35;
	v30 =	vperm.xlane v16, v4;
	v17 =	vld [tilespmem:s1+$0xFFFFFFB0]  }
0x252: {  	s5 =	simm.s32 $0x6320;
	v31 =	vperm.xlane v13, v4;
	v60 =	vmul.f32 v59, v58;
	v36 =	vadd.f32 v19, v18;
	v18 =	vld [tilespmem:s1+$0xFFFFFFF0]  }
0x253: {  	[tilespmem:s5+$0x10] =	vst v23;
	v23 =	vmul.f32 v63, v26;
	v29 =	vmul.f32 v30, v29;
	v20 =	vadd.f32 v24, v20;
	v19 =	vld [tilespmem:s1+$0x30]  }
0x254: {  	v30 =	vmul.f32 v31, v57;
	v31 =	vadd.f32 v25, v21;
	v25 =	vperm.xlane v16, v5  }
0x255: {  	v26 =	vperm.xlane v13, v6;
	v24 =	vunpack.i.u.bf16.f32 v35;
	v21 =	vadd.f32 v29, v36  }
0x256: {  	v24 =	vmul.f32 v25, v24;
	v22 =	vadd.f32 v30, v20;
	v25 =	vmul.f32 v61, v62  }
0x257: {  	s10 =	simm.s32 $0x6360;
	[tilespmem:s5+$0xFFFFFFE0] =	vst v28;
	v20 =	vadd.f32 v60, v31;
	v31 =	vperm.xlane v16, v6;
	v30 =	vperm.xlane v15, v6  }
0x258: {  	s9 =	simm.s32 $0x80;
	s8 =	simm.s32 $0x4;
	[tilespmem:s10+$0x10] =	vst v27;
	v28 =	vunpack.i.l.bf16.f32 v17;
	v29 =	vunpack.i.l.bf16.f32 v18;
	v27 =	vunpack.i.l.bf16.f32 v19  }
.LBB2_9:
0x259: {  	s11 =	sand.u32 $0x780, s9;
	s12 =	sadd.s32 $0x30, s9;
	s8 =	sadd.s32 $0x4, s8;
	v21 =	vadd.f32 v24, v21;
	v24 =	vmul.f32 v31, v28;
	v22 =	vadd.f32 v25, v22  }
0x25a: {  	v25 =	vmul.f32 v26, v29;
	v20 =	vadd.f32 v23, v20;
	s11 =	sadd.s32 $0x300, s11;
	s12 =	sand.u32 $0x70, s12;
	p1 =	slt.u32 s8, $0x7C;
	v23 =	vmul.f32 v30, v27  }
0x25b: {  	s15 =	sadd.s32 $0x10, s9;
	s31 =	sadd.s32 $0x20, s9;
	v17 =	vunpack.i.u.bf16.f32 v17;
	v16 =	vperm.xlane v16, v7;
	v26 =	vperm.xlane v13, v7;
	s12 =	sor.u32 s12, s11  }
0x25c: {  	v18 =	vunpack.i.u.bf16.f32 v18;
	v19 =	vunpack.i.u.bf16.f32 v19;
	v15 =	vperm.xlane v15, v7;
	s1 =	sadd.s32 $0x100, s1;
	s15 =	sand.u32 $0x50, s15;
	s31 =	sand.u32 $0x60, s31;
	v27 =	vld [tilespmem:s12+$0x0]  }
0x25d: {  	s15 =	sor.u32 s15, s11;
	s31 =	sor.u32 s31, s11;
	v21 =	vadd.f32 v24, v21;
	v17 =	vmul.f32 v16, v17;
	v22 =	vadd.f32 v25, v22;
	s12 =	sand.u32 $0x40, s9;
	v28 =	vld [tilespmem:s1+$0x40]  }
0x25e: {  	v18 =	vmul.f32 v26, v18;
	v19 =	vmul.f32 v15, v19;
	v20 =	vadd.f32 v23, v20;
	s11 =	sor.u32 s12, s11;
	v13 =	vld [tilespmem:s15+$0x0]  }
0x25f: {  	v14 =	vadd.f32 v10, v14;
	v17 =	vadd.f32 v17, v21;
	v16 =	vld [tilespmem:s11+$0x0]  }
0x260: {  	v10 =	vadd.f32 v18, v22;
	v18 =	vadd.f32 v19, v20;
	v15 =	vld [tilespmem:s31+$0x0]  }
0x261: {  	v22 =	vadd.f32 v11, v12;
	v21 =	vperm.xlane v17, v8;
	v19 =	vperm.xlane v27, v0;
	v20 =	vld [tilespmem:s1+$0x50];
	[tilespmem:s5+$0xFFFFFFF0] =	vst v14  }
0x262: {  	v12 =	vperm.xlane v18, v8;
	v11 =	vmovc v18;
	v14 =	vperm.xlane v10, v8;
	v23 =	vld [tilespmem:s1+$0xFFFFFF80];
	v24 =	vunpack.i.l.bf16.f32 v28  }
0x263: {  	v18 =	vperm.xlane v27, v1;
	v17 =	vadd.f32 v17, v21;
	v25 =	vld [tilespmem:s1+$0xFFFFFFC0];
	v19 =	vmul.f32 v19, v24;
	[tilespmem:s5+$0x0] =	vst v22;
	s5 =	smov.u32 s10  }
0x264: {  	v26 =	vunpack.i.u.bf16.f32 v28;
	v22 =	vperm.xlane v13, v0;
	v21 =	vperm.xlane v16, v0;
	v24 =	vld [tilespmem:s1+$0x0]  }
0x265: {  	v18 =	vmul.f32 v18, v26;
	v26 =	vperm.xlane v27, v2;
	v19 =	vadd.f32 $0.0e+00, v19;
	v28 =	vld [tilespmem:s1+$0x60];
	[tilespmem:s10+$0xFFFFFFE0] =	vst v17  }
0x266: {  	v29 =	vperm.xlane v16, v1;
	v17 =	vperm.xlane v15, v0;
	v30 =	vld [tilespmem:s1+$0xFFFFFF90];
	v31 =	vunpack.i.l.bf16.f32 v20  }
0x267: {  	v32 =	vld [tilespmem:s1+$0xFFFFFFD0];
	v18 =	vadd.f32 v18, v19;
	v19 =	vperm.xlane v27, v3;
	v26 =	vmul.f32 v26, v31  }
0x268: {  	v20 =	vunpack.i.u.bf16.f32 v20;
	v31 =	vunpack.i.l.bf16.f32 v23;
	v33 =	vunpack.i.l.bf16.f32 v25;
	v34 =	vld [tilespmem:s1+$0x10]  }
0x269: {  	v18 =	vadd.f32 v26, v18;
	v19 =	vmul.f32 v19, v20;
	v20 =	vperm.xlane v27, v4;
	v26 =	vld [tilespmem:s1+$0x70]  }
0x26a: {  	v21 =	vmul.f32 v21, v31;
	v35 =	vunpack.i.l.bf16.f32 v24;
	v31 =	vld [tilespmem:s1+$0xFFFFFFA0];
	v36 =	vunpack.i.l.bf16.f32 v28  }
0x26b: {  	v37 =	vld [tilespmem:s1+$0xFFFFFFE0];
	v18 =	vadd.f32 v19, v18;
	v19 =	vperm.xlane v27, v5;
	v20 =	vmul.f32 v20, v36  }
0x26c: {  	v22 =	vmul.f32 v22, v33;
	v33 =	vmul.f32 v17, v35;
	v28 =	vunpack.i.u.bf16.f32 v28;
	v35 =	vld [tilespmem:s1+$0x20]  }
0x26d: {  	v36 =	vperm.xlane v27, v6;
	v17 =	vld [tilespmem:s1+$0xFFFFFFB0];
	v20 =	vadd.f32 v20, v18;
	v28 =	vmul.f32 v19, v28  }
0x26e: {  	v38 =	vperm.xlane v13, v1;
	v39 =	vperm.xlane v15, v1;
	v18 =	vld [tilespmem:s1+$0xFFFFFFF0];
	v40 =	vunpack.i.l.bf16.f32 v26  }
0x26f: {  	v27 =	vperm.xlane v27, v7;
	v19 =	vld [tilespmem:s1+$0x30];
	v20 =	vadd.f32 v28, v20;
	v28 =	vmul.f32 v36, v40  }
0x270: {  	v23 =	vunpack.i.u.bf16.f32 v23;
	v25 =	vunpack.i.u.bf16.f32 v25;
	v26 =	vunpack.i.u.bf16.f32 v26  }
0x271: {  	v24 =	vunpack.i.u.bf16.f32 v24;
	v26 =	vmul.f32 v27, v26;
	v20 =	vadd.f32 v28, v20  }
0x272: {  	v23 =	vmul.f32 v29, v23;
	v21 =	vadd.f32 $0.0e+00, v21;
	v22 =	vadd.f32 $0.0e+00, v22  }
0x273: {  	v25 =	vmul.f32 v38, v25;
	v27 =	vadd.f32 $0.0e+00, v33;
	v20 =	vadd.f32 v26, v20  }
0x274: {  	v24 =	vmul.f32 v39, v24;
	v28 =	vperm.xlane v16, v2;
	v26 =	vunpack.i.l.bf16.f32 v30  }
0x275: {  	v29 =	vunpack.i.l.bf16.f32 v32;
	v33 =	vperm.xlane v13, v2;
	v36 =	vperm.xlane v20, v8  }
0x276: {  	v38 =	vperm.xlane v15, v2;
	v21 =	vadd.f32 v23, v21;
	v23 =	vunpack.i.l.bf16.f32 v34  }
0x277: {  	v22 =	vadd.f32 v25, v22;
	v26 =	vmul.f32 v28, v26;
	v20 =	vadd.f32 v20, v36  }
0x278: {  	s10 =	sadd.s32 $0x40, s10;
	v23 =	vmul.f32 v38, v23;
	v25 =	vmul.f32 v33, v29;
	v24 =	vadd.f32 v24, v27  }
0x279: {  	v27 =	vunpack.i.u.bf16.f32 v30;
	v29 =	vperm.xlane v13, v3;
	v28 =	vperm.xlane v16, v3;
	[tilespmem:s10+$0x10] =	vst v20  }
0x27a: {  	v30 =	vunpack.i.u.bf16.f32 v34;
	v20 =	vunpack.i.u.bf16.f32 v32;
	v32 =	vperm.xlane v15, v3  }
0x27b: {  	v22 =	vadd.f32 v25, v22;
	v21 =	vadd.f32 v26, v21;
	v26 =	vmul.f32 v28, v27  }
0x27c: {  	v23 =	vadd.f32 v23, v24;
	v20 =	vmul.f32 v29, v20;
	v24 =	vmul.f32 v32, v30  }
0x27d: {  	v25 =	vunpack.i.l.bf16.f32 v31;
	v27 =	vperm.xlane v16, v4;
	v28 =	vperm.xlane v13, v4  }
0x27e: {  	v29 =	vunpack.i.l.bf16.f32 v37;
	v30 =	vunpack.i.l.bf16.f32 v35;
	v32 =	vperm.xlane v15, v4  }
0x27f: {  	v21 =	vadd.f32 v26, v21;
	v25 =	vmul.f32 v27, v25;
	v20 =	vadd.f32 v20, v22  }
0x280: {  	v22 =	vmul.f32 v28, v29;
	v23 =	vadd.f32 v24, v23;
	v26 =	vmul.f32 v32, v30  }
0x281: {  	v27 =	vperm.xlane v16, v5;
	v28 =	vperm.xlane v13, v5;
	v24 =	vunpack.i.u.bf16.f32 v31  }
.Ltmp5:
0x282: {  	v29 =	vunpack.i.u.bf16.f32 v37;
	v30 =	vunpack.i.u.bf16.f32 v35;
	v31 =	vperm.xlane v15, v5;
	(pc) =	sbr.rel @p1 .LBB2_9-.Ltmp5, $4  }
0x283: {  	v21 =	vadd.f32 v25, v21;
	v24 =	vmul.f32 v27, v24;
	v22 =	vadd.f32 v22, v20  }
0x284: {  	v25 =	vmul.f32 v28, v29;
	v20 =	vadd.f32 v26, v23;
	v23 =	vmul.f32 v31, v30  }
0x285: {  	v28 =	vunpack.i.l.bf16.f32 v17;
	v31 =	vperm.xlane v16, v6;
	v26 =	vperm.xlane v13, v6  }
0x286: {  	s9 =	sadd.s32 $0x40, s9;
	v29 =	vunpack.i.l.bf16.f32 v18;
	v27 =	vunpack.i.l.bf16.f32 v19;
	v30 =	vperm.xlane v15, v6  }
0x287: {  	v21 =	vadd.f32 v24, v21  }
0x288: {  	v24 =	vmul.f32 v31, v28;
	v22 =	vadd.f32 v25, v22;
	v25 =	vmul.f32 v26, v29  }
0x289: {  	v20 =	vadd.f32 v23, v20;
	v16 =	vperm.xlane v16, v7;
	v17 =	vunpack.i.u.bf16.f32 v17  }
0x28a: {  	v13 =	vperm.xlane v13, v7;
	v18 =	vunpack.i.u.bf16.f32 v18;
	v15 =	vperm.xlane v15, v7  }
0x28b: {  	v23 =	vmul.f32 v30, v27;
	v21 =	vadd.f32 v24, v21;
	v16 =	vmul.f32 v16, v17  }
0x28c: {  	v17 =	vunpack.i.u.bf16.f32 v19;
	v19 =	vadd.f32 v25, v22;
	v13 =	vmul.f32 v13, v18  }
0x28d: {  	v18 =	vadd.f32 v23, v20;
	v15 =	vmul.f32 v15, v17;
	v16 =	vadd.f32 v16, v21  }
0x28e: {  	v13 =	vadd.f32 v13, v19  }
0x28f: {  	v10 =	vadd.f32 v10, v14;
	v14 =	vadd.f32 v15, v18;
	v15 =	vperm.xlane v16, v8  }
0x290: {  	v11 =	vadd.f32 v11, v12;
	v12 =	vperm.xlane v13, v8  }
0x291: {  	[tilespmem:s5+$0xFFFFFFF0] =	vst v10;
	v10 =	vperm.xlane v14, v8;
	v15 =	vadd.f32 v16, v15  }
0x292: {  	[tilespmem:s5+$0x0] =	vst v11;
	v11 =	vadd.f32 v13, v12  }
0x293: {  	v10 =	vadd.f32 v14, v10;
	[tilespmem:s10+$0xFFFFFFE0] =	vst v15  }
0x294: {  	[tilespmem:s10+$0xFFFFFFF0] =	vst v11  }
0x295: {  	[tilespmem:s10+$0x0] =	vst v10  }
0x296: {  	v10 =	vld [tilespmem:$0x100]  }
0x297: {  	v11 =	vld [tilespmem:$0x110]  }
0x298: {  	v12 =	vld [tilespmem:$0x120]  }
0x299: {  	v13 =	vld [tilespmem:$0x130]  }
0x29a: {  	v14 =	vld [tilespmem:$0x140]  }
0x29b: {  	[tilespmem:$0x200] =	vst v10;
	v10 =	vld [tilespmem:$0x150]  }
0x29c: {  	[tilespmem:$0x210] =	vst v11;
	v11 =	vld [tilespmem:$0x160]  }
0x29d: {  	[tilespmem:$0x220] =	vst v12;
	v12 =	vld [tilespmem:$0x170]  }
0x29e: {  	[tilespmem:$0x230] =	vst v13  }
0x29f: {  	[tilespmem:$0x240] =	vst v14  }
0x2a0: {  	[tilespmem:$0x250] =	vst v10  }
0x2a1: {  	[tilespmem:$0x260] =	vst v11  }
0x2a2: {  	s1 =	simm.s32 $0x200;
	s8 =	simm.s32 $0x6300;
	p1 =	seq.s32 s3, $0x5;
	[tilespmem:$0x270] =	vst v12  }
0x2a3: {  	[spmem:s4] =	stream.indirect.scatter.add.f32 [tilespmem:s8], [sflag:$0x3], $0x10, s1, s0, $0xb8;
	[tilespmem:$0x16300] =	vst v63  }
0x2a4: {  	s1 =	sadd.s32 @!p1 s21, s19  }
0x2a5: {  	s5 =	sadd.s32 @!p1 s22, s1  }
0x2a6: {  	s5 =	sshrl.u32 @!p1 s5, $0x3  }
0x2a7: {  	s9 =	simm.s32 @!p1 $0x0;
	s8 =	sadd.s32 @!p1 s7, s5  }
0x2a8: {  	[tilespmem:s9], [sflag:$0x5] =	stream.linear.gather @!p1 [hbm4b:s8+s9], $0x80, $0x38;
	[tilespmem:$0x16300] =	vst v63  }
0x2a9: {  	s8 =	simm.s32 @!p1 $0x5  }
0x2aa: {  	_ =	swait.ge @!p1 [sflag:s8], $0x80  }
0x2ab: {  	s10 =	simm.s32 @!p1 $0x100;
	[sflag:s8] =	ssyncset.done @!p1 $0x0  }
0x2ac: {  	s1 =	sadd.s32 @!p1 s25, s1;
	s5 =	sadd.s32 @!p1 s16, s5;
	[sflag:s8] =	ssyncadd.s32 @!p1 $0xFFFFFF80  }
0x2ad: {  	[tilespmem:s10], [sflag:$0x5] =	stream.linear.gather @!p1 [hbm4b:s5+s9], $0x80, $0x38;
	[tilespmem:$0x16300] =	vst v63  }
0x2ae: {  	s1 =	sshll.u32 @!p1 s1, $0x1;
	_ =	swait.ge @!p1 [sflag:s8], $0x80  }
0x2af: {  	s1 =	sand.u32 @!p1 $0x1FFFFE00, s1;
	[sflag:s8] =	ssyncset.done @!p1 $0x0  }
0x2b0: {  	s1 =	sadd.s32 @!p1 s17, s1;
	s5 =	simm.s32 @!p1 $0x300;
	[sflag:s8] =	ssyncadd.s32 @!p1 $0xFFFFFF80  }
0x2b1: {  	[tilespmem:s5], [sflag:$0x5] =	stream.linear.gather @!p1 [hbm4b:s1+s9], $0x800, $0x38;
	[tilespmem:$0x16300] =	vst v63  }
0x2b2: {  	_ =	swait.ge @!p1 [sflag:s8], $0x800  }
0x2b3: {  	[sflag:s8] =	ssyncset.done @!p1 $0x0  }
0x2b4: {  	s1 =	simm.s32 @!p1 $0x80;
	s5 =	simm.s32 @!p1 $0x1300;
	[sflag:s8] =	ssyncadd.s32 @!p1 $0xFFFFF800  }
0x2b5: {  	[tilespmem:s5], [sflag:$0x1] =	stream.indirect.gather @!p1 [spmem:s2], $0x40, s9, s1, $0xb8;
	[tilespmem:$0x16300] =	vst v63  }
0x2b6: {  	_ =	swait.ge [sflag:s28], $0x2000  }
0x2b7: {  	[sflag:s28] =	ssyncset.done $0x0  }
0x2b8: {  	s9 =	simm.s32 $0x0;
	[sflag:s28] =	ssyncadd.s32 $0xFFFFE000  }
0x2b9: {  	s21 =	simm.s32 $0x30;
	s15 =	sand.u32 $0x780, s9;
	_ =	swait.ge [sflag:s13], $0x800  }
0x2ba: {  	s10 =	sand.u32 $0x70, s21;
	s31 =	sadd.s32 $0xB00, s15;
	[sflag:s13] =	ssyncset.done $0x0  }
0x2bb: {  	s8 =	sor.u32 s10, s31;
	[sflag:s13] =	ssyncadd.s32 $0xFFFFF800  }
0x2bc: {  	s11 =	simm.s32 $0x3380;
	s5 =	sand.u32 $0x40, s9;
	v13 =	vld [tilespmem:s8+$0x0]  }
0x2bd: {  	s5 =	sor.u32 s5, s31;
	v14 =	vld [tilespmem:s11+$0x40]  }
0x2be: {  	v10 =	vld [tilespmem:s5+$0x0]  }
0x2bf: {  	v16 =	vld [tilespmem:s11+$0x50]  }
0x2c0: {  	v18 =	vld [tilespmem:s11+$0xFFFFFF80]  }
0x2c1: {  	s12 =	simm.s32 $0x10  }
0x2c2: {  	s8 =	sand.u32 $0x50, s12;
	v27 =	vld [tilespmem:s11+$0x70];
	v15 =	vperm.xlane v13, v0  }
0x2c3: {  	v21 =	vld [tilespmem:s11+$0x60];
	s8 =	sor.u32 s8, s31;
	v17 =	vunpack.i.l.bf16.f32 v14;
	v19 =	vperm.xlane v13, v1;
	v20 =	vperm.xlane v10, v0  }
0x2c4: {  	v12 =	vld [tilespmem:s8+$0x0];
	v14 =	vunpack.i.u.bf16.f32 v14;
	v23 =	vperm.xlane v10, v1;
	v15 =	vmul.f32 v15, v17  }
0x2c5: {  	s15 =	simm.s32 $0x20;
	v24 =	vunpack.i.l.bf16.f32 v16;
	v26 =	vunpack.i.l.bf16.f32 v18;
	v16 =	vunpack.i.u.bf16.f32 v16  }
0x2c6: {  	s21 =	sand.u32 $0x60, s15;
	v17 =	vld [tilespmem:s11+$0xFFFFFFC0];
	v14 =	vmul.f32 v19, v14;
	v19 =	vperm.xlane v13, v2;
	v15 =	vadd.f32 $0.0e+00, v15  }
0x2c7: {  	s5 =	sor.u32 s21, s31;
	v25 =	vld [tilespmem:s11+$0x0];
	v28 =	vunpack.i.l.bf16.f32 v27;
	v18 =	vunpack.i.u.bf16.f32 v18;
	v27 =	vunpack.i.u.bf16.f32 v27  }
0x2c8: {  	v11 =	vld [tilespmem:s5+$0x0];
	v19 =	vmul.f32 v19, v24;
	v14 =	vadd.f32 v14, v15;
	v15 =	vperm.xlane v13, v3  }
0x2c9: {  	v22 =	vperm.xlane v12, v0;
	v20 =	vmul.f32 v20, v26;
	v26 =	vunpack.i.l.bf16.f32 v21  }
0x2ca: {  	v14 =	vadd.f32 v19, v14;
	v15 =	vmul.f32 v15, v16;
	v16 =	vperm.xlane v13, v4  }
0x2cb: {  	v21 =	vunpack.i.u.bf16.f32 v21;
	v18 =	vmul.f32 v23, v18;
	v19 =	vunpack.i.l.bf16.f32 v17  }
0x2cc: {  	v14 =	vadd.f32 v15, v14;
	v15 =	vperm.xlane v13, v5;
	v16 =	vmul.f32 v16, v26  }
0x2cd: {  	v24 =	vperm.xlane v11, v0;
	v19 =	vmul.f32 v22, v19;
	v26 =	vunpack.i.l.bf16.f32 v25  }
0x2ce: {  	v14 =	vadd.f32 v16, v14;
	v15 =	vmul.f32 v15, v21;
	v16 =	vperm.xlane v13, v6  }
0x2cf: {  	v17 =	vunpack.i.u.bf16.f32 v17;
	v22 =	vmul.f32 v24, v26;
	v21 =	vperm.xlane v12, v1  }
0x2d0: {  	v24 =	vld [tilespmem:s11+$0xFFFFFF90];
	v13 =	vperm.xlane v13, v7;
	v14 =	vadd.f32 v15, v14;
	v16 =	vmul.f32 v16, v28  }
0x2d1: {  	v25 =	vunpack.i.u.bf16.f32 v25;
	v26 =	vperm.xlane v11, v1;
	v19 =	vadd.f32 $0.0e+00, v19;
	v15 =	vld [tilespmem:s11+$0xFFFFFFD0]  }
0x2d2: {  	v28 =	vld [tilespmem:s11+$0x10];
	v13 =	vmul.f32 v13, v27;
	v17 =	vmul.f32 v21, v17;
	v14 =	vadd.f32 v16, v14  }
0x2d3: {  	v21 =	vperm.xlane v10, v2;
	v16 =	vadd.f32 $0.0e+00, v20;
	v20 =	vadd.f32 $0.0e+00, v22  }
0x2d4: {  	v22 =	vmul.f32 v26, v25;
	v25 =	vperm.xlane v12, v2;
	v17 =	vadd.f32 v17, v19  }
0x2d5: {  	v14 =	vadd.f32 v13, v14;
	v13 =	vunpack.i.l.bf16.f32 v24;
	v16 =	vadd.f32 v18, v16  }
0x2d6: {  	v18 =	vperm.xlane v11, v2;
	v20 =	vadd.f32 v22, v20;
	v23 =	vunpack.i.l.bf16.f32 v15  }
0x2d7: {  	v26 =	vld [tilespmem:s11+$0xFFFFFFA0];
	v27 =	vunpack.i.l.bf16.f32 v28;
	v13 =	vmul.f32 v21, v13;
	v15 =	vunpack.i.u.bf16.f32 v15  }
0x2d8: {  	v19 =	vld [tilespmem:s11+$0xFFFFFFE0];
	v21 =	vmul.f32 v25, v23;
	v23 =	vunpack.i.u.bf16.f32 v24;
	v24 =	vperm.xlane v10, v3  }
0x2d9: {  	v22 =	vld [tilespmem:s11+$0x20];
	v18 =	vmul.f32 v18, v27;
	v25 =	vperm.xlane v12, v3;
	v27 =	vunpack.i.u.bf16.f32 v28  }
0x2da: {  	v28 =	vperm.xlane v11, v3;
	v13 =	vadd.f32 v13, v16;
	v16 =	vmul.f32 v24, v23  }
0x2db: {  	v17 =	vadd.f32 v21, v17;
	v15 =	vmul.f32 v25, v15;
	v18 =	vadd.f32 v18, v20  }
0x2dc: {  	v20 =	vmul.f32 v28, v27;
	v21 =	vunpack.i.l.bf16.f32 v26;
	v23 =	vperm.xlane v10, v4  }
0x2dd: {  	v24 =	vperm.xlane v12, v4;
	v25 =	vunpack.i.l.bf16.f32 v19;
	v28 =	vperm.xlane v11, v4  }
0x2de: {  	v19 =	vunpack.i.u.bf16.f32 v19;
	v27 =	vunpack.i.l.bf16.f32 v22;
	v22 =	vunpack.i.u.bf16.f32 v22  }
0x2df: {  	v13 =	vadd.f32 v16, v13;
	v16 =	vmul.f32 v23, v21;
	v21 =	vmul.f32 v24, v25  }
0x2e0: {  	v18 =	vadd.f32 v20, v18;
	v20 =	vmul.f32 v28, v27;
	v25 =	vperm.xlane v10, v5  }
0x2e1: {  	v29 =	vld [tilespmem:s11+$0xFFFFFFB0];
	v24 =	vunpack.i.u.bf16.f32 v26;
	v26 =	vperm.xlane v12, v5;
	v27 =	vperm.xlane v11, v5  }
0x2e2: {  	v15 =	vadd.f32 v15, v17;
	v13 =	vadd.f32 v16, v13;
	v16 =	vmul.f32 v25, v24  }
0x2e3: {  	s31 =	simm.s32 $0x40;
	v17 =	vld [tilespmem:s11+$0xFFFFFFF0];
	v19 =	vmul.f32 v26, v19;
	v18 =	vadd.f32 v20, v18;
	v20 =	vmul.f32 v27, v22  }
0x2e4: {  	s10 =	simm.s32 $0x70;
	s9 =	sand.u32 $0x780, s31;
	v23 =	vld [tilespmem:s11+$0x30];
	v22 =	vperm.xlane v10, v6;
	v24 =	vperm.xlane v12, v6  }
0x2e5: {  	s12 =	sand.u32 $0x70, s10;
	s11 =	sadd.s32 $0xB00, s9;
	v15 =	vadd.f32 v21, v15;
	v27 =	vperm.xlane v11, v6;
	v10 =	vperm.xlane v10, v7  }
0x2e6: {  	s1 =	sor.u32 s12, s11;
	v21 =	vunpack.i.l.bf16.f32 v29;
	v12 =	vperm.xlane v12, v7;
	v11 =	vperm.xlane v11, v7  }
0x2e7: {  	v13 =	vadd.f32 v16, v13;
	v16 =	vmul.f32 v22, v21;
	v21 =	vunpack.i.u.bf16.f32 v29;
	v22 =	vld [tilespmem:s1+$0x0];
	s1 =	simm.s32 $0x3480  }
0x2e8: {  	v15 =	vadd.f32 v19, v15;
	v25 =	vunpack.i.l.bf16.f32 v17;
	v10 =	vmul.f32 v10, v21;
	v21 =	vld [tilespmem:s1+$0xFFFFFF80]  }
0x2e9: {  	s15 =	simm.s32 $0x50;
	s5 =	sand.u32 $0x40, s31;
	v18 =	vadd.f32 v20, v18;
	v26 =	vunpack.i.l.bf16.f32 v23;
	v29 =	vld [tilespmem:s1+$0x60];
	v19 =	vmul.f32 v24, v25  }
0x2ea: {  	s8 =	sand.u32 $0x50, s15;
	s5 =	sor.u32 s5, s11;
	v17 =	vunpack.i.u.bf16.f32 v17;
	v23 =	vunpack.i.u.bf16.f32 v23;
	v20 =	vmul.f32 v27, v26;
	v24 =	vld [tilespmem:s1+$0x40]  }
0x2eb: {  	s8 =	sor.u32 s8, s11;
	v25 =	vadd.f32 v16, v13;
	v12 =	vmul.f32 v12, v17;
	v16 =	vld [tilespmem:s5+$0x0];
	v19 =	vadd.f32 v19, v15  }
0x2ec: {  	v13 =	vld [tilespmem:s8+$0x0];
	v11 =	vmul.f32 v11, v23;
	v17 =	vadd.f32 v20, v18;
	v18 =	vperm.xlane v14, v8  }
0x2ed: {  	s21 =	simm.s32 $0x60;
	v20 =	vadd.f32 v10, v25;
	v27 =	vperm.xlane v22, v1;
	v10 =	vadd.f32 v12, v19  }
0x2ee: {  	s10 =	sand.u32 $0x60, s21;
	v53 =	vld [tilespmem:s1+$0x10];
	v11 =	vadd.f32 v11, v17;
	v23 =	vadd.f32 v14, v18;
	v17 =	vperm.xlane v22, v0  }
0x2ef: {  	s31 =	sor.u32 s10, s11;
	v26 =	vld [tilespmem:s1+$0xFFFFFFC0];
	v19 =	vperm.xlane v20, v8;
	v48 =	vunpack.i.l.bf16.f32 v21;
	v34 =	vunpack.i.l.bf16.f32 v29  }
0x2f0: {  	v15 =	vld [tilespmem:s31+$0x0];
	v29 =	vunpack.i.u.bf16.f32 v29;
	v21 =	vunpack.i.u.bf16.f32 v21;
	v30 =	vperm.xlane v16, v1  }
0x2f1: {  	v25 =	vunpack.i.l.bf16.f32 v24;
	v61 =	vperm.xlane v13, v5;
	v14 =	vperm.xlane v10, v8  }
0x2f2: {  	v18 =	vld [tilespmem:s1+$0x50];
	v24 =	vunpack.i.u.bf16.f32 v24;
	v12 =	vperm.xlane v11, v8;
	v17 =	vmul.f32 v17, v25  }
0x2f3: {  	v28 =	vadd.f32 v20, v19;
	v19 =	vperm.xlane v16, v0;
	v20 =	vperm.xlane v13, v0  }
0x2f4: {  	v55 =	vunpack.i.u.bf16.f32 v53;
	v24 =	vmul.f32 v27, v24;
	v27 =	vperm.xlane v22, v2  }
0x2f5: {  	v33 =	vunpack.i.l.bf16.f32 v26;
	v31 =	vperm.xlane v15, v0;
	v50 =	vperm.xlane v15, v1  }
0x2f6: {  	v21 =	vmul.f32 v30, v21;
	v30 =	vperm.xlane v13, v2;
	v17 =	vadd.f32 $0.0e+00, v17  }
0x2f7: {  	v54 =	vperm.xlane v15, v2;
	v56 =	vperm.xlane v15, v3;
	v32 =	vunpack.i.l.bf16.f32 v18  }
0x2f8: {  	v25 =	vld [tilespmem:s1+$0x0];
	v17 =	vadd.f32 v24, v17;
	v24 =	vperm.xlane v22, v3;
	v27 =	vmul.f32 v27, v32  }
0x2f9: {  	v59 =	vperm.xlane v15, v4;
	v63 =	vperm.xlane v15, v5;
	v18 =	vunpack.i.u.bf16.f32 v18  }
0x2fa: {  	v17 =	vadd.f32 v27, v17;
	v18 =	vmul.f32 v24, v18;
	v24 =	vperm.xlane v22, v4;
	v27 =	vld [tilespmem:s1+$0x70]  }
0x2fb: {  	v26 =	vunpack.i.u.bf16.f32 v26;
	v19 =	vmul.f32 v19, v48;
	v20 =	vmul.f32 v20, v33  }
0x2fc: {  	v17 =	vadd.f32 v18, v17;
	v18 =	vperm.xlane v22, v5;
	v24 =	vmul.f32 v24, v34  }
0x2fd: {  	v19 =	vadd.f32 $0.0e+00, v19;
	v20 =	vadd.f32 $0.0e+00, v20;
	v49 =	vunpack.i.l.bf16.f32 v25  }
0x2fe: {  	v17 =	vadd.f32 v24, v17;
	v18 =	vmul.f32 v18, v29;
	v24 =	vperm.xlane v22, v6  }
0x2ff: {  	v25 =	vunpack.i.u.bf16.f32 v25;
	v29 =	vperm.xlane v13, v1;
	v51 =	vunpack.i.l.bf16.f32 v27  }
0x300: {  	v52 =	vld [tilespmem:s1+$0xFFFFFF90];
	v17 =	vadd.f32 v18, v17;
	v18 =	vperm.xlane v22, v7;
	v22 =	vmul.f32 v24, v51  }
0x301: {  	v31 =	vmul.f32 v31, v49;
	v25 =	vmul.f32 v50, v25;
	v27 =	vunpack.i.u.bf16.f32 v27;
	v24 =	vld [tilespmem:s1+$0xFFFFFFD0]  }
0x302: {  	v17 =	vadd.f32 v22, v17;
	v18 =	vmul.f32 v18, v27;
	v22 =	vmul.f32 v29, v26  }
0x303: {  	v19 =	vadd.f32 v21, v19;
	v21 =	vunpack.i.l.bf16.f32 v53;
	v26 =	vadd.f32 $0.0e+00, v31  }
0x304: {  	v27 =	vperm.xlane v16, v2;
	v17 =	vadd.f32 v18, v17;
	v20 =	vadd.f32 v22, v20;
	v22 =	vld [tilespmem:s1+$0xFFFFFFE0]  }
0x305: {  	v21 =	vmul.f32 v54, v21;
	v18 =	vunpack.i.l.bf16.f32 v52;
	v25 =	vadd.f32 v25, v26;
	v26 =	vld [tilespmem:s1+$0x20]  }
0x306: {  	v29 =	vunpack.i.l.bf16.f32 v24;
	v18 =	vmul.f32 v27, v18;
	v31 =	vperm.xlane v17, v8  }
0x307: {  	v35 =	vld [tilespmem:s1+$0xFFFFFFA0];
	v24 =	vunpack.i.u.bf16.f32 v24;
	v21 =	vadd.f32 v21, v25;
	v25 =	vmul.f32 v56, v55  }
0x308: {  	v18 =	vadd.f32 v18, v19;
	v27 =	vadd.f32 v17, v31;
	v17 =	vmul.f32 v30, v29  }
0x309: {  	v29 =	vunpack.i.u.bf16.f32 v52;
	v30 =	vperm.xlane v16, v3;
	v31 =	vperm.xlane v13, v3  }
0x30a: {  	v57 =	vunpack.i.l.bf16.f32 v22;
	v58 =	vunpack.i.l.bf16.f32 v26;
	v62 =	vunpack.i.u.bf16.f32 v22  }
0x30b: {  	v26 =	vunpack.i.u.bf16.f32 v26;
	v19 =	vmul.f32 v30, v29;
	v20 =	vadd.f32 v17, v20  }
0x30c: {  	v24 =	vmul.f32 v31, v24;
	v29 =	vunpack.i.l.bf16.f32 v35;
	v30 =	vperm.xlane v16, v4;
	v17 =	vld [tilespmem:s1+$0xFFFFFFB0]  }
0x30d: {  	s5 =	simm.s32 $0x6B20;
	v31 =	vperm.xlane v13, v4;
	v60 =	vmul.f32 v59, v58;
	v36 =	vadd.f32 v19, v18;
	v18 =	vld [tilespmem:s1+$0xFFFFFFF0]  }
0x30e: {  	[tilespmem:s5+$0x10] =	vst v23;
	v23 =	vmul.f32 v63, v26;
	v29 =	vmul.f32 v30, v29;
	v20 =	vadd.f32 v24, v20;
	v19 =	vld [tilespmem:s1+$0x30]  }
0x30f: {  	v30 =	vmul.f32 v31, v57;
	v31 =	vadd.f32 v25, v21;
	v25 =	vperm.xlane v16, v5  }
0x310: {  	v26 =	vperm.xlane v13, v6;
	v24 =	vunpack.i.u.bf16.f32 v35;
	v21 =	vadd.f32 v29, v36  }
0x311: {  	v24 =	vmul.f32 v25, v24;
	v22 =	vadd.f32 v30, v20;
	v25 =	vmul.f32 v61, v62  }
0x312: {  	s10 =	simm.s32 $0x6B60;
	[tilespmem:s5+$0xFFFFFFE0] =	vst v28;
	v20 =	vadd.f32 v60, v31;
	v31 =	vperm.xlane v16, v6;
	v30 =	vperm.xlane v15, v6  }
0x313: {  	s9 =	simm.s32 $0x80;
	s8 =	simm.s32 $0x4;
	[tilespmem:s10+$0x10] =	vst v27;
	v28 =	vunpack.i.l.bf16.f32 v17;
	v29 =	vunpack.i.l.bf16.f32 v18;
	v27 =	vunpack.i.l.bf16.f32 v19  }
.LBB2_11:
0x314: {  	s11 =	sand.u32 $0x780, s9;
	s12 =	sadd.s32 $0x30, s9;
	s8 =	sadd.s32 $0x4, s8;
	v21 =	vadd.f32 v24, v21;
	v24 =	vmul.f32 v31, v28;
	v22 =	vadd.f32 v25, v22  }
0x315: {  	v25 =	vmul.f32 v26, v29;
	v20 =	vadd.f32 v23, v20;
	s11 =	sadd.s32 $0xB00, s11;
	s12 =	sand.u32 $0x70, s12;
	p1 =	slt.u32 s8, $0x7C;
	v23 =	vmul.f32 v30, v27  }
0x316: {  	s15 =	sadd.s32 $0x10, s9;
	s21 =	sadd.s32 $0x20, s9;
	v17 =	vunpack.i.u.bf16.f32 v17;
	v16 =	vperm.xlane v16, v7;
	v26 =	vperm.xlane v13, v7;
	s12 =	sor.u32 s12, s11  }
0x317: {  	v18 =	vunpack.i.u.bf16.f32 v18;
	v19 =	vunpack.i.u.bf16.f32 v19;
	v15 =	vperm.xlane v15, v7;
	s1 =	sadd.s32 $0x100, s1;
	s15 =	sand.u32 $0x50, s15;
	s21 =	sand.u32 $0x60, s21;
	v27 =	vld [tilespmem:s12+$0x0]  }
0x318: {  	s15 =	sor.u32 s15, s11;
	s21 =	sor.u32 s21, s11;
	v21 =	vadd.f32 v24, v21;
	v17 =	vmul.f32 v16, v17;
	v22 =	vadd.f32 v25, v22;
	s12 =	sand.u32 $0x40, s9;
	v28 =	vld [tilespmem:s1+$0x40]  }
0x319: {  	v18 =	vmul.f32 v26, v18;
	v19 =	vmul.f32 v15, v19;
	v20 =	vadd.f32 v23, v20;
	s11 =	sor.u32 s12, s11;
	v13 =	vld [tilespmem:s15+$0x0]  }
0x31a: {  	v14 =	vadd.f32 v10, v14;
	v17 =	vadd.f32 v17, v21;
	v16 =	vld [tilespmem:s11+$0x0]  }
0x31b: {  	v10 =	vadd.f32 v18, v22;
	v18 =	vadd.f32 v19, v20;
	v15 =	vld [tilespmem:s21+$0x0]  }
0x31c: {  	v22 =	vadd.f32 v11, v12;
	v21 =	vperm.xlane v17, v8;
	v19 =	vperm.xlane v27, v0;
	v20 =	vld [tilespmem:s1+$0x50];
	[tilespmem:s5+$0xFFFFFFF0] =	vst v14  }
0x31d: {  	v12 =	vperm.xlane v18, v8;
	v11 =	vmovc v18;
	v14 =	vperm.xlane v10, v8;
	v23 =	vld [tilespmem:s1+$0xFFFFFF80];
	v24 =	vunpack.i.l.bf16.f32 v28  }
0x31e: {  	v18 =	vperm.xlane v27, v1;
	v17 =	vadd.f32 v17, v21;
	v25 =	vld [tilespmem:s1+$0xFFFFFFC0];
	v19 =	vmul.f32 v19, v24;
	[tilespmem:s5+$0x0] =	vst v22;
	s5 =	smov.u32 s10  }
0x31f: {  	v26 =	vunpack.i.u.bf16.f32 v28;
	v22 =	vperm.xlane v13, v0;
	v21 =	vperm.xlane v16, v0;
	v24 =	vld [tilespmem:s1+$0x0]  }
0x320: {  	v18 =	vmul.f32 v18, v26;
	v26 =	vperm.xlane v27, v2;
	v19 =	vadd.f32 $0.0e+00, v19;
	v28 =	vld [tilespmem:s1+$0x60];
	[tilespmem:s10+$0xFFFFFFE0] =	vst v17  }
0x321: {  	v29 =	vperm.xlane v16, v1;
	v17 =	vperm.xlane v15, v0;
	v30 =	vld [tilespmem:s1+$0xFFFFFF90];
	v31 =	vunpack.i.l.bf16.f32 v20  }
0x322: {  	v32 =	vld [tilespmem:s1+$0xFFFFFFD0];
	v18 =	vadd.f32 v18, v19;
	v19 =	vperm.xlane v27, v3;
	v26 =	vmul.f32 v26, v31  }
0x323: {  	v20 =	vunpack.i.u.bf16.f32 v20;
	v31 =	vunpack.i.l.bf16.f32 v23;
	v33 =	vunpack.i.l.bf16.f32 v25;
	v34 =	vld [tilespmem:s1+$0x10]  }
0x324: {  	v18 =	vadd.f32 v26, v18;
	v19 =	vmul.f32 v19, v20;
	v20 =	vperm.xlane v27, v4;
	v26 =	vld [tilespmem:s1+$0x70]  }
0x325: {  	v21 =	vmul.f32 v21, v31;
	v35 =	vunpack.i.l.bf16.f32 v24;
	v31 =	vld [tilespmem:s1+$0xFFFFFFA0];
	v36 =	vunpack.i.l.bf16.f32 v28  }
0x326: {  	v37 =	vld [tilespmem:s1+$0xFFFFFFE0];
	v18 =	vadd.f32 v19, v18;
	v19 =	vperm.xlane v27, v5;
	v20 =	vmul.f32 v20, v36  }
0x327: {  	v22 =	vmul.f32 v22, v33;
	v33 =	vmul.f32 v17, v35;
	v28 =	vunpack.i.u.bf16.f32 v28;
	v35 =	vld [tilespmem:s1+$0x20]  }
0x328: {  	v36 =	vperm.xlane v27, v6;
	v17 =	vld [tilespmem:s1+$0xFFFFFFB0];
	v20 =	vadd.f32 v20, v18;
	v28 =	vmul.f32 v19, v28  }
0x329: {  	v38 =	vperm.xlane v13, v1;
	v39 =	vperm.xlane v15, v1;
	v18 =	vld [tilespmem:s1+$0xFFFFFFF0];
	v40 =	vunpack.i.l.bf16.f32 v26  }
0x32a: {  	v27 =	vperm.xlane v27, v7;
	v19 =	vld [tilespmem:s1+$0x30];
	v20 =	vadd.f32 v28, v20;
	v28 =	vmul.f32 v36, v40  }
0x32b: {  	v23 =	vunpack.i.u.bf16.f32 v23;
	v25 =	vunpack.i.u.bf16.f32 v25;
	v26 =	vunpack.i.u.bf16.f32 v26  }
0x32c: {  	v24 =	vunpack.i.u.bf16.f32 v24;
	v26 =	vmul.f32 v27, v26;
	v20 =	vadd.f32 v28, v20  }
0x32d: {  	v23 =	vmul.f32 v29, v23;
	v21 =	vadd.f32 $0.0e+00, v21;
	v22 =	vadd.f32 $0.0e+00, v22  }
0x32e: {  	v25 =	vmul.f32 v38, v25;
	v27 =	vadd.f32 $0.0e+00, v33;
	v20 =	vadd.f32 v26, v20  }
0x32f: {  	v24 =	vmul.f32 v39, v24;
	v28 =	vperm.xlane v16, v2;
	v26 =	vunpack.i.l.bf16.f32 v30  }
0x330: {  	v29 =	vunpack.i.l.bf16.f32 v32;
	v33 =	vperm.xlane v13, v2;
	v36 =	vperm.xlane v20, v8  }
0x331: {  	v38 =	vperm.xlane v15, v2;
	v21 =	vadd.f32 v23, v21;
	v23 =	vunpack.i.l.bf16.f32 v34  }
0x332: {  	v22 =	vadd.f32 v25, v22;
	v26 =	vmul.f32 v28, v26;
	v20 =	vadd.f32 v20, v36  }
0x333: {  	s10 =	sadd.s32 $0x40, s10;
	v23 =	vmul.f32 v38, v23;
	v25 =	vmul.f32 v33, v29;
	v24 =	vadd.f32 v24, v27  }
0x334: {  	v27 =	vunpack.i.u.bf16.f32 v30;
	v29 =	vperm.xlane v13, v3;
	v28 =	vperm.xlane v16, v3;
	[tilespmem:s10+$0x10] =	vst v20  }
0x335: {  	v30 =	vunpack.i.u.bf16.f32 v34;
	v20 =	vunpack.i.u.bf16.f32 v32;
	v32 =	vperm.xlane v15, v3  }
0x336: {  	v22 =	vadd.f32 v25, v22;
	v21 =	vadd.f32 v26, v21;
	v26 =	vmul.f32 v28, v27  }
0x337: {  	v23 =	vadd.f32 v23, v24;
	v20 =	vmul.f32 v29, v20;
	v24 =	vmul.f32 v32, v30  }
0x338: {  	v25 =	vunpack.i.l.bf16.f32 v31;
	v27 =	vperm.xlane v16, v4;
	v28 =	vperm.xlane v13, v4  }
0x339: {  	v29 =	vunpack.i.l.bf16.f32 v37;
	v30 =	vunpack.i.l.bf16.f32 v35;
	v32 =	vperm.xlane v15, v4  }
0x33a: {  	v21 =	vadd.f32 v26, v21;
	v25 =	vmul.f32 v27, v25;
	v20 =	vadd.f32 v20, v22  }
0x33b: {  	v22 =	vmul.f32 v28, v29;
	v23 =	vadd.f32 v24, v23;
	v26 =	vmul.f32 v32, v30  }
0x33c: {  	v27 =	vperm.xlane v16, v5;
	v28 =	vperm.xlane v13, v5;
	v24 =	vunpack.i.u.bf16.f32 v31  }
.Ltmp6:
0x33d: {  	v29 =	vunpack.i.u.bf16.f32 v37;
	v30 =	vunpack.i.u.bf16.f32 v35;
	v31 =	vperm.xlane v15, v5;
	(pc) =	sbr.rel @p1 .LBB2_11-.Ltmp6, $4  }
0x33e: {  	v21 =	vadd.f32 v25, v21;
	v24 =	vmul.f32 v27, v24;
	v22 =	vadd.f32 v22, v20  }
0x33f: {  	v25 =	vmul.f32 v28, v29;
	v20 =	vadd.f32 v26, v23;
	v23 =	vmul.f32 v31, v30  }
0x340: {  	v28 =	vunpack.i.l.bf16.f32 v17;
	v31 =	vperm.xlane v16, v6;
	v26 =	vperm.xlane v13, v6  }
0x341: {  	s9 =	sadd.s32 $0x40, s9;
	v29 =	vunpack.i.l.bf16.f32 v18;
	v27 =	vunpack.i.l.bf16.f32 v19;
	v30 =	vperm.xlane v15, v6  }
0x342: {  	v21 =	vadd.f32 v24, v21  }
0x343: {  	v51 =	vmul.f32 v31, v28;
	v22 =	vadd.f32 v25, v22;
	v52 =	vmul.f32 v26, v29  }
0x344: {  	v20 =	vadd.f32 v23, v20;
	v16 =	vperm.xlane v16, v7;
	v17 =	vunpack.i.u.bf16.f32 v17  }
0x345: {  	v13 =	vperm.xlane v13, v7;
	v18 =	vunpack.i.u.bf16.f32 v18;
	v15 =	vperm.xlane v15, v7  }
0x346: {  	v53 =	vmul.f32 v30, v27;
	v21 =	vadd.f32 v51, v21;
	v16 =	vmul.f32 v16, v17  }
0x347: {  	v54 =	vunpack.i.u.bf16.f32 v19;
	v55 =	vadd.f32 v52, v22;
	v13 =	vmul.f32 v13, v18  }
0x348: {  	v15 =	vmul.f32 v15, v54;
	v56 =	vadd.f32 v53, v20;
	v16 =	vadd.f32 v16, v21  }
0x349: {  	v13 =	vadd.f32 v13, v55  }
0x34a: {  	v10 =	vadd.f32 v10, v14;
	v57 =	vadd.f32 v15, v56;
	v58 =	vperm.xlane v16, v8  }
0x34b: {  	v11 =	vadd.f32 v11, v12;
	v59 =	vperm.xlane v13, v8  }
0x34c: {  	[tilespmem:s5+$0xFFFFFFF0] =	vst v10;
	v10 =	vperm.xlane v57, v8;
	v15 =	vadd.f32 v16, v58  }
0x34d: {  	[tilespmem:s5+$0x0] =	vst v11;
	v11 =	vadd.f32 v13, v59  }
0x34e: {  	v10 =	vadd.f32 v57, v10;
	[tilespmem:s10+$0xFFFFFFE0] =	vst v15  }
0x34f: {  	[tilespmem:s10+$0xFFFFFFF0] =	vst v11  }
0x350: {  	[tilespmem:s10+$0x0] =	vst v10  }
0x351: {  	v10 =	vld [tilespmem:$0x180]  }
0x352: {  	v11 =	vld [tilespmem:$0x190]  }
0x353: {  	v60 =	vld [tilespmem:$0x1A0]  }
0x354: {  	v61 =	vld [tilespmem:$0x1B0]  }
0x355: {  	v62 =	vld [tilespmem:$0x1C0]  }
0x356: {  	v63 =	vld [tilespmem:$0x1F0];
	[tilespmem:$0x280] =	vst v10  }
0x357: {  	v10 =	vld [tilespmem:$0x1D0];
	[tilespmem:$0x290] =	vst v11  }
0x358: {  	s3 =	sadd.s32 $0x1, s3;
	v11 =	vld [tilespmem:$0x1E0];
	[tilespmem:$0x2A0] =	vst v60  }
0x359: {  	p1 =	sne.s32 s3, $0x6;
	[tilespmem:$0x2B0] =	vst v61  }
.Ltmp7:
0x35a: {  	[tilespmem:$0x2C0] =	vst v62;
	(pc) =	sbr.rel @p1 .LBB2_8-.Ltmp7, $4  }
0x35b: {  	[tilespmem:$0x2F0] =	vst v63  }
0x35c: {  	[tilespmem:$0x2D0] =	vst v10  }
0x35d: {  	s1 =	simm.s32 $0x280;
	s31 =	simm.s32 $0x6B00;
	[tilespmem:$0x2E0] =	vst v11  }
0x35e: {  	[spmem:s4] =	stream.indirect.scatter.add.f32 [tilespmem:s31], [sflag:$0x4], $0x10, s1, s0, $0xb8;
	[tilespmem:$0x16300] =	vst v63  }
0x35f: {  	s1 =	simm.s32 $0x4  }
0x360: {  	_ =	swait.ge [sflag:s1], $0x800  }
0x361: {  	[sflag:s1] =	ssyncset.done $0x0  }
0x362: {  	[sflag:s1] =	ssyncadd.s32 $0xFFFFF800  }
0x363: {  	[bflag:$0x0] =	sbarrier.arrive $0xFFFF  }
0x364: {  	s8 =	sld [smem:$0x7FA]  }
0x365: {  	s21 =	rddreg [dreg:$0x9]  }
0x366: {  	s5 =	simm.s32 $0x7;
	s3 =	rddreg [dreg:$0xf]  }
0x367: {  	[hbm:s21@s5], [sflag:s3] =	dma.strided [spmem:s8@s28], $0x280, s26, $0x1   }
0x368: {  	_ =	swait.ge [sflag:s24], $0x280  }
0x369: {  	s9 =	sld [smem:$0x7F9]  }
0x36a: {  	[sflag:s24] =	ssyncset.done $0x0  }
0x36b: {  	s31 =	rddreg [dreg:$0x19];
	[sflag:s24] =	ssyncadd.s32 $0xFFFFFD80  }
0x36c: {  	[spmem:s9], [sflag:s3] =	dma.local [hbm:s31], $0x1400  }
0x36d: {  	_ =	swait.ge [sflag:s24], $0x1400  }
0x36e: {  	[sflag:s24] =	ssyncset.done $0x0  }
0x36f: {  	s9 =	rddreg [dreg:$0xa];
	[sflag:s24] =	ssyncadd.s32 $0xFFFFEC00  }
0x370: {  	[spmem:s8@s28], [sflag:s3] =	dma.strided [hbm:s9@s5], $0x280, s26, $0x1   }
0x371: {  	_ =	swait.ge [sflag:s24], $0x280  }
0x372: {  	[sflag:s24] =	ssyncset.done $0x0  }
0x373: {  	[sflag:s24] =	ssyncadd.s32 $0xFFFFFD80  }
0x374: {  	[bflag:$0x0] =	sbarrier.arrive $0xFFFF  }
0x375: {  	s29 =	simm.s32 $0x0;
	s10 =	rddreg [dreg:$0x1a]  }
0x376: {  	[tilespmem:s29], [sflag:$0x5] =	stream.linear.gather [hbm4b:s10+s29], $0x80, $0x38;
	[tilespmem:$0x16300] =	vst v63  }
0x377: {  	_ =	swait.ge [sflag:s24], $0x80  }
0x378: {  	[sflag:s24] =	ssyncset.done $0x0  }
0x379: {  	s12 =	simm.s32 $0x100;
	s11 =	rddreg [dreg:$0x1b];
	[sflag:s24] =	ssyncadd.s32 $0xFFFFFF80  }
0x37a: {  	[tilespmem:s12], [sflag:$0x5] =	stream.linear.gather [hbm4b:s11+s29], $0x80, $0x38;
	[tilespmem:$0x16300] =	vst v63  }
0x37b: {  	_ =	swait.ge [sflag:s24], $0x80  }
0x37c: {  	[sflag:s24] =	ssyncset.done $0x0  }
0x37d: {  	s21 =	simm.s32 $0x300;
	s15 =	rddreg [dreg:$0x1c];
	[sflag:s24] =	ssyncadd.s32 $0xFFFFFF80  }
0x37e: {  	[tilespmem:s21], [sflag:$0x5] =	stream.linear.gather [hbm4b:s15+s29], $0x800, $0x38;
	[tilespmem:$0x16300] =	vst v63  }
0x37f: {  	_ =	swait.ge [sflag:s24], $0x800  }
0x380: {  	[sflag:s24] =	ssyncset.done $0x0  }
0x381: {  	s31 =	simm.s32 $0x1300;
	s3 =	simm.s32 $0x0;
	[sflag:s24] =	ssyncadd.s32 $0xFFFFF800  }
0x382: {  	[tilespmem:s31], [sflag:$0x1] =	stream.indirect.gather [spmem:s2], $0x40, s29, s0, $0xb8;
	[tilespmem:$0x16300] =	vst v63  }
.LBB2_14:
0x383: {  	s21 =	sshll.u32 s3, $0x8  }
0x384: {  	s1 =	sadd.s32 s21, s18  }
0x385: {  	s1 =	sadd.s32 $0x80, s1  }
0x386: {  	s5 =	sadd.s32 s30, s1  }
0x387: {  	s5 =	sshrl.u32 s5, $0x3  }
0x388: {  	s8 =	sadd.s32 s7, s5  }
0x389: {  	[tilespmem:s0], [sflag:$0x5] =	stream.linear.gather [hbm4b:s8+s6], $0x80, $0x38;
	[tilespmem:$0x16300] =	vst v63  }
0x38a: {  	_ =	swait.ge [sflag:s24], $0x80  }
0x38b: {  	s31 =	simm.s32 $0x180;
	[sflag:s24] =	ssyncset.done $0x0  }
0x38c: {  	s1 =	sadd.s32 s14, s1;
	s5 =	sadd.s32 s16, s5;
	[sflag:s24] =	ssyncadd.s32 $0xFFFFFF80  }
0x38d: {  	[tilespmem:s31], [sflag:$0x5] =	stream.linear.gather [hbm4b:s5+s6], $0x80, $0x38;
	[tilespmem:$0x16300] =	vst v63  }
0x38e: {  	s1 =	sshll.u32 s1, $0x1;
	_ =	swait.ge [sflag:s24], $0x80  }
0x38f: {  	s1 =	sand.u32 $0x1FFFFF00, s1;
	[sflag:s24] =	ssyncset.done $0x0  }
0x390: {  	s1 =	sadd.s32 s17, s1;
	s8 =	simm.s32 $0xB00;
	[sflag:s24] =	ssyncadd.s32 $0xFFFFFF80  }
0x391: {  	[tilespmem:s8], [sflag:$0x5] =	stream.linear.gather [hbm4b:s1+s6], $0x800, $0x38;
	[tilespmem:$0x16300] =	vst v63  }
0x392: {  	_ =	swait.ge [sflag:s24], $0x800  }
0x393: {  	[sflag:s24] =	ssyncset.done $0x0  }
0x394: {  	s9 =	simm.s32 $0x3300;
	[sflag:s24] =	ssyncadd.s32 $0xFFFFF800  }
0x395: {  	[tilespmem:s9], [sflag:$0x2] =	stream.indirect.gather [spmem:s2], $0x40, s0, s0, $0xb8;
	[tilespmem:$0x16300] =	vst v63  }
0x396: {  	_ =	swait.ge [sflag:s26], $0x2000  }
0x397: {  	p1 =	seq.s32 s3, $0x0;
	[sflag:s26] =	ssyncset.done $0x0  }
0x398: {  	s1 =	simm.s32 @!p1 $0x4;
	[sflag:s26] =	ssyncadd.s32 $0xFFFFE000  }
0x399: {  	s10 =	sand.u32 $0x780, s29;
	s11 =	simm.s32 $0x30;
	_ =	swait.ge @!p1 [sflag:s1], $0x800  }
0x39a: {  	s5 =	sadd.s32 $0x300, s10;
	s8 =	sand.u32 $0x70, s11;
	[sflag:s1] =	ssyncset.done @!p1 $0x0  }
0x39b: {  	s8 =	sor.u32 s8, s5;
	[sflag:s1] =	ssyncadd.s32 @!p1 $0xFFFFF800  }
0x39c: {  	s12 =	simm.s32 $0x1380;
	s9 =	sand.u32 $0x40, s29;
	v13 =	vld [tilespmem:s8+$0x0]  }
0x39d: {  	s9 =	sor.u32 s9, s5;
	v14 =	vld [tilespmem:s12+$0x40]  }
0x39e: {  	v10 =	vld [tilespmem:s9+$0x0]  }
0x39f: {  	v16 =	vld [tilespmem:s12+$0x50]  }
0x3a0: {  	v18 =	vld [tilespmem:s12+$0xFFFFFF80]  }
0x3a1: {  	s15 =	simm.s32 $0x10  }
0x3a2: {  	s8 =	sand.u32 $0x50, s15;
	v27 =	vld [tilespmem:s12+$0x70];
	v15 =	vperm.xlane v13, v0  }
0x3a3: {  	v21 =	vld [tilespmem:s12+$0x60];
	s8 =	sor.u32 s8, s5;
	v17 =	vunpack.i.l.bf16.f32 v14;
	v19 =	vperm.xlane v13, v1;
	v20 =	vperm.xlane v10, v0  }
0x3a4: {  	v12 =	vld [tilespmem:s8+$0x0];
	v14 =	vunpack.i.u.bf16.f32 v14;
	v23 =	vperm.xlane v10, v1;
	v15 =	vmul.f32 v15, v17  }
0x3a5: {  	s10 =	simm.s32 $0x20;
	v24 =	vunpack.i.l.bf16.f32 v16;
	v26 =	vunpack.i.l.bf16.f32 v18;
	v16 =	vunpack.i.u.bf16.f32 v16  }
0x3a6: {  	s31 =	sand.u32 $0x60, s10;
	v17 =	vld [tilespmem:s12+$0xFFFFFFC0];
	v14 =	vmul.f32 v19, v14;
	v19 =	vperm.xlane v13, v2;
	v15 =	vadd.f32 $0.0e+00, v15  }
0x3a7: {  	v25 =	vld [tilespmem:s12+$0x0];
	s5 =	sor.u32 s31, s5;
	v28 =	vunpack.i.l.bf16.f32 v27;
	v18 =	vunpack.i.u.bf16.f32 v18;
	v27 =	vunpack.i.u.bf16.f32 v27  }
0x3a8: {  	v11 =	vld [tilespmem:s5+$0x0];
	v19 =	vmul.f32 v19, v24;
	v14 =	vadd.f32 v14, v15;
	v15 =	vperm.xlane v13, v3  }
0x3a9: {  	v22 =	vperm.xlane v12, v0;
	v20 =	vmul.f32 v20, v26;
	v26 =	vunpack.i.l.bf16.f32 v21  }
0x3aa: {  	v14 =	vadd.f32 v19, v14;
	v15 =	vmul.f32 v15, v16;
	v16 =	vperm.xlane v13, v4  }
0x3ab: {  	v21 =	vunpack.i.u.bf16.f32 v21;
	v18 =	vmul.f32 v23, v18;
	v19 =	vunpack.i.l.bf16.f32 v17  }
0x3ac: {  	v14 =	vadd.f32 v15, v14;
	v15 =	vperm.xlane v13, v5;
	v16 =	vmul.f32 v16, v26  }
0x3ad: {  	v24 =	vperm.xlane v11, v0;
	v19 =	vmul.f32 v22, v19;
	v26 =	vunpack.i.l.bf16.f32 v25  }
0x3ae: {  	v14 =	vadd.f32 v16, v14;
	v15 =	vmul.f32 v15, v21;
	v16 =	vperm.xlane v13, v6  }
0x3af: {  	v17 =	vunpack.i.u.bf16.f32 v17;
	v22 =	vmul.f32 v24, v26;
	v21 =	vperm.xlane v12, v1  }
0x3b0: {  	v24 =	vld [tilespmem:s12+$0xFFFFFF90];
	v13 =	vperm.xlane v13, v7;
	v14 =	vadd.f32 v15, v14;
	v16 =	vmul.f32 v16, v28  }
0x3b1: {  	v25 =	vunpack.i.u.bf16.f32 v25;
	v26 =	vperm.xlane v11, v1;
	v19 =	vadd.f32 $0.0e+00, v19;
	v15 =	vld [tilespmem:s12+$0xFFFFFFD0]  }
0x3b2: {  	v28 =	vld [tilespmem:s12+$0x10];
	v13 =	vmul.f32 v13, v27;
	v17 =	vmul.f32 v21, v17;
	v14 =	vadd.f32 v16, v14  }
0x3b3: {  	v21 =	vperm.xlane v10, v2;
	v16 =	vadd.f32 $0.0e+00, v20;
	v20 =	vadd.f32 $0.0e+00, v22  }
0x3b4: {  	v22 =	vmul.f32 v26, v25;
	v25 =	vperm.xlane v12, v2;
	v17 =	vadd.f32 v17, v19  }
0x3b5: {  	v14 =	vadd.f32 v13, v14;
	v13 =	vunpack.i.l.bf16.f32 v24;
	v16 =	vadd.f32 v18, v16  }
0x3b6: {  	v18 =	vperm.xlane v11, v2;
	v20 =	vadd.f32 v22, v20;
	v23 =	vunpack.i.l.bf16.f32 v15  }
0x3b7: {  	v26 =	vld [tilespmem:s12+$0xFFFFFFA0];
	v27 =	vunpack.i.l.bf16.f32 v28;
	v13 =	vmul.f32 v21, v13;
	v15 =	vunpack.i.u.bf16.f32 v15  }
0x3b8: {  	v19 =	vld [tilespmem:s12+$0xFFFFFFE0];
	v21 =	vmul.f32 v25, v23;
	v23 =	vunpack.i.u.bf16.f32 v24;
	v24 =	vperm.xlane v10, v3  }
0x3b9: {  	v22 =	vld [tilespmem:s12+$0x20];
	v18 =	vmul.f32 v18, v27;
	v25 =	vperm.xlane v12, v3;
	v27 =	vunpack.i.u.bf16.f32 v28  }
0x3ba: {  	v28 =	vperm.xlane v11, v3;
	v13 =	vadd.f32 v13, v16;
	v16 =	vmul.f32 v24, v23  }
0x3bb: {  	v17 =	vadd.f32 v21, v17;
	v15 =	vmul.f32 v25, v15;
	v18 =	vadd.f32 v18, v20  }
0x3bc: {  	v20 =	vmul.f32 v28, v27;
	v21 =	vunpack.i.l.bf16.f32 v26;
	v23 =	vperm.xlane v10, v4  }
0x3bd: {  	v24 =	vperm.xlane v12, v4;
	v25 =	vunpack.i.l.bf16.f32 v19;
	v28 =	vperm.xlane v11, v4  }
0x3be: {  	v19 =	vunpack.i.u.bf16.f32 v19;
	v27 =	vunpack.i.l.bf16.f32 v22;
	v22 =	vunpack.i.u.bf16.f32 v22  }
0x3bf: {  	v13 =	vadd.f32 v16, v13;
	v16 =	vmul.f32 v23, v21;
	v21 =	vmul.f32 v24, v25  }
0x3c0: {  	v18 =	vadd.f32 v20, v18;
	v20 =	vmul.f32 v28, v27;
	v25 =	vperm.xlane v10, v5  }
0x3c1: {  	v29 =	vld [tilespmem:s12+$0xFFFFFFB0];
	v24 =	vunpack.i.u.bf16.f32 v26;
	v26 =	vperm.xlane v12, v5;
	v27 =	vperm.xlane v11, v5  }
0x3c2: {  	v15 =	vadd.f32 v15, v17;
	v13 =	vadd.f32 v16, v13;
	v16 =	vmul.f32 v25, v24  }
0x3c3: {  	s10 =	simm.s32 $0x40;
	v17 =	vld [tilespmem:s12+$0xFFFFFFF0];
	v19 =	vmul.f32 v26, v19;
	v18 =	vadd.f32 v20, v18;
	v20 =	vmul.f32 v27, v22  }
0x3c4: {  	s15 =	simm.s32 $0x70;
	v23 =	vld [tilespmem:s12+$0x30];
	s12 =	sand.u32 $0x780, s10;
	v22 =	vperm.xlane v10, v6;
	v24 =	vperm.xlane v12, v6  }
0x3c5: {  	s11 =	sand.u32 $0x70, s15;
	s31 =	sadd.s32 $0x300, s12;
	v15 =	vadd.f32 v21, v15;
	v27 =	vperm.xlane v11, v6;
	v10 =	vperm.xlane v10, v7  }
0x3c6: {  	v21 =	vunpack.i.l.bf16.f32 v29;
	s1 =	sor.u32 s11, s31;
	v12 =	vperm.xlane v12, v7;
	v11 =	vperm.xlane v11, v7  }
0x3c7: {  	v13 =	vadd.f32 v16, v13;
	v16 =	vmul.f32 v22, v21;
	v21 =	vunpack.i.u.bf16.f32 v29;
	v22 =	vld [tilespmem:s1+$0x0];
	s1 =	simm.s32 $0x1480  }
0x3c8: {  	v15 =	vadd.f32 v19, v15;
	v25 =	vunpack.i.l.bf16.f32 v17;
	v10 =	vmul.f32 v10, v21;
	v21 =	vld [tilespmem:s1+$0xFFFFFF80]  }
0x3c9: {  	s5 =	sand.u32 $0x40, s10;
	s12 =	simm.s32 $0x50;
	v18 =	vadd.f32 v20, v18;
	v26 =	vunpack.i.l.bf16.f32 v23;
	v29 =	vld [tilespmem:s1+$0x60];
	v19 =	vmul.f32 v24, v25  }
0x3ca: {  	s8 =	sand.u32 $0x50, s12;
	s5 =	sor.u32 s5, s31;
	v17 =	vunpack.i.u.bf16.f32 v17;
	v23 =	vunpack.i.u.bf16.f32 v23;
	v20 =	vmul.f32 v27, v26;
	v24 =	vld [tilespmem:s1+$0x40]  }
0x3cb: {  	s8 =	sor.u32 s8, s31;
	v25 =	vadd.f32 v16, v13;
	v12 =	vmul.f32 v12, v17;
	v16 =	vld [tilespmem:s5+$0x0];
	v19 =	vadd.f32 v19, v15  }
0x3cc: {  	v13 =	vld [tilespmem:s8+$0x0];
	v11 =	vmul.f32 v11, v23;
	v17 =	vadd.f32 v20, v18;
	v18 =	vperm.xlane v14, v8  }
0x3cd: {  	s15 =	simm.s32 $0x60;
	v20 =	vadd.f32 v10, v25;
	v27 =	vperm.xlane v22, v1;
	v10 =	vadd.f32 v12, v19  }
0x3ce: {  	s10 =	sand.u32 $0x60, s15;
	v53 =	vld [tilespmem:s1+$0x10];
	v11 =	vadd.f32 v11, v17;
	v23 =	vadd.f32 v14, v18;
	v17 =	vperm.xlane v22, v0  }
0x3cf: {  	s31 =	sor.u32 s10, s31;
	v26 =	vld [tilespmem:s1+$0xFFFFFFC0];
	v19 =	vperm.xlane v20, v8;
	v48 =	vunpack.i.l.bf16.f32 v21;
	v34 =	vunpack.i.l.bf16.f32 v29  }
0x3d0: {  	v15 =	vld [tilespmem:s31+$0x0];
	v29 =	vunpack.i.u.bf16.f32 v29;
	v21 =	vunpack.i.u.bf16.f32 v21;
	v30 =	vperm.xlane v16, v1  }
0x3d1: {  	v25 =	vunpack.i.l.bf16.f32 v24;
	v61 =	vperm.xlane v13, v5;
	v14 =	vperm.xlane v10, v8  }
0x3d2: {  	v18 =	vld [tilespmem:s1+$0x50];
	v24 =	vunpack.i.u.bf16.f32 v24;
	v12 =	vperm.xlane v11, v8;
	v17 =	vmul.f32 v17, v25  }
0x3d3: {  	v28 =	vadd.f32 v20, v19;
	v19 =	vperm.xlane v16, v0;
	v20 =	vperm.xlane v13, v0  }
0x3d4: {  	v55 =	vunpack.i.u.bf16.f32 v53;
	v24 =	vmul.f32 v27, v24;
	v27 =	vperm.xlane v22, v2  }
0x3d5: {  	v33 =	vunpack.i.l.bf16.f32 v26;
	v31 =	vperm.xlane v15, v0;
	v50 =	vperm.xlane v15, v1  }
0x3d6: {  	v21 =	vmul.f32 v30, v21;
	v30 =	vperm.xlane v13, v2;
	v17 =	vadd.f32 $0.0e+00, v17  }
0x3d7: {  	v54 =	vperm.xlane v15, v2;
	v56 =	vperm.xlane v15, v3;
	v32 =	vunpack.i.l.bf16.f32 v18  }
0x3d8: {  	v25 =	vld [tilespmem:s1+$0x0];
	v17 =	vadd.f32 v24, v17;
	v24 =	vperm.xlane v22, v3;
	v27 =	vmul.f32 v27, v32  }
0x3d9: {  	v59 =	vperm.xlane v15, v4;
	v63 =	vperm.xlane v15, v5;
	v18 =	vunpack.i.u.bf16.f32 v18  }
0x3da: {  	v17 =	vadd.f32 v27, v17;
	v18 =	vmul.f32 v24, v18;
	v24 =	vperm.xlane v22, v4;
	v27 =	vld [tilespmem:s1+$0x70]  }
0x3db: {  	v26 =	vunpack.i.u.bf16.f32 v26;
	v19 =	vmul.f32 v19, v48;
	v20 =	vmul.f32 v20, v33  }
0x3dc: {  	v17 =	vadd.f32 v18, v17;
	v18 =	vperm.xlane v22, v5;
	v24 =	vmul.f32 v24, v34  }
0x3dd: {  	v19 =	vadd.f32 $0.0e+00, v19;
	v20 =	vadd.f32 $0.0e+00, v20;
	v49 =	vunpack.i.l.bf16.f32 v25  }
0x3de: {  	v17 =	vadd.f32 v24, v17;
	v18 =	vmul.f32 v18, v29;
	v24 =	vperm.xlane v22, v6  }
0x3df: {  	v25 =	vunpack.i.u.bf16.f32 v25;
	v29 =	vperm.xlane v13, v1;
	v51 =	vunpack.i.l.bf16.f32 v27  }
0x3e0: {  	v52 =	vld [tilespmem:s1+$0xFFFFFF90];
	v17 =	vadd.f32 v18, v17;
	v18 =	vperm.xlane v22, v7;
	v22 =	vmul.f32 v24, v51  }
0x3e1: {  	v31 =	vmul.f32 v31, v49;
	v25 =	vmul.f32 v50, v25;
	v27 =	vunpack.i.u.bf16.f32 v27;
	v24 =	vld [tilespmem:s1+$0xFFFFFFD0]  }
0x3e2: {  	v17 =	vadd.f32 v22, v17;
	v18 =	vmul.f32 v18, v27;
	v22 =	vmul.f32 v29, v26  }
0x3e3: {  	v19 =	vadd.f32 v21, v19;
	v21 =	vunpack.i.l.bf16.f32 v53;
	v26 =	vadd.f32 $0.0e+00, v31  }
0x3e4: {  	v27 =	vperm.xlane v16, v2;
	v17 =	vadd.f32 v18, v17;
	v20 =	vadd.f32 v22, v20;
	v22 =	vld [tilespmem:s1+$0xFFFFFFE0]  }
0x3e5: {  	v21 =	vmul.f32 v54, v21;
	v18 =	vunpack.i.l.bf16.f32 v52;
	v25 =	vadd.f32 v25, v26;
	v26 =	vld [tilespmem:s1+$0x20]  }
0x3e6: {  	v29 =	vunpack.i.l.bf16.f32 v24;
	v18 =	vmul.f32 v27, v18;
	v31 =	vperm.xlane v17, v8  }
0x3e7: {  	v35 =	vld [tilespmem:s1+$0xFFFFFFA0];
	v24 =	vunpack.i.u.bf16.f32 v24;
	v21 =	vadd.f32 v21, v25;
	v25 =	vmul.f32 v56, v55  }
0x3e8: {  	v18 =	vadd.f32 v18, v19;
	v27 =	vadd.f32 v17, v31;
	v17 =	vmul.f32 v30, v29  }
0x3e9: {  	v29 =	vunpack.i.u.bf16.f32 v52;
	v30 =	vperm.xlane v16, v3;
	v31 =	vperm.xlane v13, v3  }
0x3ea: {  	v57 =	vunpack.i.l.bf16.f32 v22;
	v58 =	vunpack.i.l.bf16.f32 v26;
	v62 =	vunpack.i.u.bf16.f32 v22  }
0x3eb: {  	v26 =	vunpack.i.u.bf16.f32 v26;
	v19 =	vmul.f32 v30, v29;
	v20 =	vadd.f32 v17, v20  }
0x3ec: {  	v24 =	vmul.f32 v31, v24;
	v29 =	vunpack.i.l.bf16.f32 v35;
	v30 =	vperm.xlane v16, v4;
	v17 =	vld [tilespmem:s1+$0xFFFFFFB0]  }
0x3ed: {  	s5 =	simm.s32 $0x6320;
	v31 =	vperm.xlane v13, v4;
	v60 =	vmul.f32 v59, v58;
	v36 =	vadd.f32 v19, v18;
	v18 =	vld [tilespmem:s1+$0xFFFFFFF0]  }
0x3ee: {  	[tilespmem:s5+$0x10] =	vst v23;
	v23 =	vmul.f32 v63, v26;
	v29 =	vmul.f32 v30, v29;
	v20 =	vadd.f32 v24, v20;
	v19 =	vld [tilespmem:s1+$0x30]  }
0x3ef: {  	v30 =	vmul.f32 v31, v57;
	v31 =	vadd.f32 v25, v21;
	v25 =	vperm.xlane v16, v5  }
0x3f0: {  	v26 =	vperm.xlane v13, v6;
	v24 =	vunpack.i.u.bf16.f32 v35;
	v21 =	vadd.f32 v29, v36  }
0x3f1: {  	v24 =	vmul.f32 v25, v24;
	v22 =	vadd.f32 v30, v20;
	v25 =	vmul.f32 v61, v62  }
0x3f2: {  	s10 =	simm.s32 $0x6360;
	[tilespmem:s5+$0xFFFFFFE0] =	vst v28;
	v20 =	vadd.f32 v60, v31;
	v31 =	vperm.xlane v16, v6;
	v30 =	vperm.xlane v15, v6  }
0x3f3: {  	s9 =	simm.s32 $0x80;
	s8 =	simm.s32 $0x4;
	[tilespmem:s10+$0x10] =	vst v27;
	v28 =	vunpack.i.l.bf16.f32 v17;
	v29 =	vunpack.i.l.bf16.f32 v18;
	v27 =	vunpack.i.l.bf16.f32 v19  }
.LBB2_15:
0x3f4: {  	s11 =	sand.u32 $0x780, s9;
	s12 =	sadd.s32 $0x30, s9;
	s8 =	sadd.s32 $0x4, s8;
	v21 =	vadd.f32 v24, v21;
	v24 =	vmul.f32 v31, v28;
	v22 =	vadd.f32 v25, v22  }
0x3f5: {  	v25 =	vmul.f32 v26, v29;
	v20 =	vadd.f32 v23, v20;
	s11 =	sadd.s32 $0x300, s11;
	s12 =	sand.u32 $0x70, s12;
	p1 =	slt.u32 s8, $0x7C;
	v23 =	vmul.f32 v30, v27  }
0x3f6: {  	s15 =	sadd.s32 $0x10, s9;
	s31 =	sadd.s32 $0x20, s9;
	v17 =	vunpack.i.u.bf16.f32 v17;
	v16 =	vperm.xlane v16, v7;
	v26 =	vperm.xlane v13, v7;
	s12 =	sor.u32 s12, s11  }
0x3f7: {  	v18 =	vunpack.i.u.bf16.f32 v18;
	v19 =	vunpack.i.u.bf16.f32 v19;
	v15 =	vperm.xlane v15, v7;
	s1 =	sadd.s32 $0x100, s1;
	s15 =	sand.u32 $0x50, s15;
	s31 =	sand.u32 $0x60, s31;
	v27 =	vld [tilespmem:s12+$0x0]  }
0x3f8: {  	s15 =	sor.u32 s15, s11;
	s31 =	sor.u32 s31, s11;
	v21 =	vadd.f32 v24, v21;
	v17 =	vmul.f32 v16, v17;
	v22 =	vadd.f32 v25, v22;
	s12 =	sand.u32 $0x40, s9;
	v28 =	vld [tilespmem:s1+$0x40]  }
0x3f9: {  	v18 =	vmul.f32 v26, v18;
	v19 =	vmul.f32 v15, v19;
	v20 =	vadd.f32 v23, v20;
	s11 =	sor.u32 s12, s11;
	v13 =	vld [tilespmem:s15+$0x0]  }
0x3fa: {  	v14 =	vadd.f32 v10, v14;
	v17 =	vadd.f32 v17, v21;
	v16 =	vld [tilespmem:s11+$0x0]  }
0x3fb: {  	v10 =	vadd.f32 v18, v22;
	v18 =	vadd.f32 v19, v20;
	v15 =	vld [tilespmem:s31+$0x0]  }
0x3fc: {  	v22 =	vadd.f32 v11, v12;
	v21 =	vperm.xlane v17, v8;
	v19 =	vperm.xlane v27, v0;
	v20 =	vld [tilespmem:s1+$0x50];
	[tilespmem:s5+$0xFFFFFFF0] =	vst v14  }
0x3fd: {  	v12 =	vperm.xlane v18, v8;
	v11 =	vmovc v18;
	v14 =	vperm.xlane v10, v8;
	v23 =	vld [tilespmem:s1+$0xFFFFFF80];
	v24 =	vunpack.i.l.bf16.f32 v28  }
0x3fe: {  	v18 =	vperm.xlane v27, v1;
	v17 =	vadd.f32 v17, v21;
	v25 =	vld [tilespmem:s1+$0xFFFFFFC0];
	v19 =	vmul.f32 v19, v24;
	[tilespmem:s5+$0x0] =	vst v22;
	s5 =	smov.u32 s10  }
0x3ff: {  	v26 =	vunpack.i.u.bf16.f32 v28;
	v22 =	vperm.xlane v13, v0;
	v21 =	vperm.xlane v16, v0;
	v24 =	vld [tilespmem:s1+$0x0]  }
0x400: {  	v18 =	vmul.f32 v18, v26;
	v26 =	vperm.xlane v27, v2;
	v19 =	vadd.f32 $0.0e+00, v19;
	v28 =	vld [tilespmem:s1+$0x60];
	[tilespmem:s10+$0xFFFFFFE0] =	vst v17  }
0x401: {  	v29 =	vperm.xlane v16, v1;
	v17 =	vperm.xlane v15, v0;
	v30 =	vld [tilespmem:s1+$0xFFFFFF90];
	v31 =	vunpack.i.l.bf16.f32 v20  }
0x402: {  	v32 =	vld [tilespmem:s1+$0xFFFFFFD0];
	v18 =	vadd.f32 v18, v19;
	v19 =	vperm.xlane v27, v3;
	v26 =	vmul.f32 v26, v31  }
0x403: {  	v20 =	vunpack.i.u.bf16.f32 v20;
	v31 =	vunpack.i.l.bf16.f32 v23;
	v33 =	vunpack.i.l.bf16.f32 v25;
	v34 =	vld [tilespmem:s1+$0x10]  }
0x404: {  	v18 =	vadd.f32 v26, v18;
	v19 =	vmul.f32 v19, v20;
	v20 =	vperm.xlane v27, v4;
	v26 =	vld [tilespmem:s1+$0x70]  }
0x405: {  	v21 =	vmul.f32 v21, v31;
	v35 =	vunpack.i.l.bf16.f32 v24;
	v31 =	vld [tilespmem:s1+$0xFFFFFFA0];
	v36 =	vunpack.i.l.bf16.f32 v28  }
0x406: {  	v37 =	vld [tilespmem:s1+$0xFFFFFFE0];
	v18 =	vadd.f32 v19, v18;
	v19 =	vperm.xlane v27, v5;
	v20 =	vmul.f32 v20, v36  }
0x407: {  	v22 =	vmul.f32 v22, v33;
	v33 =	vmul.f32 v17, v35;
	v28 =	vunpack.i.u.bf16.f32 v28;
	v35 =	vld [tilespmem:s1+$0x20]  }
0x408: {  	v36 =	vperm.xlane v27, v6;
	v17 =	vld [tilespmem:s1+$0xFFFFFFB0];
	v20 =	vadd.f32 v20, v18;
	v28 =	vmul.f32 v19, v28  }
0x409: {  	v38 =	vperm.xlane v13, v1;
	v39 =	vperm.xlane v15, v1;
	v18 =	vld [tilespmem:s1+$0xFFFFFFF0];
	v40 =	vunpack.i.l.bf16.f32 v26  }
0x40a: {  	v27 =	vperm.xlane v27, v7;
	v19 =	vld [tilespmem:s1+$0x30];
	v20 =	vadd.f32 v28, v20;
	v28 =	vmul.f32 v36, v40  }
0x40b: {  	v23 =	vunpack.i.u.bf16.f32 v23;
	v25 =	vunpack.i.u.bf16.f32 v25;
	v26 =	vunpack.i.u.bf16.f32 v26  }
0x40c: {  	v24 =	vunpack.i.u.bf16.f32 v24;
	v26 =	vmul.f32 v27, v26;
	v20 =	vadd.f32 v28, v20  }
0x40d: {  	v23 =	vmul.f32 v29, v23;
	v21 =	vadd.f32 $0.0e+00, v21;
	v22 =	vadd.f32 $0.0e+00, v22  }
0x40e: {  	v25 =	vmul.f32 v38, v25;
	v27 =	vadd.f32 $0.0e+00, v33;
	v20 =	vadd.f32 v26, v20  }
0x40f: {  	v24 =	vmul.f32 v39, v24;
	v28 =	vperm.xlane v16, v2;
	v26 =	vunpack.i.l.bf16.f32 v30  }
0x410: {  	v29 =	vunpack.i.l.bf16.f32 v32;
	v33 =	vperm.xlane v13, v2;
	v36 =	vperm.xlane v20, v8  }
0x411: {  	v38 =	vperm.xlane v15, v2;
	v21 =	vadd.f32 v23, v21;
	v23 =	vunpack.i.l.bf16.f32 v34  }
0x412: {  	v22 =	vadd.f32 v25, v22;
	v26 =	vmul.f32 v28, v26;
	v20 =	vadd.f32 v20, v36  }
0x413: {  	s10 =	sadd.s32 $0x40, s10;
	v23 =	vmul.f32 v38, v23;
	v25 =	vmul.f32 v33, v29;
	v24 =	vadd.f32 v24, v27  }
0x414: {  	v27 =	vunpack.i.u.bf16.f32 v30;
	v29 =	vperm.xlane v13, v3;
	v28 =	vperm.xlane v16, v3;
	[tilespmem:s10+$0x10] =	vst v20  }
0x415: {  	v30 =	vunpack.i.u.bf16.f32 v34;
	v20 =	vunpack.i.u.bf16.f32 v32;
	v32 =	vperm.xlane v15, v3  }
0x416: {  	v22 =	vadd.f32 v25, v22;
	v21 =	vadd.f32 v26, v21;
	v26 =	vmul.f32 v28, v27  }
0x417: {  	v23 =	vadd.f32 v23, v24;
	v20 =	vmul.f32 v29, v20;
	v24 =	vmul.f32 v32, v30  }
0x418: {  	v25 =	vunpack.i.l.bf16.f32 v31;
	v27 =	vperm.xlane v16, v4;
	v28 =	vperm.xlane v13, v4  }
0x419: {  	v29 =	vunpack.i.l.bf16.f32 v37;
	v30 =	vunpack.i.l.bf16.f32 v35;
	v32 =	vperm.xlane v15, v4  }
0x41a: {  	v21 =	vadd.f32 v26, v21;
	v25 =	vmul.f32 v27, v25;
	v20 =	vadd.f32 v20, v22  }
0x41b: {  	v22 =	vmul.f32 v28, v29;
	v23 =	vadd.f32 v24, v23;
	v26 =	vmul.f32 v32, v30  }
0x41c: {  	v27 =	vperm.xlane v16, v5;
	v28 =	vperm.xlane v13, v5;
	v24 =	vunpack.i.u.bf16.f32 v31  }
.Ltmp8:
0x41d: {  	v29 =	vunpack.i.u.bf16.f32 v37;
	v30 =	vunpack.i.u.bf16.f32 v35;
	v31 =	vperm.xlane v15, v5;
	(pc) =	sbr.rel @p1 .LBB2_15-.Ltmp8, $4  }
0x41e: {  	v21 =	vadd.f32 v25, v21;
	v24 =	vmul.f32 v27, v24;
	v22 =	vadd.f32 v22, v20  }
0x41f: {  	v25 =	vmul.f32 v28, v29;
	v20 =	vadd.f32 v26, v23;
	v23 =	vmul.f32 v31, v30  }
0x420: {  	v28 =	vunpack.i.l.bf16.f32 v17;
	v31 =	vperm.xlane v16, v6;
	v26 =	vperm.xlane v13, v6  }
0x421: {  	s9 =	sadd.s32 $0x40, s9;
	v29 =	vunpack.i.l.bf16.f32 v18;
	v27 =	vunpack.i.l.bf16.f32 v19;
	v30 =	vperm.xlane v15, v6  }
0x422: {  	v21 =	vadd.f32 v24, v21  }
0x423: {  	v24 =	vmul.f32 v31, v28;
	v22 =	vadd.f32 v25, v22;
	v25 =	vmul.f32 v26, v29  }
0x424: {  	v20 =	vadd.f32 v23, v20;
	v16 =	vperm.xlane v16, v7;
	v17 =	vunpack.i.u.bf16.f32 v17  }
0x425: {  	v13 =	vperm.xlane v13, v7;
	v18 =	vunpack.i.u.bf16.f32 v18;
	v15 =	vperm.xlane v15, v7  }
0x426: {  	v23 =	vmul.f32 v30, v27;
	v21 =	vadd.f32 v24, v21;
	v16 =	vmul.f32 v16, v17  }
0x427: {  	v17 =	vunpack.i.u.bf16.f32 v19;
	v19 =	vadd.f32 v25, v22;
	v13 =	vmul.f32 v13, v18  }
0x428: {  	v18 =	vadd.f32 v23, v20;
	v15 =	vmul.f32 v15, v17;
	v16 =	vadd.f32 v16, v21  }
0x429: {  	v13 =	vadd.f32 v13, v19  }
0x42a: {  	v10 =	vadd.f32 v10, v14;
	v14 =	vadd.f32 v15, v18;
	v15 =	vperm.xlane v16, v8  }
0x42b: {  	v11 =	vadd.f32 v11, v12;
	v12 =	vperm.xlane v13, v8  }
0x42c: {  	[tilespmem:s5+$0xFFFFFFF0] =	vst v10;
	v10 =	vperm.xlane v14, v8;
	v15 =	vadd.f32 v16, v15  }
0x42d: {  	[tilespmem:s5+$0x0] =	vst v11;
	v11 =	vadd.f32 v13, v12  }
0x42e: {  	v10 =	vadd.f32 v14, v10;
	[tilespmem:s10+$0xFFFFFFE0] =	vst v15  }
0x42f: {  	[tilespmem:s10+$0xFFFFFFF0] =	vst v11  }
0x430: {  	[tilespmem:s10+$0x0] =	vst v10  }
0x431: {  	v10 =	vld [tilespmem:$0x100]  }
0x432: {  	v11 =	vld [tilespmem:$0x110]  }
0x433: {  	v12 =	vld [tilespmem:$0x120]  }
0x434: {  	v13 =	vld [tilespmem:$0x130]  }
0x435: {  	v14 =	vld [tilespmem:$0x140]  }
0x436: {  	[tilespmem:$0x200] =	vst v10;
	v10 =	vld [tilespmem:$0x150]  }
0x437: {  	[tilespmem:$0x210] =	vst v11;
	v11 =	vld [tilespmem:$0x160]  }
0x438: {  	[tilespmem:$0x220] =	vst v12;
	v12 =	vld [tilespmem:$0x170]  }
0x439: {  	[tilespmem:$0x230] =	vst v13  }
0x43a: {  	[tilespmem:$0x240] =	vst v14  }
0x43b: {  	[tilespmem:$0x250] =	vst v10  }
0x43c: {  	[tilespmem:$0x260] =	vst v11  }
0x43d: {  	s1 =	simm.s32 $0x200;
	s8 =	simm.s32 $0x6300;
	p1 =	seq.s32 s3, $0x5;
	[tilespmem:$0x270] =	vst v12  }
0x43e: {  	[spmem:s4] =	stream.indirect.scatter.add.f32 [tilespmem:s8], [sflag:$0x3], $0x10, s1, s0, $0xb8;
	[tilespmem:$0x16300] =	vst v63  }
0x43f: {  	s1 =	sadd.s32 @!p1 s21, s19  }
0x440: {  	s5 =	sadd.s32 @!p1 s30, s1  }
0x441: {  	s5 =	sshrl.u32 @!p1 s5, $0x3  }
0x442: {  	s9 =	simm.s32 @!p1 $0x0;
	s8 =	sadd.s32 @!p1 s7, s5  }
0x443: {  	[tilespmem:s9], [sflag:$0x5] =	stream.linear.gather @!p1 [hbm4b:s8+s9], $0x80, $0x38;
	[tilespmem:$0x16300] =	vst v63  }
0x444: {  	s8 =	simm.s32 @!p1 $0x5  }
0x445: {  	_ =	swait.ge @!p1 [sflag:s8], $0x80  }
0x446: {  	s10 =	simm.s32 @!p1 $0x100;
	[sflag:s8] =	ssyncset.done @!p1 $0x0  }
0x447: {  	s1 =	sadd.s32 @!p1 s14, s1;
	s5 =	sadd.s32 @!p1 s16, s5;
	[sflag:s8] =	ssyncadd.s32 @!p1 $0xFFFFFF80  }
0x448: {  	[tilespmem:s10], [sflag:$0x5] =	stream.linear.gather @!p1 [hbm4b:s5+s9], $0x80, $0x38;
	[tilespmem:$0x16300] =	vst v63  }
0x449: {  	s1 =	sshll.u32 @!p1 s1, $0x1;
	_ =	swait.ge @!p1 [sflag:s8], $0x80  }
0x44a: {  	s1 =	sand.u32 @!p1 $0x1FFFFE00, s1;
	[sflag:s8] =	ssyncset.done @!p1 $0x0  }
0x44b: {  	s1 =	sadd.s32 @!p1 s17, s1;
	s5 =	simm.s32 @!p1 $0x300;
	[sflag:s8] =	ssyncadd.s32 @!p1 $0xFFFFFF80  }
0x44c: {  	[tilespmem:s5], [sflag:$0x5] =	stream.linear.gather @!p1 [hbm4b:s1+s9], $0x800, $0x38;
	[tilespmem:$0x16300] =	vst v63  }
0x44d: {  	_ =	swait.ge @!p1 [sflag:s8], $0x800  }
0x44e: {  	[sflag:s8] =	ssyncset.done @!p1 $0x0  }
0x44f: {  	s1 =	simm.s32 @!p1 $0x80;
	s5 =	simm.s32 @!p1 $0x1300;
	[sflag:s8] =	ssyncadd.s32 @!p1 $0xFFFFF800  }
0x450: {  	[tilespmem:s5], [sflag:$0x1] =	stream.indirect.gather @!p1 [spmem:s2], $0x40, s9, s1, $0xb8;
	[tilespmem:$0x16300] =	vst v63  }
0x451: {  	_ =	swait.ge [sflag:s28], $0x2000  }
0x452: {  	[sflag:s28] =	ssyncset.done $0x0  }
0x453: {  	s9 =	simm.s32 $0x0;
	[sflag:s28] =	ssyncadd.s32 $0xFFFFE000  }
0x454: {  	s21 =	simm.s32 $0x30;
	s15 =	sand.u32 $0x780, s9;
	_ =	swait.ge [sflag:s13], $0x800  }
0x455: {  	s10 =	sand.u32 $0x70, s21;
	s31 =	sadd.s32 $0xB00, s15;
	[sflag:s13] =	ssyncset.done $0x0  }
0x456: {  	s8 =	sor.u32 s10, s31;
	[sflag:s13] =	ssyncadd.s32 $0xFFFFF800  }
0x457: {  	s11 =	simm.s32 $0x3380;
	s5 =	sand.u32 $0x40, s9;
	v13 =	vld [tilespmem:s8+$0x0]  }
0x458: {  	s5 =	sor.u32 s5, s31;
	v14 =	vld [tilespmem:s11+$0x40]  }
0x459: {  	v10 =	vld [tilespmem:s5+$0x0]  }
0x45a: {  	v16 =	vld [tilespmem:s11+$0x50]  }
0x45b: {  	v18 =	vld [tilespmem:s11+$0xFFFFFF80]  }
0x45c: {  	s12 =	simm.s32 $0x10  }
0x45d: {  	s8 =	sand.u32 $0x50, s12;
	v27 =	vld [tilespmem:s11+$0x70];
	v15 =	vperm.xlane v13, v0  }
0x45e: {  	v21 =	vld [tilespmem:s11+$0x60];
	s8 =	sor.u32 s8, s31;
	v17 =	vunpack.i.l.bf16.f32 v14;
	v19 =	vperm.xlane v13, v1;
	v20 =	vperm.xlane v10, v0  }
0x45f: {  	v12 =	vld [tilespmem:s8+$0x0];
	v14 =	vunpack.i.u.bf16.f32 v14;
	v23 =	vperm.xlane v10, v1;
	v15 =	vmul.f32 v15, v17  }
0x460: {  	s15 =	simm.s32 $0x20;
	v24 =	vunpack.i.l.bf16.f32 v16;
	v26 =	vunpack.i.l.bf16.f32 v18;
	v16 =	vunpack.i.u.bf16.f32 v16  }
0x461: {  	s21 =	sand.u32 $0x60, s15;
	v17 =	vld [tilespmem:s11+$0xFFFFFFC0];
	v14 =	vmul.f32 v19, v14;
	v19 =	vperm.xlane v13, v2;
	v15 =	vadd.f32 $0.0e+00, v15  }
0x462: {  	s5 =	sor.u32 s21, s31;
	v25 =	vld [tilespmem:s11+$0x0];
	v28 =	vunpack.i.l.bf16.f32 v27;
	v18 =	vunpack.i.u.bf16.f32 v18;
	v27 =	vunpack.i.u.bf16.f32 v27  }
0x463: {  	v11 =	vld [tilespmem:s5+$0x0];
	v19 =	vmul.f32 v19, v24;
	v14 =	vadd.f32 v14, v15;
	v15 =	vperm.xlane v13, v3  }
0x464: {  	v22 =	vperm.xlane v12, v0;
	v20 =	vmul.f32 v20, v26;
	v26 =	vunpack.i.l.bf16.f32 v21  }
0x465: {  	v14 =	vadd.f32 v19, v14;
	v15 =	vmul.f32 v15, v16;
	v16 =	vperm.xlane v13, v4  }
0x466: {  	v21 =	vunpack.i.u.bf16.f32 v21;
	v18 =	vmul.f32 v23, v18;
	v19 =	vunpack.i.l.bf16.f32 v17  }
0x467: {  	v14 =	vadd.f32 v15, v14;
	v15 =	vperm.xlane v13, v5;
	v16 =	vmul.f32 v16, v26  }
0x468: {  	v24 =	vperm.xlane v11, v0;
	v19 =	vmul.f32 v22, v19;
	v26 =	vunpack.i.l.bf16.f32 v25  }
0x469: {  	v14 =	vadd.f32 v16, v14;
	v15 =	vmul.f32 v15, v21;
	v16 =	vperm.xlane v13, v6  }
0x46a: {  	v17 =	vunpack.i.u.bf16.f32 v17;
	v22 =	vmul.f32 v24, v26;
	v21 =	vperm.xlane v12, v1  }
0x46b: {  	v24 =	vld [tilespmem:s11+$0xFFFFFF90];
	v13 =	vperm.xlane v13, v7;
	v14 =	vadd.f32 v15, v14;
	v16 =	vmul.f32 v16, v28  }
0x46c: {  	v25 =	vunpack.i.u.bf16.f32 v25;
	v26 =	vperm.xlane v11, v1;
	v19 =	vadd.f32 $0.0e+00, v19;
	v15 =	vld [tilespmem:s11+$0xFFFFFFD0]  }
0x46d: {  	v28 =	vld [tilespmem:s11+$0x10];
	v13 =	vmul.f32 v13, v27;
	v17 =	vmul.f32 v21, v17;
	v14 =	vadd.f32 v16, v14  }
0x46e: {  	v21 =	vperm.xlane v10, v2;
	v16 =	vadd.f32 $0.0e+00, v20;
	v20 =	vadd.f32 $0.0e+00, v22  }
0x46f: {  	v22 =	vmul.f32 v26, v25;
	v25 =	vperm.xlane v12, v2;
	v17 =	vadd.f32 v17, v19  }
0x470: {  	v14 =	vadd.f32 v13, v14;
	v13 =	vunpack.i.l.bf16.f32 v24;
	v16 =	vadd.f32 v18, v16  }
0x471: {  	v18 =	vperm.xlane v11, v2;
	v20 =	vadd.f32 v22, v20;
	v23 =	vunpack.i.l.bf16.f32 v15  }
0x472: {  	v26 =	vld [tilespmem:s11+$0xFFFFFFA0];
	v27 =	vunpack.i.l.bf16.f32 v28;
	v13 =	vmul.f32 v21, v13;
	v15 =	vunpack.i.u.bf16.f32 v15  }
0x473: {  	v19 =	vld [tilespmem:s11+$0xFFFFFFE0];
	v21 =	vmul.f32 v25, v23;
	v23 =	vunpack.i.u.bf16.f32 v24;
	v24 =	vperm.xlane v10, v3  }
0x474: {  	v22 =	vld [tilespmem:s11+$0x20];
	v18 =	vmul.f32 v18, v27;
	v25 =	vperm.xlane v12, v3;
	v27 =	vunpack.i.u.bf16.f32 v28  }
0x475: {  	v28 =	vperm.xlane v11, v3;
	v13 =	vadd.f32 v13, v16;
	v16 =	vmul.f32 v24, v23  }
0x476: {  	v17 =	vadd.f32 v21, v17;
	v15 =	vmul.f32 v25, v15;
	v18 =	vadd.f32 v18, v20  }
0x477: {  	v20 =	vmul.f32 v28, v27;
	v21 =	vunpack.i.l.bf16.f32 v26;
	v23 =	vperm.xlane v10, v4  }
0x478: {  	v24 =	vperm.xlane v12, v4;
	v25 =	vunpack.i.l.bf16.f32 v19;
	v28 =	vperm.xlane v11, v4  }
0x479: {  	v19 =	vunpack.i.u.bf16.f32 v19;
	v27 =	vunpack.i.l.bf16.f32 v22;
	v22 =	vunpack.i.u.bf16.f32 v22  }
0x47a: {  	v13 =	vadd.f32 v16, v13;
	v16 =	vmul.f32 v23, v21;
	v21 =	vmul.f32 v24, v25  }
0x47b: {  	v18 =	vadd.f32 v20, v18;
	v20 =	vmul.f32 v28, v27;
	v25 =	vperm.xlane v10, v5  }
0x47c: {  	v29 =	vld [tilespmem:s11+$0xFFFFFFB0];
	v24 =	vunpack.i.u.bf16.f32 v26;
	v26 =	vperm.xlane v12, v5;
	v27 =	vperm.xlane v11, v5  }
0x47d: {  	v15 =	vadd.f32 v15, v17;
	v13 =	vadd.f32 v16, v13;
	v16 =	vmul.f32 v25, v24  }
0x47e: {  	s31 =	simm.s32 $0x40;
	v17 =	vld [tilespmem:s11+$0xFFFFFFF0];
	v19 =	vmul.f32 v26, v19;
	v18 =	vadd.f32 v20, v18;
	v20 =	vmul.f32 v27, v22  }
0x47f: {  	s10 =	simm.s32 $0x70;
	s9 =	sand.u32 $0x780, s31;
	v23 =	vld [tilespmem:s11+$0x30];
	v22 =	vperm.xlane v10, v6;
	v24 =	vperm.xlane v12, v6  }
0x480: {  	s12 =	sand.u32 $0x70, s10;
	s11 =	sadd.s32 $0xB00, s9;
	v15 =	vadd.f32 v21, v15;
	v27 =	vperm.xlane v11, v6;
	v10 =	vperm.xlane v10, v7  }
0x481: {  	s1 =	sor.u32 s12, s11;
	v21 =	vunpack.i.l.bf16.f32 v29;
	v12 =	vperm.xlane v12, v7;
	v11 =	vperm.xlane v11, v7  }
0x482: {  	v13 =	vadd.f32 v16, v13;
	v16 =	vmul.f32 v22, v21;
	v21 =	vunpack.i.u.bf16.f32 v29;
	v22 =	vld [tilespmem:s1+$0x0];
	s1 =	simm.s32 $0x3480  }
0x483: {  	v15 =	vadd.f32 v19, v15;
	v25 =	vunpack.i.l.bf16.f32 v17;
	v10 =	vmul.f32 v10, v21;
	v21 =	vld [tilespmem:s1+$0xFFFFFF80]  }
0x484: {  	s15 =	simm.s32 $0x50;
	s5 =	sand.u32 $0x40, s31;
	v18 =	vadd.f32 v20, v18;
	v26 =	vunpack.i.l.bf16.f32 v23;
	v29 =	vld [tilespmem:s1+$0x60];
	v19 =	vmul.f32 v24, v25  }
0x485: {  	s8 =	sand.u32 $0x50, s15;
	s5 =	sor.u32 s5, s11;
	v17 =	vunpack.i.u.bf16.f32 v17;
	v23 =	vunpack.i.u.bf16.f32 v23;
	v20 =	vmul.f32 v27, v26;
	v24 =	vld [tilespmem:s1+$0x40]  }
0x486: {  	s8 =	sor.u32 s8, s11;
	v25 =	vadd.f32 v16, v13;
	v12 =	vmul.f32 v12, v17;
	v16 =	vld [tilespmem:s5+$0x0];
	v19 =	vadd.f32 v19, v15  }
0x487: {  	v13 =	vld [tilespmem:s8+$0x0];
	v11 =	vmul.f32 v11, v23;
	v17 =	vadd.f32 v20, v18;
	v18 =	vperm.xlane v14, v8  }
0x488: {  	s21 =	simm.s32 $0x60;
	v20 =	vadd.f32 v10, v25;
	v27 =	vperm.xlane v22, v1;
	v10 =	vadd.f32 v12, v19  }
0x489: {  	s10 =	sand.u32 $0x60, s21;
	v53 =	vld [tilespmem:s1+$0x10];
	v11 =	vadd.f32 v11, v17;
	v23 =	vadd.f32 v14, v18;
	v17 =	vperm.xlane v22, v0  }
0x48a: {  	s31 =	sor.u32 s10, s11;
	v26 =	vld [tilespmem:s1+$0xFFFFFFC0];
	v19 =	vperm.xlane v20, v8;
	v48 =	vunpack.i.l.bf16.f32 v21;
	v34 =	vunpack.i.l.bf16.f32 v29  }
0x48b: {  	v15 =	vld [tilespmem:s31+$0x0];
	v29 =	vunpack.i.u.bf16.f32 v29;
	v21 =	vunpack.i.u.bf16.f32 v21;
	v30 =	vperm.xlane v16, v1  }
0x48c: {  	v25 =	vunpack.i.l.bf16.f32 v24;
	v61 =	vperm.xlane v13, v5;
	v14 =	vperm.xlane v10, v8  }
0x48d: {  	v18 =	vld [tilespmem:s1+$0x50];
	v24 =	vunpack.i.u.bf16.f32 v24;
	v12 =	vperm.xlane v11, v8;
	v17 =	vmul.f32 v17, v25  }
0x48e: {  	v28 =	vadd.f32 v20, v19;
	v19 =	vperm.xlane v16, v0;
	v20 =	vperm.xlane v13, v0  }
0x48f: {  	v55 =	vunpack.i.u.bf16.f32 v53;
	v24 =	vmul.f32 v27, v24;
	v27 =	vperm.xlane v22, v2  }
0x490: {  	v33 =	vunpack.i.l.bf16.f32 v26;
	v31 =	vperm.xlane v15, v0;
	v50 =	vperm.xlane v15, v1  }
0x491: {  	v21 =	vmul.f32 v30, v21;
	v30 =	vperm.xlane v13, v2;
	v17 =	vadd.f32 $0.0e+00, v17  }
0x492: {  	v54 =	vperm.xlane v15, v2;
	v56 =	vperm.xlane v15, v3;
	v32 =	vunpack.i.l.bf16.f32 v18  }
0x493: {  	v25 =	vld [tilespmem:s1+$0x0];
	v17 =	vadd.f32 v24, v17;
	v24 =	vperm.xlane v22, v3;
	v27 =	vmul.f32 v27, v32  }
0x494: {  	v59 =	vperm.xlane v15, v4;
	v63 =	vperm.xlane v15, v5;
	v18 =	vunpack.i.u.bf16.f32 v18  }
0x495: {  	v17 =	vadd.f32 v27, v17;
	v18 =	vmul.f32 v24, v18;
	v24 =	vperm.xlane v22, v4;
	v27 =	vld [tilespmem:s1+$0x70]  }
0x496: {  	v26 =	vunpack.i.u.bf16.f32 v26;
	v19 =	vmul.f32 v19, v48;
	v20 =	vmul.f32 v20, v33  }
0x497: {  	v17 =	vadd.f32 v18, v17;
	v18 =	vperm.xlane v22, v5;
	v24 =	vmul.f32 v24, v34  }
0x498: {  	v19 =	vadd.f32 $0.0e+00, v19;
	v20 =	vadd.f32 $0.0e+00, v20;
	v49 =	vunpack.i.l.bf16.f32 v25  }
0x499: {  	v17 =	vadd.f32 v24, v17;
	v18 =	vmul.f32 v18, v29;
	v24 =	vperm.xlane v22, v6  }
0x49a: {  	v25 =	vunpack.i.u.bf16.f32 v25;
	v29 =	vperm.xlane v13, v1;
	v51 =	vunpack.i.l.bf16.f32 v27  }
0x49b: {  	v52 =	vld [tilespmem:s1+$0xFFFFFF90];
	v17 =	vadd.f32 v18, v17;
	v18 =	vperm.xlane v22, v7;
	v22 =	vmul.f32 v24, v51  }
0x49c: {  	v31 =	vmul.f32 v31, v49;
	v25 =	vmul.f32 v50, v25;
	v27 =	vunpack.i.u.bf16.f32 v27;
	v24 =	vld [tilespmem:s1+$0xFFFFFFD0]  }
0x49d: {  	v17 =	vadd.f32 v22, v17;
	v18 =	vmul.f32 v18, v27;
	v22 =	vmul.f32 v29, v26  }
0x49e: {  	v19 =	vadd.f32 v21, v19;
	v21 =	vunpack.i.l.bf16.f32 v53;
	v26 =	vadd.f32 $0.0e+00, v31  }
0x49f: {  	v27 =	vperm.xlane v16, v2;
	v17 =	vadd.f32 v18, v17;
	v20 =	vadd.f32 v22, v20;
	v22 =	vld [tilespmem:s1+$0xFFFFFFE0]  }
0x4a0: {  	v21 =	vmul.f32 v54, v21;
	v18 =	vunpack.i.l.bf16.f32 v52;
	v25 =	vadd.f32 v25, v26;
	v26 =	vld [tilespmem:s1+$0x20]  }
0x4a1: {  	v29 =	vunpack.i.l.bf16.f32 v24;
	v18 =	vmul.f32 v27, v18;
	v31 =	vperm.xlane v17, v8  }
0x4a2: {  	v35 =	vld [tilespmem:s1+$0xFFFFFFA0];
	v24 =	vunpack.i.u.bf16.f32 v24;
	v21 =	vadd.f32 v21, v25;
	v25 =	vmul.f32 v56, v55  }
0x4a3: {  	v18 =	vadd.f32 v18, v19;
	v27 =	vadd.f32 v17, v31;
	v17 =	vmul.f32 v30, v29  }
0x4a4: {  	v29 =	vunpack.i.u.bf16.f32 v52;
	v30 =	vperm.xlane v16, v3;
	v31 =	vperm.xlane v13, v3  }
0x4a5: {  	v57 =	vunpack.i.l.bf16.f32 v22;
	v58 =	vunpack.i.l.bf16.f32 v26;
	v62 =	vunpack.i.u.bf16.f32 v22  }
0x4a6: {  	v26 =	vunpack.i.u.bf16.f32 v26;
	v19 =	vmul.f32 v30, v29;
	v20 =	vadd.f32 v17, v20  }
0x4a7: {  	v24 =	vmul.f32 v31, v24;
	v29 =	vunpack.i.l.bf16.f32 v35;
	v30 =	vperm.xlane v16, v4;
	v17 =	vld [tilespmem:s1+$0xFFFFFFB0]  }
0x4a8: {  	s5 =	simm.s32 $0x6B20;
	v31 =	vperm.xlane v13, v4;
	v60 =	vmul.f32 v59, v58;
	v36 =	vadd.f32 v19, v18;
	v18 =	vld [tilespmem:s1+$0xFFFFFFF0]  }
0x4a9: {  	[tilespmem:s5+$0x10] =	vst v23;
	v23 =	vmul.f32 v63, v26;
	v29 =	vmul.f32 v30, v29;
	v20 =	vadd.f32 v24, v20;
	v19 =	vld [tilespmem:s1+$0x30]  }
0x4aa: {  	v30 =	vmul.f32 v31, v57;
	v31 =	vadd.f32 v25, v21;
	v25 =	vperm.xlane v16, v5  }
0x4ab: {  	v26 =	vperm.xlane v13, v6;
	v24 =	vunpack.i.u.bf16.f32 v35;
	v21 =	vadd.f32 v29, v36  }
0x4ac: {  	v24 =	vmul.f32 v25, v24;
	v22 =	vadd.f32 v30, v20;
	v25 =	vmul.f32 v61, v62  }
0x4ad: {  	s10 =	simm.s32 $0x6B60;
	[tilespmem:s5+$0xFFFFFFE0] =	vst v28;
	v20 =	vadd.f32 v60, v31;
	v31 =	vperm.xlane v16, v6;
	v30 =	vperm.xlane v15, v6  }
0x4ae: {  	s9 =	simm.s32 $0x80;
	s8 =	simm.s32 $0x4;
	[tilespmem:s10+$0x10] =	vst v27;
	v28 =	vunpack.i.l.bf16.f32 v17;
	v29 =	vunpack.i.l.bf16.f32 v18;
	v27 =	vunpack.i.l.bf16.f32 v19  }
.LBB2_17:
0x4af: {  	s11 =	sand.u32 $0x780, s9;
	s12 =	sadd.s32 $0x30, s9;
	s8 =	sadd.s32 $0x4, s8;
	v21 =	vadd.f32 v24, v21;
	v24 =	vmul.f32 v31, v28;
	v22 =	vadd.f32 v25, v22  }
0x4b0: {  	v25 =	vmul.f32 v26, v29;
	v20 =	vadd.f32 v23, v20;
	s11 =	sadd.s32 $0xB00, s11;
	s12 =	sand.u32 $0x70, s12;
	p1 =	slt.u32 s8, $0x7C;
	v23 =	vmul.f32 v30, v27  }
0x4b1: {  	s15 =	sadd.s32 $0x10, s9;
	s21 =	sadd.s32 $0x20, s9;
	v17 =	vunpack.i.u.bf16.f32 v17;
	v16 =	vperm.xlane v16, v7;
	v26 =	vperm.xlane v13, v7;
	s12 =	sor.u32 s12, s11  }
0x4b2: {  	v18 =	vunpack.i.u.bf16.f32 v18;
	v19 =	vunpack.i.u.bf16.f32 v19;
	v15 =	vperm.xlane v15, v7;
	s1 =	sadd.s32 $0x100, s1;
	s15 =	sand.u32 $0x50, s15;
	s21 =	sand.u32 $0x60, s21;
	v27 =	vld [tilespmem:s12+$0x0]  }
0x4b3: {  	s15 =	sor.u32 s15, s11;
	s21 =	sor.u32 s21, s11;
	v21 =	vadd.f32 v24, v21;
	v17 =	vmul.f32 v16, v17;
	v22 =	vadd.f32 v25, v22;
	s12 =	sand.u32 $0x40, s9;
	v28 =	vld [tilespmem:s1+$0x40]  }
0x4b4: {  	v18 =	vmul.f32 v26, v18;
	v19 =	vmul.f32 v15, v19;
	v20 =	vadd.f32 v23, v20;
	s11 =	sor.u32 s12, s11;
	v13 =	vld [tilespmem:s15+$0x0]  }
0x4b5: {  	v14 =	vadd.f32 v10, v14;
	v17 =	vadd.f32 v17, v21;
	v16 =	vld [tilespmem:s11+$0x0]  }
0x4b6: {  	v10 =	vadd.f32 v18, v22;
	v18 =	vadd.f32 v19, v20;
	v15 =	vld [tilespmem:s21+$0x0]  }
0x4b7: {  	v22 =	vadd.f32 v11, v12;
	v21 =	vperm.xlane v17, v8;
	v19 =	vperm.xlane v27, v0;
	v20 =	vld [tilespmem:s1+$0x50];
	[tilespmem:s5+$0xFFFFFFF0] =	vst v14  }
0x4b8: {  	v12 =	vperm.xlane v18, v8;
	v11 =	vmovc v18;
	v14 =	vperm.xlane v10, v8;
	v23 =	vld [tilespmem:s1+$0xFFFFFF80];
	v24 =	vunpack.i.l.bf16.f32 v28  }
0x4b9: {  	v18 =	vperm.xlane v27, v1;
	v17 =	vadd.f32 v17, v21;
	v25 =	vld [tilespmem:s1+$0xFFFFFFC0];
	v19 =	vmul.f32 v19, v24;
	[tilespmem:s5+$0x0] =	vst v22;
	s5 =	smov.u32 s10  }
0x4ba: {  	v26 =	vunpack.i.u.bf16.f32 v28;
	v22 =	vperm.xlane v13, v0;
	v21 =	vperm.xlane v16, v0;
	v24 =	vld [tilespmem:s1+$0x0]  }
0x4bb: {  	v18 =	vmul.f32 v18, v26;
	v26 =	vperm.xlane v27, v2;
	v19 =	vadd.f32 $0.0e+00, v19;
	v28 =	vld [tilespmem:s1+$0x60];
	[tilespmem:s10+$0xFFFFFFE0] =	vst v17  }
0x4bc: {  	v29 =	vperm.xlane v16, v1;
	v17 =	vperm.xlane v15, v0;
	v30 =	vld [tilespmem:s1+$0xFFFFFF90];
	v31 =	vunpack.i.l.bf16.f32 v20  }
0x4bd: {  	v32 =	vld [tilespmem:s1+$0xFFFFFFD0];
	v18 =	vadd.f32 v18, v19;
	v19 =	vperm.xlane v27, v3;
	v26 =	vmul.f32 v26, v31  }
0x4be: {  	v20 =	vunpack.i.u.bf16.f32 v20;
	v31 =	vunpack.i.l.bf16.f32 v23;
	v33 =	vunpack.i.l.bf16.f32 v25;
	v34 =	vld [tilespmem:s1+$0x10]  }
0x4bf: {  	v18 =	vadd.f32 v26, v18;
	v19 =	vmul.f32 v19, v20;
	v20 =	vperm.xlane v27, v4;
	v26 =	vld [tilespmem:s1+$0x70]  }
0x4c0: {  	v21 =	vmul.f32 v21, v31;
	v35 =	vunpack.i.l.bf16.f32 v24;
	v31 =	vld [tilespmem:s1+$0xFFFFFFA0];
	v36 =	vunpack.i.l.bf16.f32 v28  }
0x4c1: {  	v37 =	vld [tilespmem:s1+$0xFFFFFFE0];
	v18 =	vadd.f32 v19, v18;
	v19 =	vperm.xlane v27, v5;
	v20 =	vmul.f32 v20, v36  }
0x4c2: {  	v22 =	vmul.f32 v22, v33;
	v33 =	vmul.f32 v17, v35;
	v28 =	vunpack.i.u.bf16.f32 v28;
	v35 =	vld [tilespmem:s1+$0x20]  }
0x4c3: {  	v36 =	vperm.xlane v27, v6;
	v17 =	vld [tilespmem:s1+$0xFFFFFFB0];
	v20 =	vadd.f32 v20, v18;
	v28 =	vmul.f32 v19, v28  }
0x4c4: {  	v38 =	vperm.xlane v13, v1;
	v39 =	vperm.xlane v15, v1;
	v18 =	vld [tilespmem:s1+$0xFFFFFFF0];
	v40 =	vunpack.i.l.bf16.f32 v26  }
0x4c5: {  	v27 =	vperm.xlane v27, v7;
	v19 =	vld [tilespmem:s1+$0x30];
	v20 =	vadd.f32 v28, v20;
	v28 =	vmul.f32 v36, v40  }
0x4c6: {  	v23 =	vunpack.i.u.bf16.f32 v23;
	v25 =	vunpack.i.u.bf16.f32 v25;
	v26 =	vunpack.i.u.bf16.f32 v26  }
0x4c7: {  	v24 =	vunpack.i.u.bf16.f32 v24;
	v26 =	vmul.f32 v27, v26;
	v20 =	vadd.f32 v28, v20  }
0x4c8: {  	v23 =	vmul.f32 v29, v23;
	v21 =	vadd.f32 $0.0e+00, v21;
	v22 =	vadd.f32 $0.0e+00, v22  }
0x4c9: {  	v25 =	vmul.f32 v38, v25;
	v27 =	vadd.f32 $0.0e+00, v33;
	v20 =	vadd.f32 v26, v20  }
0x4ca: {  	v24 =	vmul.f32 v39, v24;
	v28 =	vperm.xlane v16, v2;
	v26 =	vunpack.i.l.bf16.f32 v30  }
0x4cb: {  	v29 =	vunpack.i.l.bf16.f32 v32;
	v33 =	vperm.xlane v13, v2;
	v36 =	vperm.xlane v20, v8  }
0x4cc: {  	v38 =	vperm.xlane v15, v2;
	v21 =	vadd.f32 v23, v21;
	v23 =	vunpack.i.l.bf16.f32 v34  }
0x4cd: {  	v22 =	vadd.f32 v25, v22;
	v26 =	vmul.f32 v28, v26;
	v20 =	vadd.f32 v20, v36  }
0x4ce: {  	s10 =	sadd.s32 $0x40, s10;
	v23 =	vmul.f32 v38, v23;
	v25 =	vmul.f32 v33, v29;
	v24 =	vadd.f32 v24, v27  }
0x4cf: {  	v27 =	vunpack.i.u.bf16.f32 v30;
	v29 =	vperm.xlane v13, v3;
	v28 =	vperm.xlane v16, v3;
	[tilespmem:s10+$0x10] =	vst v20  }
0x4d0: {  	v30 =	vunpack.i.u.bf16.f32 v34;
	v20 =	vunpack.i.u.bf16.f32 v32;
	v32 =	vperm.xlane v15, v3  }
0x4d1: {  	v22 =	vadd.f32 v25, v22;
	v21 =	vadd.f32 v26, v21;
	v26 =	vmul.f32 v28, v27  }
0x4d2: {  	v23 =	vadd.f32 v23, v24;
	v20 =	vmul.f32 v29, v20;
	v24 =	vmul.f32 v32, v30  }
0x4d3: {  	v25 =	vunpack.i.l.bf16.f32 v31;
	v27 =	vperm.xlane v16, v4;
	v28 =	vperm.xlane v13, v4  }
0x4d4: {  	v29 =	vunpack.i.l.bf16.f32 v37;
	v30 =	vunpack.i.l.bf16.f32 v35;
	v32 =	vperm.xlane v15, v4  }
0x4d5: {  	v21 =	vadd.f32 v26, v21;
	v25 =	vmul.f32 v27, v25;
	v20 =	vadd.f32 v20, v22  }
0x4d6: {  	v22 =	vmul.f32 v28, v29;
	v23 =	vadd.f32 v24, v23;
	v26 =	vmul.f32 v32, v30  }
0x4d7: {  	v27 =	vperm.xlane v16, v5;
	v28 =	vperm.xlane v13, v5;
	v24 =	vunpack.i.u.bf16.f32 v31  }
.Ltmp9:
0x4d8: {  	v29 =	vunpack.i.u.bf16.f32 v37;
	v30 =	vunpack.i.u.bf16.f32 v35;
	v31 =	vperm.xlane v15, v5;
	(pc) =	sbr.rel @p1 .LBB2_17-.Ltmp9, $4  }
0x4d9: {  	v21 =	vadd.f32 v25, v21;
	v24 =	vmul.f32 v27, v24;
	v22 =	vadd.f32 v22, v20  }
0x4da: {  	v25 =	vmul.f32 v28, v29;
	v20 =	vadd.f32 v26, v23;
	v23 =	vmul.f32 v31, v30  }
0x4db: {  	v28 =	vunpack.i.l.bf16.f32 v17;
	v31 =	vperm.xlane v16, v6;
	v26 =	vperm.xlane v13, v6  }
0x4dc: {  	s9 =	sadd.s32 $0x40, s9;
	v29 =	vunpack.i.l.bf16.f32 v18;
	v27 =	vunpack.i.l.bf16.f32 v19;
	v30 =	vperm.xlane v15, v6  }
0x4dd: {  	v21 =	vadd.f32 v24, v21  }
0x4de: {  	v51 =	vmul.f32 v31, v28;
	v22 =	vadd.f32 v25, v22;
	v52 =	vmul.f32 v26, v29  }
0x4df: {  	v20 =	vadd.f32 v23, v20;
	v16 =	vperm.xlane v16, v7;
	v17 =	vunpack.i.u.bf16.f32 v17  }
0x4e0: {  	v13 =	vperm.xlane v13, v7;
	v18 =	vunpack.i.u.bf16.f32 v18;
	v15 =	vperm.xlane v15, v7  }
0x4e1: {  	v53 =	vmul.f32 v30, v27;
	v21 =	vadd.f32 v51, v21;
	v16 =	vmul.f32 v16, v17  }
0x4e2: {  	v54 =	vunpack.i.u.bf16.f32 v19;
	v55 =	vadd.f32 v52, v22;
	v13 =	vmul.f32 v13, v18  }
0x4e3: {  	v15 =	vmul.f32 v15, v54;
	v56 =	vadd.f32 v53, v20;
	v16 =	vadd.f32 v16, v21  }
0x4e4: {  	v13 =	vadd.f32 v13, v55  }
0x4e5: {  	v10 =	vadd.f32 v10, v14;
	v57 =	vadd.f32 v15, v56;
	v58 =	vperm.xlane v16, v8  }
0x4e6: {  	v11 =	vadd.f32 v11, v12;
	v59 =	vperm.xlane v13, v8  }
0x4e7: {  	[tilespmem:s5+$0xFFFFFFF0] =	vst v10;
	v10 =	vperm.xlane v57, v8;
	v15 =	vadd.f32 v16, v58  }
0x4e8: {  	[tilespmem:s5+$0x0] =	vst v11;
	v11 =	vadd.f32 v13, v59  }
0x4e9: {  	v10 =	vadd.f32 v57, v10;
	[tilespmem:s10+$0xFFFFFFE0] =	vst v15  }
0x4ea: {  	[tilespmem:s10+$0xFFFFFFF0] =	vst v11  }
0x4eb: {  	[tilespmem:s10+$0x0] =	vst v10  }
0x4ec: {  	v10 =	vld [tilespmem:$0x180]  }
0x4ed: {  	v11 =	vld [tilespmem:$0x190]  }
0x4ee: {  	v60 =	vld [tilespmem:$0x1A0]  }
0x4ef: {  	v61 =	vld [tilespmem:$0x1B0]  }
0x4f0: {  	v62 =	vld [tilespmem:$0x1C0]  }
0x4f1: {  	v63 =	vld [tilespmem:$0x1F0];
	[tilespmem:$0x280] =	vst v10  }
0x4f2: {  	v10 =	vld [tilespmem:$0x1D0];
	[tilespmem:$0x290] =	vst v11  }
0x4f3: {  	s3 =	sadd.s32 $0x1, s3;
	v11 =	vld [tilespmem:$0x1E0];
	[tilespmem:$0x2A0] =	vst v60  }
0x4f4: {  	p1 =	sne.s32 s3, $0x6;
	[tilespmem:$0x2B0] =	vst v61  }
.Ltmp10:
0x4f5: {  	[tilespmem:$0x2C0] =	vst v62;
	(pc) =	sbr.rel @p1 .LBB2_14-.Ltmp10, $4  }
0x4f6: {  	[tilespmem:$0x2F0] =	vst v63  }
0x4f7: {  	[tilespmem:$0x2D0] =	vst v10  }
0x4f8: {  	s1 =	simm.s32 $0x280;
	s31 =	simm.s32 $0x6B00;
	[tilespmem:$0x2E0] =	vst v11  }
0x4f9: {  	[spmem:s4] =	stream.indirect.scatter.add.f32 [tilespmem:s31], [sflag:$0x4], $0x10, s1, s0, $0xb8;
	[tilespmem:$0x16300] =	vst v63  }
0x4fa: {  	s1 =	simm.s32 $0x4  }
0x4fb: {  	_ =	swait.ge [sflag:s1], $0x800  }
0x4fc: {  	[sflag:s1] =	ssyncset.done $0x0  }
0x4fd: {  	[sflag:s1] =	ssyncadd.s32 $0xFFFFF800  }
0x4fe: {  	[bflag:$0x0] =	sbarrier.arrive $0xFFFF  }
0x4ff: {  	s5 =	sld [smem:$0x7FA]  }
0x500: {  	s29 =	rddreg [dreg:$0xb]  }
.Ltmp11:
0x501: {  	s3 =	simm.s32 $0x7;
	s31 =	rddreg [dreg:$0xf];
	(pc) =	sbr.rel @p0 .LBB2_27-.Ltmp11, $4  }
0x502: {  	[hbm:s29@s3], [sflag:s31] =	dma.strided [spmem:s5@s28], $0x280, s26, $0x1   }
0x503: {  	_ =	swait.ge [sflag:s24], $0x280  }
0x504: {  	[sflag:s24] =	ssyncset.done $0x0  }
0x505: {  	s3 =	sld [smem:$0x7F8];
	[sflag:s24] =	ssyncadd.s32 $0xFFFFFD80  }
0x506: {  	s3 =	sld [smem:$0x7FD];
	_ =	sdelay $0x1  }
0x507: {  	s1 =	rddreg [dreg:$0x1d]  }
0x508: {  	[spmem:s3], [sflag:s31] =	dma.local [hbm:s1], $0x500  }
0x509: {  	_ =	swait.ge [sflag:s24], $0x500  }
0x50a: {  	[sflag:s24] =	ssyncset.done $0x0  }
0x50b: {  	s9 =	simm.s32 $0x7;
	s8 =	rddreg [dreg:$0xc];
	[sflag:s24] =	ssyncadd.s32 $0xFFFFFB00  }
0x50c: {  	[spmem:s5@s28], [sflag:s31] =	dma.strided [hbm:s8@s9], $0x280, s26, $0x1   }
0x50d: {  	_ =	swait.ge [sflag:s24], $0x280  }
0x50e: {  	[sflag:s24] =	ssyncset.done $0x0  }
0x50f: {  	[sflag:s24] =	ssyncadd.s32 $0xFFFFFD80  }
0x510: {  	[bflag:$0x0] =	sbarrier.arrive $0xFFFF  }
0x511: {  	s3 =	simm.s32 $0x0;
	s10 =	rddreg [dreg:$0x1e]  }
0x512: {  	[tilespmem:s3], [sflag:$0x5] =	stream.linear.gather [hbm4b:s10+s3], $0x80, $0x38;
	[tilespmem:$0x16300] =	vst v63  }
0x513: {  	_ =	swait.ge [sflag:s24], $0x80  }
0x514: {  	[sflag:s24] =	ssyncset.done $0x0  }
0x515: {  	s12 =	simm.s32 $0x100;
	s11 =	rddreg [dreg:$0x1f];
	[sflag:s24] =	ssyncadd.s32 $0xFFFFFF80  }
0x516: {  	[tilespmem:s12], [sflag:$0x5] =	stream.linear.gather [hbm4b:s11+s3], $0x80, $0x38;
	[tilespmem:$0x16300] =	vst v63  }
0x517: {  	_ =	swait.ge [sflag:s24], $0x80  }
0x518: {  	s15 =	sld [smem:$0x7FB]  }
0x519: {  	[sflag:s24] =	ssyncset.done $0x0  }
0x51a: {  	s21 =	simm.s32 $0x300;
	[sflag:s24] =	ssyncadd.s32 $0xFFFFFF80  }
0x51b: {  	[tilespmem:s21], [sflag:$0x5] =	stream.linear.gather [hbm4b:s15+s3], $0x800, $0x38;
	[tilespmem:$0x16300] =	vst v63  }
0x51c: {  	_ =	swait.ge [sflag:s24], $0x800  }
0x51d: {  	[sflag:s24] =	ssyncset.done $0x0  }
0x51e: {  	[sflag:s24] =	ssyncadd.s32 $0xFFFFF800  }
0x51f: {  	s31 =	simm.s32 $0x5300;
	s21 =	simm.s32 $0x0;
	s29 =	rddreg [dreg:$0x4]  }
0x520: {  	[tilespmem:s31], [sflag:$0x1] =	stream.indirect.gather [spmem:s29], $0x10, s3, s0, $0xb8;
	[tilespmem:$0x16300] =	vst v63  }
.LBB2_21:
0x521: {  	s1 =	sshll.u32 s21, $0x8  }
0x522: {  	s5 =	sadd.s32 s1, s18  }
0x523: {  	s5 =	sadd.s32 $0x80, s5  }
0x524: {  	s8 =	sshrl.u32 s5, $0x3  }
0x525: {  	s8 =	sadd.s32 $0x2400, s8  }
0x526: {  	s9 =	sadd.s32 s7, s8  }
0x527: {  	[tilespmem:s0], [sflag:$0x5] =	stream.linear.gather [hbm4b:s9+s6], $0x80, $0x38;
	[tilespmem:$0x16300] =	vst v63  }
0x528: {  	_ =	swait.ge [sflag:s24], $0x80  }
0x529: {  	[sflag:s24] =	ssyncset.done $0x0  }
0x52a: {  	s15 =	simm.s32 $0x180;
	s8 =	sadd.s32 s16, s8;
	[sflag:s24] =	ssyncadd.s32 $0xFFFFFF80  }
0x52b: {  	[tilespmem:s15], [sflag:$0x5] =	stream.linear.gather [hbm4b:s8+s6], $0x80, $0x38;
	[tilespmem:$0x16300] =	vst v63  }
0x52c: {  	_ =	swait.ge [sflag:s24], $0x80  }
0x52d: {  	[sflag:s24] =	ssyncset.done $0x0  }
0x52e: {  	[sflag:s24] =	ssyncadd.s32 $0xFFFFFF80  }
0x52f: {  	s5 =	sshll.u32 s5, $0x1;
	s29 =	rddreg [dreg:$0x1]  }
0x530: {  	s31 =	simm.s32 $0xB00;
	s5 =	sadd.s32 s29, s5  }
0x531: {  	[tilespmem:s31], [sflag:$0x5] =	stream.linear.gather [hbm4b:s5+s6], $0x800, $0x38;
	[tilespmem:$0x16300] =	vst v63  }
0x532: {  	_ =	swait.ge [sflag:s24], $0x800  }
0x533: {  	[sflag:s24] =	ssyncset.done $0x0  }
0x534: {  	[sflag:s24] =	ssyncadd.s32 $0xFFFFF800  }
0x535: {  	s9 =	simm.s32 $0x5B00;
	s8 =	rddreg [dreg:$0x4]  }
0x536: {  	[tilespmem:s9], [sflag:$0x2] =	stream.indirect.gather [spmem:s8], $0x10, s0, s0, $0xb8;
	[tilespmem:$0x16300] =	vst v63  }
0x537: {  	_ =	swait.ge [sflag:s26], $0x800  }
0x538: {  	p1 =	seq.s32 s21, $0x0;
	[sflag:s26] =	ssyncset.done $0x0  }
0x539: {  	s5 =	simm.s32 @!p1 $0x4;
	[sflag:s26] =	ssyncadd.s32 $0xFFFFF800  }
0x53a: {  	s10 =	sand.u32 $0x780, s3;
	s11 =	simm.s32 $0x30;
	_ =	swait.ge @!p1 [sflag:s5], $0x800  }
0x53b: {  	s8 =	sadd.s32 $0x300, s10;
	s9 =	sand.u32 $0x70, s11;
	[sflag:s5] =	ssyncset.done @!p1 $0x0  }
0x53c: {  	s12 =	sor.u32 s9, s8;
	[sflag:s5] =	ssyncadd.s32 @!p1 $0xFFFFF800  }
0x53d: {  	s15 =	simm.s32 $0x5320;
	s29 =	simm.s32 $0x10;
	s10 =	sand.u32 $0x40, s3;
	v10 =	vld [tilespmem:s12+$0x0]  }
0x53e: {  	s11 =	simm.s32 $0x20;
	s9 =	sand.u32 $0x50, s29;
	s10 =	sor.u32 s10, s8;
	v11 =	vld [tilespmem:s15+$0x10]  }
0x53f: {  	s11 =	sand.u32 $0x60, s11;
	s9 =	sor.u32 s9, s8;
	v12 =	vld [tilespmem:s10+$0x0]  }
0x540: {  	s8 =	sor.u32 s11, s8;
	v13 =	vld [tilespmem:s9+$0x0]  }
0x541: {  	v14 =	vld [tilespmem:s8+$0x0]  }
0x542: {  	s31 =	simm.s32 $0x40;
	v15 =	vld [tilespmem:s15+$0xFFFFFFE0];
	v10 =	vperm.xlane v10, v9  }
0x543: {  	s11 =	simm.s32 $0x70;
	s10 =	sand.u32 $0x780, s31;
	v16 =	vld [tilespmem:s15+$0xFFFFFFF0]  }
0x544: {  	s9 =	sadd.s32 $0x300, s10;
	s10 =	sand.u32 $0x70, s11;
	v11 =	vunpack.i.l.bf16.f32 v11;
	v10 =	vnsel vm0, $0x3F800000, v10  }
0x545: {  	v17 =	vld [tilespmem:s15+$0x0];
	s10 =	sor.u32 s10, s9;
	v10 =	vmul.f32 v10, v11  }
0x546: {  	s15 =	sand.u32 $0x40, s31;
	v18 =	vld [tilespmem:s10+$0x0];
	v11 =	vperm.xlane v12, v9;
	v12 =	vperm.xlane v13, v9  }
0x547: {  	s29 =	simm.s32 $0x60;
	s10 =	sor.u32 s15, s9;
	v13 =	vperm.xlane v14, v9;
	v19 =	vperm.xlane v10, v8  }
0x548: {  	s12 =	simm.s32 $0x50;
	s8 =	simm.s32 $0x5360;
	s11 =	sand.u32 $0x60, s29;
	v15 =	vunpack.i.l.bf16.f32 v15;
	v21 =	vunpack.i.l.bf16.f32 v16;
	v14 =	vld [tilespmem:s10+$0x0];
	v20 =	vnsel vm0, $0x3F800000, v11  }
0x549: {  	s5 =	sand.u32 $0x50, s12;
	s31 =	sor.u32 s11, s9;
	v11 =	vld [tilespmem:s8+$0x10];
	v12 =	vnsel vm0, $0x3F800000, v12;
	v22 =	vnsel vm0, $0x3F800000, v13;
	v19 =	vadd.f32 v10, v19  }
0x54a: {  	s12 =	sor.u32 s5, s9;
	s5 =	simm.s32 $0x6320;
	v16 =	vmul.f32 v20, v15;
	v13 =	vmul.f32 v12, v21;
	v15 =	vunpack.i.l.bf16.f32 v17;
	v12 =	vld [tilespmem:s31+$0x0]  }
0x54b: {  	s9 =	simm.s32 $0x4;
	s10 =	simm.s32 $0x80;
	v17 =	vperm.xlane v18, v9;
	v10 =	vld [tilespmem:s12+$0x0];
	v15 =	vmul.f32 v22, v15;
	[tilespmem:s5+$0x10] =	vst v19  }
.LBB2_22:
0x54c: {  	s11 =	sand.u32 $0x780, s10  }
0x54d: {  	s12 =	sadd.s32 $0x30, s10;
	s9 =	sadd.s32 $0x4, s9;
	v18 =	vld [tilespmem:s8+$0xFFFFFFE0];
	v19 =	vperm.xlane v16, v8;
	v20 =	vperm.xlane v13, v8;
	s15 =	sadd.s32 $0x10, s10  }
0x54e: {  	s11 =	sadd.s32 $0x300, s11;
	s12 =	sand.u32 $0x70, s12;
	p1 =	slt.u32 s9, $0x7C;
	v21 =	vld [tilespmem:s8+$0xFFFFFFF0];
	v11 =	vunpack.i.l.bf16.f32 v11;
	v17 =	vnsel vm0, $0x3F800000, v17;
	v22 =	vperm.xlane v15, v8  }
0x54f: {  	s29 =	sadd.s32 $0x20, s10;
	s15 =	sand.u32 $0x50, s15;
	s12 =	sor.u32 s12, s11;
	v14 =	vperm.xlane v14, v9;
	v23 =	vld [tilespmem:s8+$0x0];
	v17 =	vmul.f32 v17, v11;
	v11 =	vadd.f32 v16, v19  }
0x550: {  	s31 =	sand.u32 $0x40, s10;
	s29 =	sand.u32 $0x60, s29;
	v13 =	vadd.f32 v13, v20;
	s15 =	sor.u32 s15, s11;
	v19 =	vld [tilespmem:s12+$0x0];
	v10 =	vperm.xlane v10, v9;
	v15 =	vadd.f32 v15, v22  }
.Ltmp12:
0x551: {  	s8 =	sadd.s32 $0x40, s8;
	s12 =	sor.u32 s31, s11;
	v16 =	vnsel vm0, $0x3F800000, v14;
	v12 =	vperm.xlane v12, v9;
	v20 =	vperm.xlane v17, v8;
	[tilespmem:s5+$0xFFFFFFE0] =	vst v11;
	(pc) =	sbr.rel @p1 .LBB2_22-.Ltmp12, $4  }
0x552: {  	s11 =	sor.u32 s29, s11;
	v11 =	vld [tilespmem:s8+$0x10];
	v18 =	vunpack.i.l.bf16.f32 v18;
	v22 =	vnsel vm0, $0x3F800000, v10;
	[tilespmem:s5+$0xFFFFFFF0] =	vst v13  }
0x553: {  	v14 =	vld [tilespmem:s12+$0x0];
	v13 =	vunpack.i.l.bf16.f32 v21;
	v21 =	vnsel vm0, $0x3F800000, v12;
	v20 =	vadd.f32 v17, v20;
	[tilespmem:s5+$0x0] =	vst v15  }
0x554: {  	v16 =	vmul.f32 v16, v18;
	s5 =	sadd.s32 $0x40, s5;
	v10 =	vld [tilespmem:s15+$0x0];
	v13 =	vmul.f32 v22, v13;
	v15 =	vunpack.i.l.bf16.f32 v23  }
0x555: {  	s10 =	sadd.s32 $0x40, s10;
	v12 =	vld [tilespmem:s11+$0x0];
	v17 =	vperm.xlane v19, v9;
	v15 =	vmul.f32 v21, v15;
	[tilespmem:s5+$0x10] =	vst v20  }
0x556: {  	v18 =	vld [tilespmem:s8+$0xFFFFFFE0]  }
0x557: {  	v19 =	vperm.xlane v16, v8;
	v20 =	vperm.xlane v13, v8;
	v21 =	vld [tilespmem:s8+$0xFFFFFFF0]  }
0x558: {  	v22 =	vld [tilespmem:s8+$0x0];
	v11 =	vunpack.i.l.bf16.f32 v11;
	v17 =	vnsel vm0, $0x3F800000, v17;
	v14 =	vperm.xlane v14, v9  }
0x559: {  	v23 =	vperm.xlane v15, v8;
	v11 =	vmul.f32 v17, v11;
	v16 =	vadd.f32 v16, v19  }
0x55a: {  	v13 =	vadd.f32 v13, v20;
	v10 =	vperm.xlane v10, v9;
	v14 =	vnsel vm0, $0x3F800000, v14  }
0x55b: {  	v12 =	vperm.xlane v12, v9;
	v17 =	vperm.xlane v11, v8;
	v18 =	vunpack.i.l.bf16.f32 v18  }
0x55c: {  	v10 =	vnsel vm0, $0x3F800000, v10;
	v19 =	vunpack.i.l.bf16.f32 v21;
	v14 =	vmul.f32 v14, v18  }
0x55d: {  	v12 =	vnsel vm0, $0x3F800000, v12;
	v10 =	vmul.f32 v10, v19;
	v18 =	vunpack.i.l.bf16.f32 v22  }
0x55e: {  	v15 =	vadd.f32 v15, v23;
	[tilespmem:s5+$0xFFFFFFE0] =	vst v16;
	v12 =	vmul.f32 v12, v18;
	v16 =	vperm.xlane v14, v8  }
0x55f: {  	[tilespmem:s5+$0xFFFFFFF0] =	vst v13;
	v11 =	vadd.f32 v11, v17;
	v13 =	vperm.xlane v10, v8  }
0x560: {  	s8 =	sadd.s32 $0x40, s5;
	[tilespmem:s5+$0x0] =	vst v15;
	v15 =	vperm.xlane v12, v8;
	v14 =	vadd.f32 v14, v16  }
0x561: {  	[tilespmem:s8+$0x10] =	vst v11;
	v10 =	vadd.f32 v10, v13  }
0x562: {  	v11 =	vadd.f32 v12, v15;
	[tilespmem:s8+$0xFFFFFFE0] =	vst v14  }
0x563: {  	[tilespmem:s8+$0xFFFFFFF0] =	vst v10  }
0x564: {  	[tilespmem:s8+$0x0] =	vst v11  }
0x565: {  	v10 =	vld [tilespmem:$0x100]  }
0x566: {  	v11 =	vld [tilespmem:$0x110]  }
0x567: {  	v12 =	vld [tilespmem:$0x120]  }
0x568: {  	v13 =	vld [tilespmem:$0x130]  }
0x569: {  	v14 =	vld [tilespmem:$0x140]  }
0x56a: {  	[tilespmem:$0x200] =	vst v10;
	v10 =	vld [tilespmem:$0x150]  }
0x56b: {  	[tilespmem:$0x210] =	vst v11;
	v11 =	vld [tilespmem:$0x160]  }
0x56c: {  	[tilespmem:$0x220] =	vst v12;
	v12 =	vld [tilespmem:$0x170]  }
0x56d: {  	[tilespmem:$0x230] =	vst v13  }
0x56e: {  	p1 =	seq.s32 s21, $0x5;
	[tilespmem:$0x240] =	vst v14  }
0x56f: {  	s1 =	sadd.s32 @!p1 s1, s19;
	[tilespmem:$0x250] =	vst v10  }
0x570: {  	s5 =	sshrl.u32 @!p1 s1, $0x3;
	[tilespmem:$0x260] =	vst v11  }
0x571: {  	s9 =	simm.s32 $0x200;
	s10 =	simm.s32 $0x6300;
	s5 =	sadd.s32 @!p1 $0x2400, s5;
	[tilespmem:$0x270] =	vst v12  }
0x572: {  	[spmem:s4] =	stream.indirect.scatter.add.f32 [tilespmem:s10], [sflag:$0x3], $0x10, s9, s0, $0xb8;
	[tilespmem:$0x16300] =	vst v63  }
0x573: {  	s8 =	sadd.s32 @!p1 s7, s5;
	s9 =	simm.s32 @!p1 $0x0  }
0x574: {  	[tilespmem:s9], [sflag:$0x5] =	stream.linear.gather @!p1 [hbm4b:s8+s9], $0x80, $0x38;
	[tilespmem:$0x16300] =	vst v63  }
0x575: {  	s8 =	simm.s32 @!p1 $0x5  }
0x576: {  	_ =	swait.ge @!p1 [sflag:s8], $0x80  }
0x577: {  	[sflag:s8] =	ssyncset.done @!p1 $0x0  }
0x578: {  	s5 =	sadd.s32 @!p1 s16, s5;
	s10 =	simm.s32 @!p1 $0x100;
	[sflag:s8] =	ssyncadd.s32 @!p1 $0xFFFFFF80  }
0x579: {  	[tilespmem:s10], [sflag:$0x5] =	stream.linear.gather @!p1 [hbm4b:s5+s9], $0x80, $0x38;
	[tilespmem:$0x16300] =	vst v63  }
0x57a: {  	_ =	swait.ge @!p1 [sflag:s8], $0x80  }
0x57b: {  	[sflag:s8] =	ssyncset.done @!p1 $0x0  }
0x57c: {  	[sflag:s8] =	ssyncadd.s32 @!p1 $0xFFFFFF80  }
0x57d: {  	s1 =	sshll.u32 @!p1 s1, $0x1;
	s5 =	rddreg [dreg:$0x1]  }
0x57e: {  	s1 =	sadd.s32 @!p1 s5, s1;
	s5 =	simm.s32 @!p1 $0x300  }
0x57f: {  	[tilespmem:s5], [sflag:$0x5] =	stream.linear.gather @!p1 [hbm4b:s1+s9], $0x800, $0x38;
	[tilespmem:$0x16300] =	vst v63  }
0x580: {  	_ =	swait.ge @!p1 [sflag:s8], $0x800  }
0x581: {  	[sflag:s8] =	ssyncset.done @!p1 $0x0  }
0x582: {  	[sflag:s8] =	ssyncadd.s32 @!p1 $0xFFFFF800  }
0x583: {  	s1 =	simm.s32 @!p1 $0x80;
	s5 =	simm.s32 @!p1 $0x5300;
	s8 =	rddreg [dreg:$0x4]  }
0x584: {  	[tilespmem:s5], [sflag:$0x1] =	stream.indirect.gather @!p1 [spmem:s8], $0x10, s9, s1, $0xb8;
	[tilespmem:$0x16300] =	vst v63  }
0x585: {  	_ =	swait.ge [sflag:s28], $0x800  }
0x586: {  	[sflag:s28] =	ssyncset.done $0x0  }
0x587: {  	s11 =	simm.s32 $0x0;
	[sflag:s28] =	ssyncadd.s32 $0xFFFFF800  }
0x588: {  	s15 =	simm.s32 $0x30;
	s12 =	sand.u32 $0x780, s11;
	_ =	swait.ge [sflag:s13], $0x800  }
0x589: {  	s5 =	sadd.s32 $0xB00, s12;
	s8 =	sand.u32 $0x70, s15;
	[sflag:s13] =	ssyncset.done $0x0  }
0x58a: {  	s8 =	sor.u32 s8, s5;
	[sflag:s13] =	ssyncadd.s32 $0xFFFFF800  }
0x58b: {  	s31 =	simm.s32 $0x10;
	s9 =	simm.s32 $0x5B20;
	s1 =	sand.u32 $0x40, s11;
	v10 =	vld [tilespmem:s8+$0x0]  }
0x58c: {  	s10 =	sand.u32 $0x50, s31;
	s1 =	sor.u32 s1, s5;
	v11 =	vld [tilespmem:s9+$0x10]  }
0x58d: {  	s10 =	sor.u32 s10, s5;
	v12 =	vld [tilespmem:s1+$0x0]  }
0x58e: {  	s11 =	simm.s32 $0x20;
	v13 =	vld [tilespmem:s10+$0x0]  }
0x58f: {  	s8 =	sand.u32 $0x60, s11;
	v15 =	vld [tilespmem:s9+$0xFFFFFFE0]  }
0x590: {  	v16 =	vld [tilespmem:s9+$0xFFFFFFF0];
	s12 =	sor.u32 s8, s5;
	s5 =	simm.s32 $0x40  }
0x591: {  	s31 =	simm.s32 $0x70;
	v18 =	vld [tilespmem:s9+$0x0];
	s9 =	simm.s32 $0x5B60;
	s15 =	sand.u32 $0x780, s5  }
0x592: {  	v14 =	vld [tilespmem:s12+$0x0];
	s12 =	sand.u32 $0x70, s31;
	s31 =	simm.s32 $0x60;
	s11 =	sadd.s32 $0xB00, s15  }
0x593: {  	v24 =	vld [tilespmem:s9+$0xFFFFFFE0];
	s10 =	sand.u32 $0x60, s31;
	s8 =	sor.u32 s12, s11;
	v10 =	vperm.xlane v10, v9  }
0x594: {  	s15 =	simm.s32 $0x50;
	s1 =	sor.u32 s10, s11;
	v17 =	vld [tilespmem:s8+$0x0]  }
0x595: {  	v11 =	vunpack.i.l.bf16.f32 v11;
	v12 =	vperm.xlane v12, v9;
	s8 =	sand.u32 $0x50, s15;
	v23 =	vld [tilespmem:s1+$0x0];
	v10 =	vnsel vm0, $0x3F800000, v10  }
0x596: {  	s5 =	sand.u32 $0x40, s5;
	s8 =	sor.u32 s8, s11;
	v19 =	vmul.f32 v10, v11;
	v10 =	vperm.xlane v13, v9;
	v13 =	vld [tilespmem:s9+$0x10]  }
0x597: {  	s5 =	sor.u32 s5, s11;
	v22 =	vld [tilespmem:s8+$0x0];
	v11 =	vnsel vm0, $0x3F800000, v12;
	v12 =	vperm.xlane v14, v9  }
0x598: {  	v15 =	vunpack.i.l.bf16.f32 v15;
	v16 =	vunpack.i.l.bf16.f32 v16;
	v14 =	vld [tilespmem:s5+$0x0];
	s5 =	simm.s32 $0x80;
	v20 =	vperm.xlane v19, v8  }
0x599: {  	s12 =	simm.s32 $0xB0;
	s11 =	sand.u32 $0x780, s5;
	v21 =	vnsel vm0, $0x3F800000, v10;
	v12 =	vnsel vm0, $0x3F800000, v12;
	v17 =	vperm.xlane v17, v9  }
0x59a: {  	s15 =	sand.u32 $0x70, s12;
	v10 =	vmul.f32 v11, v15;
	s11 =	sadd.s32 $0xB00, s11;
	v15 =	vunpack.i.l.bf16.f32 v18;
	v23 =	vperm.xlane v23, v9  }
0x59b: {  	v11 =	vmul.f32 v21, v16;
	s8 =	sor.u32 s15, s11;
	v21 =	vld [tilespmem:s9+$0xFFFFFFF0];
	v17 =	vnsel vm0, $0x3F800000, v17;
	v16 =	vunpack.i.l.bf16.f32 v13  }
0x59c: {  	s31 =	simm.s32 $0x90;
	v12 =	vmul.f32 v12, v15;
	v13 =	vld [tilespmem:s8+$0x0];
	v26 =	vmul.f32 v17, v16  }
0x59d: {  	s12 =	simm.s32 $0xA0;
	v24 =	vunpack.i.l.bf16.f32 v24;
	s5 =	sand.u32 $0x40, s5;
	v25 =	vperm.xlane v14, v9;
	v14 =	vld [tilespmem:s9+$0x0];
	s8 =	simm.s32 $0x5BA0;
	v17 =	vperm.xlane v22, v9  }
0x59e: {  	s10 =	sand.u32 $0x50, s31;
	s12 =	sand.u32 $0x60, s12;
	s5 =	sor.u32 s5, s11;
	v19 =	vadd.f32 v19, v20;
	v18 =	vperm.xlane v10, v8;
	v15 =	vld [tilespmem:s8+$0x10];
	v27 =	vperm.xlane v26, v8  }
0x59f: {  	s1 =	simm.s32 $0x6B20;
	s10 =	sor.u32 s10, s11;
	s29 =	sor.u32 s12, s11;
	v23 =	vnsel vm0, $0x3F800000, v23;
	v16 =	vld [tilespmem:s5+$0x0];
	v20 =	vnsel vm0, $0x3F800000, v25;
	v22 =	vnsel vm0, $0x3F800000, v17  }
0x5a0: {  	s9 =	simm.s32 $0x8;
	[tilespmem:s1+$0x10] =	vst v19;
	v19 =	vld [tilespmem:s10+$0x0];
	s10 =	simm.s32 $0xC0;
	s5 =	simm.s32 $0x6B60;
	v17 =	vperm.xlane v11, v8;
	v25 =	vunpack.i.l.bf16.f32 v21;
	v21 =	vadd.f32 v26, v27  }
.LBB2_24:
0x5a1: {  	s11 =	sand.u32 $0x780, s10  }
0x5a2: {  	s12 =	sadd.s32 $0x30, s10;
	s9 =	sadd.s32 $0x4, s9;
	v26 =	vld [tilespmem:s29+$0x0];
	v13 =	vperm.xlane v13, v9;
	v18 =	vadd.f32 v10, v18;
	v10 =	vmul.f32 v20, v24;
	s15 =	sadd.s32 $0x10, s10  }
0x5a3: {  	v20 =	vmul.f32 v22, v25;
	s11 =	sadd.s32 $0xB00, s11;
	s12 =	sand.u32 $0x70, s12;
	p1 =	slt.u32 s9, $0x7C;
	v24 =	vld [tilespmem:s8+$0xFFFFFFE0];
	v14 =	vunpack.i.l.bf16.f32 v14;
	[tilespmem:s5+$0x10] =	vst v21;
	v21 =	vperm.xlane v12, v8  }
0x5a4: {  	s29 =	sadd.s32 $0x20, s10;
	s31 =	sand.u32 $0x40, s10;
	s12 =	sor.u32 s12, s11;
	v25 =	vld [tilespmem:s8+$0xFFFFFFF0];
	v15 =	vunpack.i.l.bf16.f32 v15;
	v22 =	vnsel vm0, $0x3F800000, v13;
	v23 =	vmul.f32 v23, v14;
	[tilespmem:s1+$0xFFFFFFE0] =	vst v18  }
.Ltmp13:
0x5a5: {  	v17 =	vadd.f32 v11, v17;
	s15 =	sand.u32 $0x50, s15;
	s29 =	sand.u32 $0x60, s29;
	v13 =	vld [tilespmem:s12+$0x0];
	v16 =	vperm.xlane v16, v9;
	v27 =	vmul.f32 v22, v15;
	(pc) =	sbr.rel @p1 .LBB2_24-.Ltmp13, $4  }
0x5a6: {  	s15 =	sor.u32 s15, s11;
	v18 =	vperm.xlane v10, v8;
	v11 =	vmovc v20;
	s12 =	sor.u32 s31, s11;
	v21 =	vadd.f32 v12, v21;
	v19 =	vperm.xlane v19, v9;
	v14 =	vld [tilespmem:s8+$0x0];
	s8 =	sadd.s32 $0x40, s8  }
0x5a7: {  	s29 =	sor.u32 s29, s11;
	v12 =	vmovc v23;
	v15 =	vld [tilespmem:s8+$0x10];
	v20 =	vnsel vm0, $0x3F800000, v16;
	v26 =	vperm.xlane v26, v9;
	v28 =	vperm.xlane v27, v8;
	[tilespmem:s1+$0xFFFFFFF0] =	vst v17  }
0x5a8: {  	v17 =	vperm.xlane v11, v8;
	v16 =	vld [tilespmem:s12+$0x0];
	v24 =	vunpack.i.l.bf16.f32 v24;
	v22 =	vnsel vm0, $0x3F800000, v19;
	[tilespmem:s1+$0x0] =	vst v21;
	s1 =	smov.u32 s5  }
0x5a9: {  	s10 =	sadd.s32 $0x40, s10;
	s5 =	sadd.s32 $0x40, s5;
	v19 =	vld [tilespmem:s15+$0x0];
	v25 =	vunpack.i.l.bf16.f32 v25;
	v23 =	vnsel vm0, $0x3F800000, v26;
	v21 =	vadd.f32 v27, v28  }
0x5aa: {  	v26 =	vld [tilespmem:s29+$0x0];
	v13 =	vperm.xlane v13, v9;
	v20 =	vmul.f32 v20, v24  }
0x5ab: {  	v46 =	vld [tilespmem:s8+$0xFFFFFFE0];
	v22 =	vmul.f32 v22, v25;
	v47 =	vperm.xlane v12, v8;
	v14 =	vunpack.i.l.bf16.f32 v14  }
0x5ac: {  	v48 =	vld [tilespmem:s8+$0xFFFFFFF0];
	v10 =	vadd.f32 v10, v18;
	v11 =	vadd.f32 v11, v17;
	v14 =	vmul.f32 v23, v14  }
0x5ad: {  	v15 =	vunpack.i.l.bf16.f32 v15;
	v13 =	vnsel vm0, $0x3F800000, v13;
	v51 =	vperm.xlane v20, v8  }
0x5ae: {  	v50 =	vld [tilespmem:s8+$0x0];
	v12 =	vadd.f32 v12, v47;
	v16 =	vperm.xlane v16, v9;
	v13 =	vmul.f32 v13, v15  }
0x5af: {  	[tilespmem:s1+$0xFFFFFFE0] =	vst v10;
	v10 =	vperm.xlane v22, v8;
	v49 =	vperm.xlane v19, v9;
	v55 =	vadd.f32 v20, v51  }
0x5b0: {  	v58 =	vperm.xlane v14, v8;
	v16 =	vnsel vm0, $0x3F800000, v16;
	v53 =	vperm.xlane v13, v8  }
0x5b1: {  	[tilespmem:s5+$0x10] =	vst v21;
	v52 =	vperm.xlane v26, v9;
	v24 =	vunpack.i.l.bf16.f32 v46;
	v23 =	vunpack.i.l.bf16.f32 v48  }
0x5b2: {  	[tilespmem:s1+$0xFFFFFFF0] =	vst v11;
	v15 =	vnsel vm0, $0x3F800000, v49;
	v54 =	vmul.f32 v16, v24;
	v11 =	vadd.f32 v13, v53  }
0x5b3: {  	s15 =	sadd.s32 $0x40, s5;
	[tilespmem:s1+$0x0] =	vst v12;
	v57 =	vunpack.i.l.bf16.f32 v50;
	v19 =	vnsel vm0, $0x3F800000, v52;
	v56 =	vmul.f32 v15, v23  }
0x5b4: {  	v10 =	vadd.f32 v22, v10;
	v59 =	vperm.xlane v54, v8;
	[tilespmem:s15+$0x10] =	vst v11;
	v11 =	vmul.f32 v19, v57  }
0x5b5: {  	[tilespmem:s5+$0xFFFFFFE0] =	vst v55;
	v14 =	vadd.f32 v14, v58;
	v60 =	vperm.xlane v56, v8  }
0x5b6: {  	[tilespmem:s5+$0xFFFFFFF0] =	vst v10;
	v10 =	vadd.f32 v54, v59;
	v61 =	vperm.xlane v11, v8  }
0x5b7: {  	[tilespmem:s5+$0x0] =	vst v14;
	v12 =	vadd.f32 v56, v60  }
0x5b8: {  	[tilespmem:s15+$0xFFFFFFE0] =	vst v10;
	v10 =	vadd.f32 v11, v61  }
0x5b9: {  	[tilespmem:s15+$0xFFFFFFF0] =	vst v12  }
0x5ba: {  	[tilespmem:s15+$0x0] =	vst v10  }
0x5bb: {  	v10 =	vld [tilespmem:$0x180]  }
0x5bc: {  	v11 =	vld [tilespmem:$0x190]  }
0x5bd: {  	v12 =	vld [tilespmem:$0x1A0]  }
0x5be: {  	v62 =	vld [tilespmem:$0x1B0]  }
0x5bf: {  	v14 =	vld [tilespmem:$0x1C0]  }
0x5c0: {  	v63 =	vld [tilespmem:$0x1F0];
	[tilespmem:$0x280] =	vst v10  }
0x5c1: {  	v10 =	vld [tilespmem:$0x1D0];
	[tilespmem:$0x290] =	vst v11  }
0x5c2: {  	s21 =	sadd.s32 $0x1, s21;
	v11 =	vld [tilespmem:$0x1E0];
	[tilespmem:$0x2A0] =	vst v12  }
0x5c3: {  	p1 =	sne.s32 s21, $0x6;
	[tilespmem:$0x2B0] =	vst v62  }
.Ltmp14:
0x5c4: {  	[tilespmem:$0x2C0] =	vst v14;
	(pc) =	sbr.rel @p1 .LBB2_21-.Ltmp14, $4  }
0x5c5: {  	[tilespmem:$0x2F0] =	vst v63  }
0x5c6: {  	[tilespmem:$0x2D0] =	vst v10  }
0x5c7: {  	s29 =	simm.s32 $0x280;
	s31 =	simm.s32 $0x6B00;
	[tilespmem:$0x2E0] =	vst v11  }
0x5c8: {  	[spmem:s4] =	stream.indirect.scatter.add.f32 [tilespmem:s31], [sflag:$0x4], $0x10, s29, s0, $0xb8;
	[tilespmem:$0x16300] =	vst v63  }
0x5c9: {  	s1 =	simm.s32 $0x4  }
0x5ca: {  	_ =	swait.ge [sflag:s1], $0x800  }
0x5cb: {  	[sflag:s1] =	ssyncset.done $0x0  }
0x5cc: {  	[sflag:s1] =	ssyncadd.s32 $0xFFFFF800  }
0x5cd: {  	[bflag:$0x0] =	sbarrier.arrive $0xFFFF  }
0x5ce: {  	s5 =	sld [smem:$0x7FA]  }
0x5cf: {  	s29 =	rddreg [dreg:$0xd]  }
.Ltmp15:
0x5d0: {  	s3 =	simm.s32 $0x7;
	s31 =	rddreg [dreg:$0xf];
	(pc) =	sbr.rel .LBB2_27-.Ltmp15, $4  }
0x5d1: {  	[hbm:s29@s3], [sflag:s31] =	dma.strided [spmem:s5@s28], $0x280, s26, $0x1   }
0x5d2: {  	_ =	swait.ge [sflag:s24], $0x280  }
0x5d3: {  	[sflag:s24] =	ssyncset.done $0x0  }
0x5d4: {  	s3 =	sld [smem:$0x7F8];
	[sflag:s24] =	ssyncadd.s32 $0xFFFFFD80  }
.LBB2_28:
0x5d5: {  	_ =	sfence.sel $0x180000  }
0x5d6: {  	[bflag:$0x0] =	sbarrier.arrive $0xFFFF  }
0x5d7: {  	_ =	strace $0x90000047  }
0x5d8: {  	s0 =	stileid.u32;
	[bflag:$0x2] =	sbarrier.arrive $0xFFFF  }
0x5d9: {  	p0 =	sne.s32 s0, $0x0;
	s0 =	rddreg [dreg:$0x5]  }
0x5da: {  	s0 =	sadd.s32 @!p0 $0x100000, s0  }
0x5db: {  	[sflag:s0] =	ssyncadd.tile.s32 @!p0 $0x1;
	_ =	shalt  }
.Lfunc_end2:
_tile_overlayer_lowered:
.L_overlay_start_2:
0x5dc: {  	(tag) =	ssettag $0x2  }
0x5dd: {  	s0 =	rddreg [dreg:$0x0];
	s2 =	stileid.u32  }
0x5de: {  	s1 =	rddreg [dreg:$0x1];
	p0 =	sne.s32 s2, $0x0  }
0x5df: {  	s3 =	rddreg [dreg:$0x2];
	[bflag:$0x3] =	sbarrier.arrive $0xFFFF;
	s2 =	simm.s32 @!p0 $0x1C05  }
0x5e0: {  	[timem:s3], [sflag:s2] =	dma.local @!p0 [hbm:s0], s1  }
0x5e1: {  	s0 =	simm.s32 @!p0 $0x5  }
0x5e2: {  	_ =	swait.ge @!p0 [sflag:s0], s1  }
0x5e3: {  	s1 =	ssub.s32 @!p0 $0x0, s1;
	[sflag:s0] =	ssyncset.done @!p0 $0x0  }
0x5e4: {  	[sflag:s0] =	ssyncadd.s32 @!p0 s1  }
0x5e5: {  	[bflag:$0x3] =	sbarrier.arrive $0xFFFF  }
0x5e6: {  	_ =	shalt  }

</sc_bundles>
